<compile_context>
chip_gen: v7x
topology: tpu7x:2x2x1
jax: 0.10.2.dev20260603
libtpu: 0.0.44.dev20260713+nightly
codegen_flags: <defaults>
</compile_context>

<pallas_src>
import functools

import jax
import jax.numpy as jnp
from jax import lax
from jax.experimental import pallas as pl
from jax.experimental.pallas import tpu as pltpu
from jax.experimental.pallas import tpu_sc as plsc

N_CTX = 16
VOCAB = 49408
D = 512
B = 1024
L = 60
P = 1 + N_CTX + L
NHEAD = 1 + N_CTX

NC = 2
NS = 16
NW = NC * NS

CPR = D // 128
BH = B // 8
CPS = BH * 8 * CPR
HEAD_CHUNKS = NHEAD * CPS
GATH_CHUNKS = L * CPS
HPW = HEAD_CHUNKS // NW
GPW = GATH_CHUNKS // NW
GBS = 256
NBUF = 3
NREP = NW
GRP = 32


def _sc_body(head_hbm, chunks_hbm, idxt_hbm, idxg_hbm,
             out_hbm,
             idxt_v, idxg_v, tmpl_v, buf0, buf1, buf2,
             tsem, hwsem, gsem0, gsem1, gsem2, wsem0, wsem1, wsem2):
    wid = lax.axis_index("c") * NS + lax.axis_index("s")
    hs = wid * HPW
    gs = wid * GPW

    pltpu.sync_copy(idxt_hbm.at[pl.ds(wid * 2 * GRP, 2 * GRP)], idxt_v)
    idxg_stage = pltpu.async_copy(idxg_hbm.at[pl.ds(gs, GPW)], idxg_v, tsem)

    pltpu.async_copy(
        head_hbm.at[idxt_v.at[pl.ds(0, 2 * GRP)]], tmpl_v, hwsem).wait()

    p0 = hs // CPS
    hwrites = []
    for off in range(0, HPW, GRP):
        sel = (hs + off) // CPS - p0
        hwrites.append(pltpu.async_copy(
            tmpl_v.at[pl.ds(sel * GRP, GRP)],
            out_hbm.at[pl.ds(hs + off, GRP)], hwsem))
        if len(hwrites) >= 9:
            hwrites[len(hwrites) - 9].wait()

    idxg_stage.wait()

    jobs = []
    for off in range(0, GPW, GBS):
        jobs.append((off, HEAD_CHUNKS + gs + off, GBS))
    n = len(jobs)

    bufs = (buf0, buf1, buf2)
    gsems = (gsem0, gsem1, gsem2)
    wsems = (wsem0, wsem1, wsem2)

    def start_gather(i, buf, sem):
        ioff, _, sz = jobs[i]
        return pltpu.async_copy(
            chunks_hbm.at[idxg_v.at[pl.ds(ioff, sz)]],
            buf.at[pl.ds(0, sz)], sem)

    gathers = [None] * n
    writes = [None] * n
    gathers[0] = start_gather(0, bufs[0], gsems[0])
    gathers[1] = start_gather(1, bufs[1], gsems[1])
    for i in range(n):
        p = i % NBUF
        if i + 2 < n:
            if i >= 1:
                writes[i - 1].wait()
            gathers[i + 2] = start_gather(
                i + 2, bufs[(i + 2) % NBUF], gsems[(i + 2) % NBUF])
        gathers[i].wait()
        _, ooff, sz = jobs[i]
        writes[i] = pltpu.async_copy(
            bufs[p].at[pl.ds(0, sz)], out_hbm.at[pl.ds(ooff, sz)], wsems[p])
    for j in range(max(0, n - NBUF), n):
        writes[j].wait()
    for h in hwrites[len(hwrites) - 8:]:
        h.wait()


_sc_call = functools.partial(
    pl.kernel,
    out_type=jax.ShapeDtypeStruct((HEAD_CHUNKS + GATH_CHUNKS, 128),
                                  jnp.float32),
    mesh=plsc.VectorSubcoreMesh(core_axis_name="c", subcore_axis_name="s"),
    scratch_types=[
        pltpu.VMEM((2 * GRP,), jnp.int32),
        pltpu.VMEM((GPW,), jnp.int32),
        pltpu.VMEM((2 * GRP, 128), jnp.float32),
        pltpu.VMEM((GBS, 128), jnp.float32),
        pltpu.VMEM((GBS, 128), jnp.float32),
        pltpu.VMEM((GBS, 128), jnp.float32),
        pltpu.SemaphoreType.DMA,
        pltpu.SemaphoreType.DMA,
        pltpu.SemaphoreType.DMA,
        pltpu.SemaphoreType.DMA,
        pltpu.SemaphoreType.DMA,
        pltpu.SemaphoreType.DMA,
        pltpu.SemaphoreType.DMA,
        pltpu.SemaphoreType.DMA,
    ],
    compiler_params=pltpu.CompilerParams(use_tc_tiling_on_sc=False),
)(_sc_body)


def _eos_body(tok_ref, out_ref):
    x = tok_ref[...]
    m = jnp.max(x, axis=1, keepdims=True)
    ii = lax.broadcasted_iota(jnp.int32, x.shape, 1)
    first = jnp.min(jnp.where(x == m, ii, L), axis=1, keepdims=True)
    out_ref[...] = first + NHEAD


_eos_call = pl.pallas_call(
    _eos_body,
    out_shape=jax.ShapeDtypeStruct((B, 1), jnp.int32),
)


@jax.jit
def kernel(tokens, table, ctx, prefix):
    tokens_i = tokens.astype(jnp.int32)

    chunks = (table.reshape(VOCAB // 8, 8, CPR, 128)
              .transpose(0, 2, 1, 3)
              .reshape(VOCAB * CPR, 128))

    head = jnp.concatenate([prefix.reshape(1, D), ctx], axis=0)
    head_chunks = head.reshape(NHEAD * CPR, 128)
    head_src = jnp.tile(head_chunks, (NREP, 1))

    t4 = jnp.arange(CPR, dtype=jnp.int32)
    ww = jnp.arange(NW, dtype=jnp.int32)
    jj = jnp.arange(2 * GRP, dtype=jnp.int32)
    p_t = jnp.minimum((ww * HPW)[:, None] // CPS + jj[None, :] // GRP,
                      NHEAD - 1)
    idx_tmpl = (ww[:, None] * (NHEAD * CPR) + p_t * CPR
                + ((jj % GRP) // 8)[None, :]).reshape(-1)

    tok_r = tokens_i.reshape(BH, 8, L)
    base = (tok_r // 8) * 32 + tok_r % 8
    a2 = base.transpose(2, 0, 1)
    idx_gath = (a2[:, :, None, :]
                + (t4 * 8)[None, None, :, None]).reshape(-1)

    out_chunks = _sc_call(head_src, chunks, idx_tmpl, idx_gath)
    prompts = (out_chunks.reshape(P, BH, CPR, 8, 128)
               .transpose(1, 3, 0, 2, 4)
               .reshape(B, P, D))
    eos = _eos_call(tokens_i).reshape(B)
    return (prompts, eos)

# --- scband reference (transcript-rebuilt; emitter-appended) ---
"""Pipeline reference for scband-prompt-learner-25177098289336 (READ-ONLY COPY).

The authoritative reference and input builder live on the scoring server;
editing this copy changes nothing except your own understanding.
"""

import jax, jax.numpy as jnp
import numpy as np

N_CTX = 16
VOCAB = 49408
D = 512
B = 1024
L = 60


def setup_inputs(seed: int = 0) -> dict:
    key = jax.random.key(seed)
    k1, k2, k3, k4 = jax.random.split(key, 4)
    tokens = jax.random.randint(k1, (B, L), 0, VOCAB)
    table = jax.random.normal(k2, (VOCAB, D), dtype=jnp.float32) * 0.02
    ctx = jax.random.normal(k3, (N_CTX, D), dtype=jnp.float32) * 0.02
    prefix = jax.random.normal(k4, (1, 1, D), dtype=jnp.float32) * 0.02
    return {"tokens": tokens, "table": table, "ctx": ctx, "prefix": prefix}


def reference(tokens, table, ctx, prefix):
    # tokens: [B, L] int; table: [VOCAB, D] embedding matrix;
    # ctx: [N_CTX, D] learned context vectors; prefix: [1, 1, D] SOS embedding buffer
    b, l = tokens.shape
    embedding = jnp.take(table, tokens, axis=0)              # [B, L, D] gather
    eos_indices = N_CTX + 1 + jnp.argmax(tokens, axis=-1)    # [B]
    ctx_b = jnp.broadcast_to(ctx[None, :, :], (b, N_CTX, D)) # expand like torch .expand
    prefix_b = jnp.broadcast_to(prefix, (b, 1, D))
    prompts = jnp.concatenate([prefix_b, ctx_b, embedding], axis=1)  # [B, 77, D]
    return (prompts, eos_indices)

if __name__ == "__main__":
    import jax
    _d = setup_inputs()
    print(jax.jit(kernel)(*tuple(_d.values())))

</pallas_src>

<mosaic_0001>
#map = affine_map<(d0, d1) -> (0, 0)>
#map1 = affine_map<(d0, d1) -> (0)>
module attributes {stable_mosaic.version = 14 : i64} {
  func.func @_sc_body(%arg0: i32, %arg1: i32, %arg2: memref<2176x128xf32, #tpu.memory_space<hbm>>, %arg3: memref<197632x128xf32, #tpu.memory_space<hbm>>, %arg4: memref<2048xi32, #tpu.memory_space<hbm>>, %arg5: memref<245760xi32, #tpu.memory_space<hbm>>, %arg6: memref<315392x128xf32, #tpu.memory_space<hbm>>, %arg7: memref<64xi32, #tpu.memory_space<vmem>>, %arg8: memref<7680xi32, #tpu.memory_space<vmem>>, %arg9: memref<64x128xf32, #tpu.memory_space<vmem>>, %arg10: memref<256x128xf32, #tpu.memory_space<vmem>>, %arg11: memref<256x128xf32, #tpu.memory_space<vmem>>, %arg12: memref<256x128xf32, #tpu.memory_space<vmem>>, %arg13: memref<!tpu.dma_semaphore, #tpu.memory_space<semaphore_mem>>, %arg14: memref<!tpu.dma_semaphore, #tpu.memory_space<semaphore_mem>>, %arg15: memref<!tpu.dma_semaphore, #tpu.memory_space<semaphore_mem>>, %arg16: memref<!tpu.dma_semaphore, #tpu.memory_space<semaphore_mem>>, %arg17: memref<!tpu.dma_semaphore, #tpu.memory_space<semaphore_mem>>, %arg18: memref<!tpu.dma_semaphore, #tpu.memory_space<semaphore_mem>>, %arg19: memref<!tpu.dma_semaphore, #tpu.memory_space<semaphore_mem>>, %arg20: memref<!tpu.dma_semaphore, #tpu.memory_space<semaphore_mem>>) attributes {dimension_semantics = [#tpu.dimension_semantics<core_parallel>, #tpu.dimension_semantics<subcore_parallel>], iteration_bounds = array<i64: 2, 16>, scalar_prefetch = 0 : i64, scratch_operands = 14 : i64, tpu.core_type = #tpu.core_type<sc_vector_subcore>, window_params = [{transform_indices = #map}, {transform_indices = #map}, {transform_indices = #map1}, {transform_indices = #map1}, {transform_indices = #map}]} {
    %mul3A = arith.constant 16 : i32
    %mul3A_0 = arith.muli %arg0, %mul3A : i32
    %add3A = arith.addi %mul3A_0, %arg1 : i32
    %mul3A_1 = arith.constant 2176 : i32
    %mul3A_2 = arith.muli %add3A, %mul3A_1 : i32
    %mul3A_3 = arith.constant 7680 : i32
    %mul3A_4 = arith.muli %add3A, %mul3A_3 : i32
    %mul3A_5 = arith.constant 2 : i32
    %mul3A_6 = arith.muli %add3A, %mul3A_5 : i32
    %mul3A_7 = arith.constant 32 : i32
    %mul3A_8 = arith.muli %mul3A_6, %mul3A_7 : i32
    "tpu.region"() ({
      %run_scoped3A = tpu.sem_alloc : memref<!tpu.dma_semaphore, #tpu.memory_space<semaphore_mem>>
      %dma_start3A_4433 = tpu.memref_slice %arg4[%mul3A_8] : memref<2048xi32, #tpu.memory_space<hbm>> -> memref<64xi32, #tpu.memory_space<hbm>>
      %dma_start3A_4434 = tpu.memref_slice %arg4[%mul3A_8] : memref<2048xi32, #tpu.memory_space<hbm>> -> memref<64xi32, #tpu.memory_space<hbm>>
      tpu.enqueue_dma source(%dma_start3A_4434 : memref<64xi32, #tpu.memory_space<hbm>>) target(%arg7 : memref<64xi32, #tpu.memory_space<vmem>>) target_semaphore(%run_scoped3A : memref<!tpu.dma_semaphore, #tpu.memory_space<semaphore_mem>>)
      %dma_wait3A_4435 = tpu.memref_slice %arg4[%mul3A_8] : memref<2048xi32, #tpu.memory_space<hbm>> -> memref<64xi32, #tpu.memory_space<hbm>>
      %dma_wait3A_4436 = tpu.memref_slice %arg4[%mul3A_8] : memref<2048xi32, #tpu.memory_space<hbm>> -> memref<64xi32, #tpu.memory_space<hbm>>
      tpu.wait_dma2 semaphore(%run_scoped3A : memref<!tpu.dma_semaphore, #tpu.memory_space<semaphore_mem>>) src(%dma_wait3A_4436 : memref<64xi32, #tpu.memory_space<hbm>>) dst(%arg7 : memref<64xi32, #tpu.memory_space<vmem>>)
      tpu.yield
    }) : () -> ()
    %dma_start3A = tpu.memref_slice %arg5[%mul3A_4] : memref<245760xi32, #tpu.memory_space<hbm>> -> memref<7680xi32, #tpu.memory_space<hbm>>
    %dma_start3A_9 = tpu.memref_slice %arg5[%mul3A_4] : memref<245760xi32, #tpu.memory_space<hbm>> -> memref<7680xi32, #tpu.memory_space<hbm>>
    tpu.enqueue_dma source(%dma_start3A_9 : memref<7680xi32, #tpu.memory_space<hbm>>) target(%arg8 : memref<7680xi32, #tpu.memory_space<vmem>>) target_semaphore(%arg13 : memref<!tpu.dma_semaphore, #tpu.memory_space<semaphore_mem>>)
    %dma_start3A_10 = arith.constant 0 : i32
    %dma_start3A_11 = tpu.memref_slice %arg7[%dma_start3A_10] : memref<64xi32, #tpu.memory_space<vmem>> -> memref<64xi32, #tpu.memory_space<vmem>>
    %dma_start3A_12 = arith.constant 0 : i32
    %dma_start3A_13 = arith.constant 0 : i32
    %dma_start3A_14 = tpu.memref_slice %arg2[%dma_start3A_12, %dma_start3A_13] : memref<2176x128xf32, #tpu.memory_space<hbm>> -> memref<2176x128xf32, #tpu.memory_space<hbm>>
    tpu.enqueue_indirect_dma source(%dma_start3A_14 : memref<2176x128xf32, #tpu.memory_space<hbm>>) target(%arg9 : memref<64x128xf32, #tpu.memory_space<vmem>>) offsets(%dma_start3A_11 : memref<64xi32, #tpu.memory_space<vmem>>) semaphore(%arg14 : memref<!tpu.dma_semaphore, #tpu.memory_space<semaphore_mem>>)
    %dma_wait3A = arith.constant 0 : i32
    %dma_wait3A_15 = tpu.memref_slice %arg7[%dma_wait3A] : memref<64xi32, #tpu.memory_space<vmem>> -> memref<64xi32, #tpu.memory_space<vmem>>
    %dma_wait3A_16 = arith.constant 0 : i32
    %dma_wait3A_17 = arith.constant 0 : i32
    %dma_wait3A_18 = tpu.memref_slice %arg2[%dma_wait3A_16, %dma_wait3A_17] : memref<2176x128xf32, #tpu.memory_space<hbm>> -> memref<2176x128xf32, #tpu.memory_space<hbm>>
    tpu.wait_indirect_dma semaphore(%arg14 : memref<!tpu.dma_semaphore, #tpu.memory_space<semaphore_mem>>) src(%dma_wait3A_18 : memref<2176x128xf32, #tpu.memory_space<hbm>>) dst(%arg9 : memref<64x128xf32, #tpu.memory_space<vmem>>)
    %jit3A = arith.constant 4096 : i32
    %div3A = arith.divsi %mul3A_2, %jit3A : i32
    %sign3A = arith.constant 0 : i32
    %sign3A_19 = arith.cmpi sgt, %mul3A_2, %sign3A : i32
    %sign3A_20 = arith.extui %sign3A_19 : i1 to i32
    %sign3A_21 = arith.constant 0 : i32
    %sign3A_22 = arith.cmpi slt, %mul3A_2, %sign3A_21 : i32
    %sign3A_23 = arith.extui %sign3A_22 : i1 to i32
    %sign3A_24 = arith.subi %sign3A_20, %sign3A_23 : i32
    %sign3A_25 = arith.constant 0 : i32
    %sign3A_26 = arith.cmpi sgt, %jit3A, %sign3A_25 : i32
    %sign3A_27 = arith.extui %sign3A_26 : i1 to i32
    %sign3A_28 = arith.constant 0 : i32
    %sign3A_29 = arith.cmpi slt, %jit3A, %sign3A_28 : i32
    %sign3A_30 = arith.extui %sign3A_29 : i1 to i32
    %sign3A_31 = arith.subi %sign3A_27, %sign3A_30 : i32
    %ne3A = arith.cmpi ne, %sign3A_24, %sign3A_31 : i32
    %rem3A = arith.remsi %mul3A_2, %jit3A : i32
    %ne3A_32 = arith.constant 0 : i32
    %ne3A_33 = arith.cmpi ne, %rem3A, %ne3A_32 : i32
    %and3A = arith.andi %ne3A, %ne3A_33 : i1
    %sub3A = arith.constant 1 : i32
    %sub3A_34 = arith.subi %div3A, %sub3A : i32
    %select_n3A = arith.select %and3A, %sub3A_34, %div3A : i32
    %add3A_35 = arith.constant 0 : i32
    %add3A_36 = arith.addi %mul3A_2, %add3A_35 : i32
    %jit3A_37 = arith.constant 4096 : i32
    %div3A_38 = arith.divsi %add3A_36, %jit3A_37 : i32
    %sign3A_39 = arith.constant 0 : i32
    %sign3A_40 = arith.cmpi sgt, %add3A_36, %sign3A_39 : i32
    %sign3A_41 = arith.extui %sign3A_40 : i1 to i32
    %sign3A_42 = arith.constant 0 : i32
    %sign3A_43 = arith.cmpi slt, %add3A_36, %sign3A_42 : i32
    %sign3A_44 = arith.extui %sign3A_43 : i1 to i32
    %sign3A_45 = arith.subi %sign3A_41, %sign3A_44 : i32
    %sign3A_46 = arith.constant 0 : i32
    %sign3A_47 = arith.cmpi sgt, %jit3A_37, %sign3A_46 : i32
    %sign3A_48 = arith.extui %sign3A_47 : i1 to i32
    %sign3A_49 = arith.constant 0 : i32
    %sign3A_50 = arith.cmpi slt, %jit3A_37, %sign3A_49 : i32
    %sign3A_51 = arith.extui %sign3A_50 : i1 to i32
    %sign3A_52 = arith.subi %sign3A_48, %sign3A_51 : i32
    %ne3A_53 = arith.cmpi ne, %sign3A_45, %sign3A_52 : i32
    %rem3A_54 = arith.remsi %add3A_36, %jit3A_37 : i32
    %ne3A_55 = arith.constant 0 : i32
    %ne3A_56 = arith.cmpi ne, %rem3A_54, %ne3A_55 : i32
    %and3A_57 = arith.andi %ne3A_53, %ne3A_56 : i1
    %sub3A_58 = arith.constant 1 : i32
    %sub3A_59 = arith.subi %div3A_38, %sub3A_58 : i32
    %select_n3A_60 = arith.select %and3A_57, %sub3A_59, %div3A_38 : i32
    %sub3A_61 = arith.subi %select_n3A_60, %select_n3A : i32
    %mul3A_62 = arith.constant 32 : i32
    %mul3A_63 = arith.muli %sub3A_61, %mul3A_62 : i32
    %add3A_64 = arith.constant 0 : i32
    %add3A_65 = arith.addi %mul3A_2, %add3A_64 : i32
    %dma_start3A_66 = arith.constant 0 : i32
    %dma_start3A_67 = tpu.memref_slice %arg9[%mul3A_63, %dma_start3A_66] : memref<64x128xf32, #tpu.memory_space<vmem>> -> memref<32x128xf32, #tpu.memory_space<vmem>>
    %dma_start3A_68 = arith.constant 0 : i32
    %dma_start3A_69 = tpu.memref_slice %arg6[%add3A_65, %dma_start3A_68] : memref<315392x128xf32, #tpu.memory_space<hbm>> -> memref<32x128xf32, #tpu.memory_space<hbm>>
    %dma_start3A_70 = arith.constant 0 : i32
    %dma_start3A_71 = tpu.memref_slice %arg6[%add3A_65, %dma_start3A_70] : memref<315392x128xf32, #tpu.memory_space<hbm>> -> memref<32x128xf32, #tpu.memory_space<hbm>>
    %dma_start3A_72 = arith.constant 0 : i32
    %dma_start3A_73 = tpu.memref_slice %arg9[%mul3A_63, %dma_start3A_72] : memref<64x128xf32, #tpu.memory_space<vmem>> -> memref<32x128xf32, #tpu.memory_space<vmem>>
    tpu.enqueue_dma source(%dma_start3A_73 : memref<32x128xf32, #tpu.memory_space<vmem>>) target(%dma_start3A_71 : memref<32x128xf32, #tpu.memory_space<hbm>>) target_semaphore(%arg14 : memref<!tpu.dma_semaphore, #tpu.memory_space<semaphore_mem>>)
    %add3A_74 = arith.constant 32 : i32
    %add3A_75 = arith.addi %mul3A_2, %add3A_74 : i32
    %jit3A_76 = arith.constant 4096 : i32
    %div3A_77 = arith.divsi %add3A_75, %jit3A_76 : i32
    %sign3A_78 = arith.constant 0 : i32
    %sign3A_79 = arith.cmpi sgt, %add3A_75, %sign3A_78 : i32
    %sign3A_80 = arith.extui %sign3A_79 : i1 to i32
    %sign3A_81 = arith.constant 0 : i32
    %sign3A_82 = arith.cmpi slt, %add3A_75, %sign3A_81 : i32
    %sign3A_83 = arith.extui %sign3A_82 : i1 to i32
    %sign3A_84 = arith.subi %sign3A_80, %sign3A_83 : i32
    %sign3A_85 = arith.constant 0 : i32
    %sign3A_86 = arith.cmpi sgt, %jit3A_76, %sign3A_85 : i32
    %sign3A_87 = arith.extui %sign3A_86 : i1 to i32
    %sign3A_88 = arith.constant 0 : i32
    %sign3A_89 = arith.cmpi slt, %jit3A_76, %sign3A_88 : i32
    %sign3A_90 = arith.extui %sign3A_89 : i1 to i32
    %sign3A_91 = arith.subi %sign3A_87, %sign3A_90 : i32
    %ne3A_92 = arith.cmpi ne, %sign3A_84, %sign3A_91 : i32
    %rem3A_93 = arith.remsi %add3A_75, %jit3A_76 : i32
    %ne3A_94 = arith.constant 0 : i32
    %ne3A_95 = arith.cmpi ne, %rem3A_93, %ne3A_94 : i32
    %and3A_96 = arith.andi %ne3A_92, %ne3A_95 : i1
    %sub3A_97 = arith.constant 1 : i32
    %sub3A_98 = arith.subi %div3A_77, %sub3A_97 : i32
    %select_n3A_99 = arith.select %and3A_96, %sub3A_98, %div3A_77 : i32
    %sub3A_100 = arith.subi %select_n3A_99, %select_n3A : i32
    %mul3A_101 = arith.constant 32 : i32
    %mul3A_102 = arith.muli %sub3A_100, %mul3A_101 : i32
    %add3A_103 = arith.constant 32 : i32
    %add3A_104 = arith.addi %mul3A_2, %add3A_103 : i32
    %dma_start3A_105 = arith.constant 0 : i32
    %dma_start3A_106 = tpu.memref_slice %arg9[%mul3A_102, %dma_start3A_105] : memref<64x128xf32, #tpu.memory_space<vmem>> -> memref<32x128xf32, #tpu.memory_space<vmem>>
    %dma_start3A_107 = arith.constant 0 : i32
    %dma_start3A_108 = tpu.memref_slice %arg6[%add3A_104, %dma_start3A_107] : memref<315392x128xf32, #tpu.memory_space<hbm>> -> memref<32x128xf32, #tpu.memory_space<hbm>>
    %dma_start3A_109 = arith.constant 0 : i32
    %dma_start3A_110 = tpu.memref_slice %arg6[%add3A_104, %dma_start3A_109] : memref<315392x128xf32, #tpu.memory_space<hbm>> -> memref<32x128xf32, #tpu.memory_space<hbm>>
    %dma_start3A_111 = arith.constant 0 : i32
    %dma_start3A_112 = tpu.memref_slice %arg9[%mul3A_102, %dma_start3A_111] : memref<64x128xf32, #tpu.memory_space<vmem>> -> memref<32x128xf32, #tpu.memory_space<vmem>>
    tpu.enqueue_dma source(%dma_start3A_112 : memref<32x128xf32, #tpu.memory_space<vmem>>) target(%dma_start3A_110 : memref<32x128xf32, #tpu.memory_space<hbm>>) target_semaphore(%arg14 : memref<!tpu.dma_semaphore, #tpu.memory_space<semaphore_mem>>)
    %add3A_113 = arith.constant 64 : i32
    %add3A_114 = arith.addi %mul3A_2, %add3A_113 : i32
    %jit3A_115 = arith.constant 4096 : i32
    %div3A_116 = arith.divsi %add3A_114, %jit3A_115 : i32
    %sign3A_117 = arith.constant 0 : i32
    %sign3A_118 = arith.cmpi sgt, %add3A_114, %sign3A_117 : i32
    %sign3A_119 = arith.extui %sign3A_118 : i1 to i32
    %sign3A_120 = arith.constant 0 : i32
    %sign3A_121 = arith.cmpi slt, %add3A_114, %sign3A_120 : i32
    %sign3A_122 = arith.extui %sign3A_121 : i1 to i32
    %sign3A_123 = arith.subi %sign3A_119, %sign3A_122 : i32
    %sign3A_124 = arith.constant 0 : i32
    %sign3A_125 = arith.cmpi sgt, %jit3A_115, %sign3A_124 : i32
    %sign3A_126 = arith.extui %sign3A_125 : i1 to i32
    %sign3A_127 = arith.constant 0 : i32
    %sign3A_128 = arith.cmpi slt, %jit3A_115, %sign3A_127 : i32
    %sign3A_129 = arith.extui %sign3A_128 : i1 to i32
    %sign3A_130 = arith.subi %sign3A_126, %sign3A_129 : i32
    %ne3A_131 = arith.cmpi ne, %sign3A_123, %sign3A_130 : i32
    %rem3A_132 = arith.remsi %add3A_114, %jit3A_115 : i32
    %ne3A_133 = arith.constant 0 : i32
    %ne3A_134 = arith.cmpi ne, %rem3A_132, %ne3A_133 : i32
    %and3A_135 = arith.andi %ne3A_131, %ne3A_134 : i1
    %sub3A_136 = arith.constant 1 : i32
    %sub3A_137 = arith.subi %div3A_116, %sub3A_136 : i32
    %select_n3A_138 = arith.select %and3A_135, %sub3A_137, %div3A_116 : i32
    %sub3A_139 = arith.subi %select_n3A_138, %select_n3A : i32
    %mul3A_140 = arith.constant 32 : i32
    %mul3A_141 = arith.muli %sub3A_139, %mul3A_140 : i32
    %add3A_142 = arith.constant 64 : i32
    %add3A_143 = arith.addi %mul3A_2, %add3A_142 : i32
    %dma_start3A_144 = arith.constant 0 : i32
    %dma_start3A_145 = tpu.memref_slice %arg9[%mul3A_141, %dma_start3A_144] : memref<64x128xf32, #tpu.memory_space<vmem>> -> memref<32x128xf32, #tpu.memory_space<vmem>>
    %dma_start3A_146 = arith.constant 0 : i32
    %dma_start3A_147 = tpu.memref_slice %arg6[%add3A_143, %dma_start3A_146] : memref<315392x128xf32, #tpu.memory_space<hbm>> -> memref<32x128xf32, #tpu.memory_space<hbm>>
    %dma_start3A_148 = arith.constant 0 : i32
    %dma_start3A_149 = tpu.memref_slice %arg6[%add3A_143, %dma_start3A_148] : memref<315392x128xf32, #tpu.memory_space<hbm>> -> memref<32x128xf32, #tpu.memory_space<hbm>>
    %dma_start3A_150 = arith.constant 0 : i32
    %dma_start3A_151 = tpu.memref_slice %arg9[%mul3A_141, %dma_start3A_150] : memref<64x128xf32, #tpu.memory_space<vmem>> -> memref<32x128xf32, #tpu.memory_space<vmem>>
    tpu.enqueue_dma source(%dma_start3A_151 : memref<32x128xf32, #tpu.memory_space<vmem>>) target(%dma_start3A_149 : memref<32x128xf32, #tpu.memory_space<hbm>>) target_semaphore(%arg14 : memref<!tpu.dma_semaphore, #tpu.memory_space<semaphore_mem>>)
    %add3A_152 = arith.constant 96 : i32
    %add3A_153 = arith.addi %mul3A_2, %add3A_152 : i32
    %jit3A_154 = arith.constant 4096 : i32
    %div3A_155 = arith.divsi %add3A_153, %jit3A_154 : i32
    %sign3A_156 = arith.constant 0 : i32
    %sign3A_157 = arith.cmpi sgt, %add3A_153, %sign3A_156 : i32
    %sign3A_158 = arith.extui %sign3A_157 : i1 to i32
    %sign3A_159 = arith.constant 0 : i32
    %sign3A_160 = arith.cmpi slt, %add3A_153, %sign3A_159 : i32
    %sign3A_161 = arith.extui %sign3A_160 : i1 to i32
    %sign3A_162 = arith.subi %sign3A_158, %sign3A_161 : i32
    %sign3A_163 = arith.constant 0 : i32
    %sign3A_164 = arith.cmpi sgt, %jit3A_154, %sign3A_163 : i32
    %sign3A_165 = arith.extui %sign3A_164 : i1 to i32
    %sign3A_166 = arith.constant 0 : i32
    %sign3A_167 = arith.cmpi slt, %jit3A_154, %sign3A_166 : i32
    %sign3A_168 = arith.extui %sign3A_167 : i1 to i32
    %sign3A_169 = arith.subi %sign3A_165, %sign3A_168 : i32
    %ne3A_170 = arith.cmpi ne, %sign3A_162, %sign3A_169 : i32
    %rem3A_171 = arith.remsi %add3A_153, %jit3A_154 : i32
    %ne3A_172 = arith.constant 0 : i32
    %ne3A_173 = arith.cmpi ne, %rem3A_171, %ne3A_172 : i32
    %and3A_174 = arith.andi %ne3A_170, %ne3A_173 : i1
    %sub3A_175 = arith.constant 1 : i32
    %sub3A_176 = arith.subi %div3A_155, %sub3A_175 : i32
    %select_n3A_177 = arith.select %and3A_174, %sub3A_176, %div3A_155 : i32
    %sub3A_178 = arith.subi %select_n3A_177, %select_n3A : i32
    %mul3A_179 = arith.constant 32 : i32
    %mul3A_180 = arith.muli %sub3A_178, %mul3A_179 : i32
    %add3A_181 = arith.constant 96 : i32
    %add3A_182 = arith.addi %mul3A_2, %add3A_181 : i32
    %dma_start3A_183 = arith.constant 0 : i32
    %dma_start3A_184 = tpu.memref_slice %arg9[%mul3A_180, %dma_start3A_183] : memref<64x128xf32, #tpu.memory_space<vmem>> -> memref<32x128xf32, #tpu.memory_space<vmem>>
    %dma_start3A_185 = arith.constant 0 : i32
    %dma_start3A_186 = tpu.memref_slice %arg6[%add3A_182, %dma_start3A_185] : memref<315392x128xf32, #tpu.memory_space<hbm>> -> memref<32x128xf32, #tpu.memory_space<hbm>>
    %dma_start3A_187 = arith.constant 0 : i32
    %dma_start3A_188 = tpu.memref_slice %arg6[%add3A_182, %dma_start3A_187] : memref<315392x128xf32, #tpu.memory_space<hbm>> -> memref<32x128xf32, #tpu.memory_space<hbm>>
    %dma_start3A_189 = arith.constant 0 : i32
    %dma_start3A_190 = tpu.memref_slice %arg9[%mul3A_180, %dma_start3A_189] : memref<64x128xf32, #tpu.memory_space<vmem>> -> memref<32x128xf32, #tpu.memory_space<vmem>>
    tpu.enqueue_dma source(%dma_start3A_190 : memref<32x128xf32, #tpu.memory_space<vmem>>) target(%dma_start3A_188 : memref<32x128xf32, #tpu.memory_space<hbm>>) target_semaphore(%arg14 : memref<!tpu.dma_semaphore, #tpu.memory_space<semaphore_mem>>)
    %add3A_191 = arith.constant 128 : i32
    %add3A_192 = arith.addi %mul3A_2, %add3A_191 : i32
    %jit3A_193 = arith.constant 4096 : i32
    %div3A_194 = arith.divsi %add3A_192, %jit3A_193 : i32
    %sign3A_195 = arith.constant 0 : i32
    %sign3A_196 = arith.cmpi sgt, %add3A_192, %sign3A_195 : i32
    %sign3A_197 = arith.extui %sign3A_196 : i1 to i32
    %sign3A_198 = arith.constant 0 : i32
    %sign3A_199 = arith.cmpi slt, %add3A_192, %sign3A_198 : i32
    %sign3A_200 = arith.extui %sign3A_199 : i1 to i32
    %sign3A_201 = arith.subi %sign3A_197, %sign3A_200 : i32
    %sign3A_202 = arith.constant 0 : i32
    %sign3A_203 = arith.cmpi sgt, %jit3A_193, %sign3A_202 : i32
    %sign3A_204 = arith.extui %sign3A_203 : i1 to i32
    %sign3A_205 = arith.constant 0 : i32
    %sign3A_206 = arith.cmpi slt, %jit3A_193, %sign3A_205 : i32
    %sign3A_207 = arith.extui %sign3A_206 : i1 to i32
    %sign3A_208 = arith.subi %sign3A_204, %sign3A_207 : i32
    %ne3A_209 = arith.cmpi ne, %sign3A_201, %sign3A_208 : i32
    %rem3A_210 = arith.remsi %add3A_192, %jit3A_193 : i32
    %ne3A_211 = arith.constant 0 : i32
    %ne3A_212 = arith.cmpi ne, %rem3A_210, %ne3A_211 : i32
    %and3A_213 = arith.andi %ne3A_209, %ne3A_212 : i1
    %sub3A_214 = arith.constant 1 : i32
    %sub3A_215 = arith.subi %div3A_194, %sub3A_214 : i32
    %select_n3A_216 = arith.select %and3A_213, %sub3A_215, %div3A_194 : i32
    %sub3A_217 = arith.subi %select_n3A_216, %select_n3A : i32
    %mul3A_218 = arith.constant 32 : i32
    %mul3A_219 = arith.muli %sub3A_217, %mul3A_218 : i32
    %add3A_220 = arith.constant 128 : i32
    %add3A_221 = arith.addi %mul3A_2, %add3A_220 : i32
    %dma_start3A_222 = arith.constant 0 : i32
    %dma_start3A_223 = tpu.memref_slice %arg9[%mul3A_219, %dma_start3A_222] : memref<64x128xf32, #tpu.memory_space<vmem>> -> memref<32x128xf32, #tpu.memory_space<vmem>>
    %dma_start3A_224 = arith.constant 0 : i32
    %dma_start3A_225 = tpu.memref_slice %arg6[%add3A_221, %dma_start3A_224] : memref<315392x128xf32, #tpu.memory_space<hbm>> -> memref<32x128xf32, #tpu.memory_space<hbm>>
    %dma_start3A_226 = arith.constant 0 : i32
    %dma_start3A_227 = tpu.memref_slice %arg6[%add3A_221, %dma_start3A_226] : memref<315392x128xf32, #tpu.memory_space<hbm>> -> memref<32x128xf32, #tpu.memory_space<hbm>>
    %dma_start3A_228 = arith.constant 0 : i32
    %dma_start3A_229 = tpu.memref_slice %arg9[%mul3A_219, %dma_start3A_228] : memref<64x128xf32, #tpu.memory_space<vmem>> -> memref<32x128xf32, #tpu.memory_space<vmem>>
    tpu.enqueue_dma source(%dma_start3A_229 : memref<32x128xf32, #tpu.memory_space<vmem>>) target(%dma_start3A_227 : memref<32x128xf32, #tpu.memory_space<hbm>>) target_semaphore(%arg14 : memref<!tpu.dma_semaphore, #tpu.memory_space<semaphore_mem>>)
    %add3A_230 = arith.constant 160 : i32
    %add3A_231 = arith.addi %mul3A_2, %add3A_230 : i32
    %jit3A_232 = arith.constant 4096 : i32
    %div3A_233 = arith.divsi %add3A_231, %jit3A_232 : i32
    %sign3A_234 = arith.constant 0 : i32
    %sign3A_235 = arith.cmpi sgt, %add3A_231, %sign3A_234 : i32
    %sign3A_236 = arith.extui %sign3A_235 : i1 to i32
    %sign3A_237 = arith.constant 0 : i32
    %sign3A_238 = arith.cmpi slt, %add3A_231, %sign3A_237 : i32
    %sign3A_239 = arith.extui %sign3A_238 : i1 to i32
    %sign3A_240 = arith.subi %sign3A_236, %sign3A_239 : i32
    %sign3A_241 = arith.constant 0 : i32
    %sign3A_242 = arith.cmpi sgt, %jit3A_232, %sign3A_241 : i32
    %sign3A_243 = arith.extui %sign3A_242 : i1 to i32
    %sign3A_244 = arith.constant 0 : i32
    %sign3A_245 = arith.cmpi slt, %jit3A_232, %sign3A_244 : i32
    %sign3A_246 = arith.extui %sign3A_245 : i1 to i32
    %sign3A_247 = arith.subi %sign3A_243, %sign3A_246 : i32
    %ne3A_248 = arith.cmpi ne, %sign3A_240, %sign3A_247 : i32
    %rem3A_249 = arith.remsi %add3A_231, %jit3A_232 : i32
    %ne3A_250 = arith.constant 0 : i32
    %ne3A_251 = arith.cmpi ne, %rem3A_249, %ne3A_250 : i32
    %and3A_252 = arith.andi %ne3A_248, %ne3A_251 : i1
    %sub3A_253 = arith.constant 1 : i32
    %sub3A_254 = arith.subi %div3A_233, %sub3A_253 : i32
    %select_n3A_255 = arith.select %and3A_252, %sub3A_254, %div3A_233 : i32
    %sub3A_256 = arith.subi %select_n3A_255, %select_n3A : i32
    %mul3A_257 = arith.constant 32 : i32
    %mul3A_258 = arith.muli %sub3A_256, %mul3A_257 : i32
    %add3A_259 = arith.constant 160 : i32
    %add3A_260 = arith.addi %mul3A_2, %add3A_259 : i32
    %dma_start3A_261 = arith.constant 0 : i32
    %dma_start3A_262 = tpu.memref_slice %arg9[%mul3A_258, %dma_start3A_261] : memref<64x128xf32, #tpu.memory_space<vmem>> -> memref<32x128xf32, #tpu.memory_space<vmem>>
    %dma_start3A_263 = arith.constant 0 : i32
    %dma_start3A_264 = tpu.memref_slice %arg6[%add3A_260, %dma_start3A_263] : memref<315392x128xf32, #tpu.memory_space<hbm>> -> memref<32x128xf32, #tpu.memory_space<hbm>>
    %dma_start3A_265 = arith.constant 0 : i32
    %dma_start3A_266 = tpu.memref_slice %arg6[%add3A_260, %dma_start3A_265] : memref<315392x128xf32, #tpu.memory_space<hbm>> -> memref<32x128xf32, #tpu.memory_space<hbm>>
    %dma_start3A_267 = arith.constant 0 : i32
    %dma_start3A_268 = tpu.memref_slice %arg9[%mul3A_258, %dma_start3A_267] : memref<64x128xf32, #tpu.memory_space<vmem>> -> memref<32x128xf32, #tpu.memory_space<vmem>>
    tpu.enqueue_dma source(%dma_start3A_268 : memref<32x128xf32, #tpu.memory_space<vmem>>) target(%dma_start3A_266 : memref<32x128xf32, #tpu.memory_space<hbm>>) target_semaphore(%arg14 : memref<!tpu.dma_semaphore, #tpu.memory_space<semaphore_mem>>)
    %add3A_269 = arith.constant 192 : i32
    %add3A_270 = arith.addi %mul3A_2, %add3A_269 : i32
    %jit3A_271 = arith.constant 4096 : i32
    %div3A_272 = arith.divsi %add3A_270, %jit3A_271 : i32
    %sign3A_273 = arith.constant 0 : i32
    %sign3A_274 = arith.cmpi sgt, %add3A_270, %sign3A_273 : i32
    %sign3A_275 = arith.extui %sign3A_274 : i1 to i32
    %sign3A_276 = arith.constant 0 : i32
    %sign3A_277 = arith.cmpi slt, %add3A_270, %sign3A_276 : i32
    %sign3A_278 = arith.extui %sign3A_277 : i1 to i32
    %sign3A_279 = arith.subi %sign3A_275, %sign3A_278 : i32
    %sign3A_280 = arith.constant 0 : i32
    %sign3A_281 = arith.cmpi sgt, %jit3A_271, %sign3A_280 : i32
    %sign3A_282 = arith.extui %sign3A_281 : i1 to i32
    %sign3A_283 = arith.constant 0 : i32
    %sign3A_284 = arith.cmpi slt, %jit3A_271, %sign3A_283 : i32
    %sign3A_285 = arith.extui %sign3A_284 : i1 to i32
    %sign3A_286 = arith.subi %sign3A_282, %sign3A_285 : i32
    %ne3A_287 = arith.cmpi ne, %sign3A_279, %sign3A_286 : i32
    %rem3A_288 = arith.remsi %add3A_270, %jit3A_271 : i32
    %ne3A_289 = arith.constant 0 : i32
    %ne3A_290 = arith.cmpi ne, %rem3A_288, %ne3A_289 : i32
    %and3A_291 = arith.andi %ne3A_287, %ne3A_290 : i1
    %sub3A_292 = arith.constant 1 : i32
    %sub3A_293 = arith.subi %div3A_272, %sub3A_292 : i32
    %select_n3A_294 = arith.select %and3A_291, %sub3A_293, %div3A_272 : i32
    %sub3A_295 = arith.subi %select_n3A_294, %select_n3A : i32
    %mul3A_296 = arith.constant 32 : i32
    %mul3A_297 = arith.muli %sub3A_295, %mul3A_296 : i32
    %add3A_298 = arith.constant 192 : i32
    %add3A_299 = arith.addi %mul3A_2, %add3A_298 : i32
    %dma_start3A_300 = arith.constant 0 : i32
    %dma_start3A_301 = tpu.memref_slice %arg9[%mul3A_297, %dma_start3A_300] : memref<64x128xf32, #tpu.memory_space<vmem>> -> memref<32x128xf32, #tpu.memory_space<vmem>>
    %dma_start3A_302 = arith.constant 0 : i32
    %dma_start3A_303 = tpu.memref_slice %arg6[%add3A_299, %dma_start3A_302] : memref<315392x128xf32, #tpu.memory_space<hbm>> -> memref<32x128xf32, #tpu.memory_space<hbm>>
    %dma_start3A_304 = arith.constant 0 : i32
    %dma_start3A_305 = tpu.memref_slice %arg6[%add3A_299, %dma_start3A_304] : memref<315392x128xf32, #tpu.memory_space<hbm>> -> memref<32x128xf32, #tpu.memory_space<hbm>>
    %dma_start3A_306 = arith.constant 0 : i32
    %dma_start3A_307 = tpu.memref_slice %arg9[%mul3A_297, %dma_start3A_306] : memref<64x128xf32, #tpu.memory_space<vmem>> -> memref<32x128xf32, #tpu.memory_space<vmem>>
    tpu.enqueue_dma source(%dma_start3A_307 : memref<32x128xf32, #tpu.memory_space<vmem>>) target(%dma_start3A_305 : memref<32x128xf32, #tpu.memory_space<hbm>>) target_semaphore(%arg14 : memref<!tpu.dma_semaphore, #tpu.memory_space<semaphore_mem>>)
    %add3A_308 = arith.constant 224 : i32
    %add3A_309 = arith.addi %mul3A_2, %add3A_308 : i32
    %jit3A_310 = arith.constant 4096 : i32
    %div3A_311 = arith.divsi %add3A_309, %jit3A_310 : i32
    %sign3A_312 = arith.constant 0 : i32
    %sign3A_313 = arith.cmpi sgt, %add3A_309, %sign3A_312 : i32
    %sign3A_314 = arith.extui %sign3A_313 : i1 to i32
    %sign3A_315 = arith.constant 0 : i32
    %sign3A_316 = arith.cmpi slt, %add3A_309, %sign3A_315 : i32
    %sign3A_317 = arith.extui %sign3A_316 : i1 to i32
    %sign3A_318 = arith.subi %sign3A_314, %sign3A_317 : i32
    %sign3A_319 = arith.constant 0 : i32
    %sign3A_320 = arith.cmpi sgt, %jit3A_310, %sign3A_319 : i32
    %sign3A_321 = arith.extui %sign3A_320 : i1 to i32
    %sign3A_322 = arith.constant 0 : i32
    %sign3A_323 = arith.cmpi slt, %jit3A_310, %sign3A_322 : i32
    %sign3A_324 = arith.extui %sign3A_323 : i1 to i32
    %sign3A_325 = arith.subi %sign3A_321, %sign3A_324 : i32
    %ne3A_326 = arith.cmpi ne, %sign3A_318, %sign3A_325 : i32
    %rem3A_327 = arith.remsi %add3A_309, %jit3A_310 : i32
    %ne3A_328 = arith.constant 0 : i32
    %ne3A_329 = arith.cmpi ne, %rem3A_327, %ne3A_328 : i32
    %and3A_330 = arith.andi %ne3A_326, %ne3A_329 : i1
    %sub3A_331 = arith.constant 1 : i32
    %sub3A_332 = arith.subi %div3A_311, %sub3A_331 : i32
    %select_n3A_333 = arith.select %and3A_330, %sub3A_332, %div3A_311 : i32
    %sub3A_334 = arith.subi %select_n3A_333, %select_n3A : i32
    %mul3A_335 = arith.constant 32 : i32
    %mul3A_336 = arith.muli %sub3A_334, %mul3A_335 : i32
    %add3A_337 = arith.constant 224 : i32
    %add3A_338 = arith.addi %mul3A_2, %add3A_337 : i32
    %dma_start3A_339 = arith.constant 0 : i32
    %dma_start3A_340 = tpu.memref_slice %arg9[%mul3A_336, %dma_start3A_339] : memref<64x128xf32, #tpu.memory_space<vmem>> -> memref<32x128xf32, #tpu.memory_space<vmem>>
    %dma_start3A_341 = arith.constant 0 : i32
    %dma_start3A_342 = tpu.memref_slice %arg6[%add3A_338, %dma_start3A_341] : memref<315392x128xf32, #tpu.memory_space<hbm>> -> memref<32x128xf32, #tpu.memory_space<hbm>>
    %dma_start3A_343 = arith.constant 0 : i32
    %dma_start3A_344 = tpu.memref_slice %arg6[%add3A_338, %dma_start3A_343] : memref<315392x128xf32, #tpu.memory_space<hbm>> -> memref<32x128xf32, #tpu.memory_space<hbm>>
    %dma_start3A_345 = arith.constant 0 : i32
    %dma_start3A_346 = tpu.memref_slice %arg9[%mul3A_336, %dma_start3A_345] : memref<64x128xf32, #tpu.memory_space<vmem>> -> memref<32x128xf32, #tpu.memory_space<vmem>>
    tpu.enqueue_dma source(%dma_start3A_346 : memref<32x128xf32, #tpu.memory_space<vmem>>) target(%dma_start3A_344 : memref<32x128xf32, #tpu.memory_space<hbm>>) target_semaphore(%arg14 : memref<!tpu.dma_semaphore, #tpu.memory_space<semaphore_mem>>)
    %add3A_347 = arith.constant 256 : i32
    %add3A_348 = arith.addi %mul3A_2, %add3A_347 : i32
    %jit3A_349 = arith.constant 4096 : i32
    %div3A_350 = arith.divsi %add3A_348, %jit3A_349 : i32
    %sign3A_351 = arith.constant 0 : i32
    %sign3A_352 = arith.cmpi sgt, %add3A_348, %sign3A_351 : i32
    %sign3A_353 = arith.extui %sign3A_352 : i1 to i32
    %sign3A_354 = arith.constant 0 : i32
    %sign3A_355 = arith.cmpi slt, %add3A_348, %sign3A_354 : i32
    %sign3A_356 = arith.extui %sign3A_355 : i1 to i32
    %sign3A_357 = arith.subi %sign3A_353, %sign3A_356 : i32
    %sign3A_358 = arith.constant 0 : i32
    %sign3A_359 = arith.cmpi sgt, %jit3A_349, %sign3A_358 : i32
    %sign3A_360 = arith.extui %sign3A_359 : i1 to i32
    %sign3A_361 = arith.constant 0 : i32
    %sign3A_362 = arith.cmpi slt, %jit3A_349, %sign3A_361 : i32
    %sign3A_363 = arith.extui %sign3A_362 : i1 to i32
    %sign3A_364 = arith.subi %sign3A_360, %sign3A_363 : i32
    %ne3A_365 = arith.cmpi ne, %sign3A_357, %sign3A_364 : i32
    %rem3A_366 = arith.remsi %add3A_348, %jit3A_349 : i32
    %ne3A_367 = arith.constant 0 : i32
    %ne3A_368 = arith.cmpi ne, %rem3A_366, %ne3A_367 : i32
    %and3A_369 = arith.andi %ne3A_365, %ne3A_368 : i1
    %sub3A_370 = arith.constant 1 : i32
    %sub3A_371 = arith.subi %div3A_350, %sub3A_370 : i32
    %select_n3A_372 = arith.select %and3A_369, %sub3A_371, %div3A_350 : i32
    %sub3A_373 = arith.subi %select_n3A_372, %select_n3A : i32
    %mul3A_374 = arith.constant 32 : i32
    %mul3A_375 = arith.muli %sub3A_373, %mul3A_374 : i32
    %add3A_376 = arith.constant 256 : i32
    %add3A_377 = arith.addi %mul3A_2, %add3A_376 : i32
    %dma_start3A_378 = arith.constant 0 : i32
    %dma_start3A_379 = tpu.memref_slice %arg9[%mul3A_375, %dma_start3A_378] : memref<64x128xf32, #tpu.memory_space<vmem>> -> memref<32x128xf32, #tpu.memory_space<vmem>>
    %dma_start3A_380 = arith.constant 0 : i32
    %dma_start3A_381 = tpu.memref_slice %arg6[%add3A_377, %dma_start3A_380] : memref<315392x128xf32, #tpu.memory_space<hbm>> -> memref<32x128xf32, #tpu.memory_space<hbm>>
    %dma_start3A_382 = arith.constant 0 : i32
    %dma_start3A_383 = tpu.memref_slice %arg6[%add3A_377, %dma_start3A_382] : memref<315392x128xf32, #tpu.memory_space<hbm>> -> memref<32x128xf32, #tpu.memory_space<hbm>>
    %dma_start3A_384 = arith.constant 0 : i32
    %dma_start3A_385 = tpu.memref_slice %arg9[%mul3A_375, %dma_start3A_384] : memref<64x128xf32, #tpu.memory_space<vmem>> -> memref<32x128xf32, #tpu.memory_space<vmem>>
    tpu.enqueue_dma source(%dma_start3A_385 : memref<32x128xf32, #tpu.memory_space<vmem>>) target(%dma_start3A_383 : memref<32x128xf32, #tpu.memory_space<hbm>>) target_semaphore(%arg14 : memref<!tpu.dma_semaphore, #tpu.memory_space<semaphore_mem>>)
    %dma_wait3A_386 = arith.constant 0 : i32
    %dma_wait3A_387 = tpu.memref_slice %arg9[%mul3A_63, %dma_wait3A_386] : memref<64x128xf32, #tpu.memory_space<vmem>> -> memref<32x128xf32, #tpu.memory_space<vmem>>
    %dma_wait3A_388 = arith.constant 0 : i32
    %dma_wait3A_389 = tpu.memref_slice %arg6[%add3A_65, %dma_wait3A_388] : memref<315392x128xf32, #tpu.memory_space<hbm>> -> memref<32x128xf32, #tpu.memory_space<hbm>>
    %dma_wait3A_390 = arith.constant 0 : i32
    %dma_wait3A_391 = tpu.memref_slice %arg6[%add3A_65, %dma_wait3A_390] : memref<315392x128xf32, #tpu.memory_space<hbm>> -> memref<32x128xf32, #tpu.memory_space<hbm>>
    %dma_wait3A_392 = arith.constant 0 : i32
    %dma_wait3A_393 = tpu.memref_slice %arg9[%mul3A_63, %dma_wait3A_392] : memref<64x128xf32, #tpu.memory_space<vmem>> -> memref<32x128xf32, #tpu.memory_space<vmem>>
    tpu.wait_dma2 semaphore(%arg14 : memref<!tpu.dma_semaphore, #tpu.memory_space<semaphore_mem>>) src(%dma_wait3A_393 : memref<32x128xf32, #tpu.memory_space<vmem>>) dst(%dma_wait3A_391 : memref<32x128xf32, #tpu.memory_space<hbm>>)
    %add3A_394 = arith.constant 288 : i32
    %add3A_395 = arith.addi %mul3A_2, %add3A_394 : i32
    %jit3A_396 = arith.constant 4096 : i32
    %div3A_397 = arith.divsi %add3A_395, %jit3A_396 : i32
    %sign3A_398 = arith.constant 0 : i32
    %sign3A_399 = arith.cmpi sgt, %add3A_395, %sign3A_398 : i32
    %sign3A_400 = arith.extui %sign3A_399 : i1 to i32
    %sign3A_401 = arith.constant 0 : i32
    %sign3A_402 = arith.cmpi slt, %add3A_395, %sign3A_401 : i32
    %sign3A_403 = arith.extui %sign3A_402 : i1 to i32
    %sign3A_404 = arith.subi %sign3A_400, %sign3A_403 : i32
    %sign3A_405 = arith.constant 0 : i32
    %sign3A_406 = arith.cmpi sgt, %jit3A_396, %sign3A_405 : i32
    %sign3A_407 = arith.extui %sign3A_406 : i1 to i32
    %sign3A_408 = arith.constant 0 : i32
    %sign3A_409 = arith.cmpi slt, %jit3A_396, %sign3A_408 : i32
    %sign3A_410 = arith.extui %sign3A_409 : i1 to i32
    %sign3A_411 = arith.subi %sign3A_407, %sign3A_410 : i32
    %ne3A_412 = arith.cmpi ne, %sign3A_404, %sign3A_411 : i32
    %rem3A_413 = arith.remsi %add3A_395, %jit3A_396 : i32
    %ne3A_414 = arith.constant 0 : i32
    %ne3A_415 = arith.cmpi ne, %rem3A_413, %ne3A_414 : i32
    %and3A_416 = arith.andi %ne3A_412, %ne3A_415 : i1
    %sub3A_417 = arith.constant 1 : i32
    %sub3A_418 = arith.subi %div3A_397, %sub3A_417 : i32
    %select_n3A_419 = arith.select %and3A_416, %sub3A_418, %div3A_397 : i32
    %sub3A_420 = arith.subi %select_n3A_419, %select_n3A : i32
    %mul3A_421 = arith.constant 32 : i32
    %mul3A_422 = arith.muli %sub3A_420, %mul3A_421 : i32
    %add3A_423 = arith.constant 288 : i32
    %add3A_424 = arith.addi %mul3A_2, %add3A_423 : i32
    %dma_start3A_425 = arith.constant 0 : i32
    %dma_start3A_426 = tpu.memref_slice %arg9[%mul3A_422, %dma_start3A_425] : memref<64x128xf32, #tpu.memory_space<vmem>> -> memref<32x128xf32, #tpu.memory_space<vmem>>
    %dma_start3A_427 = arith.constant 0 : i32
    %dma_start3A_428 = tpu.memref_slice %arg6[%add3A_424, %dma_start3A_427] : memref<315392x128xf32, #tpu.memory_space<hbm>> -> memref<32x128xf32, #tpu.memory_space<hbm>>
    %dma_start3A_429 = arith.constant 0 : i32
    %dma_start3A_430 = tpu.memref_slice %arg6[%add3A_424, %dma_start3A_429] : memref<315392x128xf32, #tpu.memory_space<hbm>> -> memref<32x128xf32, #tpu.memory_space<hbm>>
    %dma_start3A_431 = arith.constant 0 : i32
    %dma_start3A_432 = tpu.memref_slice %arg9[%mul3A_422, %dma_start3A_431] : memref<64x128xf32, #tpu.memory_space<vmem>> -> memref<32x128xf32, #tpu.memory_space<vmem>>
    tpu.enqueue_dma source(%dma_start3A_432 : memref<32x128xf32, #tpu.memory_space<vmem>>) target(%dma_start3A_430 : memref<32x128xf32, #tpu.memory_space<hbm>>) target_semaphore(%arg14 : memref<!tpu.dma_semaphore, #tpu.memory_space<semaphore_mem>>)
    %dma_wait3A_433 = arith.constant 0 : i32
    %dma_wait3A_434 = tpu.memref_slice %arg9[%mul3A_102, %dma_wait3A_433] : memref<64x128xf32, #tpu.memory_space<vmem>> -> memref<32x128xf32, #tpu.memory_space<vmem>>
    %dma_wait3A_435 = arith.constant 0 : i32
    %dma_wait3A_436 = tpu.memref_slice %arg6[%add3A_104, %dma_wait3A_435] : memref<315392x128xf32, #tpu.memory_space<hbm>> -> memref<32x128xf32, #tpu.memory_space<hbm>>
    %dma_wait3A_437 = arith.constant 0 : i32
    %dma_wait3A_438 = tpu.memref_slice %arg6[%add3A_104, %dma_wait3A_437] : memref<315392x128xf32, #tpu.memory_space<hbm>> -> memref<32x128xf32, #tpu.memory_space<hbm>>
    %dma_wait3A_439 = arith.constant 0 : i32
    %dma_wait3A_440 = tpu.memref_slice %arg9[%mul3A_102, %dma_wait3A_439] : memref<64x128xf32, #tpu.memory_space<vmem>> -> memref<32x128xf32, #tpu.memory_space<vmem>>
    tpu.wait_dma2 semaphore(%arg14 : memref<!tpu.dma_semaphore, #tpu.memory_space<semaphore_mem>>) src(%dma_wait3A_440 : memref<32x128xf32, #tpu.memory_space<vmem>>) dst(%dma_wait3A_438 : memref<32x128xf32, #tpu.memory_space<hbm>>)
    %add3A_441 = arith.constant 320 : i32
    %add3A_442 = arith.addi %mul3A_2, %add3A_441 : i32
    %jit3A_443 = arith.constant 4096 : i32
    %div3A_444 = arith.divsi %add3A_442, %jit3A_443 : i32
    %sign3A_445 = arith.constant 0 : i32
    %sign3A_446 = arith.cmpi sgt, %add3A_442, %sign3A_445 : i32
    %sign3A_447 = arith.extui %sign3A_446 : i1 to i32
    %sign3A_448 = arith.constant 0 : i32
    %sign3A_449 = arith.cmpi slt, %add3A_442, %sign3A_448 : i32
    %sign3A_450 = arith.extui %sign3A_449 : i1 to i32
    %sign3A_451 = arith.subi %sign3A_447, %sign3A_450 : i32
    %sign3A_452 = arith.constant 0 : i32
    %sign3A_453 = arith.cmpi sgt, %jit3A_443, %sign3A_452 : i32
    %sign3A_454 = arith.extui %sign3A_453 : i1 to i32
    %sign3A_455 = arith.constant 0 : i32
    %sign3A_456 = arith.cmpi slt, %jit3A_443, %sign3A_455 : i32
    %sign3A_457 = arith.extui %sign3A_456 : i1 to i32
    %sign3A_458 = arith.subi %sign3A_454, %sign3A_457 : i32
    %ne3A_459 = arith.cmpi ne, %sign3A_451, %sign3A_458 : i32
    %rem3A_460 = arith.remsi %add3A_442, %jit3A_443 : i32
    %ne3A_461 = arith.constant 0 : i32
    %ne3A_462 = arith.cmpi ne, %rem3A_460, %ne3A_461 : i32
    %and3A_463 = arith.andi %ne3A_459, %ne3A_462 : i1
    %sub3A_464 = arith.constant 1 : i32
    %sub3A_465 = arith.subi %div3A_444, %sub3A_464 : i32
    %select_n3A_466 = arith.select %and3A_463, %sub3A_465, %div3A_444 : i32
    %sub3A_467 = arith.subi %select_n3A_466, %select_n3A : i32
    %mul3A_468 = arith.constant 32 : i32
    %mul3A_469 = arith.muli %sub3A_467, %mul3A_468 : i32
    %add3A_470 = arith.constant 320 : i32
    %add3A_471 = arith.addi %mul3A_2, %add3A_470 : i32
    %dma_start3A_472 = arith.constant 0 : i32
    %dma_start3A_473 = tpu.memref_slice %arg9[%mul3A_469, %dma_start3A_472] : memref<64x128xf32, #tpu.memory_space<vmem>> -> memref<32x128xf32, #tpu.memory_space<vmem>>
    %dma_start3A_474 = arith.constant 0 : i32
    %dma_start3A_475 = tpu.memref_slice %arg6[%add3A_471, %dma_start3A_474] : memref<315392x128xf32, #tpu.memory_space<hbm>> -> memref<32x128xf32, #tpu.memory_space<hbm>>
    %dma_start3A_476 = arith.constant 0 : i32
    %dma_start3A_477 = tpu.memref_slice %arg6[%add3A_471, %dma_start3A_476] : memref<315392x128xf32, #tpu.memory_space<hbm>> -> memref<32x128xf32, #tpu.memory_space<hbm>>
    %dma_start3A_478 = arith.constant 0 : i32
    %dma_start3A_479 = tpu.memref_slice %arg9[%mul3A_469, %dma_start3A_478] : memref<64x128xf32, #tpu.memory_space<vmem>> -> memref<32x128xf32, #tpu.memory_space<vmem>>
    tpu.enqueue_dma source(%dma_start3A_479 : memref<32x128xf32, #tpu.memory_space<vmem>>) target(%dma_start3A_477 : memref<32x128xf32, #tpu.memory_space<hbm>>) target_semaphore(%arg14 : memref<!tpu.dma_semaphore, #tpu.memory_space<semaphore_mem>>)
    %dma_wait3A_480 = arith.constant 0 : i32
    %dma_wait3A_481 = tpu.memref_slice %arg9[%mul3A_141, %dma_wait3A_480] : memref<64x128xf32, #tpu.memory_space<vmem>> -> memref<32x128xf32, #tpu.memory_space<vmem>>
    %dma_wait3A_482 = arith.constant 0 : i32
    %dma_wait3A_483 = tpu.memref_slice %arg6[%add3A_143, %dma_wait3A_482] : memref<315392x128xf32, #tpu.memory_space<hbm>> -> memref<32x128xf32, #tpu.memory_space<hbm>>
    %dma_wait3A_484 = arith.constant 0 : i32
    %dma_wait3A_485 = tpu.memref_slice %arg6[%add3A_143, %dma_wait3A_484] : memref<315392x128xf32, #tpu.memory_space<hbm>> -> memref<32x128xf32, #tpu.memory_space<hbm>>
    %dma_wait3A_486 = arith.constant 0 : i32
    %dma_wait3A_487 = tpu.memref_slice %arg9[%mul3A_141, %dma_wait3A_486] : memref<64x128xf32, #tpu.memory_space<vmem>> -> memref<32x128xf32, #tpu.memory_space<vmem>>
    tpu.wait_dma2 semaphore(%arg14 : memref<!tpu.dma_semaphore, #tpu.memory_space<semaphore_mem>>) src(%dma_wait3A_487 : memref<32x128xf32, #tpu.memory_space<vmem>>) dst(%dma_wait3A_485 : memref<32x128xf32, #tpu.memory_space<hbm>>)
    %add3A_488 = arith.constant 352 : i32
    %add3A_489 = arith.addi %mul3A_2, %add3A_488 : i32
    %jit3A_490 = arith.constant 4096 : i32
    %div3A_491 = arith.divsi %add3A_489, %jit3A_490 : i32
    %sign3A_492 = arith.constant 0 : i32
    %sign3A_493 = arith.cmpi sgt, %add3A_489, %sign3A_492 : i32
    %sign3A_494 = arith.extui %sign3A_493 : i1 to i32
    %sign3A_495 = arith.constant 0 : i32
    %sign3A_496 = arith.cmpi slt, %add3A_489, %sign3A_495 : i32
    %sign3A_497 = arith.extui %sign3A_496 : i1 to i32
    %sign3A_498 = arith.subi %sign3A_494, %sign3A_497 : i32
    %sign3A_499 = arith.constant 0 : i32
    %sign3A_500 = arith.cmpi sgt, %jit3A_490, %sign3A_499 : i32
    %sign3A_501 = arith.extui %sign3A_500 : i1 to i32
    %sign3A_502 = arith.constant 0 : i32
    %sign3A_503 = arith.cmpi slt, %jit3A_490, %sign3A_502 : i32
    %sign3A_504 = arith.extui %sign3A_503 : i1 to i32
    %sign3A_505 = arith.subi %sign3A_501, %sign3A_504 : i32
    %ne3A_506 = arith.cmpi ne, %sign3A_498, %sign3A_505 : i32
    %rem3A_507 = arith.remsi %add3A_489, %jit3A_490 : i32
    %ne3A_508 = arith.constant 0 : i32
    %ne3A_509 = arith.cmpi ne, %rem3A_507, %ne3A_508 : i32
    %and3A_510 = arith.andi %ne3A_506, %ne3A_509 : i1
    %sub3A_511 = arith.constant 1 : i32
    %sub3A_512 = arith.subi %div3A_491, %sub3A_511 : i32
    %select_n3A_513 = arith.select %and3A_510, %sub3A_512, %div3A_491 : i32
    %sub3A_514 = arith.subi %select_n3A_513, %select_n3A : i32
    %mul3A_515 = arith.constant 32 : i32
    %mul3A_516 = arith.muli %sub3A_514, %mul3A_515 : i32
    %add3A_517 = arith.constant 352 : i32
    %add3A_518 = arith.addi %mul3A_2, %add3A_517 : i32
    %dma_start3A_519 = arith.constant 0 : i32
    %dma_start3A_520 = tpu.memref_slice %arg9[%mul3A_516, %dma_start3A_519] : memref<64x128xf32, #tpu.memory_space<vmem>> -> memref<32x128xf32, #tpu.memory_space<vmem>>
    %dma_start3A_521 = arith.constant 0 : i32
    %dma_start3A_522 = tpu.memref_slice %arg6[%add3A_518, %dma_start3A_521] : memref<315392x128xf32, #tpu.memory_space<hbm>> -> memref<32x128xf32, #tpu.memory_space<hbm>>
    %dma_start3A_523 = arith.constant 0 : i32
    %dma_start3A_524 = tpu.memref_slice %arg6[%add3A_518, %dma_start3A_523] : memref<315392x128xf32, #tpu.memory_space<hbm>> -> memref<32x128xf32, #tpu.memory_space<hbm>>
    %dma_start3A_525 = arith.constant 0 : i32
    %dma_start3A_526 = tpu.memref_slice %arg9[%mul3A_516, %dma_start3A_525] : memref<64x128xf32, #tpu.memory_space<vmem>> -> memref<32x128xf32, #tpu.memory_space<vmem>>
    tpu.enqueue_dma source(%dma_start3A_526 : memref<32x128xf32, #tpu.memory_space<vmem>>) target(%dma_start3A_524 : memref<32x128xf32, #tpu.memory_space<hbm>>) target_semaphore(%arg14 : memref<!tpu.dma_semaphore, #tpu.memory_space<semaphore_mem>>)
    %dma_wait3A_527 = arith.constant 0 : i32
    %dma_wait3A_528 = tpu.memref_slice %arg9[%mul3A_180, %dma_wait3A_527] : memref<64x128xf32, #tpu.memory_space<vmem>> -> memref<32x128xf32, #tpu.memory_space<vmem>>
    %dma_wait3A_529 = arith.constant 0 : i32
    %dma_wait3A_530 = tpu.memref_slice %arg6[%add3A_182, %dma_wait3A_529] : memref<315392x128xf32, #tpu.memory_space<hbm>> -> memref<32x128xf32, #tpu.memory_space<hbm>>
    %dma_wait3A_531 = arith.constant 0 : i32
    %dma_wait3A_532 = tpu.memref_slice %arg6[%add3A_182, %dma_wait3A_531] : memref<315392x128xf32, #tpu.memory_space<hbm>> -> memref<32x128xf32, #tpu.memory_space<hbm>>
    %dma_wait3A_533 = arith.constant 0 : i32
    %dma_wait3A_534 = tpu.memref_slice %arg9[%mul3A_180, %dma_wait3A_533] : memref<64x128xf32, #tpu.memory_space<vmem>> -> memref<32x128xf32, #tpu.memory_space<vmem>>
    tpu.wait_dma2 semaphore(%arg14 : memref<!tpu.dma_semaphore, #tpu.memory_space<semaphore_mem>>) src(%dma_wait3A_534 : memref<32x128xf32, #tpu.memory_space<vmem>>) dst(%dma_wait3A_532 : memref<32x128xf32, #tpu.memory_space<hbm>>)
    %add3A_535 = arith.constant 384 : i32
    %add3A_536 = arith.addi %mul3A_2, %add3A_535 : i32
    %jit3A_537 = arith.constant 4096 : i32
    %div3A_538 = arith.divsi %add3A_536, %jit3A_537 : i32
    %sign3A_539 = arith.constant 0 : i32
    %sign3A_540 = arith.cmpi sgt, %add3A_536, %sign3A_539 : i32
    %sign3A_541 = arith.extui %sign3A_540 : i1 to i32
    %sign3A_542 = arith.constant 0 : i32
    %sign3A_543 = arith.cmpi slt, %add3A_536, %sign3A_542 : i32
    %sign3A_544 = arith.extui %sign3A_543 : i1 to i32
    %sign3A_545 = arith.subi %sign3A_541, %sign3A_544 : i32
    %sign3A_546 = arith.constant 0 : i32
    %sign3A_547 = arith.cmpi sgt, %jit3A_537, %sign3A_546 : i32
    %sign3A_548 = arith.extui %sign3A_547 : i1 to i32
    %sign3A_549 = arith.constant 0 : i32
    %sign3A_550 = arith.cmpi slt, %jit3A_537, %sign3A_549 : i32
    %sign3A_551 = arith.extui %sign3A_550 : i1 to i32
    %sign3A_552 = arith.subi %sign3A_548, %sign3A_551 : i32
    %ne3A_553 = arith.cmpi ne, %sign3A_545, %sign3A_552 : i32
    %rem3A_554 = arith.remsi %add3A_536, %jit3A_537 : i32
    %ne3A_555 = arith.constant 0 : i32
    %ne3A_556 = arith.cmpi ne, %rem3A_554, %ne3A_555 : i32
    %and3A_557 = arith.andi %ne3A_553, %ne3A_556 : i1
    %sub3A_558 = arith.constant 1 : i32
    %sub3A_559 = arith.subi %div3A_538, %sub3A_558 : i32
    %select_n3A_560 = arith.select %and3A_557, %sub3A_559, %div3A_538 : i32
    %sub3A_561 = arith.subi %select_n3A_560, %select_n3A : i32
    %mul3A_562 = arith.constant 32 : i32
    %mul3A_563 = arith.muli %sub3A_561, %mul3A_562 : i32
    %add3A_564 = arith.constant 384 : i32
    %add3A_565 = arith.addi %mul3A_2, %add3A_564 : i32
    %dma_start3A_566 = arith.constant 0 : i32
    %dma_start3A_567 = tpu.memref_slice %arg9[%mul3A_563, %dma_start3A_566] : memref<64x128xf32, #tpu.memory_space<vmem>> -> memref<32x128xf32, #tpu.memory_space<vmem>>
    %dma_start3A_568 = arith.constant 0 : i32
    %dma_start3A_569 = tpu.memref_slice %arg6[%add3A_565, %dma_start3A_568] : memref<315392x128xf32, #tpu.memory_space<hbm>> -> memref<32x128xf32, #tpu.memory_space<hbm>>
    %dma_start3A_570 = arith.constant 0 : i32
    %dma_start3A_571 = tpu.memref_slice %arg6[%add3A_565, %dma_start3A_570] : memref<315392x128xf32, #tpu.memory_space<hbm>> -> memref<32x128xf32, #tpu.memory_space<hbm>>
    %dma_start3A_572 = arith.constant 0 : i32
    %dma_start3A_573 = tpu.memref_slice %arg9[%mul3A_563, %dma_start3A_572] : memref<64x128xf32, #tpu.memory_space<vmem>> -> memref<32x128xf32, #tpu.memory_space<vmem>>
    tpu.enqueue_dma source(%dma_start3A_573 : memref<32x128xf32, #tpu.memory_space<vmem>>) target(%dma_start3A_571 : memref<32x128xf32, #tpu.memory_space<hbm>>) target_semaphore(%arg14 : memref<!tpu.dma_semaphore, #tpu.memory_space<semaphore_mem>>)
    %dma_wait3A_574 = arith.constant 0 : i32
    %dma_wait3A_575 = tpu.memref_slice %arg9[%mul3A_219, %dma_wait3A_574] : memref<64x128xf32, #tpu.memory_space<vmem>> -> memref<32x128xf32, #tpu.memory_space<vmem>>
    %dma_wait3A_576 = arith.constant 0 : i32
    %dma_wait3A_577 = tpu.memref_slice %arg6[%add3A_221, %dma_wait3A_576] : memref<315392x128xf32, #tpu.memory_space<hbm>> -> memref<32x128xf32, #tpu.memory_space<hbm>>
    %dma_wait3A_578 = arith.constant 0 : i32
    %dma_wait3A_579 = tpu.memref_slice %arg6[%add3A_221, %dma_wait3A_578] : memref<315392x128xf32, #tpu.memory_space<hbm>> -> memref<32x128xf32, #tpu.memory_space<hbm>>
    %dma_wait3A_580 = arith.constant 0 : i32
    %dma_wait3A_581 = tpu.memref_slice %arg9[%mul3A_219, %dma_wait3A_580] : memref<64x128xf32, #tpu.memory_space<vmem>> -> memref<32x128xf32, #tpu.memory_space<vmem>>
    tpu.wait_dma2 semaphore(%arg14 : memref<!tpu.dma_semaphore, #tpu.memory_space<semaphore_mem>>) src(%dma_wait3A_581 : memref<32x128xf32, #tpu.memory_space<vmem>>) dst(%dma_wait3A_579 : memref<32x128xf32, #tpu.memory_space<hbm>>)
    %add3A_582 = arith.constant 416 : i32
    %add3A_583 = arith.addi %mul3A_2, %add3A_582 : i32
    %jit3A_584 = arith.constant 4096 : i32
    %div3A_585 = arith.divsi %add3A_583, %jit3A_584 : i32
    %sign3A_586 = arith.constant 0 : i32
    %sign3A_587 = arith.cmpi sgt, %add3A_583, %sign3A_586 : i32
    %sign3A_588 = arith.extui %sign3A_587 : i1 to i32
    %sign3A_589 = arith.constant 0 : i32
    %sign3A_590 = arith.cmpi slt, %add3A_583, %sign3A_589 : i32
    %sign3A_591 = arith.extui %sign3A_590 : i1 to i32
    %sign3A_592 = arith.subi %sign3A_588, %sign3A_591 : i32
    %sign3A_593 = arith.constant 0 : i32
    %sign3A_594 = arith.cmpi sgt, %jit3A_584, %sign3A_593 : i32
    %sign3A_595 = arith.extui %sign3A_594 : i1 to i32
    %sign3A_596 = arith.constant 0 : i32
    %sign3A_597 = arith.cmpi slt, %jit3A_584, %sign3A_596 : i32
    %sign3A_598 = arith.extui %sign3A_597 : i1 to i32
    %sign3A_599 = arith.subi %sign3A_595, %sign3A_598 : i32
    %ne3A_600 = arith.cmpi ne, %sign3A_592, %sign3A_599 : i32
    %rem3A_601 = arith.remsi %add3A_583, %jit3A_584 : i32
    %ne3A_602 = arith.constant 0 : i32
    %ne3A_603 = arith.cmpi ne, %rem3A_601, %ne3A_602 : i32
    %and3A_604 = arith.andi %ne3A_600, %ne3A_603 : i1
    %sub3A_605 = arith.constant 1 : i32
    %sub3A_606 = arith.subi %div3A_585, %sub3A_605 : i32
    %select_n3A_607 = arith.select %and3A_604, %sub3A_606, %div3A_585 : i32
    %sub3A_608 = arith.subi %select_n3A_607, %select_n3A : i32
    %mul3A_609 = arith.constant 32 : i32
    %mul3A_610 = arith.muli %sub3A_608, %mul3A_609 : i32
    %add3A_611 = arith.constant 416 : i32
    %add3A_612 = arith.addi %mul3A_2, %add3A_611 : i32
    %dma_start3A_613 = arith.constant 0 : i32
    %dma_start3A_614 = tpu.memref_slice %arg9[%mul3A_610, %dma_start3A_613] : memref<64x128xf32, #tpu.memory_space<vmem>> -> memref<32x128xf32, #tpu.memory_space<vmem>>
    %dma_start3A_615 = arith.constant 0 : i32
    %dma_start3A_616 = tpu.memref_slice %arg6[%add3A_612, %dma_start3A_615] : memref<315392x128xf32, #tpu.memory_space<hbm>> -> memref<32x128xf32, #tpu.memory_space<hbm>>
    %dma_start3A_617 = arith.constant 0 : i32
    %dma_start3A_618 = tpu.memref_slice %arg6[%add3A_612, %dma_start3A_617] : memref<315392x128xf32, #tpu.memory_space<hbm>> -> memref<32x128xf32, #tpu.memory_space<hbm>>
    %dma_start3A_619 = arith.constant 0 : i32
    %dma_start3A_620 = tpu.memref_slice %arg9[%mul3A_610, %dma_start3A_619] : memref<64x128xf32, #tpu.memory_space<vmem>> -> memref<32x128xf32, #tpu.memory_space<vmem>>
    tpu.enqueue_dma source(%dma_start3A_620 : memref<32x128xf32, #tpu.memory_space<vmem>>) target(%dma_start3A_618 : memref<32x128xf32, #tpu.memory_space<hbm>>) target_semaphore(%arg14 : memref<!tpu.dma_semaphore, #tpu.memory_space<semaphore_mem>>)
    %dma_wait3A_621 = arith.constant 0 : i32
    %dma_wait3A_622 = tpu.memref_slice %arg9[%mul3A_258, %dma_wait3A_621] : memref<64x128xf32, #tpu.memory_space<vmem>> -> memref<32x128xf32, #tpu.memory_space<vmem>>
    %dma_wait3A_623 = arith.constant 0 : i32
    %dma_wait3A_624 = tpu.memref_slice %arg6[%add3A_260, %dma_wait3A_623] : memref<315392x128xf32, #tpu.memory_space<hbm>> -> memref<32x128xf32, #tpu.memory_space<hbm>>
    %dma_wait3A_625 = arith.constant 0 : i32
    %dma_wait3A_626 = tpu.memref_slice %arg6[%add3A_260, %dma_wait3A_625] : memref<315392x128xf32, #tpu.memory_space<hbm>> -> memref<32x128xf32, #tpu.memory_space<hbm>>
    %dma_wait3A_627 = arith.constant 0 : i32
    %dma_wait3A_628 = tpu.memref_slice %arg9[%mul3A_258, %dma_wait3A_627] : memref<64x128xf32, #tpu.memory_space<vmem>> -> memref<32x128xf32, #tpu.memory_space<vmem>>
    tpu.wait_dma2 semaphore(%arg14 : memref<!tpu.dma_semaphore, #tpu.memory_space<semaphore_mem>>) src(%dma_wait3A_628 : memref<32x128xf32, #tpu.memory_space<vmem>>) dst(%dma_wait3A_626 : memref<32x128xf32, #tpu.memory_space<hbm>>)
    %add3A_629 = arith.constant 448 : i32
    %add3A_630 = arith.addi %mul3A_2, %add3A_629 : i32
    %jit3A_631 = arith.constant 4096 : i32
    %div3A_632 = arith.divsi %add3A_630, %jit3A_631 : i32
    %sign3A_633 = arith.constant 0 : i32
    %sign3A_634 = arith.cmpi sgt, %add3A_630, %sign3A_633 : i32
    %sign3A_635 = arith.extui %sign3A_634 : i1 to i32
    %sign3A_636 = arith.constant 0 : i32
    %sign3A_637 = arith.cmpi slt, %add3A_630, %sign3A_636 : i32
    %sign3A_638 = arith.extui %sign3A_637 : i1 to i32
    %sign3A_639 = arith.subi %sign3A_635, %sign3A_638 : i32
    %sign3A_640 = arith.constant 0 : i32
    %sign3A_641 = arith.cmpi sgt, %jit3A_631, %sign3A_640 : i32
    %sign3A_642 = arith.extui %sign3A_641 : i1 to i32
    %sign3A_643 = arith.constant 0 : i32
    %sign3A_644 = arith.cmpi slt, %jit3A_631, %sign3A_643 : i32
    %sign3A_645 = arith.extui %sign3A_644 : i1 to i32
    %sign3A_646 = arith.subi %sign3A_642, %sign3A_645 : i32
    %ne3A_647 = arith.cmpi ne, %sign3A_639, %sign3A_646 : i32
    %rem3A_648 = arith.remsi %add3A_630, %jit3A_631 : i32
    %ne3A_649 = arith.constant 0 : i32
    %ne3A_650 = arith.cmpi ne, %rem3A_648, %ne3A_649 : i32
    %and3A_651 = arith.andi %ne3A_647, %ne3A_650 : i1
    %sub3A_652 = arith.constant 1 : i32
    %sub3A_653 = arith.subi %div3A_632, %sub3A_652 : i32
    %select_n3A_654 = arith.select %and3A_651, %sub3A_653, %div3A_632 : i32
    %sub3A_655 = arith.subi %select_n3A_654, %select_n3A : i32
    %mul3A_656 = arith.constant 32 : i32
    %mul3A_657 = arith.muli %sub3A_655, %mul3A_656 : i32
    %add3A_658 = arith.constant 448 : i32
    %add3A_659 = arith.addi %mul3A_2, %add3A_658 : i32
    %dma_start3A_660 = arith.constant 0 : i32
    %dma_start3A_661 = tpu.memref_slice %arg9[%mul3A_657, %dma_start3A_660] : memref<64x128xf32, #tpu.memory_space<vmem>> -> memref<32x128xf32, #tpu.memory_space<vmem>>
    %dma_start3A_662 = arith.constant 0 : i32
    %dma_start3A_663 = tpu.memref_slice %arg6[%add3A_659, %dma_start3A_662] : memref<315392x128xf32, #tpu.memory_space<hbm>> -> memref<32x128xf32, #tpu.memory_space<hbm>>
    %dma_start3A_664 = arith.constant 0 : i32
    %dma_start3A_665 = tpu.memref_slice %arg6[%add3A_659, %dma_start3A_664] : memref<315392x128xf32, #tpu.memory_space<hbm>> -> memref<32x128xf32, #tpu.memory_space<hbm>>
    %dma_start3A_666 = arith.constant 0 : i32
    %dma_start3A_667 = tpu.memref_slice %arg9[%mul3A_657, %dma_start3A_666] : memref<64x128xf32, #tpu.memory_space<vmem>> -> memref<32x128xf32, #tpu.memory_space<vmem>>
    tpu.enqueue_dma source(%dma_start3A_667 : memref<32x128xf32, #tpu.memory_space<vmem>>) target(%dma_start3A_665 : memref<32x128xf32, #tpu.memory_space<hbm>>) target_semaphore(%arg14 : memref<!tpu.dma_semaphore, #tpu.memory_space<semaphore_mem>>)
    %dma_wait3A_668 = arith.constant 0 : i32
    %dma_wait3A_669 = tpu.memref_slice %arg9[%mul3A_297, %dma_wait3A_668] : memref<64x128xf32, #tpu.memory_space<vmem>> -> memref<32x128xf32, #tpu.memory_space<vmem>>
    %dma_wait3A_670 = arith.constant 0 : i32
    %dma_wait3A_671 = tpu.memref_slice %arg6[%add3A_299, %dma_wait3A_670] : memref<315392x128xf32, #tpu.memory_space<hbm>> -> memref<32x128xf32, #tpu.memory_space<hbm>>
    %dma_wait3A_672 = arith.constant 0 : i32
    %dma_wait3A_673 = tpu.memref_slice %arg6[%add3A_299, %dma_wait3A_672] : memref<315392x128xf32, #tpu.memory_space<hbm>> -> memref<32x128xf32, #tpu.memory_space<hbm>>
    %dma_wait3A_674 = arith.constant 0 : i32
    %dma_wait3A_675 = tpu.memref_slice %arg9[%mul3A_297, %dma_wait3A_674] : memref<64x128xf32, #tpu.memory_space<vmem>> -> memref<32x128xf32, #tpu.memory_space<vmem>>
    tpu.wait_dma2 semaphore(%arg14 : memref<!tpu.dma_semaphore, #tpu.memory_space<semaphore_mem>>) src(%dma_wait3A_675 : memref<32x128xf32, #tpu.memory_space<vmem>>) dst(%dma_wait3A_673 : memref<32x128xf32, #tpu.memory_space<hbm>>)
    %add3A_676 = arith.constant 480 : i32
    %add3A_677 = arith.addi %mul3A_2, %add3A_676 : i32
    %jit3A_678 = arith.constant 4096 : i32
    %div3A_679 = arith.divsi %add3A_677, %jit3A_678 : i32
    %sign3A_680 = arith.constant 0 : i32
    %sign3A_681 = arith.cmpi sgt, %add3A_677, %sign3A_680 : i32
    %sign3A_682 = arith.extui %sign3A_681 : i1 to i32
    %sign3A_683 = arith.constant 0 : i32
    %sign3A_684 = arith.cmpi slt, %add3A_677, %sign3A_683 : i32
    %sign3A_685 = arith.extui %sign3A_684 : i1 to i32
    %sign3A_686 = arith.subi %sign3A_682, %sign3A_685 : i32
    %sign3A_687 = arith.constant 0 : i32
    %sign3A_688 = arith.cmpi sgt, %jit3A_678, %sign3A_687 : i32
    %sign3A_689 = arith.extui %sign3A_688 : i1 to i32
    %sign3A_690 = arith.constant 0 : i32
    %sign3A_691 = arith.cmpi slt, %jit3A_678, %sign3A_690 : i32
    %sign3A_692 = arith.extui %sign3A_691 : i1 to i32
    %sign3A_693 = arith.subi %sign3A_689, %sign3A_692 : i32
    %ne3A_694 = arith.cmpi ne, %sign3A_686, %sign3A_693 : i32
    %rem3A_695 = arith.remsi %add3A_677, %jit3A_678 : i32
    %ne3A_696 = arith.constant 0 : i32
    %ne3A_697 = arith.cmpi ne, %rem3A_695, %ne3A_696 : i32
    %and3A_698 = arith.andi %ne3A_694, %ne3A_697 : i1
    %sub3A_699 = arith.constant 1 : i32
    %sub3A_700 = arith.subi %div3A_679, %sub3A_699 : i32
    %select_n3A_701 = arith.select %and3A_698, %sub3A_700, %div3A_679 : i32
    %sub3A_702 = arith.subi %select_n3A_701, %select_n3A : i32
    %mul3A_703 = arith.constant 32 : i32
    %mul3A_704 = arith.muli %sub3A_702, %mul3A_703 : i32
    %add3A_705 = arith.constant 480 : i32
    %add3A_706 = arith.addi %mul3A_2, %add3A_705 : i32
    %dma_start3A_707 = arith.constant 0 : i32
    %dma_start3A_708 = tpu.memref_slice %arg9[%mul3A_704, %dma_start3A_707] : memref<64x128xf32, #tpu.memory_space<vmem>> -> memref<32x128xf32, #tpu.memory_space<vmem>>
    %dma_start3A_709 = arith.constant 0 : i32
    %dma_start3A_710 = tpu.memref_slice %arg6[%add3A_706, %dma_start3A_709] : memref<315392x128xf32, #tpu.memory_space<hbm>> -> memref<32x128xf32, #tpu.memory_space<hbm>>
    %dma_start3A_711 = arith.constant 0 : i32
    %dma_start3A_712 = tpu.memref_slice %arg6[%add3A_706, %dma_start3A_711] : memref<315392x128xf32, #tpu.memory_space<hbm>> -> memref<32x128xf32, #tpu.memory_space<hbm>>
    %dma_start3A_713 = arith.constant 0 : i32
    %dma_start3A_714 = tpu.memref_slice %arg9[%mul3A_704, %dma_start3A_713] : memref<64x128xf32, #tpu.memory_space<vmem>> -> memref<32x128xf32, #tpu.memory_space<vmem>>
    tpu.enqueue_dma source(%dma_start3A_714 : memref<32x128xf32, #tpu.memory_space<vmem>>) target(%dma_start3A_712 : memref<32x128xf32, #tpu.memory_space<hbm>>) target_semaphore(%arg14 : memref<!tpu.dma_semaphore, #tpu.memory_space<semaphore_mem>>)
    %dma_wait3A_715 = arith.constant 0 : i32
    %dma_wait3A_716 = tpu.memref_slice %arg9[%mul3A_336, %dma_wait3A_715] : memref<64x128xf32, #tpu.memory_space<vmem>> -> memref<32x128xf32, #tpu.memory_space<vmem>>
    %dma_wait3A_717 = arith.constant 0 : i32
    %dma_wait3A_718 = tpu.memref_slice %arg6[%add3A_338, %dma_wait3A_717] : memref<315392x128xf32, #tpu.memory_space<hbm>> -> memref<32x128xf32, #tpu.memory_space<hbm>>
    %dma_wait3A_719 = arith.constant 0 : i32
    %dma_wait3A_720 = tpu.memref_slice %arg6[%add3A_338, %dma_wait3A_719] : memref<315392x128xf32, #tpu.memory_space<hbm>> -> memref<32x128xf32, #tpu.memory_space<hbm>>
    %dma_wait3A_721 = arith.constant 0 : i32
    %dma_wait3A_722 = tpu.memref_slice %arg9[%mul3A_336, %dma_wait3A_721] : memref<64x128xf32, #tpu.memory_space<vmem>> -> memref<32x128xf32, #tpu.memory_space<vmem>>
    tpu.wait_dma2 semaphore(%arg14 : memref<!tpu.dma_semaphore, #tpu.memory_space<semaphore_mem>>) src(%dma_wait3A_722 : memref<32x128xf32, #tpu.memory_space<vmem>>) dst(%dma_wait3A_720 : memref<32x128xf32, #tpu.memory_space<hbm>>)
    %add3A_723 = arith.constant 512 : i32
    %add3A_724 = arith.addi %mul3A_2, %add3A_723 : i32
    %jit3A_725 = arith.constant 4096 : i32
    %div3A_726 = arith.divsi %add3A_724, %jit3A_725 : i32
    %sign3A_727 = arith.constant 0 : i32
    %sign3A_728 = arith.cmpi sgt, %add3A_724, %sign3A_727 : i32
    %sign3A_729 = arith.extui %sign3A_728 : i1 to i32
    %sign3A_730 = arith.constant 0 : i32
    %sign3A_731 = arith.cmpi slt, %add3A_724, %sign3A_730 : i32
    %sign3A_732 = arith.extui %sign3A_731 : i1 to i32
    %sign3A_733 = arith.subi %sign3A_729, %sign3A_732 : i32
    %sign3A_734 = arith.constant 0 : i32
    %sign3A_735 = arith.cmpi sgt, %jit3A_725, %sign3A_734 : i32
    %sign3A_736 = arith.extui %sign3A_735 : i1 to i32
    %sign3A_737 = arith.constant 0 : i32
    %sign3A_738 = arith.cmpi slt, %jit3A_725, %sign3A_737 : i32
    %sign3A_739 = arith.extui %sign3A_738 : i1 to i32
    %sign3A_740 = arith.subi %sign3A_736, %sign3A_739 : i32
    %ne3A_741 = arith.cmpi ne, %sign3A_733, %sign3A_740 : i32
    %rem3A_742 = arith.remsi %add3A_724, %jit3A_725 : i32
    %ne3A_743 = arith.constant 0 : i32
    %ne3A_744 = arith.cmpi ne, %rem3A_742, %ne3A_743 : i32
    %and3A_745 = arith.andi %ne3A_741, %ne3A_744 : i1
    %sub3A_746 = arith.constant 1 : i32
    %sub3A_747 = arith.subi %div3A_726, %sub3A_746 : i32
    %select_n3A_748 = arith.select %and3A_745, %sub3A_747, %div3A_726 : i32
    %sub3A_749 = arith.subi %select_n3A_748, %select_n3A : i32
    %mul3A_750 = arith.constant 32 : i32
    %mul3A_751 = arith.muli %sub3A_749, %mul3A_750 : i32
    %add3A_752 = arith.constant 512 : i32
    %add3A_753 = arith.addi %mul3A_2, %add3A_752 : i32
    %dma_start3A_754 = arith.constant 0 : i32
    %dma_start3A_755 = tpu.memref_slice %arg9[%mul3A_751, %dma_start3A_754] : memref<64x128xf32, #tpu.memory_space<vmem>> -> memref<32x128xf32, #tpu.memory_space<vmem>>
    %dma_start3A_756 = arith.constant 0 : i32
    %dma_start3A_757 = tpu.memref_slice %arg6[%add3A_753, %dma_start3A_756] : memref<315392x128xf32, #tpu.memory_space<hbm>> -> memref<32x128xf32, #tpu.memory_space<hbm>>
    %dma_start3A_758 = arith.constant 0 : i32
    %dma_start3A_759 = tpu.memref_slice %arg6[%add3A_753, %dma_start3A_758] : memref<315392x128xf32, #tpu.memory_space<hbm>> -> memref<32x128xf32, #tpu.memory_space<hbm>>
    %dma_start3A_760 = arith.constant 0 : i32
    %dma_start3A_761 = tpu.memref_slice %arg9[%mul3A_751, %dma_start3A_760] : memref<64x128xf32, #tpu.memory_space<vmem>> -> memref<32x128xf32, #tpu.memory_space<vmem>>
    tpu.enqueue_dma source(%dma_start3A_761 : memref<32x128xf32, #tpu.memory_space<vmem>>) target(%dma_start3A_759 : memref<32x128xf32, #tpu.memory_space<hbm>>) target_semaphore(%arg14 : memref<!tpu.dma_semaphore, #tpu.memory_space<semaphore_mem>>)
    %dma_wait3A_762 = arith.constant 0 : i32
    %dma_wait3A_763 = tpu.memref_slice %arg9[%mul3A_375, %dma_wait3A_762] : memref<64x128xf32, #tpu.memory_space<vmem>> -> memref<32x128xf32, #tpu.memory_space<vmem>>
    %dma_wait3A_764 = arith.constant 0 : i32
    %dma_wait3A_765 = tpu.memref_slice %arg6[%add3A_377, %dma_wait3A_764] : memref<315392x128xf32, #tpu.memory_space<hbm>> -> memref<32x128xf32, #tpu.memory_space<hbm>>
    %dma_wait3A_766 = arith.constant 0 : i32
    %dma_wait3A_767 = tpu.memref_slice %arg6[%add3A_377, %dma_wait3A_766] : memref<315392x128xf32, #tpu.memory_space<hbm>> -> memref<32x128xf32, #tpu.memory_space<hbm>>
    %dma_wait3A_768 = arith.constant 0 : i32
    %dma_wait3A_769 = tpu.memref_slice %arg9[%mul3A_375, %dma_wait3A_768] : memref<64x128xf32, #tpu.memory_space<vmem>> -> memref<32x128xf32, #tpu.memory_space<vmem>>
    tpu.wait_dma2 semaphore(%arg14 : memref<!tpu.dma_semaphore, #tpu.memory_space<semaphore_mem>>) src(%dma_wait3A_769 : memref<32x128xf32, #tpu.memory_space<vmem>>) dst(%dma_wait3A_767 : memref<32x128xf32, #tpu.memory_space<hbm>>)
    %add3A_770 = arith.constant 544 : i32
    %add3A_771 = arith.addi %mul3A_2, %add3A_770 : i32
    %jit3A_772 = arith.constant 4096 : i32
    %div3A_773 = arith.divsi %add3A_771, %jit3A_772 : i32
    %sign3A_774 = arith.constant 0 : i32
    %sign3A_775 = arith.cmpi sgt, %add3A_771, %sign3A_774 : i32
    %sign3A_776 = arith.extui %sign3A_775 : i1 to i32
    %sign3A_777 = arith.constant 0 : i32
    %sign3A_778 = arith.cmpi slt, %add3A_771, %sign3A_777 : i32
    %sign3A_779 = arith.extui %sign3A_778 : i1 to i32
    %sign3A_780 = arith.subi %sign3A_776, %sign3A_779 : i32
    %sign3A_781 = arith.constant 0 : i32
    %sign3A_782 = arith.cmpi sgt, %jit3A_772, %sign3A_781 : i32
    %sign3A_783 = arith.extui %sign3A_782 : i1 to i32
    %sign3A_784 = arith.constant 0 : i32
    %sign3A_785 = arith.cmpi slt, %jit3A_772, %sign3A_784 : i32
    %sign3A_786 = arith.extui %sign3A_785 : i1 to i32
    %sign3A_787 = arith.subi %sign3A_783, %sign3A_786 : i32
    %ne3A_788 = arith.cmpi ne, %sign3A_780, %sign3A_787 : i32
    %rem3A_789 = arith.remsi %add3A_771, %jit3A_772 : i32
    %ne3A_790 = arith.constant 0 : i32
    %ne3A_791 = arith.cmpi ne, %rem3A_789, %ne3A_790 : i32
    %and3A_792 = arith.andi %ne3A_788, %ne3A_791 : i1
    %sub3A_793 = arith.constant 1 : i32
    %sub3A_794 = arith.subi %div3A_773, %sub3A_793 : i32
    %select_n3A_795 = arith.select %and3A_792, %sub3A_794, %div3A_773 : i32
    %sub3A_796 = arith.subi %select_n3A_795, %select_n3A : i32
    %mul3A_797 = arith.constant 32 : i32
    %mul3A_798 = arith.muli %sub3A_796, %mul3A_797 : i32
    %add3A_799 = arith.constant 544 : i32
    %add3A_800 = arith.addi %mul3A_2, %add3A_799 : i32
    %dma_start3A_801 = arith.constant 0 : i32
    %dma_start3A_802 = tpu.memref_slice %arg9[%mul3A_798, %dma_start3A_801] : memref<64x128xf32, #tpu.memory_space<vmem>> -> memref<32x128xf32, #tpu.memory_space<vmem>>
    %dma_start3A_803 = arith.constant 0 : i32
    %dma_start3A_804 = tpu.memref_slice %arg6[%add3A_800, %dma_start3A_803] : memref<315392x128xf32, #tpu.memory_space<hbm>> -> memref<32x128xf32, #tpu.memory_space<hbm>>
    %dma_start3A_805 = arith.constant 0 : i32
    %dma_start3A_806 = tpu.memref_slice %arg6[%add3A_800, %dma_start3A_805] : memref<315392x128xf32, #tpu.memory_space<hbm>> -> memref<32x128xf32, #tpu.memory_space<hbm>>
    %dma_start3A_807 = arith.constant 0 : i32
    %dma_start3A_808 = tpu.memref_slice %arg9[%mul3A_798, %dma_start3A_807] : memref<64x128xf32, #tpu.memory_space<vmem>> -> memref<32x128xf32, #tpu.memory_space<vmem>>
    tpu.enqueue_dma source(%dma_start3A_808 : memref<32x128xf32, #tpu.memory_space<vmem>>) target(%dma_start3A_806 : memref<32x128xf32, #tpu.memory_space<hbm>>) target_semaphore(%arg14 : memref<!tpu.dma_semaphore, #tpu.memory_space<semaphore_mem>>)
    %dma_wait3A_809 = arith.constant 0 : i32
    %dma_wait3A_810 = tpu.memref_slice %arg9[%mul3A_422, %dma_wait3A_809] : memref<64x128xf32, #tpu.memory_space<vmem>> -> memref<32x128xf32, #tpu.memory_space<vmem>>
    %dma_wait3A_811 = arith.constant 0 : i32
    %dma_wait3A_812 = tpu.memref_slice %arg6[%add3A_424, %dma_wait3A_811] : memref<315392x128xf32, #tpu.memory_space<hbm>> -> memref<32x128xf32, #tpu.memory_space<hbm>>
    %dma_wait3A_813 = arith.constant 0 : i32
    %dma_wait3A_814 = tpu.memref_slice %arg6[%add3A_424, %dma_wait3A_813] : memref<315392x128xf32, #tpu.memory_space<hbm>> -> memref<32x128xf32, #tpu.memory_space<hbm>>
    %dma_wait3A_815 = arith.constant 0 : i32
    %dma_wait3A_816 = tpu.memref_slice %arg9[%mul3A_422, %dma_wait3A_815] : memref<64x128xf32, #tpu.memory_space<vmem>> -> memref<32x128xf32, #tpu.memory_space<vmem>>
    tpu.wait_dma2 semaphore(%arg14 : memref<!tpu.dma_semaphore, #tpu.memory_space<semaphore_mem>>) src(%dma_wait3A_816 : memref<32x128xf32, #tpu.memory_space<vmem>>) dst(%dma_wait3A_814 : memref<32x128xf32, #tpu.memory_space<hbm>>)
    %add3A_817 = arith.constant 576 : i32
    %add3A_818 = arith.addi %mul3A_2, %add3A_817 : i32
    %jit3A_819 = arith.constant 4096 : i32
    %div3A_820 = arith.divsi %add3A_818, %jit3A_819 : i32
    %sign3A_821 = arith.constant 0 : i32
    %sign3A_822 = arith.cmpi sgt, %add3A_818, %sign3A_821 : i32
    %sign3A_823 = arith.extui %sign3A_822 : i1 to i32
    %sign3A_824 = arith.constant 0 : i32
    %sign3A_825 = arith.cmpi slt, %add3A_818, %sign3A_824 : i32
    %sign3A_826 = arith.extui %sign3A_825 : i1 to i32
    %sign3A_827 = arith.subi %sign3A_823, %sign3A_826 : i32
    %sign3A_828 = arith.constant 0 : i32
    %sign3A_829 = arith.cmpi sgt, %jit3A_819, %sign3A_828 : i32
    %sign3A_830 = arith.extui %sign3A_829 : i1 to i32
    %sign3A_831 = arith.constant 0 : i32
    %sign3A_832 = arith.cmpi slt, %jit3A_819, %sign3A_831 : i32
    %sign3A_833 = arith.extui %sign3A_832 : i1 to i32
    %sign3A_834 = arith.subi %sign3A_830, %sign3A_833 : i32
    %ne3A_835 = arith.cmpi ne, %sign3A_827, %sign3A_834 : i32
    %rem3A_836 = arith.remsi %add3A_818, %jit3A_819 : i32
    %ne3A_837 = arith.constant 0 : i32
    %ne3A_838 = arith.cmpi ne, %rem3A_836, %ne3A_837 : i32
    %and3A_839 = arith.andi %ne3A_835, %ne3A_838 : i1
    %sub3A_840 = arith.constant 1 : i32
    %sub3A_841 = arith.subi %div3A_820, %sub3A_840 : i32
    %select_n3A_842 = arith.select %and3A_839, %sub3A_841, %div3A_820 : i32
    %sub3A_843 = arith.subi %select_n3A_842, %select_n3A : i32
    %mul3A_844 = arith.constant 32 : i32
    %mul3A_845 = arith.muli %sub3A_843, %mul3A_844 : i32
    %add3A_846 = arith.constant 576 : i32
    %add3A_847 = arith.addi %mul3A_2, %add3A_846 : i32
    %dma_start3A_848 = arith.constant 0 : i32
    %dma_start3A_849 = tpu.memref_slice %arg9[%mul3A_845, %dma_start3A_848] : memref<64x128xf32, #tpu.memory_space<vmem>> -> memref<32x128xf32, #tpu.memory_space<vmem>>
    %dma_start3A_850 = arith.constant 0 : i32
    %dma_start3A_851 = tpu.memref_slice %arg6[%add3A_847, %dma_start3A_850] : memref<315392x128xf32, #tpu.memory_space<hbm>> -> memref<32x128xf32, #tpu.memory_space<hbm>>
    %dma_start3A_852 = arith.constant 0 : i32
    %dma_start3A_853 = tpu.memref_slice %arg6[%add3A_847, %dma_start3A_852] : memref<315392x128xf32, #tpu.memory_space<hbm>> -> memref<32x128xf32, #tpu.memory_space<hbm>>
    %dma_start3A_854 = arith.constant 0 : i32
    %dma_start3A_855 = tpu.memref_slice %arg9[%mul3A_845, %dma_start3A_854] : memref<64x128xf32, #tpu.memory_space<vmem>> -> memref<32x128xf32, #tpu.memory_space<vmem>>
    tpu.enqueue_dma source(%dma_start3A_855 : memref<32x128xf32, #tpu.memory_space<vmem>>) target(%dma_start3A_853 : memref<32x128xf32, #tpu.memory_space<hbm>>) target_semaphore(%arg14 : memref<!tpu.dma_semaphore, #tpu.memory_space<semaphore_mem>>)
    %dma_wait3A_856 = arith.constant 0 : i32
    %dma_wait3A_857 = tpu.memref_slice %arg9[%mul3A_469, %dma_wait3A_856] : memref<64x128xf32, #tpu.memory_space<vmem>> -> memref<32x128xf32, #tpu.memory_space<vmem>>
    %dma_wait3A_858 = arith.constant 0 : i32
    %dma_wait3A_859 = tpu.memref_slice %arg6[%add3A_471, %dma_wait3A_858] : memref<315392x128xf32, #tpu.memory_space<hbm>> -> memref<32x128xf32, #tpu.memory_space<hbm>>
    %dma_wait3A_860 = arith.constant 0 : i32
    %dma_wait3A_861 = tpu.memref_slice %arg6[%add3A_471, %dma_wait3A_860] : memref<315392x128xf32, #tpu.memory_space<hbm>> -> memref<32x128xf32, #tpu.memory_space<hbm>>
    %dma_wait3A_862 = arith.constant 0 : i32
    %dma_wait3A_863 = tpu.memref_slice %arg9[%mul3A_469, %dma_wait3A_862] : memref<64x128xf32, #tpu.memory_space<vmem>> -> memref<32x128xf32, #tpu.memory_space<vmem>>
    tpu.wait_dma2 semaphore(%arg14 : memref<!tpu.dma_semaphore, #tpu.memory_space<semaphore_mem>>) src(%dma_wait3A_863 : memref<32x128xf32, #tpu.memory_space<vmem>>) dst(%dma_wait3A_861 : memref<32x128xf32, #tpu.memory_space<hbm>>)
    %add3A_864 = arith.constant 608 : i32
    %add3A_865 = arith.addi %mul3A_2, %add3A_864 : i32
    %jit3A_866 = arith.constant 4096 : i32
    %div3A_867 = arith.divsi %add3A_865, %jit3A_866 : i32
    %sign3A_868 = arith.constant 0 : i32
    %sign3A_869 = arith.cmpi sgt, %add3A_865, %sign3A_868 : i32
    %sign3A_870 = arith.extui %sign3A_869 : i1 to i32
    %sign3A_871 = arith.constant 0 : i32
    %sign3A_872 = arith.cmpi slt, %add3A_865, %sign3A_871 : i32
    %sign3A_873 = arith.extui %sign3A_872 : i1 to i32
    %sign3A_874 = arith.subi %sign3A_870, %sign3A_873 : i32
    %sign3A_875 = arith.constant 0 : i32
    %sign3A_876 = arith.cmpi sgt, %jit3A_866, %sign3A_875 : i32
    %sign3A_877 = arith.extui %sign3A_876 : i1 to i32
    %sign3A_878 = arith.constant 0 : i32
    %sign3A_879 = arith.cmpi slt, %jit3A_866, %sign3A_878 : i32
    %sign3A_880 = arith.extui %sign3A_879 : i1 to i32
    %sign3A_881 = arith.subi %sign3A_877, %sign3A_880 : i32
    %ne3A_882 = arith.cmpi ne, %sign3A_874, %sign3A_881 : i32
    %rem3A_883 = arith.remsi %add3A_865, %jit3A_866 : i32
    %ne3A_884 = arith.constant 0 : i32
    %ne3A_885 = arith.cmpi ne, %rem3A_883, %ne3A_884 : i32
    %and3A_886 = arith.andi %ne3A_882, %ne3A_885 : i1
    %sub3A_887 = arith.constant 1 : i32
    %sub3A_888 = arith.subi %div3A_867, %sub3A_887 : i32
    %select_n3A_889 = arith.select %and3A_886, %sub3A_888, %div3A_867 : i32
    %sub3A_890 = arith.subi %select_n3A_889, %select_n3A : i32
    %mul3A_891 = arith.constant 32 : i32
    %mul3A_892 = arith.muli %sub3A_890, %mul3A_891 : i32
    %add3A_893 = arith.constant 608 : i32
    %add3A_894 = arith.addi %mul3A_2, %add3A_893 : i32
    %dma_start3A_895 = arith.constant 0 : i32
    %dma_start3A_896 = tpu.memref_slice %arg9[%mul3A_892, %dma_start3A_895] : memref<64x128xf32, #tpu.memory_space<vmem>> -> memref<32x128xf32, #tpu.memory_space<vmem>>
    %dma_start3A_897 = arith.constant 0 : i32
    %dma_start3A_898 = tpu.memref_slice %arg6[%add3A_894, %dma_start3A_897] : memref<315392x128xf32, #tpu.memory_space<hbm>> -> memref<32x128xf32, #tpu.memory_space<hbm>>
    %dma_start3A_899 = arith.constant 0 : i32
    %dma_start3A_900 = tpu.memref_slice %arg6[%add3A_894, %dma_start3A_899] : memref<315392x128xf32, #tpu.memory_space<hbm>> -> memref<32x128xf32, #tpu.memory_space<hbm>>
    %dma_start3A_901 = arith.constant 0 : i32
    %dma_start3A_902 = tpu.memref_slice %arg9[%mul3A_892, %dma_start3A_901] : memref<64x128xf32, #tpu.memory_space<vmem>> -> memref<32x128xf32, #tpu.memory_space<vmem>>
    tpu.enqueue_dma source(%dma_start3A_902 : memref<32x128xf32, #tpu.memory_space<vmem>>) target(%dma_start3A_900 : memref<32x128xf32, #tpu.memory_space<hbm>>) target_semaphore(%arg14 : memref<!tpu.dma_semaphore, #tpu.memory_space<semaphore_mem>>)
    %dma_wait3A_903 = arith.constant 0 : i32
    %dma_wait3A_904 = tpu.memref_slice %arg9[%mul3A_516, %dma_wait3A_903] : memref<64x128xf32, #tpu.memory_space<vmem>> -> memref<32x128xf32, #tpu.memory_space<vmem>>
    %dma_wait3A_905 = arith.constant 0 : i32
    %dma_wait3A_906 = tpu.memref_slice %arg6[%add3A_518, %dma_wait3A_905] : memref<315392x128xf32, #tpu.memory_space<hbm>> -> memref<32x128xf32, #tpu.memory_space<hbm>>
    %dma_wait3A_907 = arith.constant 0 : i32
    %dma_wait3A_908 = tpu.memref_slice %arg6[%add3A_518, %dma_wait3A_907] : memref<315392x128xf32, #tpu.memory_space<hbm>> -> memref<32x128xf32, #tpu.memory_space<hbm>>
    %dma_wait3A_909 = arith.constant 0 : i32
    %dma_wait3A_910 = tpu.memref_slice %arg9[%mul3A_516, %dma_wait3A_909] : memref<64x128xf32, #tpu.memory_space<vmem>> -> memref<32x128xf32, #tpu.memory_space<vmem>>
    tpu.wait_dma2 semaphore(%arg14 : memref<!tpu.dma_semaphore, #tpu.memory_space<semaphore_mem>>) src(%dma_wait3A_910 : memref<32x128xf32, #tpu.memory_space<vmem>>) dst(%dma_wait3A_908 : memref<32x128xf32, #tpu.memory_space<hbm>>)
    %add3A_911 = arith.constant 640 : i32
    %add3A_912 = arith.addi %mul3A_2, %add3A_911 : i32
    %jit3A_913 = arith.constant 4096 : i32
    %div3A_914 = arith.divsi %add3A_912, %jit3A_913 : i32
    %sign3A_915 = arith.constant 0 : i32
    %sign3A_916 = arith.cmpi sgt, %add3A_912, %sign3A_915 : i32
    %sign3A_917 = arith.extui %sign3A_916 : i1 to i32
    %sign3A_918 = arith.constant 0 : i32
    %sign3A_919 = arith.cmpi slt, %add3A_912, %sign3A_918 : i32
    %sign3A_920 = arith.extui %sign3A_919 : i1 to i32
    %sign3A_921 = arith.subi %sign3A_917, %sign3A_920 : i32
    %sign3A_922 = arith.constant 0 : i32
    %sign3A_923 = arith.cmpi sgt, %jit3A_913, %sign3A_922 : i32
    %sign3A_924 = arith.extui %sign3A_923 : i1 to i32
    %sign3A_925 = arith.constant 0 : i32
    %sign3A_926 = arith.cmpi slt, %jit3A_913, %sign3A_925 : i32
    %sign3A_927 = arith.extui %sign3A_926 : i1 to i32
    %sign3A_928 = arith.subi %sign3A_924, %sign3A_927 : i32
    %ne3A_929 = arith.cmpi ne, %sign3A_921, %sign3A_928 : i32
    %rem3A_930 = arith.remsi %add3A_912, %jit3A_913 : i32
    %ne3A_931 = arith.constant 0 : i32
    %ne3A_932 = arith.cmpi ne, %rem3A_930, %ne3A_931 : i32
    %and3A_933 = arith.andi %ne3A_929, %ne3A_932 : i1
    %sub3A_934 = arith.constant 1 : i32
    %sub3A_935 = arith.subi %div3A_914, %sub3A_934 : i32
    %select_n3A_936 = arith.select %and3A_933, %sub3A_935, %div3A_914 : i32
    %sub3A_937 = arith.subi %select_n3A_936, %select_n3A : i32
    %mul3A_938 = arith.constant 32 : i32
    %mul3A_939 = arith.muli %sub3A_937, %mul3A_938 : i32
    %add3A_940 = arith.constant 640 : i32
    %add3A_941 = arith.addi %mul3A_2, %add3A_940 : i32
    %dma_start3A_942 = arith.constant 0 : i32
    %dma_start3A_943 = tpu.memref_slice %arg9[%mul3A_939, %dma_start3A_942] : memref<64x128xf32, #tpu.memory_space<vmem>> -> memref<32x128xf32, #tpu.memory_space<vmem>>
    %dma_start3A_944 = arith.constant 0 : i32
    %dma_start3A_945 = tpu.memref_slice %arg6[%add3A_941, %dma_start3A_944] : memref<315392x128xf32, #tpu.memory_space<hbm>> -> memref<32x128xf32, #tpu.memory_space<hbm>>
    %dma_start3A_946 = arith.constant 0 : i32
    %dma_start3A_947 = tpu.memref_slice %arg6[%add3A_941, %dma_start3A_946] : memref<315392x128xf32, #tpu.memory_space<hbm>> -> memref<32x128xf32, #tpu.memory_space<hbm>>
    %dma_start3A_948 = arith.constant 0 : i32
    %dma_start3A_949 = tpu.memref_slice %arg9[%mul3A_939, %dma_start3A_948] : memref<64x128xf32, #tpu.memory_space<vmem>> -> memref<32x128xf32, #tpu.memory_space<vmem>>
    tpu.enqueue_dma source(%dma_start3A_949 : memref<32x128xf32, #tpu.memory_space<vmem>>) target(%dma_start3A_947 : memref<32x128xf32, #tpu.memory_space<hbm>>) target_semaphore(%arg14 : memref<!tpu.dma_semaphore, #tpu.memory_space<semaphore_mem>>)
    %dma_wait3A_950 = arith.constant 0 : i32
    %dma_wait3A_951 = tpu.memref_slice %arg9[%mul3A_563, %dma_wait3A_950] : memref<64x128xf32, #tpu.memory_space<vmem>> -> memref<32x128xf32, #tpu.memory_space<vmem>>
    %dma_wait3A_952 = arith.constant 0 : i32
    %dma_wait3A_953 = tpu.memref_slice %arg6[%add3A_565, %dma_wait3A_952] : memref<315392x128xf32, #tpu.memory_space<hbm>> -> memref<32x128xf32, #tpu.memory_space<hbm>>
    %dma_wait3A_954 = arith.constant 0 : i32
    %dma_wait3A_955 = tpu.memref_slice %arg6[%add3A_565, %dma_wait3A_954] : memref<315392x128xf32, #tpu.memory_space<hbm>> -> memref<32x128xf32, #tpu.memory_space<hbm>>
    %dma_wait3A_956 = arith.constant 0 : i32
    %dma_wait3A_957 = tpu.memref_slice %arg9[%mul3A_563, %dma_wait3A_956] : memref<64x128xf32, #tpu.memory_space<vmem>> -> memref<32x128xf32, #tpu.memory_space<vmem>>
    tpu.wait_dma2 semaphore(%arg14 : memref<!tpu.dma_semaphore, #tpu.memory_space<semaphore_mem>>) src(%dma_wait3A_957 : memref<32x128xf32, #tpu.memory_space<vmem>>) dst(%dma_wait3A_955 : memref<32x128xf32, #tpu.memory_space<hbm>>)
    %add3A_958 = arith.constant 672 : i32
    %add3A_959 = arith.addi %mul3A_2, %add3A_958 : i32
    %jit3A_960 = arith.constant 4096 : i32
    %div3A_961 = arith.divsi %add3A_959, %jit3A_960 : i32
    %sign3A_962 = arith.constant 0 : i32
    %sign3A_963 = arith.cmpi sgt, %add3A_959, %sign3A_962 : i32
    %sign3A_964 = arith.extui %sign3A_963 : i1 to i32
    %sign3A_965 = arith.constant 0 : i32
    %sign3A_966 = arith.cmpi slt, %add3A_959, %sign3A_965 : i32
    %sign3A_967 = arith.extui %sign3A_966 : i1 to i32
    %sign3A_968 = arith.subi %sign3A_964, %sign3A_967 : i32
    %sign3A_969 = arith.constant 0 : i32
    %sign3A_970 = arith.cmpi sgt, %jit3A_960, %sign3A_969 : i32
    %sign3A_971 = arith.extui %sign3A_970 : i1 to i32
    %sign3A_972 = arith.constant 0 : i32
    %sign3A_973 = arith.cmpi slt, %jit3A_960, %sign3A_972 : i32
    %sign3A_974 = arith.extui %sign3A_973 : i1 to i32
    %sign3A_975 = arith.subi %sign3A_971, %sign3A_974 : i32
    %ne3A_976 = arith.cmpi ne, %sign3A_968, %sign3A_975 : i32
    %rem3A_977 = arith.remsi %add3A_959, %jit3A_960 : i32
    %ne3A_978 = arith.constant 0 : i32
    %ne3A_979 = arith.cmpi ne, %rem3A_977, %ne3A_978 : i32
    %and3A_980 = arith.andi %ne3A_976, %ne3A_979 : i1
    %sub3A_981 = arith.constant 1 : i32
    %sub3A_982 = arith.subi %div3A_961, %sub3A_981 : i32
    %select_n3A_983 = arith.select %and3A_980, %sub3A_982, %div3A_961 : i32
    %sub3A_984 = arith.subi %select_n3A_983, %select_n3A : i32
    %mul3A_985 = arith.constant 32 : i32
    %mul3A_986 = arith.muli %sub3A_984, %mul3A_985 : i32
    %add3A_987 = arith.constant 672 : i32
    %add3A_988 = arith.addi %mul3A_2, %add3A_987 : i32
    %dma_start3A_989 = arith.constant 0 : i32
    %dma_start3A_990 = tpu.memref_slice %arg9[%mul3A_986, %dma_start3A_989] : memref<64x128xf32, #tpu.memory_space<vmem>> -> memref<32x128xf32, #tpu.memory_space<vmem>>
    %dma_start3A_991 = arith.constant 0 : i32
    %dma_start3A_992 = tpu.memref_slice %arg6[%add3A_988, %dma_start3A_991] : memref<315392x128xf32, #tpu.memory_space<hbm>> -> memref<32x128xf32, #tpu.memory_space<hbm>>
    %dma_start3A_993 = arith.constant 0 : i32
    %dma_start3A_994 = tpu.memref_slice %arg6[%add3A_988, %dma_start3A_993] : memref<315392x128xf32, #tpu.memory_space<hbm>> -> memref<32x128xf32, #tpu.memory_space<hbm>>
    %dma_start3A_995 = arith.constant 0 : i32
    %dma_start3A_996 = tpu.memref_slice %arg9[%mul3A_986, %dma_start3A_995] : memref<64x128xf32, #tpu.memory_space<vmem>> -> memref<32x128xf32, #tpu.memory_space<vmem>>
    tpu.enqueue_dma source(%dma_start3A_996 : memref<32x128xf32, #tpu.memory_space<vmem>>) target(%dma_start3A_994 : memref<32x128xf32, #tpu.memory_space<hbm>>) target_semaphore(%arg14 : memref<!tpu.dma_semaphore, #tpu.memory_space<semaphore_mem>>)
    %dma_wait3A_997 = arith.constant 0 : i32
    %dma_wait3A_998 = tpu.memref_slice %arg9[%mul3A_610, %dma_wait3A_997] : memref<64x128xf32, #tpu.memory_space<vmem>> -> memref<32x128xf32, #tpu.memory_space<vmem>>
    %dma_wait3A_999 = arith.constant 0 : i32
    %dma_wait3A_1000 = tpu.memref_slice %arg6[%add3A_612, %dma_wait3A_999] : memref<315392x128xf32, #tpu.memory_space<hbm>> -> memref<32x128xf32, #tpu.memory_space<hbm>>
    %dma_wait3A_1001 = arith.constant 0 : i32
    %dma_wait3A_1002 = tpu.memref_slice %arg6[%add3A_612, %dma_wait3A_1001] : memref<315392x128xf32, #tpu.memory_space<hbm>> -> memref<32x128xf32, #tpu.memory_space<hbm>>
    %dma_wait3A_1003 = arith.constant 0 : i32
    %dma_wait3A_1004 = tpu.memref_slice %arg9[%mul3A_610, %dma_wait3A_1003] : memref<64x128xf32, #tpu.memory_space<vmem>> -> memref<32x128xf32, #tpu.memory_space<vmem>>
    tpu.wait_dma2 semaphore(%arg14 : memref<!tpu.dma_semaphore, #tpu.memory_space<semaphore_mem>>) src(%dma_wait3A_1004 : memref<32x128xf32, #tpu.memory_space<vmem>>) dst(%dma_wait3A_1002 : memref<32x128xf32, #tpu.memory_space<hbm>>)
    %add3A_1005 = arith.constant 704 : i32
    %add3A_1006 = arith.addi %mul3A_2, %add3A_1005 : i32
    %jit3A_1007 = arith.constant 4096 : i32
    %div3A_1008 = arith.divsi %add3A_1006, %jit3A_1007 : i32
    %sign3A_1009 = arith.constant 0 : i32
    %sign3A_1010 = arith.cmpi sgt, %add3A_1006, %sign3A_1009 : i32
    %sign3A_1011 = arith.extui %sign3A_1010 : i1 to i32
    %sign3A_1012 = arith.constant 0 : i32
    %sign3A_1013 = arith.cmpi slt, %add3A_1006, %sign3A_1012 : i32
    %sign3A_1014 = arith.extui %sign3A_1013 : i1 to i32
    %sign3A_1015 = arith.subi %sign3A_1011, %sign3A_1014 : i32
    %sign3A_1016 = arith.constant 0 : i32
    %sign3A_1017 = arith.cmpi sgt, %jit3A_1007, %sign3A_1016 : i32
    %sign3A_1018 = arith.extui %sign3A_1017 : i1 to i32
    %sign3A_1019 = arith.constant 0 : i32
    %sign3A_1020 = arith.cmpi slt, %jit3A_1007, %sign3A_1019 : i32
    %sign3A_1021 = arith.extui %sign3A_1020 : i1 to i32
    %sign3A_1022 = arith.subi %sign3A_1018, %sign3A_1021 : i32
    %ne3A_1023 = arith.cmpi ne, %sign3A_1015, %sign3A_1022 : i32
    %rem3A_1024 = arith.remsi %add3A_1006, %jit3A_1007 : i32
    %ne3A_1025 = arith.constant 0 : i32
    %ne3A_1026 = arith.cmpi ne, %rem3A_1024, %ne3A_1025 : i32
    %and3A_1027 = arith.andi %ne3A_1023, %ne3A_1026 : i1
    %sub3A_1028 = arith.constant 1 : i32
    %sub3A_1029 = arith.subi %div3A_1008, %sub3A_1028 : i32
    %select_n3A_1030 = arith.select %and3A_1027, %sub3A_1029, %div3A_1008 : i32
    %sub3A_1031 = arith.subi %select_n3A_1030, %select_n3A : i32
    %mul3A_1032 = arith.constant 32 : i32
    %mul3A_1033 = arith.muli %sub3A_1031, %mul3A_1032 : i32
    %add3A_1034 = arith.constant 704 : i32
    %add3A_1035 = arith.addi %mul3A_2, %add3A_1034 : i32
    %dma_start3A_1036 = arith.constant 0 : i32
    %dma_start3A_1037 = tpu.memref_slice %arg9[%mul3A_1033, %dma_start3A_1036] : memref<64x128xf32, #tpu.memory_space<vmem>> -> memref<32x128xf32, #tpu.memory_space<vmem>>
    %dma_start3A_1038 = arith.constant 0 : i32
    %dma_start3A_1039 = tpu.memref_slice %arg6[%add3A_1035, %dma_start3A_1038] : memref<315392x128xf32, #tpu.memory_space<hbm>> -> memref<32x128xf32, #tpu.memory_space<hbm>>
    %dma_start3A_1040 = arith.constant 0 : i32
    %dma_start3A_1041 = tpu.memref_slice %arg6[%add3A_1035, %dma_start3A_1040] : memref<315392x128xf32, #tpu.memory_space<hbm>> -> memref<32x128xf32, #tpu.memory_space<hbm>>
    %dma_start3A_1042 = arith.constant 0 : i32
    %dma_start3A_1043 = tpu.memref_slice %arg9[%mul3A_1033, %dma_start3A_1042] : memref<64x128xf32, #tpu.memory_space<vmem>> -> memref<32x128xf32, #tpu.memory_space<vmem>>
    tpu.enqueue_dma source(%dma_start3A_1043 : memref<32x128xf32, #tpu.memory_space<vmem>>) target(%dma_start3A_1041 : memref<32x128xf32, #tpu.memory_space<hbm>>) target_semaphore(%arg14 : memref<!tpu.dma_semaphore, #tpu.memory_space<semaphore_mem>>)
    %dma_wait3A_1044 = arith.constant 0 : i32
    %dma_wait3A_1045 = tpu.memref_slice %arg9[%mul3A_657, %dma_wait3A_1044] : memref<64x128xf32, #tpu.memory_space<vmem>> -> memref<32x128xf32, #tpu.memory_space<vmem>>
    %dma_wait3A_1046 = arith.constant 0 : i32
    %dma_wait3A_1047 = tpu.memref_slice %arg6[%add3A_659, %dma_wait3A_1046] : memref<315392x128xf32, #tpu.memory_space<hbm>> -> memref<32x128xf32, #tpu.memory_space<hbm>>
    %dma_wait3A_1048 = arith.constant 0 : i32
    %dma_wait3A_1049 = tpu.memref_slice %arg6[%add3A_659, %dma_wait3A_1048] : memref<315392x128xf32, #tpu.memory_space<hbm>> -> memref<32x128xf32, #tpu.memory_space<hbm>>
    %dma_wait3A_1050 = arith.constant 0 : i32
    %dma_wait3A_1051 = tpu.memref_slice %arg9[%mul3A_657, %dma_wait3A_1050] : memref<64x128xf32, #tpu.memory_space<vmem>> -> memref<32x128xf32, #tpu.memory_space<vmem>>
    tpu.wait_dma2 semaphore(%arg14 : memref<!tpu.dma_semaphore, #tpu.memory_space<semaphore_mem>>) src(%dma_wait3A_1051 : memref<32x128xf32, #tpu.memory_space<vmem>>) dst(%dma_wait3A_1049 : memref<32x128xf32, #tpu.memory_space<hbm>>)
    %add3A_1052 = arith.constant 736 : i32
    %add3A_1053 = arith.addi %mul3A_2, %add3A_1052 : i32
    %jit3A_1054 = arith.constant 4096 : i32
    %div3A_1055 = arith.divsi %add3A_1053, %jit3A_1054 : i32
    %sign3A_1056 = arith.constant 0 : i32
    %sign3A_1057 = arith.cmpi sgt, %add3A_1053, %sign3A_1056 : i32
    %sign3A_1058 = arith.extui %sign3A_1057 : i1 to i32
    %sign3A_1059 = arith.constant 0 : i32
    %sign3A_1060 = arith.cmpi slt, %add3A_1053, %sign3A_1059 : i32
    %sign3A_1061 = arith.extui %sign3A_1060 : i1 to i32
    %sign3A_1062 = arith.subi %sign3A_1058, %sign3A_1061 : i32
    %sign3A_1063 = arith.constant 0 : i32
    %sign3A_1064 = arith.cmpi sgt, %jit3A_1054, %sign3A_1063 : i32
    %sign3A_1065 = arith.extui %sign3A_1064 : i1 to i32
    %sign3A_1066 = arith.constant 0 : i32
    %sign3A_1067 = arith.cmpi slt, %jit3A_1054, %sign3A_1066 : i32
    %sign3A_1068 = arith.extui %sign3A_1067 : i1 to i32
    %sign3A_1069 = arith.subi %sign3A_1065, %sign3A_1068 : i32
    %ne3A_1070 = arith.cmpi ne, %sign3A_1062, %sign3A_1069 : i32
    %rem3A_1071 = arith.remsi %add3A_1053, %jit3A_1054 : i32
    %ne3A_1072 = arith.constant 0 : i32
    %ne3A_1073 = arith.cmpi ne, %rem3A_1071, %ne3A_1072 : i32
    %and3A_1074 = arith.andi %ne3A_1070, %ne3A_1073 : i1
    %sub3A_1075 = arith.constant 1 : i32
    %sub3A_1076 = arith.subi %div3A_1055, %sub3A_1075 : i32
    %select_n3A_1077 = arith.select %and3A_1074, %sub3A_1076, %div3A_1055 : i32
    %sub3A_1078 = arith.subi %select_n3A_1077, %select_n3A : i32
    %mul3A_1079 = arith.constant 32 : i32
    %mul3A_1080 = arith.muli %sub3A_1078, %mul3A_1079 : i32
    %add3A_1081 = arith.constant 736 : i32
    %add3A_1082 = arith.addi %mul3A_2, %add3A_1081 : i32
    %dma_start3A_1083 = arith.constant 0 : i32
    %dma_start3A_1084 = tpu.memref_slice %arg9[%mul3A_1080, %dma_start3A_1083] : memref<64x128xf32, #tpu.memory_space<vmem>> -> memref<32x128xf32, #tpu.memory_space<vmem>>
    %dma_start3A_1085 = arith.constant 0 : i32
    %dma_start3A_1086 = tpu.memref_slice %arg6[%add3A_1082, %dma_start3A_1085] : memref<315392x128xf32, #tpu.memory_space<hbm>> -> memref<32x128xf32, #tpu.memory_space<hbm>>
    %dma_start3A_1087 = arith.constant 0 : i32
    %dma_start3A_1088 = tpu.memref_slice %arg6[%add3A_1082, %dma_start3A_1087] : memref<315392x128xf32, #tpu.memory_space<hbm>> -> memref<32x128xf32, #tpu.memory_space<hbm>>
    %dma_start3A_1089 = arith.constant 0 : i32
    %dma_start3A_1090 = tpu.memref_slice %arg9[%mul3A_1080, %dma_start3A_1089] : memref<64x128xf32, #tpu.memory_space<vmem>> -> memref<32x128xf32, #tpu.memory_space<vmem>>
    tpu.enqueue_dma source(%dma_start3A_1090 : memref<32x128xf32, #tpu.memory_space<vmem>>) target(%dma_start3A_1088 : memref<32x128xf32, #tpu.memory_space<hbm>>) target_semaphore(%arg14 : memref<!tpu.dma_semaphore, #tpu.memory_space<semaphore_mem>>)
    %dma_wait3A_1091 = arith.constant 0 : i32
    %dma_wait3A_1092 = tpu.memref_slice %arg9[%mul3A_704, %dma_wait3A_1091] : memref<64x128xf32, #tpu.memory_space<vmem>> -> memref<32x128xf32, #tpu.memory_space<vmem>>
    %dma_wait3A_1093 = arith.constant 0 : i32
    %dma_wait3A_1094 = tpu.memref_slice %arg6[%add3A_706, %dma_wait3A_1093] : memref<315392x128xf32, #tpu.memory_space<hbm>> -> memref<32x128xf32, #tpu.memory_space<hbm>>
    %dma_wait3A_1095 = arith.constant 0 : i32
    %dma_wait3A_1096 = tpu.memref_slice %arg6[%add3A_706, %dma_wait3A_1095] : memref<315392x128xf32, #tpu.memory_space<hbm>> -> memref<32x128xf32, #tpu.memory_space<hbm>>
    %dma_wait3A_1097 = arith.constant 0 : i32
    %dma_wait3A_1098 = tpu.memref_slice %arg9[%mul3A_704, %dma_wait3A_1097] : memref<64x128xf32, #tpu.memory_space<vmem>> -> memref<32x128xf32, #tpu.memory_space<vmem>>
    tpu.wait_dma2 semaphore(%arg14 : memref<!tpu.dma_semaphore, #tpu.memory_space<semaphore_mem>>) src(%dma_wait3A_1098 : memref<32x128xf32, #tpu.memory_space<vmem>>) dst(%dma_wait3A_1096 : memref<32x128xf32, #tpu.memory_space<hbm>>)
    %add3A_1099 = arith.constant 768 : i32
    %add3A_1100 = arith.addi %mul3A_2, %add3A_1099 : i32
    %jit3A_1101 = arith.constant 4096 : i32
    %div3A_1102 = arith.divsi %add3A_1100, %jit3A_1101 : i32
    %sign3A_1103 = arith.constant 0 : i32
    %sign3A_1104 = arith.cmpi sgt, %add3A_1100, %sign3A_1103 : i32
    %sign3A_1105 = arith.extui %sign3A_1104 : i1 to i32
    %sign3A_1106 = arith.constant 0 : i32
    %sign3A_1107 = arith.cmpi slt, %add3A_1100, %sign3A_1106 : i32
    %sign3A_1108 = arith.extui %sign3A_1107 : i1 to i32
    %sign3A_1109 = arith.subi %sign3A_1105, %sign3A_1108 : i32
    %sign3A_1110 = arith.constant 0 : i32
    %sign3A_1111 = arith.cmpi sgt, %jit3A_1101, %sign3A_1110 : i32
    %sign3A_1112 = arith.extui %sign3A_1111 : i1 to i32
    %sign3A_1113 = arith.constant 0 : i32
    %sign3A_1114 = arith.cmpi slt, %jit3A_1101, %sign3A_1113 : i32
    %sign3A_1115 = arith.extui %sign3A_1114 : i1 to i32
    %sign3A_1116 = arith.subi %sign3A_1112, %sign3A_1115 : i32
    %ne3A_1117 = arith.cmpi ne, %sign3A_1109, %sign3A_1116 : i32
    %rem3A_1118 = arith.remsi %add3A_1100, %jit3A_1101 : i32
    %ne3A_1119 = arith.constant 0 : i32
    %ne3A_1120 = arith.cmpi ne, %rem3A_1118, %ne3A_1119 : i32
    %and3A_1121 = arith.andi %ne3A_1117, %ne3A_1120 : i1
    %sub3A_1122 = arith.constant 1 : i32
    %sub3A_1123 = arith.subi %div3A_1102, %sub3A_1122 : i32
    %select_n3A_1124 = arith.select %and3A_1121, %sub3A_1123, %div3A_1102 : i32
    %sub3A_1125 = arith.subi %select_n3A_1124, %select_n3A : i32
    %mul3A_1126 = arith.constant 32 : i32
    %mul3A_1127 = arith.muli %sub3A_1125, %mul3A_1126 : i32
    %add3A_1128 = arith.constant 768 : i32
    %add3A_1129 = arith.addi %mul3A_2, %add3A_1128 : i32
    %dma_start3A_1130 = arith.constant 0 : i32
    %dma_start3A_1131 = tpu.memref_slice %arg9[%mul3A_1127, %dma_start3A_1130] : memref<64x128xf32, #tpu.memory_space<vmem>> -> memref<32x128xf32, #tpu.memory_space<vmem>>
    %dma_start3A_1132 = arith.constant 0 : i32
    %dma_start3A_1133 = tpu.memref_slice %arg6[%add3A_1129, %dma_start3A_1132] : memref<315392x128xf32, #tpu.memory_space<hbm>> -> memref<32x128xf32, #tpu.memory_space<hbm>>
    %dma_start3A_1134 = arith.constant 0 : i32
    %dma_start3A_1135 = tpu.memref_slice %arg6[%add3A_1129, %dma_start3A_1134] : memref<315392x128xf32, #tpu.memory_space<hbm>> -> memref<32x128xf32, #tpu.memory_space<hbm>>
    %dma_start3A_1136 = arith.constant 0 : i32
    %dma_start3A_1137 = tpu.memref_slice %arg9[%mul3A_1127, %dma_start3A_1136] : memref<64x128xf32, #tpu.memory_space<vmem>> -> memref<32x128xf32, #tpu.memory_space<vmem>>
    tpu.enqueue_dma source(%dma_start3A_1137 : memref<32x128xf32, #tpu.memory_space<vmem>>) target(%dma_start3A_1135 : memref<32x128xf32, #tpu.memory_space<hbm>>) target_semaphore(%arg14 : memref<!tpu.dma_semaphore, #tpu.memory_space<semaphore_mem>>)
    %dma_wait3A_1138 = arith.constant 0 : i32
    %dma_wait3A_1139 = tpu.memref_slice %arg9[%mul3A_751, %dma_wait3A_1138] : memref<64x128xf32, #tpu.memory_space<vmem>> -> memref<32x128xf32, #tpu.memory_space<vmem>>
    %dma_wait3A_1140 = arith.constant 0 : i32
    %dma_wait3A_1141 = tpu.memref_slice %arg6[%add3A_753, %dma_wait3A_1140] : memref<315392x128xf32, #tpu.memory_space<hbm>> -> memref<32x128xf32, #tpu.memory_space<hbm>>
    %dma_wait3A_1142 = arith.constant 0 : i32
    %dma_wait3A_1143 = tpu.memref_slice %arg6[%add3A_753, %dma_wait3A_1142] : memref<315392x128xf32, #tpu.memory_space<hbm>> -> memref<32x128xf32, #tpu.memory_space<hbm>>
    %dma_wait3A_1144 = arith.constant 0 : i32
    %dma_wait3A_1145 = tpu.memref_slice %arg9[%mul3A_751, %dma_wait3A_1144] : memref<64x128xf32, #tpu.memory_space<vmem>> -> memref<32x128xf32, #tpu.memory_space<vmem>>
    tpu.wait_dma2 semaphore(%arg14 : memref<!tpu.dma_semaphore, #tpu.memory_space<semaphore_mem>>) src(%dma_wait3A_1145 : memref<32x128xf32, #tpu.memory_space<vmem>>) dst(%dma_wait3A_1143 : memref<32x128xf32, #tpu.memory_space<hbm>>)
    %add3A_1146 = arith.constant 800 : i32
    %add3A_1147 = arith.addi %mul3A_2, %add3A_1146 : i32
    %jit3A_1148 = arith.constant 4096 : i32
    %div3A_1149 = arith.divsi %add3A_1147, %jit3A_1148 : i32
    %sign3A_1150 = arith.constant 0 : i32
    %sign3A_1151 = arith.cmpi sgt, %add3A_1147, %sign3A_1150 : i32
    %sign3A_1152 = arith.extui %sign3A_1151 : i1 to i32
    %sign3A_1153 = arith.constant 0 : i32
    %sign3A_1154 = arith.cmpi slt, %add3A_1147, %sign3A_1153 : i32
    %sign3A_1155 = arith.extui %sign3A_1154 : i1 to i32
    %sign3A_1156 = arith.subi %sign3A_1152, %sign3A_1155 : i32
    %sign3A_1157 = arith.constant 0 : i32
    %sign3A_1158 = arith.cmpi sgt, %jit3A_1148, %sign3A_1157 : i32
    %sign3A_1159 = arith.extui %sign3A_1158 : i1 to i32
    %sign3A_1160 = arith.constant 0 : i32
    %sign3A_1161 = arith.cmpi slt, %jit3A_1148, %sign3A_1160 : i32
    %sign3A_1162 = arith.extui %sign3A_1161 : i1 to i32
    %sign3A_1163 = arith.subi %sign3A_1159, %sign3A_1162 : i32
    %ne3A_1164 = arith.cmpi ne, %sign3A_1156, %sign3A_1163 : i32
    %rem3A_1165 = arith.remsi %add3A_1147, %jit3A_1148 : i32
    %ne3A_1166 = arith.constant 0 : i32
    %ne3A_1167 = arith.cmpi ne, %rem3A_1165, %ne3A_1166 : i32
    %and3A_1168 = arith.andi %ne3A_1164, %ne3A_1167 : i1
    %sub3A_1169 = arith.constant 1 : i32
    %sub3A_1170 = arith.subi %div3A_1149, %sub3A_1169 : i32
    %select_n3A_1171 = arith.select %and3A_1168, %sub3A_1170, %div3A_1149 : i32
    %sub3A_1172 = arith.subi %select_n3A_1171, %select_n3A : i32
    %mul3A_1173 = arith.constant 32 : i32
    %mul3A_1174 = arith.muli %sub3A_1172, %mul3A_1173 : i32
    %add3A_1175 = arith.constant 800 : i32
    %add3A_1176 = arith.addi %mul3A_2, %add3A_1175 : i32
    %dma_start3A_1177 = arith.constant 0 : i32
    %dma_start3A_1178 = tpu.memref_slice %arg9[%mul3A_1174, %dma_start3A_1177] : memref<64x128xf32, #tpu.memory_space<vmem>> -> memref<32x128xf32, #tpu.memory_space<vmem>>
    %dma_start3A_1179 = arith.constant 0 : i32
    %dma_start3A_1180 = tpu.memref_slice %arg6[%add3A_1176, %dma_start3A_1179] : memref<315392x128xf32, #tpu.memory_space<hbm>> -> memref<32x128xf32, #tpu.memory_space<hbm>>
    %dma_start3A_1181 = arith.constant 0 : i32
    %dma_start3A_1182 = tpu.memref_slice %arg6[%add3A_1176, %dma_start3A_1181] : memref<315392x128xf32, #tpu.memory_space<hbm>> -> memref<32x128xf32, #tpu.memory_space<hbm>>
    %dma_start3A_1183 = arith.constant 0 : i32
    %dma_start3A_1184 = tpu.memref_slice %arg9[%mul3A_1174, %dma_start3A_1183] : memref<64x128xf32, #tpu.memory_space<vmem>> -> memref<32x128xf32, #tpu.memory_space<vmem>>
    tpu.enqueue_dma source(%dma_start3A_1184 : memref<32x128xf32, #tpu.memory_space<vmem>>) target(%dma_start3A_1182 : memref<32x128xf32, #tpu.memory_space<hbm>>) target_semaphore(%arg14 : memref<!tpu.dma_semaphore, #tpu.memory_space<semaphore_mem>>)
    %dma_wait3A_1185 = arith.constant 0 : i32
    %dma_wait3A_1186 = tpu.memref_slice %arg9[%mul3A_798, %dma_wait3A_1185] : memref<64x128xf32, #tpu.memory_space<vmem>> -> memref<32x128xf32, #tpu.memory_space<vmem>>
    %dma_wait3A_1187 = arith.constant 0 : i32
    %dma_wait3A_1188 = tpu.memref_slice %arg6[%add3A_800, %dma_wait3A_1187] : memref<315392x128xf32, #tpu.memory_space<hbm>> -> memref<32x128xf32, #tpu.memory_space<hbm>>
    %dma_wait3A_1189 = arith.constant 0 : i32
    %dma_wait3A_1190 = tpu.memref_slice %arg6[%add3A_800, %dma_wait3A_1189] : memref<315392x128xf32, #tpu.memory_space<hbm>> -> memref<32x128xf32, #tpu.memory_space<hbm>>
    %dma_wait3A_1191 = arith.constant 0 : i32
    %dma_wait3A_1192 = tpu.memref_slice %arg9[%mul3A_798, %dma_wait3A_1191] : memref<64x128xf32, #tpu.memory_space<vmem>> -> memref<32x128xf32, #tpu.memory_space<vmem>>
    tpu.wait_dma2 semaphore(%arg14 : memref<!tpu.dma_semaphore, #tpu.memory_space<semaphore_mem>>) src(%dma_wait3A_1192 : memref<32x128xf32, #tpu.memory_space<vmem>>) dst(%dma_wait3A_1190 : memref<32x128xf32, #tpu.memory_space<hbm>>)
    %add3A_1193 = arith.constant 832 : i32
    %add3A_1194 = arith.addi %mul3A_2, %add3A_1193 : i32
    %jit3A_1195 = arith.constant 4096 : i32
    %div3A_1196 = arith.divsi %add3A_1194, %jit3A_1195 : i32
    %sign3A_1197 = arith.constant 0 : i32
    %sign3A_1198 = arith.cmpi sgt, %add3A_1194, %sign3A_1197 : i32
    %sign3A_1199 = arith.extui %sign3A_1198 : i1 to i32
    %sign3A_1200 = arith.constant 0 : i32
    %sign3A_1201 = arith.cmpi slt, %add3A_1194, %sign3A_1200 : i32
    %sign3A_1202 = arith.extui %sign3A_1201 : i1 to i32
    %sign3A_1203 = arith.subi %sign3A_1199, %sign3A_1202 : i32
    %sign3A_1204 = arith.constant 0 : i32
    %sign3A_1205 = arith.cmpi sgt, %jit3A_1195, %sign3A_1204 : i32
    %sign3A_1206 = arith.extui %sign3A_1205 : i1 to i32
    %sign3A_1207 = arith.constant 0 : i32
    %sign3A_1208 = arith.cmpi slt, %jit3A_1195, %sign3A_1207 : i32
    %sign3A_1209 = arith.extui %sign3A_1208 : i1 to i32
    %sign3A_1210 = arith.subi %sign3A_1206, %sign3A_1209 : i32
    %ne3A_1211 = arith.cmpi ne, %sign3A_1203, %sign3A_1210 : i32
    %rem3A_1212 = arith.remsi %add3A_1194, %jit3A_1195 : i32
    %ne3A_1213 = arith.constant 0 : i32
    %ne3A_1214 = arith.cmpi ne, %rem3A_1212, %ne3A_1213 : i32
    %and3A_1215 = arith.andi %ne3A_1211, %ne3A_1214 : i1
    %sub3A_1216 = arith.constant 1 : i32
    %sub3A_1217 = arith.subi %div3A_1196, %sub3A_1216 : i32
    %select_n3A_1218 = arith.select %and3A_1215, %sub3A_1217, %div3A_1196 : i32
    %sub3A_1219 = arith.subi %select_n3A_1218, %select_n3A : i32
    %mul3A_1220 = arith.constant 32 : i32
    %mul3A_1221 = arith.muli %sub3A_1219, %mul3A_1220 : i32
    %add3A_1222 = arith.constant 832 : i32
    %add3A_1223 = arith.addi %mul3A_2, %add3A_1222 : i32
    %dma_start3A_1224 = arith.constant 0 : i32
    %dma_start3A_1225 = tpu.memref_slice %arg9[%mul3A_1221, %dma_start3A_1224] : memref<64x128xf32, #tpu.memory_space<vmem>> -> memref<32x128xf32, #tpu.memory_space<vmem>>
    %dma_start3A_1226 = arith.constant 0 : i32
    %dma_start3A_1227 = tpu.memref_slice %arg6[%add3A_1223, %dma_start3A_1226] : memref<315392x128xf32, #tpu.memory_space<hbm>> -> memref<32x128xf32, #tpu.memory_space<hbm>>
    %dma_start3A_1228 = arith.constant 0 : i32
    %dma_start3A_1229 = tpu.memref_slice %arg6[%add3A_1223, %dma_start3A_1228] : memref<315392x128xf32, #tpu.memory_space<hbm>> -> memref<32x128xf32, #tpu.memory_space<hbm>>
    %dma_start3A_1230 = arith.constant 0 : i32
    %dma_start3A_1231 = tpu.memref_slice %arg9[%mul3A_1221, %dma_start3A_1230] : memref<64x128xf32, #tpu.memory_space<vmem>> -> memref<32x128xf32, #tpu.memory_space<vmem>>
    tpu.enqueue_dma source(%dma_start3A_1231 : memref<32x128xf32, #tpu.memory_space<vmem>>) target(%dma_start3A_1229 : memref<32x128xf32, #tpu.memory_space<hbm>>) target_semaphore(%arg14 : memref<!tpu.dma_semaphore, #tpu.memory_space<semaphore_mem>>)
    %dma_wait3A_1232 = arith.constant 0 : i32
    %dma_wait3A_1233 = tpu.memref_slice %arg9[%mul3A_845, %dma_wait3A_1232] : memref<64x128xf32, #tpu.memory_space<vmem>> -> memref<32x128xf32, #tpu.memory_space<vmem>>
    %dma_wait3A_1234 = arith.constant 0 : i32
    %dma_wait3A_1235 = tpu.memref_slice %arg6[%add3A_847, %dma_wait3A_1234] : memref<315392x128xf32, #tpu.memory_space<hbm>> -> memref<32x128xf32, #tpu.memory_space<hbm>>
    %dma_wait3A_1236 = arith.constant 0 : i32
    %dma_wait3A_1237 = tpu.memref_slice %arg6[%add3A_847, %dma_wait3A_1236] : memref<315392x128xf32, #tpu.memory_space<hbm>> -> memref<32x128xf32, #tpu.memory_space<hbm>>
    %dma_wait3A_1238 = arith.constant 0 : i32
    %dma_wait3A_1239 = tpu.memref_slice %arg9[%mul3A_845, %dma_wait3A_1238] : memref<64x128xf32, #tpu.memory_space<vmem>> -> memref<32x128xf32, #tpu.memory_space<vmem>>
    tpu.wait_dma2 semaphore(%arg14 : memref<!tpu.dma_semaphore, #tpu.memory_space<semaphore_mem>>) src(%dma_wait3A_1239 : memref<32x128xf32, #tpu.memory_space<vmem>>) dst(%dma_wait3A_1237 : memref<32x128xf32, #tpu.memory_space<hbm>>)
    %add3A_1240 = arith.constant 864 : i32
    %add3A_1241 = arith.addi %mul3A_2, %add3A_1240 : i32
    %jit3A_1242 = arith.constant 4096 : i32
    %div3A_1243 = arith.divsi %add3A_1241, %jit3A_1242 : i32
    %sign3A_1244 = arith.constant 0 : i32
    %sign3A_1245 = arith.cmpi sgt, %add3A_1241, %sign3A_1244 : i32
    %sign3A_1246 = arith.extui %sign3A_1245 : i1 to i32
    %sign3A_1247 = arith.constant 0 : i32
    %sign3A_1248 = arith.cmpi slt, %add3A_1241, %sign3A_1247 : i32
    %sign3A_1249 = arith.extui %sign3A_1248 : i1 to i32
    %sign3A_1250 = arith.subi %sign3A_1246, %sign3A_1249 : i32
    %sign3A_1251 = arith.constant 0 : i32
    %sign3A_1252 = arith.cmpi sgt, %jit3A_1242, %sign3A_1251 : i32
    %sign3A_1253 = arith.extui %sign3A_1252 : i1 to i32
    %sign3A_1254 = arith.constant 0 : i32
    %sign3A_1255 = arith.cmpi slt, %jit3A_1242, %sign3A_1254 : i32
    %sign3A_1256 = arith.extui %sign3A_1255 : i1 to i32
    %sign3A_1257 = arith.subi %sign3A_1253, %sign3A_1256 : i32
    %ne3A_1258 = arith.cmpi ne, %sign3A_1250, %sign3A_1257 : i32
    %rem3A_1259 = arith.remsi %add3A_1241, %jit3A_1242 : i32
    %ne3A_1260 = arith.constant 0 : i32
    %ne3A_1261 = arith.cmpi ne, %rem3A_1259, %ne3A_1260 : i32
    %and3A_1262 = arith.andi %ne3A_1258, %ne3A_1261 : i1
    %sub3A_1263 = arith.constant 1 : i32
    %sub3A_1264 = arith.subi %div3A_1243, %sub3A_1263 : i32
    %select_n3A_1265 = arith.select %and3A_1262, %sub3A_1264, %div3A_1243 : i32
    %sub3A_1266 = arith.subi %select_n3A_1265, %select_n3A : i32
    %mul3A_1267 = arith.constant 32 : i32
    %mul3A_1268 = arith.muli %sub3A_1266, %mul3A_1267 : i32
    %add3A_1269 = arith.constant 864 : i32
    %add3A_1270 = arith.addi %mul3A_2, %add3A_1269 : i32
    %dma_start3A_1271 = arith.constant 0 : i32
    %dma_start3A_1272 = tpu.memref_slice %arg9[%mul3A_1268, %dma_start3A_1271] : memref<64x128xf32, #tpu.memory_space<vmem>> -> memref<32x128xf32, #tpu.memory_space<vmem>>
    %dma_start3A_1273 = arith.constant 0 : i32
    %dma_start3A_1274 = tpu.memref_slice %arg6[%add3A_1270, %dma_start3A_1273] : memref<315392x128xf32, #tpu.memory_space<hbm>> -> memref<32x128xf32, #tpu.memory_space<hbm>>
    %dma_start3A_1275 = arith.constant 0 : i32
    %dma_start3A_1276 = tpu.memref_slice %arg6[%add3A_1270, %dma_start3A_1275] : memref<315392x128xf32, #tpu.memory_space<hbm>> -> memref<32x128xf32, #tpu.memory_space<hbm>>
    %dma_start3A_1277 = arith.constant 0 : i32
    %dma_start3A_1278 = tpu.memref_slice %arg9[%mul3A_1268, %dma_start3A_1277] : memref<64x128xf32, #tpu.memory_space<vmem>> -> memref<32x128xf32, #tpu.memory_space<vmem>>
    tpu.enqueue_dma source(%dma_start3A_1278 : memref<32x128xf32, #tpu.memory_space<vmem>>) target(%dma_start3A_1276 : memref<32x128xf32, #tpu.memory_space<hbm>>) target_semaphore(%arg14 : memref<!tpu.dma_semaphore, #tpu.memory_space<semaphore_mem>>)
    %dma_wait3A_1279 = arith.constant 0 : i32
    %dma_wait3A_1280 = tpu.memref_slice %arg9[%mul3A_892, %dma_wait3A_1279] : memref<64x128xf32, #tpu.memory_space<vmem>> -> memref<32x128xf32, #tpu.memory_space<vmem>>
    %dma_wait3A_1281 = arith.constant 0 : i32
    %dma_wait3A_1282 = tpu.memref_slice %arg6[%add3A_894, %dma_wait3A_1281] : memref<315392x128xf32, #tpu.memory_space<hbm>> -> memref<32x128xf32, #tpu.memory_space<hbm>>
    %dma_wait3A_1283 = arith.constant 0 : i32
    %dma_wait3A_1284 = tpu.memref_slice %arg6[%add3A_894, %dma_wait3A_1283] : memref<315392x128xf32, #tpu.memory_space<hbm>> -> memref<32x128xf32, #tpu.memory_space<hbm>>
    %dma_wait3A_1285 = arith.constant 0 : i32
    %dma_wait3A_1286 = tpu.memref_slice %arg9[%mul3A_892, %dma_wait3A_1285] : memref<64x128xf32, #tpu.memory_space<vmem>> -> memref<32x128xf32, #tpu.memory_space<vmem>>
    tpu.wait_dma2 semaphore(%arg14 : memref<!tpu.dma_semaphore, #tpu.memory_space<semaphore_mem>>) src(%dma_wait3A_1286 : memref<32x128xf32, #tpu.memory_space<vmem>>) dst(%dma_wait3A_1284 : memref<32x128xf32, #tpu.memory_space<hbm>>)
    %add3A_1287 = arith.constant 896 : i32
    %add3A_1288 = arith.addi %mul3A_2, %add3A_1287 : i32
    %jit3A_1289 = arith.constant 4096 : i32
    %div3A_1290 = arith.divsi %add3A_1288, %jit3A_1289 : i32
    %sign3A_1291 = arith.constant 0 : i32
    %sign3A_1292 = arith.cmpi sgt, %add3A_1288, %sign3A_1291 : i32
    %sign3A_1293 = arith.extui %sign3A_1292 : i1 to i32
    %sign3A_1294 = arith.constant 0 : i32
    %sign3A_1295 = arith.cmpi slt, %add3A_1288, %sign3A_1294 : i32
    %sign3A_1296 = arith.extui %sign3A_1295 : i1 to i32
    %sign3A_1297 = arith.subi %sign3A_1293, %sign3A_1296 : i32
    %sign3A_1298 = arith.constant 0 : i32
    %sign3A_1299 = arith.cmpi sgt, %jit3A_1289, %sign3A_1298 : i32
    %sign3A_1300 = arith.extui %sign3A_1299 : i1 to i32
    %sign3A_1301 = arith.constant 0 : i32
    %sign3A_1302 = arith.cmpi slt, %jit3A_1289, %sign3A_1301 : i32
    %sign3A_1303 = arith.extui %sign3A_1302 : i1 to i32
    %sign3A_1304 = arith.subi %sign3A_1300, %sign3A_1303 : i32
    %ne3A_1305 = arith.cmpi ne, %sign3A_1297, %sign3A_1304 : i32
    %rem3A_1306 = arith.remsi %add3A_1288, %jit3A_1289 : i32
    %ne3A_1307 = arith.constant 0 : i32
    %ne3A_1308 = arith.cmpi ne, %rem3A_1306, %ne3A_1307 : i32
    %and3A_1309 = arith.andi %ne3A_1305, %ne3A_1308 : i1
    %sub3A_1310 = arith.constant 1 : i32
    %sub3A_1311 = arith.subi %div3A_1290, %sub3A_1310 : i32
    %select_n3A_1312 = arith.select %and3A_1309, %sub3A_1311, %div3A_1290 : i32
    %sub3A_1313 = arith.subi %select_n3A_1312, %select_n3A : i32
    %mul3A_1314 = arith.constant 32 : i32
    %mul3A_1315 = arith.muli %sub3A_1313, %mul3A_1314 : i32
    %add3A_1316 = arith.constant 896 : i32
    %add3A_1317 = arith.addi %mul3A_2, %add3A_1316 : i32
    %dma_start3A_1318 = arith.constant 0 : i32
    %dma_start3A_1319 = tpu.memref_slice %arg9[%mul3A_1315, %dma_start3A_1318] : memref<64x128xf32, #tpu.memory_space<vmem>> -> memref<32x128xf32, #tpu.memory_space<vmem>>
    %dma_start3A_1320 = arith.constant 0 : i32
    %dma_start3A_1321 = tpu.memref_slice %arg6[%add3A_1317, %dma_start3A_1320] : memref<315392x128xf32, #tpu.memory_space<hbm>> -> memref<32x128xf32, #tpu.memory_space<hbm>>
    %dma_start3A_1322 = arith.constant 0 : i32
    %dma_start3A_1323 = tpu.memref_slice %arg6[%add3A_1317, %dma_start3A_1322] : memref<315392x128xf32, #tpu.memory_space<hbm>> -> memref<32x128xf32, #tpu.memory_space<hbm>>
    %dma_start3A_1324 = arith.constant 0 : i32
    %dma_start3A_1325 = tpu.memref_slice %arg9[%mul3A_1315, %dma_start3A_1324] : memref<64x128xf32, #tpu.memory_space<vmem>> -> memref<32x128xf32, #tpu.memory_space<vmem>>
    tpu.enqueue_dma source(%dma_start3A_1325 : memref<32x128xf32, #tpu.memory_space<vmem>>) target(%dma_start3A_1323 : memref<32x128xf32, #tpu.memory_space<hbm>>) target_semaphore(%arg14 : memref<!tpu.dma_semaphore, #tpu.memory_space<semaphore_mem>>)
    %dma_wait3A_1326 = arith.constant 0 : i32
    %dma_wait3A_1327 = tpu.memref_slice %arg9[%mul3A_939, %dma_wait3A_1326] : memref<64x128xf32, #tpu.memory_space<vmem>> -> memref<32x128xf32, #tpu.memory_space<vmem>>
    %dma_wait3A_1328 = arith.constant 0 : i32
    %dma_wait3A_1329 = tpu.memref_slice %arg6[%add3A_941, %dma_wait3A_1328] : memref<315392x128xf32, #tpu.memory_space<hbm>> -> memref<32x128xf32, #tpu.memory_space<hbm>>
    %dma_wait3A_1330 = arith.constant 0 : i32
    %dma_wait3A_1331 = tpu.memref_slice %arg6[%add3A_941, %dma_wait3A_1330] : memref<315392x128xf32, #tpu.memory_space<hbm>> -> memref<32x128xf32, #tpu.memory_space<hbm>>
    %dma_wait3A_1332 = arith.constant 0 : i32
    %dma_wait3A_1333 = tpu.memref_slice %arg9[%mul3A_939, %dma_wait3A_1332] : memref<64x128xf32, #tpu.memory_space<vmem>> -> memref<32x128xf32, #tpu.memory_space<vmem>>
    tpu.wait_dma2 semaphore(%arg14 : memref<!tpu.dma_semaphore, #tpu.memory_space<semaphore_mem>>) src(%dma_wait3A_1333 : memref<32x128xf32, #tpu.memory_space<vmem>>) dst(%dma_wait3A_1331 : memref<32x128xf32, #tpu.memory_space<hbm>>)
    %add3A_1334 = arith.constant 928 : i32
    %add3A_1335 = arith.addi %mul3A_2, %add3A_1334 : i32
    %jit3A_1336 = arith.constant 4096 : i32
    %div3A_1337 = arith.divsi %add3A_1335, %jit3A_1336 : i32
    %sign3A_1338 = arith.constant 0 : i32
    %sign3A_1339 = arith.cmpi sgt, %add3A_1335, %sign3A_1338 : i32
    %sign3A_1340 = arith.extui %sign3A_1339 : i1 to i32
    %sign3A_1341 = arith.constant 0 : i32
    %sign3A_1342 = arith.cmpi slt, %add3A_1335, %sign3A_1341 : i32
    %sign3A_1343 = arith.extui %sign3A_1342 : i1 to i32
    %sign3A_1344 = arith.subi %sign3A_1340, %sign3A_1343 : i32
    %sign3A_1345 = arith.constant 0 : i32
    %sign3A_1346 = arith.cmpi sgt, %jit3A_1336, %sign3A_1345 : i32
    %sign3A_1347 = arith.extui %sign3A_1346 : i1 to i32
    %sign3A_1348 = arith.constant 0 : i32
    %sign3A_1349 = arith.cmpi slt, %jit3A_1336, %sign3A_1348 : i32
    %sign3A_1350 = arith.extui %sign3A_1349 : i1 to i32
    %sign3A_1351 = arith.subi %sign3A_1347, %sign3A_1350 : i32
    %ne3A_1352 = arith.cmpi ne, %sign3A_1344, %sign3A_1351 : i32
    %rem3A_1353 = arith.remsi %add3A_1335, %jit3A_1336 : i32
    %ne3A_1354 = arith.constant 0 : i32
    %ne3A_1355 = arith.cmpi ne, %rem3A_1353, %ne3A_1354 : i32
    %and3A_1356 = arith.andi %ne3A_1352, %ne3A_1355 : i1
    %sub3A_1357 = arith.constant 1 : i32
    %sub3A_1358 = arith.subi %div3A_1337, %sub3A_1357 : i32
    %select_n3A_1359 = arith.select %and3A_1356, %sub3A_1358, %div3A_1337 : i32
    %sub3A_1360 = arith.subi %select_n3A_1359, %select_n3A : i32
    %mul3A_1361 = arith.constant 32 : i32
    %mul3A_1362 = arith.muli %sub3A_1360, %mul3A_1361 : i32
    %add3A_1363 = arith.constant 928 : i32
    %add3A_1364 = arith.addi %mul3A_2, %add3A_1363 : i32
    %dma_start3A_1365 = arith.constant 0 : i32
    %dma_start3A_1366 = tpu.memref_slice %arg9[%mul3A_1362, %dma_start3A_1365] : memref<64x128xf32, #tpu.memory_space<vmem>> -> memref<32x128xf32, #tpu.memory_space<vmem>>
    %dma_start3A_1367 = arith.constant 0 : i32
    %dma_start3A_1368 = tpu.memref_slice %arg6[%add3A_1364, %dma_start3A_1367] : memref<315392x128xf32, #tpu.memory_space<hbm>> -> memref<32x128xf32, #tpu.memory_space<hbm>>
    %dma_start3A_1369 = arith.constant 0 : i32
    %dma_start3A_1370 = tpu.memref_slice %arg6[%add3A_1364, %dma_start3A_1369] : memref<315392x128xf32, #tpu.memory_space<hbm>> -> memref<32x128xf32, #tpu.memory_space<hbm>>
    %dma_start3A_1371 = arith.constant 0 : i32
    %dma_start3A_1372 = tpu.memref_slice %arg9[%mul3A_1362, %dma_start3A_1371] : memref<64x128xf32, #tpu.memory_space<vmem>> -> memref<32x128xf32, #tpu.memory_space<vmem>>
    tpu.enqueue_dma source(%dma_start3A_1372 : memref<32x128xf32, #tpu.memory_space<vmem>>) target(%dma_start3A_1370 : memref<32x128xf32, #tpu.memory_space<hbm>>) target_semaphore(%arg14 : memref<!tpu.dma_semaphore, #tpu.memory_space<semaphore_mem>>)
    %dma_wait3A_1373 = arith.constant 0 : i32
    %dma_wait3A_1374 = tpu.memref_slice %arg9[%mul3A_986, %dma_wait3A_1373] : memref<64x128xf32, #tpu.memory_space<vmem>> -> memref<32x128xf32, #tpu.memory_space<vmem>>
    %dma_wait3A_1375 = arith.constant 0 : i32
    %dma_wait3A_1376 = tpu.memref_slice %arg6[%add3A_988, %dma_wait3A_1375] : memref<315392x128xf32, #tpu.memory_space<hbm>> -> memref<32x128xf32, #tpu.memory_space<hbm>>
    %dma_wait3A_1377 = arith.constant 0 : i32
    %dma_wait3A_1378 = tpu.memref_slice %arg6[%add3A_988, %dma_wait3A_1377] : memref<315392x128xf32, #tpu.memory_space<hbm>> -> memref<32x128xf32, #tpu.memory_space<hbm>>
    %dma_wait3A_1379 = arith.constant 0 : i32
    %dma_wait3A_1380 = tpu.memref_slice %arg9[%mul3A_986, %dma_wait3A_1379] : memref<64x128xf32, #tpu.memory_space<vmem>> -> memref<32x128xf32, #tpu.memory_space<vmem>>
    tpu.wait_dma2 semaphore(%arg14 : memref<!tpu.dma_semaphore, #tpu.memory_space<semaphore_mem>>) src(%dma_wait3A_1380 : memref<32x128xf32, #tpu.memory_space<vmem>>) dst(%dma_wait3A_1378 : memref<32x128xf32, #tpu.memory_space<hbm>>)
    %add3A_1381 = arith.constant 960 : i32
    %add3A_1382 = arith.addi %mul3A_2, %add3A_1381 : i32
    %jit3A_1383 = arith.constant 4096 : i32
    %div3A_1384 = arith.divsi %add3A_1382, %jit3A_1383 : i32
    %sign3A_1385 = arith.constant 0 : i32
    %sign3A_1386 = arith.cmpi sgt, %add3A_1382, %sign3A_1385 : i32
    %sign3A_1387 = arith.extui %sign3A_1386 : i1 to i32
    %sign3A_1388 = arith.constant 0 : i32
    %sign3A_1389 = arith.cmpi slt, %add3A_1382, %sign3A_1388 : i32
    %sign3A_1390 = arith.extui %sign3A_1389 : i1 to i32
    %sign3A_1391 = arith.subi %sign3A_1387, %sign3A_1390 : i32
    %sign3A_1392 = arith.constant 0 : i32
    %sign3A_1393 = arith.cmpi sgt, %jit3A_1383, %sign3A_1392 : i32
    %sign3A_1394 = arith.extui %sign3A_1393 : i1 to i32
    %sign3A_1395 = arith.constant 0 : i32
    %sign3A_1396 = arith.cmpi slt, %jit3A_1383, %sign3A_1395 : i32
    %sign3A_1397 = arith.extui %sign3A_1396 : i1 to i32
    %sign3A_1398 = arith.subi %sign3A_1394, %sign3A_1397 : i32
    %ne3A_1399 = arith.cmpi ne, %sign3A_1391, %sign3A_1398 : i32
    %rem3A_1400 = arith.remsi %add3A_1382, %jit3A_1383 : i32
    %ne3A_1401 = arith.constant 0 : i32
    %ne3A_1402 = arith.cmpi ne, %rem3A_1400, %ne3A_1401 : i32
    %and3A_1403 = arith.andi %ne3A_1399, %ne3A_1402 : i1
    %sub3A_1404 = arith.constant 1 : i32
    %sub3A_1405 = arith.subi %div3A_1384, %sub3A_1404 : i32
    %select_n3A_1406 = arith.select %and3A_1403, %sub3A_1405, %div3A_1384 : i32
    %sub3A_1407 = arith.subi %select_n3A_1406, %select_n3A : i32
    %mul3A_1408 = arith.constant 32 : i32
    %mul3A_1409 = arith.muli %sub3A_1407, %mul3A_1408 : i32
    %add3A_1410 = arith.constant 960 : i32
    %add3A_1411 = arith.addi %mul3A_2, %add3A_1410 : i32
    %dma_start3A_1412 = arith.constant 0 : i32
    %dma_start3A_1413 = tpu.memref_slice %arg9[%mul3A_1409, %dma_start3A_1412] : memref<64x128xf32, #tpu.memory_space<vmem>> -> memref<32x128xf32, #tpu.memory_space<vmem>>
    %dma_start3A_1414 = arith.constant 0 : i32
    %dma_start3A_1415 = tpu.memref_slice %arg6[%add3A_1411, %dma_start3A_1414] : memref<315392x128xf32, #tpu.memory_space<hbm>> -> memref<32x128xf32, #tpu.memory_space<hbm>>
    %dma_start3A_1416 = arith.constant 0 : i32
    %dma_start3A_1417 = tpu.memref_slice %arg6[%add3A_1411, %dma_start3A_1416] : memref<315392x128xf32, #tpu.memory_space<hbm>> -> memref<32x128xf32, #tpu.memory_space<hbm>>
    %dma_start3A_1418 = arith.constant 0 : i32
    %dma_start3A_1419 = tpu.memref_slice %arg9[%mul3A_1409, %dma_start3A_1418] : memref<64x128xf32, #tpu.memory_space<vmem>> -> memref<32x128xf32, #tpu.memory_space<vmem>>
    tpu.enqueue_dma source(%dma_start3A_1419 : memref<32x128xf32, #tpu.memory_space<vmem>>) target(%dma_start3A_1417 : memref<32x128xf32, #tpu.memory_space<hbm>>) target_semaphore(%arg14 : memref<!tpu.dma_semaphore, #tpu.memory_space<semaphore_mem>>)
    %dma_wait3A_1420 = arith.constant 0 : i32
    %dma_wait3A_1421 = tpu.memref_slice %arg9[%mul3A_1033, %dma_wait3A_1420] : memref<64x128xf32, #tpu.memory_space<vmem>> -> memref<32x128xf32, #tpu.memory_space<vmem>>
    %dma_wait3A_1422 = arith.constant 0 : i32
    %dma_wait3A_1423 = tpu.memref_slice %arg6[%add3A_1035, %dma_wait3A_1422] : memref<315392x128xf32, #tpu.memory_space<hbm>> -> memref<32x128xf32, #tpu.memory_space<hbm>>
    %dma_wait3A_1424 = arith.constant 0 : i32
    %dma_wait3A_1425 = tpu.memref_slice %arg6[%add3A_1035, %dma_wait3A_1424] : memref<315392x128xf32, #tpu.memory_space<hbm>> -> memref<32x128xf32, #tpu.memory_space<hbm>>
    %dma_wait3A_1426 = arith.constant 0 : i32
    %dma_wait3A_1427 = tpu.memref_slice %arg9[%mul3A_1033, %dma_wait3A_1426] : memref<64x128xf32, #tpu.memory_space<vmem>> -> memref<32x128xf32, #tpu.memory_space<vmem>>
    tpu.wait_dma2 semaphore(%arg14 : memref<!tpu.dma_semaphore, #tpu.memory_space<semaphore_mem>>) src(%dma_wait3A_1427 : memref<32x128xf32, #tpu.memory_space<vmem>>) dst(%dma_wait3A_1425 : memref<32x128xf32, #tpu.memory_space<hbm>>)
    %add3A_1428 = arith.constant 992 : i32
    %add3A_1429 = arith.addi %mul3A_2, %add3A_1428 : i32
    %jit3A_1430 = arith.constant 4096 : i32
    %div3A_1431 = arith.divsi %add3A_1429, %jit3A_1430 : i32
    %sign3A_1432 = arith.constant 0 : i32
    %sign3A_1433 = arith.cmpi sgt, %add3A_1429, %sign3A_1432 : i32
    %sign3A_1434 = arith.extui %sign3A_1433 : i1 to i32
    %sign3A_1435 = arith.constant 0 : i32
    %sign3A_1436 = arith.cmpi slt, %add3A_1429, %sign3A_1435 : i32
    %sign3A_1437 = arith.extui %sign3A_1436 : i1 to i32
    %sign3A_1438 = arith.subi %sign3A_1434, %sign3A_1437 : i32
    %sign3A_1439 = arith.constant 0 : i32
    %sign3A_1440 = arith.cmpi sgt, %jit3A_1430, %sign3A_1439 : i32
    %sign3A_1441 = arith.extui %sign3A_1440 : i1 to i32
    %sign3A_1442 = arith.constant 0 : i32
    %sign3A_1443 = arith.cmpi slt, %jit3A_1430, %sign3A_1442 : i32
    %sign3A_1444 = arith.extui %sign3A_1443 : i1 to i32
    %sign3A_1445 = arith.subi %sign3A_1441, %sign3A_1444 : i32
    %ne3A_1446 = arith.cmpi ne, %sign3A_1438, %sign3A_1445 : i32
    %rem3A_1447 = arith.remsi %add3A_1429, %jit3A_1430 : i32
    %ne3A_1448 = arith.constant 0 : i32
    %ne3A_1449 = arith.cmpi ne, %rem3A_1447, %ne3A_1448 : i32
    %and3A_1450 = arith.andi %ne3A_1446, %ne3A_1449 : i1
    %sub3A_1451 = arith.constant 1 : i32
    %sub3A_1452 = arith.subi %div3A_1431, %sub3A_1451 : i32
    %select_n3A_1453 = arith.select %and3A_1450, %sub3A_1452, %div3A_1431 : i32
    %sub3A_1454 = arith.subi %select_n3A_1453, %select_n3A : i32
    %mul3A_1455 = arith.constant 32 : i32
    %mul3A_1456 = arith.muli %sub3A_1454, %mul3A_1455 : i32
    %add3A_1457 = arith.constant 992 : i32
    %add3A_1458 = arith.addi %mul3A_2, %add3A_1457 : i32
    %dma_start3A_1459 = arith.constant 0 : i32
    %dma_start3A_1460 = tpu.memref_slice %arg9[%mul3A_1456, %dma_start3A_1459] : memref<64x128xf32, #tpu.memory_space<vmem>> -> memref<32x128xf32, #tpu.memory_space<vmem>>
    %dma_start3A_1461 = arith.constant 0 : i32
    %dma_start3A_1462 = tpu.memref_slice %arg6[%add3A_1458, %dma_start3A_1461] : memref<315392x128xf32, #tpu.memory_space<hbm>> -> memref<32x128xf32, #tpu.memory_space<hbm>>
    %dma_start3A_1463 = arith.constant 0 : i32
    %dma_start3A_1464 = tpu.memref_slice %arg6[%add3A_1458, %dma_start3A_1463] : memref<315392x128xf32, #tpu.memory_space<hbm>> -> memref<32x128xf32, #tpu.memory_space<hbm>>
    %dma_start3A_1465 = arith.constant 0 : i32
    %dma_start3A_1466 = tpu.memref_slice %arg9[%mul3A_1456, %dma_start3A_1465] : memref<64x128xf32, #tpu.memory_space<vmem>> -> memref<32x128xf32, #tpu.memory_space<vmem>>
    tpu.enqueue_dma source(%dma_start3A_1466 : memref<32x128xf32, #tpu.memory_space<vmem>>) target(%dma_start3A_1464 : memref<32x128xf32, #tpu.memory_space<hbm>>) target_semaphore(%arg14 : memref<!tpu.dma_semaphore, #tpu.memory_space<semaphore_mem>>)
    %dma_wait3A_1467 = arith.constant 0 : i32
    %dma_wait3A_1468 = tpu.memref_slice %arg9[%mul3A_1080, %dma_wait3A_1467] : memref<64x128xf32, #tpu.memory_space<vmem>> -> memref<32x128xf32, #tpu.memory_space<vmem>>
    %dma_wait3A_1469 = arith.constant 0 : i32
    %dma_wait3A_1470 = tpu.memref_slice %arg6[%add3A_1082, %dma_wait3A_1469] : memref<315392x128xf32, #tpu.memory_space<hbm>> -> memref<32x128xf32, #tpu.memory_space<hbm>>
    %dma_wait3A_1471 = arith.constant 0 : i32
    %dma_wait3A_1472 = tpu.memref_slice %arg6[%add3A_1082, %dma_wait3A_1471] : memref<315392x128xf32, #tpu.memory_space<hbm>> -> memref<32x128xf32, #tpu.memory_space<hbm>>
    %dma_wait3A_1473 = arith.constant 0 : i32
    %dma_wait3A_1474 = tpu.memref_slice %arg9[%mul3A_1080, %dma_wait3A_1473] : memref<64x128xf32, #tpu.memory_space<vmem>> -> memref<32x128xf32, #tpu.memory_space<vmem>>
    tpu.wait_dma2 semaphore(%arg14 : memref<!tpu.dma_semaphore, #tpu.memory_space<semaphore_mem>>) src(%dma_wait3A_1474 : memref<32x128xf32, #tpu.memory_space<vmem>>) dst(%dma_wait3A_1472 : memref<32x128xf32, #tpu.memory_space<hbm>>)
    %add3A_1475 = arith.constant 1024 : i32
    %add3A_1476 = arith.addi %mul3A_2, %add3A_1475 : i32
    %jit3A_1477 = arith.constant 4096 : i32
    %div3A_1478 = arith.divsi %add3A_1476, %jit3A_1477 : i32
    %sign3A_1479 = arith.constant 0 : i32
    %sign3A_1480 = arith.cmpi sgt, %add3A_1476, %sign3A_1479 : i32
    %sign3A_1481 = arith.extui %sign3A_1480 : i1 to i32
    %sign3A_1482 = arith.constant 0 : i32
    %sign3A_1483 = arith.cmpi slt, %add3A_1476, %sign3A_1482 : i32
    %sign3A_1484 = arith.extui %sign3A_1483 : i1 to i32
    %sign3A_1485 = arith.subi %sign3A_1481, %sign3A_1484 : i32
    %sign3A_1486 = arith.constant 0 : i32
    %sign3A_1487 = arith.cmpi sgt, %jit3A_1477, %sign3A_1486 : i32
    %sign3A_1488 = arith.extui %sign3A_1487 : i1 to i32
    %sign3A_1489 = arith.constant 0 : i32
    %sign3A_1490 = arith.cmpi slt, %jit3A_1477, %sign3A_1489 : i32
    %sign3A_1491 = arith.extui %sign3A_1490 : i1 to i32
    %sign3A_1492 = arith.subi %sign3A_1488, %sign3A_1491 : i32
    %ne3A_1493 = arith.cmpi ne, %sign3A_1485, %sign3A_1492 : i32
    %rem3A_1494 = arith.remsi %add3A_1476, %jit3A_1477 : i32
    %ne3A_1495 = arith.constant 0 : i32
    %ne3A_1496 = arith.cmpi ne, %rem3A_1494, %ne3A_1495 : i32
    %and3A_1497 = arith.andi %ne3A_1493, %ne3A_1496 : i1
    %sub3A_1498 = arith.constant 1 : i32
    %sub3A_1499 = arith.subi %div3A_1478, %sub3A_1498 : i32
    %select_n3A_1500 = arith.select %and3A_1497, %sub3A_1499, %div3A_1478 : i32
    %sub3A_1501 = arith.subi %select_n3A_1500, %select_n3A : i32
    %mul3A_1502 = arith.constant 32 : i32
    %mul3A_1503 = arith.muli %sub3A_1501, %mul3A_1502 : i32
    %add3A_1504 = arith.constant 1024 : i32
    %add3A_1505 = arith.addi %mul3A_2, %add3A_1504 : i32
    %dma_start3A_1506 = arith.constant 0 : i32
    %dma_start3A_1507 = tpu.memref_slice %arg9[%mul3A_1503, %dma_start3A_1506] : memref<64x128xf32, #tpu.memory_space<vmem>> -> memref<32x128xf32, #tpu.memory_space<vmem>>
    %dma_start3A_1508 = arith.constant 0 : i32
    %dma_start3A_1509 = tpu.memref_slice %arg6[%add3A_1505, %dma_start3A_1508] : memref<315392x128xf32, #tpu.memory_space<hbm>> -> memref<32x128xf32, #tpu.memory_space<hbm>>
    %dma_start3A_1510 = arith.constant 0 : i32
    %dma_start3A_1511 = tpu.memref_slice %arg6[%add3A_1505, %dma_start3A_1510] : memref<315392x128xf32, #tpu.memory_space<hbm>> -> memref<32x128xf32, #tpu.memory_space<hbm>>
    %dma_start3A_1512 = arith.constant 0 : i32
    %dma_start3A_1513 = tpu.memref_slice %arg9[%mul3A_1503, %dma_start3A_1512] : memref<64x128xf32, #tpu.memory_space<vmem>> -> memref<32x128xf32, #tpu.memory_space<vmem>>
    tpu.enqueue_dma source(%dma_start3A_1513 : memref<32x128xf32, #tpu.memory_space<vmem>>) target(%dma_start3A_1511 : memref<32x128xf32, #tpu.memory_space<hbm>>) target_semaphore(%arg14 : memref<!tpu.dma_semaphore, #tpu.memory_space<semaphore_mem>>)
    %dma_wait3A_1514 = arith.constant 0 : i32
    %dma_wait3A_1515 = tpu.memref_slice %arg9[%mul3A_1127, %dma_wait3A_1514] : memref<64x128xf32, #tpu.memory_space<vmem>> -> memref<32x128xf32, #tpu.memory_space<vmem>>
    %dma_wait3A_1516 = arith.constant 0 : i32
    %dma_wait3A_1517 = tpu.memref_slice %arg6[%add3A_1129, %dma_wait3A_1516] : memref<315392x128xf32, #tpu.memory_space<hbm>> -> memref<32x128xf32, #tpu.memory_space<hbm>>
    %dma_wait3A_1518 = arith.constant 0 : i32
    %dma_wait3A_1519 = tpu.memref_slice %arg6[%add3A_1129, %dma_wait3A_1518] : memref<315392x128xf32, #tpu.memory_space<hbm>> -> memref<32x128xf32, #tpu.memory_space<hbm>>
    %dma_wait3A_1520 = arith.constant 0 : i32
    %dma_wait3A_1521 = tpu.memref_slice %arg9[%mul3A_1127, %dma_wait3A_1520] : memref<64x128xf32, #tpu.memory_space<vmem>> -> memref<32x128xf32, #tpu.memory_space<vmem>>
    tpu.wait_dma2 semaphore(%arg14 : memref<!tpu.dma_semaphore, #tpu.memory_space<semaphore_mem>>) src(%dma_wait3A_1521 : memref<32x128xf32, #tpu.memory_space<vmem>>) dst(%dma_wait3A_1519 : memref<32x128xf32, #tpu.memory_space<hbm>>)
    %add3A_1522 = arith.constant 1056 : i32
    %add3A_1523 = arith.addi %mul3A_2, %add3A_1522 : i32
    %jit3A_1524 = arith.constant 4096 : i32
    %div3A_1525 = arith.divsi %add3A_1523, %jit3A_1524 : i32
    %sign3A_1526 = arith.constant 0 : i32
    %sign3A_1527 = arith.cmpi sgt, %add3A_1523, %sign3A_1526 : i32
    %sign3A_1528 = arith.extui %sign3A_1527 : i1 to i32
    %sign3A_1529 = arith.constant 0 : i32
    %sign3A_1530 = arith.cmpi slt, %add3A_1523, %sign3A_1529 : i32
    %sign3A_1531 = arith.extui %sign3A_1530 : i1 to i32
    %sign3A_1532 = arith.subi %sign3A_1528, %sign3A_1531 : i32
    %sign3A_1533 = arith.constant 0 : i32
    %sign3A_1534 = arith.cmpi sgt, %jit3A_1524, %sign3A_1533 : i32
    %sign3A_1535 = arith.extui %sign3A_1534 : i1 to i32
    %sign3A_1536 = arith.constant 0 : i32
    %sign3A_1537 = arith.cmpi slt, %jit3A_1524, %sign3A_1536 : i32
    %sign3A_1538 = arith.extui %sign3A_1537 : i1 to i32
    %sign3A_1539 = arith.subi %sign3A_1535, %sign3A_1538 : i32
    %ne3A_1540 = arith.cmpi ne, %sign3A_1532, %sign3A_1539 : i32
    %rem3A_1541 = arith.remsi %add3A_1523, %jit3A_1524 : i32
    %ne3A_1542 = arith.constant 0 : i32
    %ne3A_1543 = arith.cmpi ne, %rem3A_1541, %ne3A_1542 : i32
    %and3A_1544 = arith.andi %ne3A_1540, %ne3A_1543 : i1
    %sub3A_1545 = arith.constant 1 : i32
    %sub3A_1546 = arith.subi %div3A_1525, %sub3A_1545 : i32
    %select_n3A_1547 = arith.select %and3A_1544, %sub3A_1546, %div3A_1525 : i32
    %sub3A_1548 = arith.subi %select_n3A_1547, %select_n3A : i32
    %mul3A_1549 = arith.constant 32 : i32
    %mul3A_1550 = arith.muli %sub3A_1548, %mul3A_1549 : i32
    %add3A_1551 = arith.constant 1056 : i32
    %add3A_1552 = arith.addi %mul3A_2, %add3A_1551 : i32
    %dma_start3A_1553 = arith.constant 0 : i32
    %dma_start3A_1554 = tpu.memref_slice %arg9[%mul3A_1550, %dma_start3A_1553] : memref<64x128xf32, #tpu.memory_space<vmem>> -> memref<32x128xf32, #tpu.memory_space<vmem>>
    %dma_start3A_1555 = arith.constant 0 : i32
    %dma_start3A_1556 = tpu.memref_slice %arg6[%add3A_1552, %dma_start3A_1555] : memref<315392x128xf32, #tpu.memory_space<hbm>> -> memref<32x128xf32, #tpu.memory_space<hbm>>
    %dma_start3A_1557 = arith.constant 0 : i32
    %dma_start3A_1558 = tpu.memref_slice %arg6[%add3A_1552, %dma_start3A_1557] : memref<315392x128xf32, #tpu.memory_space<hbm>> -> memref<32x128xf32, #tpu.memory_space<hbm>>
    %dma_start3A_1559 = arith.constant 0 : i32
    %dma_start3A_1560 = tpu.memref_slice %arg9[%mul3A_1550, %dma_start3A_1559] : memref<64x128xf32, #tpu.memory_space<vmem>> -> memref<32x128xf32, #tpu.memory_space<vmem>>
    tpu.enqueue_dma source(%dma_start3A_1560 : memref<32x128xf32, #tpu.memory_space<vmem>>) target(%dma_start3A_1558 : memref<32x128xf32, #tpu.memory_space<hbm>>) target_semaphore(%arg14 : memref<!tpu.dma_semaphore, #tpu.memory_space<semaphore_mem>>)
    %dma_wait3A_1561 = arith.constant 0 : i32
    %dma_wait3A_1562 = tpu.memref_slice %arg9[%mul3A_1174, %dma_wait3A_1561] : memref<64x128xf32, #tpu.memory_space<vmem>> -> memref<32x128xf32, #tpu.memory_space<vmem>>
    %dma_wait3A_1563 = arith.constant 0 : i32
    %dma_wait3A_1564 = tpu.memref_slice %arg6[%add3A_1176, %dma_wait3A_1563] : memref<315392x128xf32, #tpu.memory_space<hbm>> -> memref<32x128xf32, #tpu.memory_space<hbm>>
    %dma_wait3A_1565 = arith.constant 0 : i32
    %dma_wait3A_1566 = tpu.memref_slice %arg6[%add3A_1176, %dma_wait3A_1565] : memref<315392x128xf32, #tpu.memory_space<hbm>> -> memref<32x128xf32, #tpu.memory_space<hbm>>
    %dma_wait3A_1567 = arith.constant 0 : i32
    %dma_wait3A_1568 = tpu.memref_slice %arg9[%mul3A_1174, %dma_wait3A_1567] : memref<64x128xf32, #tpu.memory_space<vmem>> -> memref<32x128xf32, #tpu.memory_space<vmem>>
    tpu.wait_dma2 semaphore(%arg14 : memref<!tpu.dma_semaphore, #tpu.memory_space<semaphore_mem>>) src(%dma_wait3A_1568 : memref<32x128xf32, #tpu.memory_space<vmem>>) dst(%dma_wait3A_1566 : memref<32x128xf32, #tpu.memory_space<hbm>>)
    %add3A_1569 = arith.constant 1088 : i32
    %add3A_1570 = arith.addi %mul3A_2, %add3A_1569 : i32
    %jit3A_1571 = arith.constant 4096 : i32
    %div3A_1572 = arith.divsi %add3A_1570, %jit3A_1571 : i32
    %sign3A_1573 = arith.constant 0 : i32
    %sign3A_1574 = arith.cmpi sgt, %add3A_1570, %sign3A_1573 : i32
    %sign3A_1575 = arith.extui %sign3A_1574 : i1 to i32
    %sign3A_1576 = arith.constant 0 : i32
    %sign3A_1577 = arith.cmpi slt, %add3A_1570, %sign3A_1576 : i32
    %sign3A_1578 = arith.extui %sign3A_1577 : i1 to i32
    %sign3A_1579 = arith.subi %sign3A_1575, %sign3A_1578 : i32
    %sign3A_1580 = arith.constant 0 : i32
    %sign3A_1581 = arith.cmpi sgt, %jit3A_1571, %sign3A_1580 : i32
    %sign3A_1582 = arith.extui %sign3A_1581 : i1 to i32
    %sign3A_1583 = arith.constant 0 : i32
    %sign3A_1584 = arith.cmpi slt, %jit3A_1571, %sign3A_1583 : i32
    %sign3A_1585 = arith.extui %sign3A_1584 : i1 to i32
    %sign3A_1586 = arith.subi %sign3A_1582, %sign3A_1585 : i32
    %ne3A_1587 = arith.cmpi ne, %sign3A_1579, %sign3A_1586 : i32
    %rem3A_1588 = arith.remsi %add3A_1570, %jit3A_1571 : i32
    %ne3A_1589 = arith.constant 0 : i32
    %ne3A_1590 = arith.cmpi ne, %rem3A_1588, %ne3A_1589 : i32
    %and3A_1591 = arith.andi %ne3A_1587, %ne3A_1590 : i1
    %sub3A_1592 = arith.constant 1 : i32
    %sub3A_1593 = arith.subi %div3A_1572, %sub3A_1592 : i32
    %select_n3A_1594 = arith.select %and3A_1591, %sub3A_1593, %div3A_1572 : i32
    %sub3A_1595 = arith.subi %select_n3A_1594, %select_n3A : i32
    %mul3A_1596 = arith.constant 32 : i32
    %mul3A_1597 = arith.muli %sub3A_1595, %mul3A_1596 : i32
    %add3A_1598 = arith.constant 1088 : i32
    %add3A_1599 = arith.addi %mul3A_2, %add3A_1598 : i32
    %dma_start3A_1600 = arith.constant 0 : i32
    %dma_start3A_1601 = tpu.memref_slice %arg9[%mul3A_1597, %dma_start3A_1600] : memref<64x128xf32, #tpu.memory_space<vmem>> -> memref<32x128xf32, #tpu.memory_space<vmem>>
    %dma_start3A_1602 = arith.constant 0 : i32
    %dma_start3A_1603 = tpu.memref_slice %arg6[%add3A_1599, %dma_start3A_1602] : memref<315392x128xf32, #tpu.memory_space<hbm>> -> memref<32x128xf32, #tpu.memory_space<hbm>>
    %dma_start3A_1604 = arith.constant 0 : i32
    %dma_start3A_1605 = tpu.memref_slice %arg6[%add3A_1599, %dma_start3A_1604] : memref<315392x128xf32, #tpu.memory_space<hbm>> -> memref<32x128xf32, #tpu.memory_space<hbm>>
    %dma_start3A_1606 = arith.constant 0 : i32
    %dma_start3A_1607 = tpu.memref_slice %arg9[%mul3A_1597, %dma_start3A_1606] : memref<64x128xf32, #tpu.memory_space<vmem>> -> memref<32x128xf32, #tpu.memory_space<vmem>>
    tpu.enqueue_dma source(%dma_start3A_1607 : memref<32x128xf32, #tpu.memory_space<vmem>>) target(%dma_start3A_1605 : memref<32x128xf32, #tpu.memory_space<hbm>>) target_semaphore(%arg14 : memref<!tpu.dma_semaphore, #tpu.memory_space<semaphore_mem>>)
    %dma_wait3A_1608 = arith.constant 0 : i32
    %dma_wait3A_1609 = tpu.memref_slice %arg9[%mul3A_1221, %dma_wait3A_1608] : memref<64x128xf32, #tpu.memory_space<vmem>> -> memref<32x128xf32, #tpu.memory_space<vmem>>
    %dma_wait3A_1610 = arith.constant 0 : i32
    %dma_wait3A_1611 = tpu.memref_slice %arg6[%add3A_1223, %dma_wait3A_1610] : memref<315392x128xf32, #tpu.memory_space<hbm>> -> memref<32x128xf32, #tpu.memory_space<hbm>>
    %dma_wait3A_1612 = arith.constant 0 : i32
    %dma_wait3A_1613 = tpu.memref_slice %arg6[%add3A_1223, %dma_wait3A_1612] : memref<315392x128xf32, #tpu.memory_space<hbm>> -> memref<32x128xf32, #tpu.memory_space<hbm>>
    %dma_wait3A_1614 = arith.constant 0 : i32
    %dma_wait3A_1615 = tpu.memref_slice %arg9[%mul3A_1221, %dma_wait3A_1614] : memref<64x128xf32, #tpu.memory_space<vmem>> -> memref<32x128xf32, #tpu.memory_space<vmem>>
    tpu.wait_dma2 semaphore(%arg14 : memref<!tpu.dma_semaphore, #tpu.memory_space<semaphore_mem>>) src(%dma_wait3A_1615 : memref<32x128xf32, #tpu.memory_space<vmem>>) dst(%dma_wait3A_1613 : memref<32x128xf32, #tpu.memory_space<hbm>>)
    %add3A_1616 = arith.constant 1120 : i32
    %add3A_1617 = arith.addi %mul3A_2, %add3A_1616 : i32
    %jit3A_1618 = arith.constant 4096 : i32
    %div3A_1619 = arith.divsi %add3A_1617, %jit3A_1618 : i32
    %sign3A_1620 = arith.constant 0 : i32
    %sign3A_1621 = arith.cmpi sgt, %add3A_1617, %sign3A_1620 : i32
    %sign3A_1622 = arith.extui %sign3A_1621 : i1 to i32
    %sign3A_1623 = arith.constant 0 : i32
    %sign3A_1624 = arith.cmpi slt, %add3A_1617, %sign3A_1623 : i32
    %sign3A_1625 = arith.extui %sign3A_1624 : i1 to i32
    %sign3A_1626 = arith.subi %sign3A_1622, %sign3A_1625 : i32
    %sign3A_1627 = arith.constant 0 : i32
    %sign3A_1628 = arith.cmpi sgt, %jit3A_1618, %sign3A_1627 : i32
    %sign3A_1629 = arith.extui %sign3A_1628 : i1 to i32
    %sign3A_1630 = arith.constant 0 : i32
    %sign3A_1631 = arith.cmpi slt, %jit3A_1618, %sign3A_1630 : i32
    %sign3A_1632 = arith.extui %sign3A_1631 : i1 to i32
    %sign3A_1633 = arith.subi %sign3A_1629, %sign3A_1632 : i32
    %ne3A_1634 = arith.cmpi ne, %sign3A_1626, %sign3A_1633 : i32
    %rem3A_1635 = arith.remsi %add3A_1617, %jit3A_1618 : i32
    %ne3A_1636 = arith.constant 0 : i32
    %ne3A_1637 = arith.cmpi ne, %rem3A_1635, %ne3A_1636 : i32
    %and3A_1638 = arith.andi %ne3A_1634, %ne3A_1637 : i1
    %sub3A_1639 = arith.constant 1 : i32
    %sub3A_1640 = arith.subi %div3A_1619, %sub3A_1639 : i32
    %select_n3A_1641 = arith.select %and3A_1638, %sub3A_1640, %div3A_1619 : i32
    %sub3A_1642 = arith.subi %select_n3A_1641, %select_n3A : i32
    %mul3A_1643 = arith.constant 32 : i32
    %mul3A_1644 = arith.muli %sub3A_1642, %mul3A_1643 : i32
    %add3A_1645 = arith.constant 1120 : i32
    %add3A_1646 = arith.addi %mul3A_2, %add3A_1645 : i32
    %dma_start3A_1647 = arith.constant 0 : i32
    %dma_start3A_1648 = tpu.memref_slice %arg9[%mul3A_1644, %dma_start3A_1647] : memref<64x128xf32, #tpu.memory_space<vmem>> -> memref<32x128xf32, #tpu.memory_space<vmem>>
    %dma_start3A_1649 = arith.constant 0 : i32
    %dma_start3A_1650 = tpu.memref_slice %arg6[%add3A_1646, %dma_start3A_1649] : memref<315392x128xf32, #tpu.memory_space<hbm>> -> memref<32x128xf32, #tpu.memory_space<hbm>>
    %dma_start3A_1651 = arith.constant 0 : i32
    %dma_start3A_1652 = tpu.memref_slice %arg6[%add3A_1646, %dma_start3A_1651] : memref<315392x128xf32, #tpu.memory_space<hbm>> -> memref<32x128xf32, #tpu.memory_space<hbm>>
    %dma_start3A_1653 = arith.constant 0 : i32
    %dma_start3A_1654 = tpu.memref_slice %arg9[%mul3A_1644, %dma_start3A_1653] : memref<64x128xf32, #tpu.memory_space<vmem>> -> memref<32x128xf32, #tpu.memory_space<vmem>>
    tpu.enqueue_dma source(%dma_start3A_1654 : memref<32x128xf32, #tpu.memory_space<vmem>>) target(%dma_start3A_1652 : memref<32x128xf32, #tpu.memory_space<hbm>>) target_semaphore(%arg14 : memref<!tpu.dma_semaphore, #tpu.memory_space<semaphore_mem>>)
    %dma_wait3A_1655 = arith.constant 0 : i32
    %dma_wait3A_1656 = tpu.memref_slice %arg9[%mul3A_1268, %dma_wait3A_1655] : memref<64x128xf32, #tpu.memory_space<vmem>> -> memref<32x128xf32, #tpu.memory_space<vmem>>
    %dma_wait3A_1657 = arith.constant 0 : i32
    %dma_wait3A_1658 = tpu.memref_slice %arg6[%add3A_1270, %dma_wait3A_1657] : memref<315392x128xf32, #tpu.memory_space<hbm>> -> memref<32x128xf32, #tpu.memory_space<hbm>>
    %dma_wait3A_1659 = arith.constant 0 : i32
    %dma_wait3A_1660 = tpu.memref_slice %arg6[%add3A_1270, %dma_wait3A_1659] : memref<315392x128xf32, #tpu.memory_space<hbm>> -> memref<32x128xf32, #tpu.memory_space<hbm>>
    %dma_wait3A_1661 = arith.constant 0 : i32
    %dma_wait3A_1662 = tpu.memref_slice %arg9[%mul3A_1268, %dma_wait3A_1661] : memref<64x128xf32, #tpu.memory_space<vmem>> -> memref<32x128xf32, #tpu.memory_space<vmem>>
    tpu.wait_dma2 semaphore(%arg14 : memref<!tpu.dma_semaphore, #tpu.memory_space<semaphore_mem>>) src(%dma_wait3A_1662 : memref<32x128xf32, #tpu.memory_space<vmem>>) dst(%dma_wait3A_1660 : memref<32x128xf32, #tpu.memory_space<hbm>>)
    %add3A_1663 = arith.constant 1152 : i32
    %add3A_1664 = arith.addi %mul3A_2, %add3A_1663 : i32
    %jit3A_1665 = arith.constant 4096 : i32
    %div3A_1666 = arith.divsi %add3A_1664, %jit3A_1665 : i32
    %sign3A_1667 = arith.constant 0 : i32
    %sign3A_1668 = arith.cmpi sgt, %add3A_1664, %sign3A_1667 : i32
    %sign3A_1669 = arith.extui %sign3A_1668 : i1 to i32
    %sign3A_1670 = arith.constant 0 : i32
    %sign3A_1671 = arith.cmpi slt, %add3A_1664, %sign3A_1670 : i32
    %sign3A_1672 = arith.extui %sign3A_1671 : i1 to i32
    %sign3A_1673 = arith.subi %sign3A_1669, %sign3A_1672 : i32
    %sign3A_1674 = arith.constant 0 : i32
    %sign3A_1675 = arith.cmpi sgt, %jit3A_1665, %sign3A_1674 : i32
    %sign3A_1676 = arith.extui %sign3A_1675 : i1 to i32
    %sign3A_1677 = arith.constant 0 : i32
    %sign3A_1678 = arith.cmpi slt, %jit3A_1665, %sign3A_1677 : i32
    %sign3A_1679 = arith.extui %sign3A_1678 : i1 to i32
    %sign3A_1680 = arith.subi %sign3A_1676, %sign3A_1679 : i32
    %ne3A_1681 = arith.cmpi ne, %sign3A_1673, %sign3A_1680 : i32
    %rem3A_1682 = arith.remsi %add3A_1664, %jit3A_1665 : i32
    %ne3A_1683 = arith.constant 0 : i32
    %ne3A_1684 = arith.cmpi ne, %rem3A_1682, %ne3A_1683 : i32
    %and3A_1685 = arith.andi %ne3A_1681, %ne3A_1684 : i1
    %sub3A_1686 = arith.constant 1 : i32
    %sub3A_1687 = arith.subi %div3A_1666, %sub3A_1686 : i32
    %select_n3A_1688 = arith.select %and3A_1685, %sub3A_1687, %div3A_1666 : i32
    %sub3A_1689 = arith.subi %select_n3A_1688, %select_n3A : i32
    %mul3A_1690 = arith.constant 32 : i32
    %mul3A_1691 = arith.muli %sub3A_1689, %mul3A_1690 : i32
    %add3A_1692 = arith.constant 1152 : i32
    %add3A_1693 = arith.addi %mul3A_2, %add3A_1692 : i32
    %dma_start3A_1694 = arith.constant 0 : i32
    %dma_start3A_1695 = tpu.memref_slice %arg9[%mul3A_1691, %dma_start3A_1694] : memref<64x128xf32, #tpu.memory_space<vmem>> -> memref<32x128xf32, #tpu.memory_space<vmem>>
    %dma_start3A_1696 = arith.constant 0 : i32
    %dma_start3A_1697 = tpu.memref_slice %arg6[%add3A_1693, %dma_start3A_1696] : memref<315392x128xf32, #tpu.memory_space<hbm>> -> memref<32x128xf32, #tpu.memory_space<hbm>>
    %dma_start3A_1698 = arith.constant 0 : i32
    %dma_start3A_1699 = tpu.memref_slice %arg6[%add3A_1693, %dma_start3A_1698] : memref<315392x128xf32, #tpu.memory_space<hbm>> -> memref<32x128xf32, #tpu.memory_space<hbm>>
    %dma_start3A_1700 = arith.constant 0 : i32
    %dma_start3A_1701 = tpu.memref_slice %arg9[%mul3A_1691, %dma_start3A_1700] : memref<64x128xf32, #tpu.memory_space<vmem>> -> memref<32x128xf32, #tpu.memory_space<vmem>>
    tpu.enqueue_dma source(%dma_start3A_1701 : memref<32x128xf32, #tpu.memory_space<vmem>>) target(%dma_start3A_1699 : memref<32x128xf32, #tpu.memory_space<hbm>>) target_semaphore(%arg14 : memref<!tpu.dma_semaphore, #tpu.memory_space<semaphore_mem>>)
    %dma_wait3A_1702 = arith.constant 0 : i32
    %dma_wait3A_1703 = tpu.memref_slice %arg9[%mul3A_1315, %dma_wait3A_1702] : memref<64x128xf32, #tpu.memory_space<vmem>> -> memref<32x128xf32, #tpu.memory_space<vmem>>
    %dma_wait3A_1704 = arith.constant 0 : i32
    %dma_wait3A_1705 = tpu.memref_slice %arg6[%add3A_1317, %dma_wait3A_1704] : memref<315392x128xf32, #tpu.memory_space<hbm>> -> memref<32x128xf32, #tpu.memory_space<hbm>>
    %dma_wait3A_1706 = arith.constant 0 : i32
    %dma_wait3A_1707 = tpu.memref_slice %arg6[%add3A_1317, %dma_wait3A_1706] : memref<315392x128xf32, #tpu.memory_space<hbm>> -> memref<32x128xf32, #tpu.memory_space<hbm>>
    %dma_wait3A_1708 = arith.constant 0 : i32
    %dma_wait3A_1709 = tpu.memref_slice %arg9[%mul3A_1315, %dma_wait3A_1708] : memref<64x128xf32, #tpu.memory_space<vmem>> -> memref<32x128xf32, #tpu.memory_space<vmem>>
    tpu.wait_dma2 semaphore(%arg14 : memref<!tpu.dma_semaphore, #tpu.memory_space<semaphore_mem>>) src(%dma_wait3A_1709 : memref<32x128xf32, #tpu.memory_space<vmem>>) dst(%dma_wait3A_1707 : memref<32x128xf32, #tpu.memory_space<hbm>>)
    %add3A_1710 = arith.constant 1184 : i32
    %add3A_1711 = arith.addi %mul3A_2, %add3A_1710 : i32
    %jit3A_1712 = arith.constant 4096 : i32
    %div3A_1713 = arith.divsi %add3A_1711, %jit3A_1712 : i32
    %sign3A_1714 = arith.constant 0 : i32
    %sign3A_1715 = arith.cmpi sgt, %add3A_1711, %sign3A_1714 : i32
    %sign3A_1716 = arith.extui %sign3A_1715 : i1 to i32
    %sign3A_1717 = arith.constant 0 : i32
    %sign3A_1718 = arith.cmpi slt, %add3A_1711, %sign3A_1717 : i32
    %sign3A_1719 = arith.extui %sign3A_1718 : i1 to i32
    %sign3A_1720 = arith.subi %sign3A_1716, %sign3A_1719 : i32
    %sign3A_1721 = arith.constant 0 : i32
    %sign3A_1722 = arith.cmpi sgt, %jit3A_1712, %sign3A_1721 : i32
    %sign3A_1723 = arith.extui %sign3A_1722 : i1 to i32
    %sign3A_1724 = arith.constant 0 : i32
    %sign3A_1725 = arith.cmpi slt, %jit3A_1712, %sign3A_1724 : i32
    %sign3A_1726 = arith.extui %sign3A_1725 : i1 to i32
    %sign3A_1727 = arith.subi %sign3A_1723, %sign3A_1726 : i32
    %ne3A_1728 = arith.cmpi ne, %sign3A_1720, %sign3A_1727 : i32
    %rem3A_1729 = arith.remsi %add3A_1711, %jit3A_1712 : i32
    %ne3A_1730 = arith.constant 0 : i32
    %ne3A_1731 = arith.cmpi ne, %rem3A_1729, %ne3A_1730 : i32
    %and3A_1732 = arith.andi %ne3A_1728, %ne3A_1731 : i1
    %sub3A_1733 = arith.constant 1 : i32
    %sub3A_1734 = arith.subi %div3A_1713, %sub3A_1733 : i32
    %select_n3A_1735 = arith.select %and3A_1732, %sub3A_1734, %div3A_1713 : i32
    %sub3A_1736 = arith.subi %select_n3A_1735, %select_n3A : i32
    %mul3A_1737 = arith.constant 32 : i32
    %mul3A_1738 = arith.muli %sub3A_1736, %mul3A_1737 : i32
    %add3A_1739 = arith.constant 1184 : i32
    %add3A_1740 = arith.addi %mul3A_2, %add3A_1739 : i32
    %dma_start3A_1741 = arith.constant 0 : i32
    %dma_start3A_1742 = tpu.memref_slice %arg9[%mul3A_1738, %dma_start3A_1741] : memref<64x128xf32, #tpu.memory_space<vmem>> -> memref<32x128xf32, #tpu.memory_space<vmem>>
    %dma_start3A_1743 = arith.constant 0 : i32
    %dma_start3A_1744 = tpu.memref_slice %arg6[%add3A_1740, %dma_start3A_1743] : memref<315392x128xf32, #tpu.memory_space<hbm>> -> memref<32x128xf32, #tpu.memory_space<hbm>>
    %dma_start3A_1745 = arith.constant 0 : i32
    %dma_start3A_1746 = tpu.memref_slice %arg6[%add3A_1740, %dma_start3A_1745] : memref<315392x128xf32, #tpu.memory_space<hbm>> -> memref<32x128xf32, #tpu.memory_space<hbm>>
    %dma_start3A_1747 = arith.constant 0 : i32
    %dma_start3A_1748 = tpu.memref_slice %arg9[%mul3A_1738, %dma_start3A_1747] : memref<64x128xf32, #tpu.memory_space<vmem>> -> memref<32x128xf32, #tpu.memory_space<vmem>>
    tpu.enqueue_dma source(%dma_start3A_1748 : memref<32x128xf32, #tpu.memory_space<vmem>>) target(%dma_start3A_1746 : memref<32x128xf32, #tpu.memory_space<hbm>>) target_semaphore(%arg14 : memref<!tpu.dma_semaphore, #tpu.memory_space<semaphore_mem>>)
    %dma_wait3A_1749 = arith.constant 0 : i32
    %dma_wait3A_1750 = tpu.memref_slice %arg9[%mul3A_1362, %dma_wait3A_1749] : memref<64x128xf32, #tpu.memory_space<vmem>> -> memref<32x128xf32, #tpu.memory_space<vmem>>
    %dma_wait3A_1751 = arith.constant 0 : i32
    %dma_wait3A_1752 = tpu.memref_slice %arg6[%add3A_1364, %dma_wait3A_1751] : memref<315392x128xf32, #tpu.memory_space<hbm>> -> memref<32x128xf32, #tpu.memory_space<hbm>>
    %dma_wait3A_1753 = arith.constant 0 : i32
    %dma_wait3A_1754 = tpu.memref_slice %arg6[%add3A_1364, %dma_wait3A_1753] : memref<315392x128xf32, #tpu.memory_space<hbm>> -> memref<32x128xf32, #tpu.memory_space<hbm>>
    %dma_wait3A_1755 = arith.constant 0 : i32
    %dma_wait3A_1756 = tpu.memref_slice %arg9[%mul3A_1362, %dma_wait3A_1755] : memref<64x128xf32, #tpu.memory_space<vmem>> -> memref<32x128xf32, #tpu.memory_space<vmem>>
    tpu.wait_dma2 semaphore(%arg14 : memref<!tpu.dma_semaphore, #tpu.memory_space<semaphore_mem>>) src(%dma_wait3A_1756 : memref<32x128xf32, #tpu.memory_space<vmem>>) dst(%dma_wait3A_1754 : memref<32x128xf32, #tpu.memory_space<hbm>>)
    %add3A_1757 = arith.constant 1216 : i32
    %add3A_1758 = arith.addi %mul3A_2, %add3A_1757 : i32
    %jit3A_1759 = arith.constant 4096 : i32
    %div3A_1760 = arith.divsi %add3A_1758, %jit3A_1759 : i32
    %sign3A_1761 = arith.constant 0 : i32
    %sign3A_1762 = arith.cmpi sgt, %add3A_1758, %sign3A_1761 : i32
    %sign3A_1763 = arith.extui %sign3A_1762 : i1 to i32
    %sign3A_1764 = arith.constant 0 : i32
    %sign3A_1765 = arith.cmpi slt, %add3A_1758, %sign3A_1764 : i32
    %sign3A_1766 = arith.extui %sign3A_1765 : i1 to i32
    %sign3A_1767 = arith.subi %sign3A_1763, %sign3A_1766 : i32
    %sign3A_1768 = arith.constant 0 : i32
    %sign3A_1769 = arith.cmpi sgt, %jit3A_1759, %sign3A_1768 : i32
    %sign3A_1770 = arith.extui %sign3A_1769 : i1 to i32
    %sign3A_1771 = arith.constant 0 : i32
    %sign3A_1772 = arith.cmpi slt, %jit3A_1759, %sign3A_1771 : i32
    %sign3A_1773 = arith.extui %sign3A_1772 : i1 to i32
    %sign3A_1774 = arith.subi %sign3A_1770, %sign3A_1773 : i32
    %ne3A_1775 = arith.cmpi ne, %sign3A_1767, %sign3A_1774 : i32
    %rem3A_1776 = arith.remsi %add3A_1758, %jit3A_1759 : i32
    %ne3A_1777 = arith.constant 0 : i32
    %ne3A_1778 = arith.cmpi ne, %rem3A_1776, %ne3A_1777 : i32
    %and3A_1779 = arith.andi %ne3A_1775, %ne3A_1778 : i1
    %sub3A_1780 = arith.constant 1 : i32
    %sub3A_1781 = arith.subi %div3A_1760, %sub3A_1780 : i32
    %select_n3A_1782 = arith.select %and3A_1779, %sub3A_1781, %div3A_1760 : i32
    %sub3A_1783 = arith.subi %select_n3A_1782, %select_n3A : i32
    %mul3A_1784 = arith.constant 32 : i32
    %mul3A_1785 = arith.muli %sub3A_1783, %mul3A_1784 : i32
    %add3A_1786 = arith.constant 1216 : i32
    %add3A_1787 = arith.addi %mul3A_2, %add3A_1786 : i32
    %dma_start3A_1788 = arith.constant 0 : i32
    %dma_start3A_1789 = tpu.memref_slice %arg9[%mul3A_1785, %dma_start3A_1788] : memref<64x128xf32, #tpu.memory_space<vmem>> -> memref<32x128xf32, #tpu.memory_space<vmem>>
    %dma_start3A_1790 = arith.constant 0 : i32
    %dma_start3A_1791 = tpu.memref_slice %arg6[%add3A_1787, %dma_start3A_1790] : memref<315392x128xf32, #tpu.memory_space<hbm>> -> memref<32x128xf32, #tpu.memory_space<hbm>>
    %dma_start3A_1792 = arith.constant 0 : i32
    %dma_start3A_1793 = tpu.memref_slice %arg6[%add3A_1787, %dma_start3A_1792] : memref<315392x128xf32, #tpu.memory_space<hbm>> -> memref<32x128xf32, #tpu.memory_space<hbm>>
    %dma_start3A_1794 = arith.constant 0 : i32
    %dma_start3A_1795 = tpu.memref_slice %arg9[%mul3A_1785, %dma_start3A_1794] : memref<64x128xf32, #tpu.memory_space<vmem>> -> memref<32x128xf32, #tpu.memory_space<vmem>>
    tpu.enqueue_dma source(%dma_start3A_1795 : memref<32x128xf32, #tpu.memory_space<vmem>>) target(%dma_start3A_1793 : memref<32x128xf32, #tpu.memory_space<hbm>>) target_semaphore(%arg14 : memref<!tpu.dma_semaphore, #tpu.memory_space<semaphore_mem>>)
    %dma_wait3A_1796 = arith.constant 0 : i32
    %dma_wait3A_1797 = tpu.memref_slice %arg9[%mul3A_1409, %dma_wait3A_1796] : memref<64x128xf32, #tpu.memory_space<vmem>> -> memref<32x128xf32, #tpu.memory_space<vmem>>
    %dma_wait3A_1798 = arith.constant 0 : i32
    %dma_wait3A_1799 = tpu.memref_slice %arg6[%add3A_1411, %dma_wait3A_1798] : memref<315392x128xf32, #tpu.memory_space<hbm>> -> memref<32x128xf32, #tpu.memory_space<hbm>>
    %dma_wait3A_1800 = arith.constant 0 : i32
    %dma_wait3A_1801 = tpu.memref_slice %arg6[%add3A_1411, %dma_wait3A_1800] : memref<315392x128xf32, #tpu.memory_space<hbm>> -> memref<32x128xf32, #tpu.memory_space<hbm>>
    %dma_wait3A_1802 = arith.constant 0 : i32
    %dma_wait3A_1803 = tpu.memref_slice %arg9[%mul3A_1409, %dma_wait3A_1802] : memref<64x128xf32, #tpu.memory_space<vmem>> -> memref<32x128xf32, #tpu.memory_space<vmem>>
    tpu.wait_dma2 semaphore(%arg14 : memref<!tpu.dma_semaphore, #tpu.memory_space<semaphore_mem>>) src(%dma_wait3A_1803 : memref<32x128xf32, #tpu.memory_space<vmem>>) dst(%dma_wait3A_1801 : memref<32x128xf32, #tpu.memory_space<hbm>>)
    %add3A_1804 = arith.constant 1248 : i32
    %add3A_1805 = arith.addi %mul3A_2, %add3A_1804 : i32
    %jit3A_1806 = arith.constant 4096 : i32
    %div3A_1807 = arith.divsi %add3A_1805, %jit3A_1806 : i32
    %sign3A_1808 = arith.constant 0 : i32
    %sign3A_1809 = arith.cmpi sgt, %add3A_1805, %sign3A_1808 : i32
    %sign3A_1810 = arith.extui %sign3A_1809 : i1 to i32
    %sign3A_1811 = arith.constant 0 : i32
    %sign3A_1812 = arith.cmpi slt, %add3A_1805, %sign3A_1811 : i32
    %sign3A_1813 = arith.extui %sign3A_1812 : i1 to i32
    %sign3A_1814 = arith.subi %sign3A_1810, %sign3A_1813 : i32
    %sign3A_1815 = arith.constant 0 : i32
    %sign3A_1816 = arith.cmpi sgt, %jit3A_1806, %sign3A_1815 : i32
    %sign3A_1817 = arith.extui %sign3A_1816 : i1 to i32
    %sign3A_1818 = arith.constant 0 : i32
    %sign3A_1819 = arith.cmpi slt, %jit3A_1806, %sign3A_1818 : i32
    %sign3A_1820 = arith.extui %sign3A_1819 : i1 to i32
    %sign3A_1821 = arith.subi %sign3A_1817, %sign3A_1820 : i32
    %ne3A_1822 = arith.cmpi ne, %sign3A_1814, %sign3A_1821 : i32
    %rem3A_1823 = arith.remsi %add3A_1805, %jit3A_1806 : i32
    %ne3A_1824 = arith.constant 0 : i32
    %ne3A_1825 = arith.cmpi ne, %rem3A_1823, %ne3A_1824 : i32
    %and3A_1826 = arith.andi %ne3A_1822, %ne3A_1825 : i1
    %sub3A_1827 = arith.constant 1 : i32
    %sub3A_1828 = arith.subi %div3A_1807, %sub3A_1827 : i32
    %select_n3A_1829 = arith.select %and3A_1826, %sub3A_1828, %div3A_1807 : i32
    %sub3A_1830 = arith.subi %select_n3A_1829, %select_n3A : i32
    %mul3A_1831 = arith.constant 32 : i32
    %mul3A_1832 = arith.muli %sub3A_1830, %mul3A_1831 : i32
    %add3A_1833 = arith.constant 1248 : i32
    %add3A_1834 = arith.addi %mul3A_2, %add3A_1833 : i32
    %dma_start3A_1835 = arith.constant 0 : i32
    %dma_start3A_1836 = tpu.memref_slice %arg9[%mul3A_1832, %dma_start3A_1835] : memref<64x128xf32, #tpu.memory_space<vmem>> -> memref<32x128xf32, #tpu.memory_space<vmem>>
    %dma_start3A_1837 = arith.constant 0 : i32
    %dma_start3A_1838 = tpu.memref_slice %arg6[%add3A_1834, %dma_start3A_1837] : memref<315392x128xf32, #tpu.memory_space<hbm>> -> memref<32x128xf32, #tpu.memory_space<hbm>>
    %dma_start3A_1839 = arith.constant 0 : i32
    %dma_start3A_1840 = tpu.memref_slice %arg6[%add3A_1834, %dma_start3A_1839] : memref<315392x128xf32, #tpu.memory_space<hbm>> -> memref<32x128xf32, #tpu.memory_space<hbm>>
    %dma_start3A_1841 = arith.constant 0 : i32
    %dma_start3A_1842 = tpu.memref_slice %arg9[%mul3A_1832, %dma_start3A_1841] : memref<64x128xf32, #tpu.memory_space<vmem>> -> memref<32x128xf32, #tpu.memory_space<vmem>>
    tpu.enqueue_dma source(%dma_start3A_1842 : memref<32x128xf32, #tpu.memory_space<vmem>>) target(%dma_start3A_1840 : memref<32x128xf32, #tpu.memory_space<hbm>>) target_semaphore(%arg14 : memref<!tpu.dma_semaphore, #tpu.memory_space<semaphore_mem>>)
    %dma_wait3A_1843 = arith.constant 0 : i32
    %dma_wait3A_1844 = tpu.memref_slice %arg9[%mul3A_1456, %dma_wait3A_1843] : memref<64x128xf32, #tpu.memory_space<vmem>> -> memref<32x128xf32, #tpu.memory_space<vmem>>
    %dma_wait3A_1845 = arith.constant 0 : i32
    %dma_wait3A_1846 = tpu.memref_slice %arg6[%add3A_1458, %dma_wait3A_1845] : memref<315392x128xf32, #tpu.memory_space<hbm>> -> memref<32x128xf32, #tpu.memory_space<hbm>>
    %dma_wait3A_1847 = arith.constant 0 : i32
    %dma_wait3A_1848 = tpu.memref_slice %arg6[%add3A_1458, %dma_wait3A_1847] : memref<315392x128xf32, #tpu.memory_space<hbm>> -> memref<32x128xf32, #tpu.memory_space<hbm>>
    %dma_wait3A_1849 = arith.constant 0 : i32
    %dma_wait3A_1850 = tpu.memref_slice %arg9[%mul3A_1456, %dma_wait3A_1849] : memref<64x128xf32, #tpu.memory_space<vmem>> -> memref<32x128xf32, #tpu.memory_space<vmem>>
    tpu.wait_dma2 semaphore(%arg14 : memref<!tpu.dma_semaphore, #tpu.memory_space<semaphore_mem>>) src(%dma_wait3A_1850 : memref<32x128xf32, #tpu.memory_space<vmem>>) dst(%dma_wait3A_1848 : memref<32x128xf32, #tpu.memory_space<hbm>>)
    %add3A_1851 = arith.constant 1280 : i32
    %add3A_1852 = arith.addi %mul3A_2, %add3A_1851 : i32
    %jit3A_1853 = arith.constant 4096 : i32
    %div3A_1854 = arith.divsi %add3A_1852, %jit3A_1853 : i32
    %sign3A_1855 = arith.constant 0 : i32
    %sign3A_1856 = arith.cmpi sgt, %add3A_1852, %sign3A_1855 : i32
    %sign3A_1857 = arith.extui %sign3A_1856 : i1 to i32
    %sign3A_1858 = arith.constant 0 : i32
    %sign3A_1859 = arith.cmpi slt, %add3A_1852, %sign3A_1858 : i32
    %sign3A_1860 = arith.extui %sign3A_1859 : i1 to i32
    %sign3A_1861 = arith.subi %sign3A_1857, %sign3A_1860 : i32
    %sign3A_1862 = arith.constant 0 : i32
    %sign3A_1863 = arith.cmpi sgt, %jit3A_1853, %sign3A_1862 : i32
    %sign3A_1864 = arith.extui %sign3A_1863 : i1 to i32
    %sign3A_1865 = arith.constant 0 : i32
    %sign3A_1866 = arith.cmpi slt, %jit3A_1853, %sign3A_1865 : i32
    %sign3A_1867 = arith.extui %sign3A_1866 : i1 to i32
    %sign3A_1868 = arith.subi %sign3A_1864, %sign3A_1867 : i32
    %ne3A_1869 = arith.cmpi ne, %sign3A_1861, %sign3A_1868 : i32
    %rem3A_1870 = arith.remsi %add3A_1852, %jit3A_1853 : i32
    %ne3A_1871 = arith.constant 0 : i32
    %ne3A_1872 = arith.cmpi ne, %rem3A_1870, %ne3A_1871 : i32
    %and3A_1873 = arith.andi %ne3A_1869, %ne3A_1872 : i1
    %sub3A_1874 = arith.constant 1 : i32
    %sub3A_1875 = arith.subi %div3A_1854, %sub3A_1874 : i32
    %select_n3A_1876 = arith.select %and3A_1873, %sub3A_1875, %div3A_1854 : i32
    %sub3A_1877 = arith.subi %select_n3A_1876, %select_n3A : i32
    %mul3A_1878 = arith.constant 32 : i32
    %mul3A_1879 = arith.muli %sub3A_1877, %mul3A_1878 : i32
    %add3A_1880 = arith.constant 1280 : i32
    %add3A_1881 = arith.addi %mul3A_2, %add3A_1880 : i32
    %dma_start3A_1882 = arith.constant 0 : i32
    %dma_start3A_1883 = tpu.memref_slice %arg9[%mul3A_1879, %dma_start3A_1882] : memref<64x128xf32, #tpu.memory_space<vmem>> -> memref<32x128xf32, #tpu.memory_space<vmem>>
    %dma_start3A_1884 = arith.constant 0 : i32
    %dma_start3A_1885 = tpu.memref_slice %arg6[%add3A_1881, %dma_start3A_1884] : memref<315392x128xf32, #tpu.memory_space<hbm>> -> memref<32x128xf32, #tpu.memory_space<hbm>>
    %dma_start3A_1886 = arith.constant 0 : i32
    %dma_start3A_1887 = tpu.memref_slice %arg6[%add3A_1881, %dma_start3A_1886] : memref<315392x128xf32, #tpu.memory_space<hbm>> -> memref<32x128xf32, #tpu.memory_space<hbm>>
    %dma_start3A_1888 = arith.constant 0 : i32
    %dma_start3A_1889 = tpu.memref_slice %arg9[%mul3A_1879, %dma_start3A_1888] : memref<64x128xf32, #tpu.memory_space<vmem>> -> memref<32x128xf32, #tpu.memory_space<vmem>>
    tpu.enqueue_dma source(%dma_start3A_1889 : memref<32x128xf32, #tpu.memory_space<vmem>>) target(%dma_start3A_1887 : memref<32x128xf32, #tpu.memory_space<hbm>>) target_semaphore(%arg14 : memref<!tpu.dma_semaphore, #tpu.memory_space<semaphore_mem>>)
    %dma_wait3A_1890 = arith.constant 0 : i32
    %dma_wait3A_1891 = tpu.memref_slice %arg9[%mul3A_1503, %dma_wait3A_1890] : memref<64x128xf32, #tpu.memory_space<vmem>> -> memref<32x128xf32, #tpu.memory_space<vmem>>
    %dma_wait3A_1892 = arith.constant 0 : i32
    %dma_wait3A_1893 = tpu.memref_slice %arg6[%add3A_1505, %dma_wait3A_1892] : memref<315392x128xf32, #tpu.memory_space<hbm>> -> memref<32x128xf32, #tpu.memory_space<hbm>>
    %dma_wait3A_1894 = arith.constant 0 : i32
    %dma_wait3A_1895 = tpu.memref_slice %arg6[%add3A_1505, %dma_wait3A_1894] : memref<315392x128xf32, #tpu.memory_space<hbm>> -> memref<32x128xf32, #tpu.memory_space<hbm>>
    %dma_wait3A_1896 = arith.constant 0 : i32
    %dma_wait3A_1897 = tpu.memref_slice %arg9[%mul3A_1503, %dma_wait3A_1896] : memref<64x128xf32, #tpu.memory_space<vmem>> -> memref<32x128xf32, #tpu.memory_space<vmem>>
    tpu.wait_dma2 semaphore(%arg14 : memref<!tpu.dma_semaphore, #tpu.memory_space<semaphore_mem>>) src(%dma_wait3A_1897 : memref<32x128xf32, #tpu.memory_space<vmem>>) dst(%dma_wait3A_1895 : memref<32x128xf32, #tpu.memory_space<hbm>>)
    %add3A_1898 = arith.constant 1312 : i32
    %add3A_1899 = arith.addi %mul3A_2, %add3A_1898 : i32
    %jit3A_1900 = arith.constant 4096 : i32
    %div3A_1901 = arith.divsi %add3A_1899, %jit3A_1900 : i32
    %sign3A_1902 = arith.constant 0 : i32
    %sign3A_1903 = arith.cmpi sgt, %add3A_1899, %sign3A_1902 : i32
    %sign3A_1904 = arith.extui %sign3A_1903 : i1 to i32
    %sign3A_1905 = arith.constant 0 : i32
    %sign3A_1906 = arith.cmpi slt, %add3A_1899, %sign3A_1905 : i32
    %sign3A_1907 = arith.extui %sign3A_1906 : i1 to i32
    %sign3A_1908 = arith.subi %sign3A_1904, %sign3A_1907 : i32
    %sign3A_1909 = arith.constant 0 : i32
    %sign3A_1910 = arith.cmpi sgt, %jit3A_1900, %sign3A_1909 : i32
    %sign3A_1911 = arith.extui %sign3A_1910 : i1 to i32
    %sign3A_1912 = arith.constant 0 : i32
    %sign3A_1913 = arith.cmpi slt, %jit3A_1900, %sign3A_1912 : i32
    %sign3A_1914 = arith.extui %sign3A_1913 : i1 to i32
    %sign3A_1915 = arith.subi %sign3A_1911, %sign3A_1914 : i32
    %ne3A_1916 = arith.cmpi ne, %sign3A_1908, %sign3A_1915 : i32
    %rem3A_1917 = arith.remsi %add3A_1899, %jit3A_1900 : i32
    %ne3A_1918 = arith.constant 0 : i32
    %ne3A_1919 = arith.cmpi ne, %rem3A_1917, %ne3A_1918 : i32
    %and3A_1920 = arith.andi %ne3A_1916, %ne3A_1919 : i1
    %sub3A_1921 = arith.constant 1 : i32
    %sub3A_1922 = arith.subi %div3A_1901, %sub3A_1921 : i32
    %select_n3A_1923 = arith.select %and3A_1920, %sub3A_1922, %div3A_1901 : i32
    %sub3A_1924 = arith.subi %select_n3A_1923, %select_n3A : i32
    %mul3A_1925 = arith.constant 32 : i32
    %mul3A_1926 = arith.muli %sub3A_1924, %mul3A_1925 : i32
    %add3A_1927 = arith.constant 1312 : i32
    %add3A_1928 = arith.addi %mul3A_2, %add3A_1927 : i32
    %dma_start3A_1929 = arith.constant 0 : i32
    %dma_start3A_1930 = tpu.memref_slice %arg9[%mul3A_1926, %dma_start3A_1929] : memref<64x128xf32, #tpu.memory_space<vmem>> -> memref<32x128xf32, #tpu.memory_space<vmem>>
    %dma_start3A_1931 = arith.constant 0 : i32
    %dma_start3A_1932 = tpu.memref_slice %arg6[%add3A_1928, %dma_start3A_1931] : memref<315392x128xf32, #tpu.memory_space<hbm>> -> memref<32x128xf32, #tpu.memory_space<hbm>>
    %dma_start3A_1933 = arith.constant 0 : i32
    %dma_start3A_1934 = tpu.memref_slice %arg6[%add3A_1928, %dma_start3A_1933] : memref<315392x128xf32, #tpu.memory_space<hbm>> -> memref<32x128xf32, #tpu.memory_space<hbm>>
    %dma_start3A_1935 = arith.constant 0 : i32
    %dma_start3A_1936 = tpu.memref_slice %arg9[%mul3A_1926, %dma_start3A_1935] : memref<64x128xf32, #tpu.memory_space<vmem>> -> memref<32x128xf32, #tpu.memory_space<vmem>>
    tpu.enqueue_dma source(%dma_start3A_1936 : memref<32x128xf32, #tpu.memory_space<vmem>>) target(%dma_start3A_1934 : memref<32x128xf32, #tpu.memory_space<hbm>>) target_semaphore(%arg14 : memref<!tpu.dma_semaphore, #tpu.memory_space<semaphore_mem>>)
    %dma_wait3A_1937 = arith.constant 0 : i32
    %dma_wait3A_1938 = tpu.memref_slice %arg9[%mul3A_1550, %dma_wait3A_1937] : memref<64x128xf32, #tpu.memory_space<vmem>> -> memref<32x128xf32, #tpu.memory_space<vmem>>
    %dma_wait3A_1939 = arith.constant 0 : i32
    %dma_wait3A_1940 = tpu.memref_slice %arg6[%add3A_1552, %dma_wait3A_1939] : memref<315392x128xf32, #tpu.memory_space<hbm>> -> memref<32x128xf32, #tpu.memory_space<hbm>>
    %dma_wait3A_1941 = arith.constant 0 : i32
    %dma_wait3A_1942 = tpu.memref_slice %arg6[%add3A_1552, %dma_wait3A_1941] : memref<315392x128xf32, #tpu.memory_space<hbm>> -> memref<32x128xf32, #tpu.memory_space<hbm>>
    %dma_wait3A_1943 = arith.constant 0 : i32
    %dma_wait3A_1944 = tpu.memref_slice %arg9[%mul3A_1550, %dma_wait3A_1943] : memref<64x128xf32, #tpu.memory_space<vmem>> -> memref<32x128xf32, #tpu.memory_space<vmem>>
    tpu.wait_dma2 semaphore(%arg14 : memref<!tpu.dma_semaphore, #tpu.memory_space<semaphore_mem>>) src(%dma_wait3A_1944 : memref<32x128xf32, #tpu.memory_space<vmem>>) dst(%dma_wait3A_1942 : memref<32x128xf32, #tpu.memory_space<hbm>>)
    %add3A_1945 = arith.constant 1344 : i32
    %add3A_1946 = arith.addi %mul3A_2, %add3A_1945 : i32
    %jit3A_1947 = arith.constant 4096 : i32
    %div3A_1948 = arith.divsi %add3A_1946, %jit3A_1947 : i32
    %sign3A_1949 = arith.constant 0 : i32
    %sign3A_1950 = arith.cmpi sgt, %add3A_1946, %sign3A_1949 : i32
    %sign3A_1951 = arith.extui %sign3A_1950 : i1 to i32
    %sign3A_1952 = arith.constant 0 : i32
    %sign3A_1953 = arith.cmpi slt, %add3A_1946, %sign3A_1952 : i32
    %sign3A_1954 = arith.extui %sign3A_1953 : i1 to i32
    %sign3A_1955 = arith.subi %sign3A_1951, %sign3A_1954 : i32
    %sign3A_1956 = arith.constant 0 : i32
    %sign3A_1957 = arith.cmpi sgt, %jit3A_1947, %sign3A_1956 : i32
    %sign3A_1958 = arith.extui %sign3A_1957 : i1 to i32
    %sign3A_1959 = arith.constant 0 : i32
    %sign3A_1960 = arith.cmpi slt, %jit3A_1947, %sign3A_1959 : i32
    %sign3A_1961 = arith.extui %sign3A_1960 : i1 to i32
    %sign3A_1962 = arith.subi %sign3A_1958, %sign3A_1961 : i32
    %ne3A_1963 = arith.cmpi ne, %sign3A_1955, %sign3A_1962 : i32
    %rem3A_1964 = arith.remsi %add3A_1946, %jit3A_1947 : i32
    %ne3A_1965 = arith.constant 0 : i32
    %ne3A_1966 = arith.cmpi ne, %rem3A_1964, %ne3A_1965 : i32
    %and3A_1967 = arith.andi %ne3A_1963, %ne3A_1966 : i1
    %sub3A_1968 = arith.constant 1 : i32
    %sub3A_1969 = arith.subi %div3A_1948, %sub3A_1968 : i32
    %select_n3A_1970 = arith.select %and3A_1967, %sub3A_1969, %div3A_1948 : i32
    %sub3A_1971 = arith.subi %select_n3A_1970, %select_n3A : i32
    %mul3A_1972 = arith.constant 32 : i32
    %mul3A_1973 = arith.muli %sub3A_1971, %mul3A_1972 : i32
    %add3A_1974 = arith.constant 1344 : i32
    %add3A_1975 = arith.addi %mul3A_2, %add3A_1974 : i32
    %dma_start3A_1976 = arith.constant 0 : i32
    %dma_start3A_1977 = tpu.memref_slice %arg9[%mul3A_1973, %dma_start3A_1976] : memref<64x128xf32, #tpu.memory_space<vmem>> -> memref<32x128xf32, #tpu.memory_space<vmem>>
    %dma_start3A_1978 = arith.constant 0 : i32
    %dma_start3A_1979 = tpu.memref_slice %arg6[%add3A_1975, %dma_start3A_1978] : memref<315392x128xf32, #tpu.memory_space<hbm>> -> memref<32x128xf32, #tpu.memory_space<hbm>>
    %dma_start3A_1980 = arith.constant 0 : i32
    %dma_start3A_1981 = tpu.memref_slice %arg6[%add3A_1975, %dma_start3A_1980] : memref<315392x128xf32, #tpu.memory_space<hbm>> -> memref<32x128xf32, #tpu.memory_space<hbm>>
    %dma_start3A_1982 = arith.constant 0 : i32
    %dma_start3A_1983 = tpu.memref_slice %arg9[%mul3A_1973, %dma_start3A_1982] : memref<64x128xf32, #tpu.memory_space<vmem>> -> memref<32x128xf32, #tpu.memory_space<vmem>>
    tpu.enqueue_dma source(%dma_start3A_1983 : memref<32x128xf32, #tpu.memory_space<vmem>>) target(%dma_start3A_1981 : memref<32x128xf32, #tpu.memory_space<hbm>>) target_semaphore(%arg14 : memref<!tpu.dma_semaphore, #tpu.memory_space<semaphore_mem>>)
    %dma_wait3A_1984 = arith.constant 0 : i32
    %dma_wait3A_1985 = tpu.memref_slice %arg9[%mul3A_1597, %dma_wait3A_1984] : memref<64x128xf32, #tpu.memory_space<vmem>> -> memref<32x128xf32, #tpu.memory_space<vmem>>
    %dma_wait3A_1986 = arith.constant 0 : i32
    %dma_wait3A_1987 = tpu.memref_slice %arg6[%add3A_1599, %dma_wait3A_1986] : memref<315392x128xf32, #tpu.memory_space<hbm>> -> memref<32x128xf32, #tpu.memory_space<hbm>>
    %dma_wait3A_1988 = arith.constant 0 : i32
    %dma_wait3A_1989 = tpu.memref_slice %arg6[%add3A_1599, %dma_wait3A_1988] : memref<315392x128xf32, #tpu.memory_space<hbm>> -> memref<32x128xf32, #tpu.memory_space<hbm>>
    %dma_wait3A_1990 = arith.constant 0 : i32
    %dma_wait3A_1991 = tpu.memref_slice %arg9[%mul3A_1597, %dma_wait3A_1990] : memref<64x128xf32, #tpu.memory_space<vmem>> -> memref<32x128xf32, #tpu.memory_space<vmem>>
    tpu.wait_dma2 semaphore(%arg14 : memref<!tpu.dma_semaphore, #tpu.memory_space<semaphore_mem>>) src(%dma_wait3A_1991 : memref<32x128xf32, #tpu.memory_space<vmem>>) dst(%dma_wait3A_1989 : memref<32x128xf32, #tpu.memory_space<hbm>>)
    %add3A_1992 = arith.constant 1376 : i32
    %add3A_1993 = arith.addi %mul3A_2, %add3A_1992 : i32
    %jit3A_1994 = arith.constant 4096 : i32
    %div3A_1995 = arith.divsi %add3A_1993, %jit3A_1994 : i32
    %sign3A_1996 = arith.constant 0 : i32
    %sign3A_1997 = arith.cmpi sgt, %add3A_1993, %sign3A_1996 : i32
    %sign3A_1998 = arith.extui %sign3A_1997 : i1 to i32
    %sign3A_1999 = arith.constant 0 : i32
    %sign3A_2000 = arith.cmpi slt, %add3A_1993, %sign3A_1999 : i32
    %sign3A_2001 = arith.extui %sign3A_2000 : i1 to i32
    %sign3A_2002 = arith.subi %sign3A_1998, %sign3A_2001 : i32
    %sign3A_2003 = arith.constant 0 : i32
    %sign3A_2004 = arith.cmpi sgt, %jit3A_1994, %sign3A_2003 : i32
    %sign3A_2005 = arith.extui %sign3A_2004 : i1 to i32
    %sign3A_2006 = arith.constant 0 : i32
    %sign3A_2007 = arith.cmpi slt, %jit3A_1994, %sign3A_2006 : i32
    %sign3A_2008 = arith.extui %sign3A_2007 : i1 to i32
    %sign3A_2009 = arith.subi %sign3A_2005, %sign3A_2008 : i32
    %ne3A_2010 = arith.cmpi ne, %sign3A_2002, %sign3A_2009 : i32
    %rem3A_2011 = arith.remsi %add3A_1993, %jit3A_1994 : i32
    %ne3A_2012 = arith.constant 0 : i32
    %ne3A_2013 = arith.cmpi ne, %rem3A_2011, %ne3A_2012 : i32
    %and3A_2014 = arith.andi %ne3A_2010, %ne3A_2013 : i1
    %sub3A_2015 = arith.constant 1 : i32
    %sub3A_2016 = arith.subi %div3A_1995, %sub3A_2015 : i32
    %select_n3A_2017 = arith.select %and3A_2014, %sub3A_2016, %div3A_1995 : i32
    %sub3A_2018 = arith.subi %select_n3A_2017, %select_n3A : i32
    %mul3A_2019 = arith.constant 32 : i32
    %mul3A_2020 = arith.muli %sub3A_2018, %mul3A_2019 : i32
    %add3A_2021 = arith.constant 1376 : i32
    %add3A_2022 = arith.addi %mul3A_2, %add3A_2021 : i32
    %dma_start3A_2023 = arith.constant 0 : i32
    %dma_start3A_2024 = tpu.memref_slice %arg9[%mul3A_2020, %dma_start3A_2023] : memref<64x128xf32, #tpu.memory_space<vmem>> -> memref<32x128xf32, #tpu.memory_space<vmem>>
    %dma_start3A_2025 = arith.constant 0 : i32
    %dma_start3A_2026 = tpu.memref_slice %arg6[%add3A_2022, %dma_start3A_2025] : memref<315392x128xf32, #tpu.memory_space<hbm>> -> memref<32x128xf32, #tpu.memory_space<hbm>>
    %dma_start3A_2027 = arith.constant 0 : i32
    %dma_start3A_2028 = tpu.memref_slice %arg6[%add3A_2022, %dma_start3A_2027] : memref<315392x128xf32, #tpu.memory_space<hbm>> -> memref<32x128xf32, #tpu.memory_space<hbm>>
    %dma_start3A_2029 = arith.constant 0 : i32
    %dma_start3A_2030 = tpu.memref_slice %arg9[%mul3A_2020, %dma_start3A_2029] : memref<64x128xf32, #tpu.memory_space<vmem>> -> memref<32x128xf32, #tpu.memory_space<vmem>>
    tpu.enqueue_dma source(%dma_start3A_2030 : memref<32x128xf32, #tpu.memory_space<vmem>>) target(%dma_start3A_2028 : memref<32x128xf32, #tpu.memory_space<hbm>>) target_semaphore(%arg14 : memref<!tpu.dma_semaphore, #tpu.memory_space<semaphore_mem>>)
    %dma_wait3A_2031 = arith.constant 0 : i32
    %dma_wait3A_2032 = tpu.memref_slice %arg9[%mul3A_1644, %dma_wait3A_2031] : memref<64x128xf32, #tpu.memory_space<vmem>> -> memref<32x128xf32, #tpu.memory_space<vmem>>
    %dma_wait3A_2033 = arith.constant 0 : i32
    %dma_wait3A_2034 = tpu.memref_slice %arg6[%add3A_1646, %dma_wait3A_2033] : memref<315392x128xf32, #tpu.memory_space<hbm>> -> memref<32x128xf32, #tpu.memory_space<hbm>>
    %dma_wait3A_2035 = arith.constant 0 : i32
    %dma_wait3A_2036 = tpu.memref_slice %arg6[%add3A_1646, %dma_wait3A_2035] : memref<315392x128xf32, #tpu.memory_space<hbm>> -> memref<32x128xf32, #tpu.memory_space<hbm>>
    %dma_wait3A_2037 = arith.constant 0 : i32
    %dma_wait3A_2038 = tpu.memref_slice %arg9[%mul3A_1644, %dma_wait3A_2037] : memref<64x128xf32, #tpu.memory_space<vmem>> -> memref<32x128xf32, #tpu.memory_space<vmem>>
    tpu.wait_dma2 semaphore(%arg14 : memref<!tpu.dma_semaphore, #tpu.memory_space<semaphore_mem>>) src(%dma_wait3A_2038 : memref<32x128xf32, #tpu.memory_space<vmem>>) dst(%dma_wait3A_2036 : memref<32x128xf32, #tpu.memory_space<hbm>>)
    %add3A_2039 = arith.constant 1408 : i32
    %add3A_2040 = arith.addi %mul3A_2, %add3A_2039 : i32
    %jit3A_2041 = arith.constant 4096 : i32
    %div3A_2042 = arith.divsi %add3A_2040, %jit3A_2041 : i32
    %sign3A_2043 = arith.constant 0 : i32
    %sign3A_2044 = arith.cmpi sgt, %add3A_2040, %sign3A_2043 : i32
    %sign3A_2045 = arith.extui %sign3A_2044 : i1 to i32
    %sign3A_2046 = arith.constant 0 : i32
    %sign3A_2047 = arith.cmpi slt, %add3A_2040, %sign3A_2046 : i32
    %sign3A_2048 = arith.extui %sign3A_2047 : i1 to i32
    %sign3A_2049 = arith.subi %sign3A_2045, %sign3A_2048 : i32
    %sign3A_2050 = arith.constant 0 : i32
    %sign3A_2051 = arith.cmpi sgt, %jit3A_2041, %sign3A_2050 : i32
    %sign3A_2052 = arith.extui %sign3A_2051 : i1 to i32
    %sign3A_2053 = arith.constant 0 : i32
    %sign3A_2054 = arith.cmpi slt, %jit3A_2041, %sign3A_2053 : i32
    %sign3A_2055 = arith.extui %sign3A_2054 : i1 to i32
    %sign3A_2056 = arith.subi %sign3A_2052, %sign3A_2055 : i32
    %ne3A_2057 = arith.cmpi ne, %sign3A_2049, %sign3A_2056 : i32
    %rem3A_2058 = arith.remsi %add3A_2040, %jit3A_2041 : i32
    %ne3A_2059 = arith.constant 0 : i32
    %ne3A_2060 = arith.cmpi ne, %rem3A_2058, %ne3A_2059 : i32
    %and3A_2061 = arith.andi %ne3A_2057, %ne3A_2060 : i1
    %sub3A_2062 = arith.constant 1 : i32
    %sub3A_2063 = arith.subi %div3A_2042, %sub3A_2062 : i32
    %select_n3A_2064 = arith.select %and3A_2061, %sub3A_2063, %div3A_2042 : i32
    %sub3A_2065 = arith.subi %select_n3A_2064, %select_n3A : i32
    %mul3A_2066 = arith.constant 32 : i32
    %mul3A_2067 = arith.muli %sub3A_2065, %mul3A_2066 : i32
    %add3A_2068 = arith.constant 1408 : i32
    %add3A_2069 = arith.addi %mul3A_2, %add3A_2068 : i32
    %dma_start3A_2070 = arith.constant 0 : i32
    %dma_start3A_2071 = tpu.memref_slice %arg9[%mul3A_2067, %dma_start3A_2070] : memref<64x128xf32, #tpu.memory_space<vmem>> -> memref<32x128xf32, #tpu.memory_space<vmem>>
    %dma_start3A_2072 = arith.constant 0 : i32
    %dma_start3A_2073 = tpu.memref_slice %arg6[%add3A_2069, %dma_start3A_2072] : memref<315392x128xf32, #tpu.memory_space<hbm>> -> memref<32x128xf32, #tpu.memory_space<hbm>>
    %dma_start3A_2074 = arith.constant 0 : i32
    %dma_start3A_2075 = tpu.memref_slice %arg6[%add3A_2069, %dma_start3A_2074] : memref<315392x128xf32, #tpu.memory_space<hbm>> -> memref<32x128xf32, #tpu.memory_space<hbm>>
    %dma_start3A_2076 = arith.constant 0 : i32
    %dma_start3A_2077 = tpu.memref_slice %arg9[%mul3A_2067, %dma_start3A_2076] : memref<64x128xf32, #tpu.memory_space<vmem>> -> memref<32x128xf32, #tpu.memory_space<vmem>>
    tpu.enqueue_dma source(%dma_start3A_2077 : memref<32x128xf32, #tpu.memory_space<vmem>>) target(%dma_start3A_2075 : memref<32x128xf32, #tpu.memory_space<hbm>>) target_semaphore(%arg14 : memref<!tpu.dma_semaphore, #tpu.memory_space<semaphore_mem>>)
    %dma_wait3A_2078 = arith.constant 0 : i32
    %dma_wait3A_2079 = tpu.memref_slice %arg9[%mul3A_1691, %dma_wait3A_2078] : memref<64x128xf32, #tpu.memory_space<vmem>> -> memref<32x128xf32, #tpu.memory_space<vmem>>
    %dma_wait3A_2080 = arith.constant 0 : i32
    %dma_wait3A_2081 = tpu.memref_slice %arg6[%add3A_1693, %dma_wait3A_2080] : memref<315392x128xf32, #tpu.memory_space<hbm>> -> memref<32x128xf32, #tpu.memory_space<hbm>>
    %dma_wait3A_2082 = arith.constant 0 : i32
    %dma_wait3A_2083 = tpu.memref_slice %arg6[%add3A_1693, %dma_wait3A_2082] : memref<315392x128xf32, #tpu.memory_space<hbm>> -> memref<32x128xf32, #tpu.memory_space<hbm>>
    %dma_wait3A_2084 = arith.constant 0 : i32
    %dma_wait3A_2085 = tpu.memref_slice %arg9[%mul3A_1691, %dma_wait3A_2084] : memref<64x128xf32, #tpu.memory_space<vmem>> -> memref<32x128xf32, #tpu.memory_space<vmem>>
    tpu.wait_dma2 semaphore(%arg14 : memref<!tpu.dma_semaphore, #tpu.memory_space<semaphore_mem>>) src(%dma_wait3A_2085 : memref<32x128xf32, #tpu.memory_space<vmem>>) dst(%dma_wait3A_2083 : memref<32x128xf32, #tpu.memory_space<hbm>>)
    %add3A_2086 = arith.constant 1440 : i32
    %add3A_2087 = arith.addi %mul3A_2, %add3A_2086 : i32
    %jit3A_2088 = arith.constant 4096 : i32
    %div3A_2089 = arith.divsi %add3A_2087, %jit3A_2088 : i32
    %sign3A_2090 = arith.constant 0 : i32
    %sign3A_2091 = arith.cmpi sgt, %add3A_2087, %sign3A_2090 : i32
    %sign3A_2092 = arith.extui %sign3A_2091 : i1 to i32
    %sign3A_2093 = arith.constant 0 : i32
    %sign3A_2094 = arith.cmpi slt, %add3A_2087, %sign3A_2093 : i32
    %sign3A_2095 = arith.extui %sign3A_2094 : i1 to i32
    %sign3A_2096 = arith.subi %sign3A_2092, %sign3A_2095 : i32
    %sign3A_2097 = arith.constant 0 : i32
    %sign3A_2098 = arith.cmpi sgt, %jit3A_2088, %sign3A_2097 : i32
    %sign3A_2099 = arith.extui %sign3A_2098 : i1 to i32
    %sign3A_2100 = arith.constant 0 : i32
    %sign3A_2101 = arith.cmpi slt, %jit3A_2088, %sign3A_2100 : i32
    %sign3A_2102 = arith.extui %sign3A_2101 : i1 to i32
    %sign3A_2103 = arith.subi %sign3A_2099, %sign3A_2102 : i32
    %ne3A_2104 = arith.cmpi ne, %sign3A_2096, %sign3A_2103 : i32
    %rem3A_2105 = arith.remsi %add3A_2087, %jit3A_2088 : i32
    %ne3A_2106 = arith.constant 0 : i32
    %ne3A_2107 = arith.cmpi ne, %rem3A_2105, %ne3A_2106 : i32
    %and3A_2108 = arith.andi %ne3A_2104, %ne3A_2107 : i1
    %sub3A_2109 = arith.constant 1 : i32
    %sub3A_2110 = arith.subi %div3A_2089, %sub3A_2109 : i32
    %select_n3A_2111 = arith.select %and3A_2108, %sub3A_2110, %div3A_2089 : i32
    %sub3A_2112 = arith.subi %select_n3A_2111, %select_n3A : i32
    %mul3A_2113 = arith.constant 32 : i32
    %mul3A_2114 = arith.muli %sub3A_2112, %mul3A_2113 : i32
    %add3A_2115 = arith.constant 1440 : i32
    %add3A_2116 = arith.addi %mul3A_2, %add3A_2115 : i32
    %dma_start3A_2117 = arith.constant 0 : i32
    %dma_start3A_2118 = tpu.memref_slice %arg9[%mul3A_2114, %dma_start3A_2117] : memref<64x128xf32, #tpu.memory_space<vmem>> -> memref<32x128xf32, #tpu.memory_space<vmem>>
    %dma_start3A_2119 = arith.constant 0 : i32
    %dma_start3A_2120 = tpu.memref_slice %arg6[%add3A_2116, %dma_start3A_2119] : memref<315392x128xf32, #tpu.memory_space<hbm>> -> memref<32x128xf32, #tpu.memory_space<hbm>>
    %dma_start3A_2121 = arith.constant 0 : i32
    %dma_start3A_2122 = tpu.memref_slice %arg6[%add3A_2116, %dma_start3A_2121] : memref<315392x128xf32, #tpu.memory_space<hbm>> -> memref<32x128xf32, #tpu.memory_space<hbm>>
    %dma_start3A_2123 = arith.constant 0 : i32
    %dma_start3A_2124 = tpu.memref_slice %arg9[%mul3A_2114, %dma_start3A_2123] : memref<64x128xf32, #tpu.memory_space<vmem>> -> memref<32x128xf32, #tpu.memory_space<vmem>>
    tpu.enqueue_dma source(%dma_start3A_2124 : memref<32x128xf32, #tpu.memory_space<vmem>>) target(%dma_start3A_2122 : memref<32x128xf32, #tpu.memory_space<hbm>>) target_semaphore(%arg14 : memref<!tpu.dma_semaphore, #tpu.memory_space<semaphore_mem>>)
    %dma_wait3A_2125 = arith.constant 0 : i32
    %dma_wait3A_2126 = tpu.memref_slice %arg9[%mul3A_1738, %dma_wait3A_2125] : memref<64x128xf32, #tpu.memory_space<vmem>> -> memref<32x128xf32, #tpu.memory_space<vmem>>
    %dma_wait3A_2127 = arith.constant 0 : i32
    %dma_wait3A_2128 = tpu.memref_slice %arg6[%add3A_1740, %dma_wait3A_2127] : memref<315392x128xf32, #tpu.memory_space<hbm>> -> memref<32x128xf32, #tpu.memory_space<hbm>>
    %dma_wait3A_2129 = arith.constant 0 : i32
    %dma_wait3A_2130 = tpu.memref_slice %arg6[%add3A_1740, %dma_wait3A_2129] : memref<315392x128xf32, #tpu.memory_space<hbm>> -> memref<32x128xf32, #tpu.memory_space<hbm>>
    %dma_wait3A_2131 = arith.constant 0 : i32
    %dma_wait3A_2132 = tpu.memref_slice %arg9[%mul3A_1738, %dma_wait3A_2131] : memref<64x128xf32, #tpu.memory_space<vmem>> -> memref<32x128xf32, #tpu.memory_space<vmem>>
    tpu.wait_dma2 semaphore(%arg14 : memref<!tpu.dma_semaphore, #tpu.memory_space<semaphore_mem>>) src(%dma_wait3A_2132 : memref<32x128xf32, #tpu.memory_space<vmem>>) dst(%dma_wait3A_2130 : memref<32x128xf32, #tpu.memory_space<hbm>>)
    %add3A_2133 = arith.constant 1472 : i32
    %add3A_2134 = arith.addi %mul3A_2, %add3A_2133 : i32
    %jit3A_2135 = arith.constant 4096 : i32
    %div3A_2136 = arith.divsi %add3A_2134, %jit3A_2135 : i32
    %sign3A_2137 = arith.constant 0 : i32
    %sign3A_2138 = arith.cmpi sgt, %add3A_2134, %sign3A_2137 : i32
    %sign3A_2139 = arith.extui %sign3A_2138 : i1 to i32
    %sign3A_2140 = arith.constant 0 : i32
    %sign3A_2141 = arith.cmpi slt, %add3A_2134, %sign3A_2140 : i32
    %sign3A_2142 = arith.extui %sign3A_2141 : i1 to i32
    %sign3A_2143 = arith.subi %sign3A_2139, %sign3A_2142 : i32
    %sign3A_2144 = arith.constant 0 : i32
    %sign3A_2145 = arith.cmpi sgt, %jit3A_2135, %sign3A_2144 : i32
    %sign3A_2146 = arith.extui %sign3A_2145 : i1 to i32
    %sign3A_2147 = arith.constant 0 : i32
    %sign3A_2148 = arith.cmpi slt, %jit3A_2135, %sign3A_2147 : i32
    %sign3A_2149 = arith.extui %sign3A_2148 : i1 to i32
    %sign3A_2150 = arith.subi %sign3A_2146, %sign3A_2149 : i32
    %ne3A_2151 = arith.cmpi ne, %sign3A_2143, %sign3A_2150 : i32
    %rem3A_2152 = arith.remsi %add3A_2134, %jit3A_2135 : i32
    %ne3A_2153 = arith.constant 0 : i32
    %ne3A_2154 = arith.cmpi ne, %rem3A_2152, %ne3A_2153 : i32
    %and3A_2155 = arith.andi %ne3A_2151, %ne3A_2154 : i1
    %sub3A_2156 = arith.constant 1 : i32
    %sub3A_2157 = arith.subi %div3A_2136, %sub3A_2156 : i32
    %select_n3A_2158 = arith.select %and3A_2155, %sub3A_2157, %div3A_2136 : i32
    %sub3A_2159 = arith.subi %select_n3A_2158, %select_n3A : i32
    %mul3A_2160 = arith.constant 32 : i32
    %mul3A_2161 = arith.muli %sub3A_2159, %mul3A_2160 : i32
    %add3A_2162 = arith.constant 1472 : i32
    %add3A_2163 = arith.addi %mul3A_2, %add3A_2162 : i32
    %dma_start3A_2164 = arith.constant 0 : i32
    %dma_start3A_2165 = tpu.memref_slice %arg9[%mul3A_2161, %dma_start3A_2164] : memref<64x128xf32, #tpu.memory_space<vmem>> -> memref<32x128xf32, #tpu.memory_space<vmem>>
    %dma_start3A_2166 = arith.constant 0 : i32
    %dma_start3A_2167 = tpu.memref_slice %arg6[%add3A_2163, %dma_start3A_2166] : memref<315392x128xf32, #tpu.memory_space<hbm>> -> memref<32x128xf32, #tpu.memory_space<hbm>>
    %dma_start3A_2168 = arith.constant 0 : i32
    %dma_start3A_2169 = tpu.memref_slice %arg6[%add3A_2163, %dma_start3A_2168] : memref<315392x128xf32, #tpu.memory_space<hbm>> -> memref<32x128xf32, #tpu.memory_space<hbm>>
    %dma_start3A_2170 = arith.constant 0 : i32
    %dma_start3A_2171 = tpu.memref_slice %arg9[%mul3A_2161, %dma_start3A_2170] : memref<64x128xf32, #tpu.memory_space<vmem>> -> memref<32x128xf32, #tpu.memory_space<vmem>>
    tpu.enqueue_dma source(%dma_start3A_2171 : memref<32x128xf32, #tpu.memory_space<vmem>>) target(%dma_start3A_2169 : memref<32x128xf32, #tpu.memory_space<hbm>>) target_semaphore(%arg14 : memref<!tpu.dma_semaphore, #tpu.memory_space<semaphore_mem>>)
    %dma_wait3A_2172 = arith.constant 0 : i32
    %dma_wait3A_2173 = tpu.memref_slice %arg9[%mul3A_1785, %dma_wait3A_2172] : memref<64x128xf32, #tpu.memory_space<vmem>> -> memref<32x128xf32, #tpu.memory_space<vmem>>
    %dma_wait3A_2174 = arith.constant 0 : i32
    %dma_wait3A_2175 = tpu.memref_slice %arg6[%add3A_1787, %dma_wait3A_2174] : memref<315392x128xf32, #tpu.memory_space<hbm>> -> memref<32x128xf32, #tpu.memory_space<hbm>>
    %dma_wait3A_2176 = arith.constant 0 : i32
    %dma_wait3A_2177 = tpu.memref_slice %arg6[%add3A_1787, %dma_wait3A_2176] : memref<315392x128xf32, #tpu.memory_space<hbm>> -> memref<32x128xf32, #tpu.memory_space<hbm>>
    %dma_wait3A_2178 = arith.constant 0 : i32
    %dma_wait3A_2179 = tpu.memref_slice %arg9[%mul3A_1785, %dma_wait3A_2178] : memref<64x128xf32, #tpu.memory_space<vmem>> -> memref<32x128xf32, #tpu.memory_space<vmem>>
    tpu.wait_dma2 semaphore(%arg14 : memref<!tpu.dma_semaphore, #tpu.memory_space<semaphore_mem>>) src(%dma_wait3A_2179 : memref<32x128xf32, #tpu.memory_space<vmem>>) dst(%dma_wait3A_2177 : memref<32x128xf32, #tpu.memory_space<hbm>>)
    %add3A_2180 = arith.constant 1504 : i32
    %add3A_2181 = arith.addi %mul3A_2, %add3A_2180 : i32
    %jit3A_2182 = arith.constant 4096 : i32
    %div3A_2183 = arith.divsi %add3A_2181, %jit3A_2182 : i32
    %sign3A_2184 = arith.constant 0 : i32
    %sign3A_2185 = arith.cmpi sgt, %add3A_2181, %sign3A_2184 : i32
    %sign3A_2186 = arith.extui %sign3A_2185 : i1 to i32
    %sign3A_2187 = arith.constant 0 : i32
    %sign3A_2188 = arith.cmpi slt, %add3A_2181, %sign3A_2187 : i32
    %sign3A_2189 = arith.extui %sign3A_2188 : i1 to i32
    %sign3A_2190 = arith.subi %sign3A_2186, %sign3A_2189 : i32
    %sign3A_2191 = arith.constant 0 : i32
    %sign3A_2192 = arith.cmpi sgt, %jit3A_2182, %sign3A_2191 : i32
    %sign3A_2193 = arith.extui %sign3A_2192 : i1 to i32
    %sign3A_2194 = arith.constant 0 : i32
    %sign3A_2195 = arith.cmpi slt, %jit3A_2182, %sign3A_2194 : i32
    %sign3A_2196 = arith.extui %sign3A_2195 : i1 to i32
    %sign3A_2197 = arith.subi %sign3A_2193, %sign3A_2196 : i32
    %ne3A_2198 = arith.cmpi ne, %sign3A_2190, %sign3A_2197 : i32
    %rem3A_2199 = arith.remsi %add3A_2181, %jit3A_2182 : i32
    %ne3A_2200 = arith.constant 0 : i32
    %ne3A_2201 = arith.cmpi ne, %rem3A_2199, %ne3A_2200 : i32
    %and3A_2202 = arith.andi %ne3A_2198, %ne3A_2201 : i1
    %sub3A_2203 = arith.constant 1 : i32
    %sub3A_2204 = arith.subi %div3A_2183, %sub3A_2203 : i32
    %select_n3A_2205 = arith.select %and3A_2202, %sub3A_2204, %div3A_2183 : i32
    %sub3A_2206 = arith.subi %select_n3A_2205, %select_n3A : i32
    %mul3A_2207 = arith.constant 32 : i32
    %mul3A_2208 = arith.muli %sub3A_2206, %mul3A_2207 : i32
    %add3A_2209 = arith.constant 1504 : i32
    %add3A_2210 = arith.addi %mul3A_2, %add3A_2209 : i32
    %dma_start3A_2211 = arith.constant 0 : i32
    %dma_start3A_2212 = tpu.memref_slice %arg9[%mul3A_2208, %dma_start3A_2211] : memref<64x128xf32, #tpu.memory_space<vmem>> -> memref<32x128xf32, #tpu.memory_space<vmem>>
    %dma_start3A_2213 = arith.constant 0 : i32
    %dma_start3A_2214 = tpu.memref_slice %arg6[%add3A_2210, %dma_start3A_2213] : memref<315392x128xf32, #tpu.memory_space<hbm>> -> memref<32x128xf32, #tpu.memory_space<hbm>>
    %dma_start3A_2215 = arith.constant 0 : i32
    %dma_start3A_2216 = tpu.memref_slice %arg6[%add3A_2210, %dma_start3A_2215] : memref<315392x128xf32, #tpu.memory_space<hbm>> -> memref<32x128xf32, #tpu.memory_space<hbm>>
    %dma_start3A_2217 = arith.constant 0 : i32
    %dma_start3A_2218 = tpu.memref_slice %arg9[%mul3A_2208, %dma_start3A_2217] : memref<64x128xf32, #tpu.memory_space<vmem>> -> memref<32x128xf32, #tpu.memory_space<vmem>>
    tpu.enqueue_dma source(%dma_start3A_2218 : memref<32x128xf32, #tpu.memory_space<vmem>>) target(%dma_start3A_2216 : memref<32x128xf32, #tpu.memory_space<hbm>>) target_semaphore(%arg14 : memref<!tpu.dma_semaphore, #tpu.memory_space<semaphore_mem>>)
    %dma_wait3A_2219 = arith.constant 0 : i32
    %dma_wait3A_2220 = tpu.memref_slice %arg9[%mul3A_1832, %dma_wait3A_2219] : memref<64x128xf32, #tpu.memory_space<vmem>> -> memref<32x128xf32, #tpu.memory_space<vmem>>
    %dma_wait3A_2221 = arith.constant 0 : i32
    %dma_wait3A_2222 = tpu.memref_slice %arg6[%add3A_1834, %dma_wait3A_2221] : memref<315392x128xf32, #tpu.memory_space<hbm>> -> memref<32x128xf32, #tpu.memory_space<hbm>>
    %dma_wait3A_2223 = arith.constant 0 : i32
    %dma_wait3A_2224 = tpu.memref_slice %arg6[%add3A_1834, %dma_wait3A_2223] : memref<315392x128xf32, #tpu.memory_space<hbm>> -> memref<32x128xf32, #tpu.memory_space<hbm>>
    %dma_wait3A_2225 = arith.constant 0 : i32
    %dma_wait3A_2226 = tpu.memref_slice %arg9[%mul3A_1832, %dma_wait3A_2225] : memref<64x128xf32, #tpu.memory_space<vmem>> -> memref<32x128xf32, #tpu.memory_space<vmem>>
    tpu.wait_dma2 semaphore(%arg14 : memref<!tpu.dma_semaphore, #tpu.memory_space<semaphore_mem>>) src(%dma_wait3A_2226 : memref<32x128xf32, #tpu.memory_space<vmem>>) dst(%dma_wait3A_2224 : memref<32x128xf32, #tpu.memory_space<hbm>>)
    %add3A_2227 = arith.constant 1536 : i32
    %add3A_2228 = arith.addi %mul3A_2, %add3A_2227 : i32
    %jit3A_2229 = arith.constant 4096 : i32
    %div3A_2230 = arith.divsi %add3A_2228, %jit3A_2229 : i32
    %sign3A_2231 = arith.constant 0 : i32
    %sign3A_2232 = arith.cmpi sgt, %add3A_2228, %sign3A_2231 : i32
    %sign3A_2233 = arith.extui %sign3A_2232 : i1 to i32
    %sign3A_2234 = arith.constant 0 : i32
    %sign3A_2235 = arith.cmpi slt, %add3A_2228, %sign3A_2234 : i32
    %sign3A_2236 = arith.extui %sign3A_2235 : i1 to i32
    %sign3A_2237 = arith.subi %sign3A_2233, %sign3A_2236 : i32
    %sign3A_2238 = arith.constant 0 : i32
    %sign3A_2239 = arith.cmpi sgt, %jit3A_2229, %sign3A_2238 : i32
    %sign3A_2240 = arith.extui %sign3A_2239 : i1 to i32
    %sign3A_2241 = arith.constant 0 : i32
    %sign3A_2242 = arith.cmpi slt, %jit3A_2229, %sign3A_2241 : i32
    %sign3A_2243 = arith.extui %sign3A_2242 : i1 to i32
    %sign3A_2244 = arith.subi %sign3A_2240, %sign3A_2243 : i32
    %ne3A_2245 = arith.cmpi ne, %sign3A_2237, %sign3A_2244 : i32
    %rem3A_2246 = arith.remsi %add3A_2228, %jit3A_2229 : i32
    %ne3A_2247 = arith.constant 0 : i32
    %ne3A_2248 = arith.cmpi ne, %rem3A_2246, %ne3A_2247 : i32
    %and3A_2249 = arith.andi %ne3A_2245, %ne3A_2248 : i1
    %sub3A_2250 = arith.constant 1 : i32
    %sub3A_2251 = arith.subi %div3A_2230, %sub3A_2250 : i32
    %select_n3A_2252 = arith.select %and3A_2249, %sub3A_2251, %div3A_2230 : i32
    %sub3A_2253 = arith.subi %select_n3A_2252, %select_n3A : i32
    %mul3A_2254 = arith.constant 32 : i32
    %mul3A_2255 = arith.muli %sub3A_2253, %mul3A_2254 : i32
    %add3A_2256 = arith.constant 1536 : i32
    %add3A_2257 = arith.addi %mul3A_2, %add3A_2256 : i32
    %dma_start3A_2258 = arith.constant 0 : i32
    %dma_start3A_2259 = tpu.memref_slice %arg9[%mul3A_2255, %dma_start3A_2258] : memref<64x128xf32, #tpu.memory_space<vmem>> -> memref<32x128xf32, #tpu.memory_space<vmem>>
    %dma_start3A_2260 = arith.constant 0 : i32
    %dma_start3A_2261 = tpu.memref_slice %arg6[%add3A_2257, %dma_start3A_2260] : memref<315392x128xf32, #tpu.memory_space<hbm>> -> memref<32x128xf32, #tpu.memory_space<hbm>>
    %dma_start3A_2262 = arith.constant 0 : i32
    %dma_start3A_2263 = tpu.memref_slice %arg6[%add3A_2257, %dma_start3A_2262] : memref<315392x128xf32, #tpu.memory_space<hbm>> -> memref<32x128xf32, #tpu.memory_space<hbm>>
    %dma_start3A_2264 = arith.constant 0 : i32
    %dma_start3A_2265 = tpu.memref_slice %arg9[%mul3A_2255, %dma_start3A_2264] : memref<64x128xf32, #tpu.memory_space<vmem>> -> memref<32x128xf32, #tpu.memory_space<vmem>>
    tpu.enqueue_dma source(%dma_start3A_2265 : memref<32x128xf32, #tpu.memory_space<vmem>>) target(%dma_start3A_2263 : memref<32x128xf32, #tpu.memory_space<hbm>>) target_semaphore(%arg14 : memref<!tpu.dma_semaphore, #tpu.memory_space<semaphore_mem>>)
    %dma_wait3A_2266 = arith.constant 0 : i32
    %dma_wait3A_2267 = tpu.memref_slice %arg9[%mul3A_1879, %dma_wait3A_2266] : memref<64x128xf32, #tpu.memory_space<vmem>> -> memref<32x128xf32, #tpu.memory_space<vmem>>
    %dma_wait3A_2268 = arith.constant 0 : i32
    %dma_wait3A_2269 = tpu.memref_slice %arg6[%add3A_1881, %dma_wait3A_2268] : memref<315392x128xf32, #tpu.memory_space<hbm>> -> memref<32x128xf32, #tpu.memory_space<hbm>>
    %dma_wait3A_2270 = arith.constant 0 : i32
    %dma_wait3A_2271 = tpu.memref_slice %arg6[%add3A_1881, %dma_wait3A_2270] : memref<315392x128xf32, #tpu.memory_space<hbm>> -> memref<32x128xf32, #tpu.memory_space<hbm>>
    %dma_wait3A_2272 = arith.constant 0 : i32
    %dma_wait3A_2273 = tpu.memref_slice %arg9[%mul3A_1879, %dma_wait3A_2272] : memref<64x128xf32, #tpu.memory_space<vmem>> -> memref<32x128xf32, #tpu.memory_space<vmem>>
    tpu.wait_dma2 semaphore(%arg14 : memref<!tpu.dma_semaphore, #tpu.memory_space<semaphore_mem>>) src(%dma_wait3A_2273 : memref<32x128xf32, #tpu.memory_space<vmem>>) dst(%dma_wait3A_2271 : memref<32x128xf32, #tpu.memory_space<hbm>>)
    %add3A_2274 = arith.constant 1568 : i32
    %add3A_2275 = arith.addi %mul3A_2, %add3A_2274 : i32
    %jit3A_2276 = arith.constant 4096 : i32
    %div3A_2277 = arith.divsi %add3A_2275, %jit3A_2276 : i32
    %sign3A_2278 = arith.constant 0 : i32
    %sign3A_2279 = arith.cmpi sgt, %add3A_2275, %sign3A_2278 : i32
    %sign3A_2280 = arith.extui %sign3A_2279 : i1 to i32
    %sign3A_2281 = arith.constant 0 : i32
    %sign3A_2282 = arith.cmpi slt, %add3A_2275, %sign3A_2281 : i32
    %sign3A_2283 = arith.extui %sign3A_2282 : i1 to i32
    %sign3A_2284 = arith.subi %sign3A_2280, %sign3A_2283 : i32
    %sign3A_2285 = arith.constant 0 : i32
    %sign3A_2286 = arith.cmpi sgt, %jit3A_2276, %sign3A_2285 : i32
    %sign3A_2287 = arith.extui %sign3A_2286 : i1 to i32
    %sign3A_2288 = arith.constant 0 : i32
    %sign3A_2289 = arith.cmpi slt, %jit3A_2276, %sign3A_2288 : i32
    %sign3A_2290 = arith.extui %sign3A_2289 : i1 to i32
    %sign3A_2291 = arith.subi %sign3A_2287, %sign3A_2290 : i32
    %ne3A_2292 = arith.cmpi ne, %sign3A_2284, %sign3A_2291 : i32
    %rem3A_2293 = arith.remsi %add3A_2275, %jit3A_2276 : i32
    %ne3A_2294 = arith.constant 0 : i32
    %ne3A_2295 = arith.cmpi ne, %rem3A_2293, %ne3A_2294 : i32
    %and3A_2296 = arith.andi %ne3A_2292, %ne3A_2295 : i1
    %sub3A_2297 = arith.constant 1 : i32
    %sub3A_2298 = arith.subi %div3A_2277, %sub3A_2297 : i32
    %select_n3A_2299 = arith.select %and3A_2296, %sub3A_2298, %div3A_2277 : i32
    %sub3A_2300 = arith.subi %select_n3A_2299, %select_n3A : i32
    %mul3A_2301 = arith.constant 32 : i32
    %mul3A_2302 = arith.muli %sub3A_2300, %mul3A_2301 : i32
    %add3A_2303 = arith.constant 1568 : i32
    %add3A_2304 = arith.addi %mul3A_2, %add3A_2303 : i32
    %dma_start3A_2305 = arith.constant 0 : i32
    %dma_start3A_2306 = tpu.memref_slice %arg9[%mul3A_2302, %dma_start3A_2305] : memref<64x128xf32, #tpu.memory_space<vmem>> -> memref<32x128xf32, #tpu.memory_space<vmem>>
    %dma_start3A_2307 = arith.constant 0 : i32
    %dma_start3A_2308 = tpu.memref_slice %arg6[%add3A_2304, %dma_start3A_2307] : memref<315392x128xf32, #tpu.memory_space<hbm>> -> memref<32x128xf32, #tpu.memory_space<hbm>>
    %dma_start3A_2309 = arith.constant 0 : i32
    %dma_start3A_2310 = tpu.memref_slice %arg6[%add3A_2304, %dma_start3A_2309] : memref<315392x128xf32, #tpu.memory_space<hbm>> -> memref<32x128xf32, #tpu.memory_space<hbm>>
    %dma_start3A_2311 = arith.constant 0 : i32
    %dma_start3A_2312 = tpu.memref_slice %arg9[%mul3A_2302, %dma_start3A_2311] : memref<64x128xf32, #tpu.memory_space<vmem>> -> memref<32x128xf32, #tpu.memory_space<vmem>>
    tpu.enqueue_dma source(%dma_start3A_2312 : memref<32x128xf32, #tpu.memory_space<vmem>>) target(%dma_start3A_2310 : memref<32x128xf32, #tpu.memory_space<hbm>>) target_semaphore(%arg14 : memref<!tpu.dma_semaphore, #tpu.memory_space<semaphore_mem>>)
    %dma_wait3A_2313 = arith.constant 0 : i32
    %dma_wait3A_2314 = tpu.memref_slice %arg9[%mul3A_1926, %dma_wait3A_2313] : memref<64x128xf32, #tpu.memory_space<vmem>> -> memref<32x128xf32, #tpu.memory_space<vmem>>
    %dma_wait3A_2315 = arith.constant 0 : i32
    %dma_wait3A_2316 = tpu.memref_slice %arg6[%add3A_1928, %dma_wait3A_2315] : memref<315392x128xf32, #tpu.memory_space<hbm>> -> memref<32x128xf32, #tpu.memory_space<hbm>>
    %dma_wait3A_2317 = arith.constant 0 : i32
    %dma_wait3A_2318 = tpu.memref_slice %arg6[%add3A_1928, %dma_wait3A_2317] : memref<315392x128xf32, #tpu.memory_space<hbm>> -> memref<32x128xf32, #tpu.memory_space<hbm>>
    %dma_wait3A_2319 = arith.constant 0 : i32
    %dma_wait3A_2320 = tpu.memref_slice %arg9[%mul3A_1926, %dma_wait3A_2319] : memref<64x128xf32, #tpu.memory_space<vmem>> -> memref<32x128xf32, #tpu.memory_space<vmem>>
    tpu.wait_dma2 semaphore(%arg14 : memref<!tpu.dma_semaphore, #tpu.memory_space<semaphore_mem>>) src(%dma_wait3A_2320 : memref<32x128xf32, #tpu.memory_space<vmem>>) dst(%dma_wait3A_2318 : memref<32x128xf32, #tpu.memory_space<hbm>>)
    %add3A_2321 = arith.constant 1600 : i32
    %add3A_2322 = arith.addi %mul3A_2, %add3A_2321 : i32
    %jit3A_2323 = arith.constant 4096 : i32
    %div3A_2324 = arith.divsi %add3A_2322, %jit3A_2323 : i32
    %sign3A_2325 = arith.constant 0 : i32
    %sign3A_2326 = arith.cmpi sgt, %add3A_2322, %sign3A_2325 : i32
    %sign3A_2327 = arith.extui %sign3A_2326 : i1 to i32
    %sign3A_2328 = arith.constant 0 : i32
    %sign3A_2329 = arith.cmpi slt, %add3A_2322, %sign3A_2328 : i32
    %sign3A_2330 = arith.extui %sign3A_2329 : i1 to i32
    %sign3A_2331 = arith.subi %sign3A_2327, %sign3A_2330 : i32
    %sign3A_2332 = arith.constant 0 : i32
    %sign3A_2333 = arith.cmpi sgt, %jit3A_2323, %sign3A_2332 : i32
    %sign3A_2334 = arith.extui %sign3A_2333 : i1 to i32
    %sign3A_2335 = arith.constant 0 : i32
    %sign3A_2336 = arith.cmpi slt, %jit3A_2323, %sign3A_2335 : i32
    %sign3A_2337 = arith.extui %sign3A_2336 : i1 to i32
    %sign3A_2338 = arith.subi %sign3A_2334, %sign3A_2337 : i32
    %ne3A_2339 = arith.cmpi ne, %sign3A_2331, %sign3A_2338 : i32
    %rem3A_2340 = arith.remsi %add3A_2322, %jit3A_2323 : i32
    %ne3A_2341 = arith.constant 0 : i32
    %ne3A_2342 = arith.cmpi ne, %rem3A_2340, %ne3A_2341 : i32
    %and3A_2343 = arith.andi %ne3A_2339, %ne3A_2342 : i1
    %sub3A_2344 = arith.constant 1 : i32
    %sub3A_2345 = arith.subi %div3A_2324, %sub3A_2344 : i32
    %select_n3A_2346 = arith.select %and3A_2343, %sub3A_2345, %div3A_2324 : i32
    %sub3A_2347 = arith.subi %select_n3A_2346, %select_n3A : i32
    %mul3A_2348 = arith.constant 32 : i32
    %mul3A_2349 = arith.muli %sub3A_2347, %mul3A_2348 : i32
    %add3A_2350 = arith.constant 1600 : i32
    %add3A_2351 = arith.addi %mul3A_2, %add3A_2350 : i32
    %dma_start3A_2352 = arith.constant 0 : i32
    %dma_start3A_2353 = tpu.memref_slice %arg9[%mul3A_2349, %dma_start3A_2352] : memref<64x128xf32, #tpu.memory_space<vmem>> -> memref<32x128xf32, #tpu.memory_space<vmem>>
    %dma_start3A_2354 = arith.constant 0 : i32
    %dma_start3A_2355 = tpu.memref_slice %arg6[%add3A_2351, %dma_start3A_2354] : memref<315392x128xf32, #tpu.memory_space<hbm>> -> memref<32x128xf32, #tpu.memory_space<hbm>>
    %dma_start3A_2356 = arith.constant 0 : i32
    %dma_start3A_2357 = tpu.memref_slice %arg6[%add3A_2351, %dma_start3A_2356] : memref<315392x128xf32, #tpu.memory_space<hbm>> -> memref<32x128xf32, #tpu.memory_space<hbm>>
    %dma_start3A_2358 = arith.constant 0 : i32
    %dma_start3A_2359 = tpu.memref_slice %arg9[%mul3A_2349, %dma_start3A_2358] : memref<64x128xf32, #tpu.memory_space<vmem>> -> memref<32x128xf32, #tpu.memory_space<vmem>>
    tpu.enqueue_dma source(%dma_start3A_2359 : memref<32x128xf32, #tpu.memory_space<vmem>>) target(%dma_start3A_2357 : memref<32x128xf32, #tpu.memory_space<hbm>>) target_semaphore(%arg14 : memref<!tpu.dma_semaphore, #tpu.memory_space<semaphore_mem>>)
    %dma_wait3A_2360 = arith.constant 0 : i32
    %dma_wait3A_2361 = tpu.memref_slice %arg9[%mul3A_1973, %dma_wait3A_2360] : memref<64x128xf32, #tpu.memory_space<vmem>> -> memref<32x128xf32, #tpu.memory_space<vmem>>
    %dma_wait3A_2362 = arith.constant 0 : i32
    %dma_wait3A_2363 = tpu.memref_slice %arg6[%add3A_1975, %dma_wait3A_2362] : memref<315392x128xf32, #tpu.memory_space<hbm>> -> memref<32x128xf32, #tpu.memory_space<hbm>>
    %dma_wait3A_2364 = arith.constant 0 : i32
    %dma_wait3A_2365 = tpu.memref_slice %arg6[%add3A_1975, %dma_wait3A_2364] : memref<315392x128xf32, #tpu.memory_space<hbm>> -> memref<32x128xf32, #tpu.memory_space<hbm>>
    %dma_wait3A_2366 = arith.constant 0 : i32
    %dma_wait3A_2367 = tpu.memref_slice %arg9[%mul3A_1973, %dma_wait3A_2366] : memref<64x128xf32, #tpu.memory_space<vmem>> -> memref<32x128xf32, #tpu.memory_space<vmem>>
    tpu.wait_dma2 semaphore(%arg14 : memref<!tpu.dma_semaphore, #tpu.memory_space<semaphore_mem>>) src(%dma_wait3A_2367 : memref<32x128xf32, #tpu.memory_space<vmem>>) dst(%dma_wait3A_2365 : memref<32x128xf32, #tpu.memory_space<hbm>>)
    %add3A_2368 = arith.constant 1632 : i32
    %add3A_2369 = arith.addi %mul3A_2, %add3A_2368 : i32
    %jit3A_2370 = arith.constant 4096 : i32
    %div3A_2371 = arith.divsi %add3A_2369, %jit3A_2370 : i32
    %sign3A_2372 = arith.constant 0 : i32
    %sign3A_2373 = arith.cmpi sgt, %add3A_2369, %sign3A_2372 : i32
    %sign3A_2374 = arith.extui %sign3A_2373 : i1 to i32
    %sign3A_2375 = arith.constant 0 : i32
    %sign3A_2376 = arith.cmpi slt, %add3A_2369, %sign3A_2375 : i32
    %sign3A_2377 = arith.extui %sign3A_2376 : i1 to i32
    %sign3A_2378 = arith.subi %sign3A_2374, %sign3A_2377 : i32
    %sign3A_2379 = arith.constant 0 : i32
    %sign3A_2380 = arith.cmpi sgt, %jit3A_2370, %sign3A_2379 : i32
    %sign3A_2381 = arith.extui %sign3A_2380 : i1 to i32
    %sign3A_2382 = arith.constant 0 : i32
    %sign3A_2383 = arith.cmpi slt, %jit3A_2370, %sign3A_2382 : i32
    %sign3A_2384 = arith.extui %sign3A_2383 : i1 to i32
    %sign3A_2385 = arith.subi %sign3A_2381, %sign3A_2384 : i32
    %ne3A_2386 = arith.cmpi ne, %sign3A_2378, %sign3A_2385 : i32
    %rem3A_2387 = arith.remsi %add3A_2369, %jit3A_2370 : i32
    %ne3A_2388 = arith.constant 0 : i32
    %ne3A_2389 = arith.cmpi ne, %rem3A_2387, %ne3A_2388 : i32
    %and3A_2390 = arith.andi %ne3A_2386, %ne3A_2389 : i1
    %sub3A_2391 = arith.constant 1 : i32
    %sub3A_2392 = arith.subi %div3A_2371, %sub3A_2391 : i32
    %select_n3A_2393 = arith.select %and3A_2390, %sub3A_2392, %div3A_2371 : i32
    %sub3A_2394 = arith.subi %select_n3A_2393, %select_n3A : i32
    %mul3A_2395 = arith.constant 32 : i32
    %mul3A_2396 = arith.muli %sub3A_2394, %mul3A_2395 : i32
    %add3A_2397 = arith.constant 1632 : i32
    %add3A_2398 = arith.addi %mul3A_2, %add3A_2397 : i32
    %dma_start3A_2399 = arith.constant 0 : i32
    %dma_start3A_2400 = tpu.memref_slice %arg9[%mul3A_2396, %dma_start3A_2399] : memref<64x128xf32, #tpu.memory_space<vmem>> -> memref<32x128xf32, #tpu.memory_space<vmem>>
    %dma_start3A_2401 = arith.constant 0 : i32
    %dma_start3A_2402 = tpu.memref_slice %arg6[%add3A_2398, %dma_start3A_2401] : memref<315392x128xf32, #tpu.memory_space<hbm>> -> memref<32x128xf32, #tpu.memory_space<hbm>>
    %dma_start3A_2403 = arith.constant 0 : i32
    %dma_start3A_2404 = tpu.memref_slice %arg6[%add3A_2398, %dma_start3A_2403] : memref<315392x128xf32, #tpu.memory_space<hbm>> -> memref<32x128xf32, #tpu.memory_space<hbm>>
    %dma_start3A_2405 = arith.constant 0 : i32
    %dma_start3A_2406 = tpu.memref_slice %arg9[%mul3A_2396, %dma_start3A_2405] : memref<64x128xf32, #tpu.memory_space<vmem>> -> memref<32x128xf32, #tpu.memory_space<vmem>>
    tpu.enqueue_dma source(%dma_start3A_2406 : memref<32x128xf32, #tpu.memory_space<vmem>>) target(%dma_start3A_2404 : memref<32x128xf32, #tpu.memory_space<hbm>>) target_semaphore(%arg14 : memref<!tpu.dma_semaphore, #tpu.memory_space<semaphore_mem>>)
    %dma_wait3A_2407 = arith.constant 0 : i32
    %dma_wait3A_2408 = tpu.memref_slice %arg9[%mul3A_2020, %dma_wait3A_2407] : memref<64x128xf32, #tpu.memory_space<vmem>> -> memref<32x128xf32, #tpu.memory_space<vmem>>
    %dma_wait3A_2409 = arith.constant 0 : i32
    %dma_wait3A_2410 = tpu.memref_slice %arg6[%add3A_2022, %dma_wait3A_2409] : memref<315392x128xf32, #tpu.memory_space<hbm>> -> memref<32x128xf32, #tpu.memory_space<hbm>>
    %dma_wait3A_2411 = arith.constant 0 : i32
    %dma_wait3A_2412 = tpu.memref_slice %arg6[%add3A_2022, %dma_wait3A_2411] : memref<315392x128xf32, #tpu.memory_space<hbm>> -> memref<32x128xf32, #tpu.memory_space<hbm>>
    %dma_wait3A_2413 = arith.constant 0 : i32
    %dma_wait3A_2414 = tpu.memref_slice %arg9[%mul3A_2020, %dma_wait3A_2413] : memref<64x128xf32, #tpu.memory_space<vmem>> -> memref<32x128xf32, #tpu.memory_space<vmem>>
    tpu.wait_dma2 semaphore(%arg14 : memref<!tpu.dma_semaphore, #tpu.memory_space<semaphore_mem>>) src(%dma_wait3A_2414 : memref<32x128xf32, #tpu.memory_space<vmem>>) dst(%dma_wait3A_2412 : memref<32x128xf32, #tpu.memory_space<hbm>>)
    %add3A_2415 = arith.constant 1664 : i32
    %add3A_2416 = arith.addi %mul3A_2, %add3A_2415 : i32
    %jit3A_2417 = arith.constant 4096 : i32
    %div3A_2418 = arith.divsi %add3A_2416, %jit3A_2417 : i32
    %sign3A_2419 = arith.constant 0 : i32
    %sign3A_2420 = arith.cmpi sgt, %add3A_2416, %sign3A_2419 : i32
    %sign3A_2421 = arith.extui %sign3A_2420 : i1 to i32
    %sign3A_2422 = arith.constant 0 : i32
    %sign3A_2423 = arith.cmpi slt, %add3A_2416, %sign3A_2422 : i32
    %sign3A_2424 = arith.extui %sign3A_2423 : i1 to i32
    %sign3A_2425 = arith.subi %sign3A_2421, %sign3A_2424 : i32
    %sign3A_2426 = arith.constant 0 : i32
    %sign3A_2427 = arith.cmpi sgt, %jit3A_2417, %sign3A_2426 : i32
    %sign3A_2428 = arith.extui %sign3A_2427 : i1 to i32
    %sign3A_2429 = arith.constant 0 : i32
    %sign3A_2430 = arith.cmpi slt, %jit3A_2417, %sign3A_2429 : i32
    %sign3A_2431 = arith.extui %sign3A_2430 : i1 to i32
    %sign3A_2432 = arith.subi %sign3A_2428, %sign3A_2431 : i32
    %ne3A_2433 = arith.cmpi ne, %sign3A_2425, %sign3A_2432 : i32
    %rem3A_2434 = arith.remsi %add3A_2416, %jit3A_2417 : i32
    %ne3A_2435 = arith.constant 0 : i32
    %ne3A_2436 = arith.cmpi ne, %rem3A_2434, %ne3A_2435 : i32
    %and3A_2437 = arith.andi %ne3A_2433, %ne3A_2436 : i1
    %sub3A_2438 = arith.constant 1 : i32
    %sub3A_2439 = arith.subi %div3A_2418, %sub3A_2438 : i32
    %select_n3A_2440 = arith.select %and3A_2437, %sub3A_2439, %div3A_2418 : i32
    %sub3A_2441 = arith.subi %select_n3A_2440, %select_n3A : i32
    %mul3A_2442 = arith.constant 32 : i32
    %mul3A_2443 = arith.muli %sub3A_2441, %mul3A_2442 : i32
    %add3A_2444 = arith.constant 1664 : i32
    %add3A_2445 = arith.addi %mul3A_2, %add3A_2444 : i32
    %dma_start3A_2446 = arith.constant 0 : i32
    %dma_start3A_2447 = tpu.memref_slice %arg9[%mul3A_2443, %dma_start3A_2446] : memref<64x128xf32, #tpu.memory_space<vmem>> -> memref<32x128xf32, #tpu.memory_space<vmem>>
    %dma_start3A_2448 = arith.constant 0 : i32
    %dma_start3A_2449 = tpu.memref_slice %arg6[%add3A_2445, %dma_start3A_2448] : memref<315392x128xf32, #tpu.memory_space<hbm>> -> memref<32x128xf32, #tpu.memory_space<hbm>>
    %dma_start3A_2450 = arith.constant 0 : i32
    %dma_start3A_2451 = tpu.memref_slice %arg6[%add3A_2445, %dma_start3A_2450] : memref<315392x128xf32, #tpu.memory_space<hbm>> -> memref<32x128xf32, #tpu.memory_space<hbm>>
    %dma_start3A_2452 = arith.constant 0 : i32
    %dma_start3A_2453 = tpu.memref_slice %arg9[%mul3A_2443, %dma_start3A_2452] : memref<64x128xf32, #tpu.memory_space<vmem>> -> memref<32x128xf32, #tpu.memory_space<vmem>>
    tpu.enqueue_dma source(%dma_start3A_2453 : memref<32x128xf32, #tpu.memory_space<vmem>>) target(%dma_start3A_2451 : memref<32x128xf32, #tpu.memory_space<hbm>>) target_semaphore(%arg14 : memref<!tpu.dma_semaphore, #tpu.memory_space<semaphore_mem>>)
    %dma_wait3A_2454 = arith.constant 0 : i32
    %dma_wait3A_2455 = tpu.memref_slice %arg9[%mul3A_2067, %dma_wait3A_2454] : memref<64x128xf32, #tpu.memory_space<vmem>> -> memref<32x128xf32, #tpu.memory_space<vmem>>
    %dma_wait3A_2456 = arith.constant 0 : i32
    %dma_wait3A_2457 = tpu.memref_slice %arg6[%add3A_2069, %dma_wait3A_2456] : memref<315392x128xf32, #tpu.memory_space<hbm>> -> memref<32x128xf32, #tpu.memory_space<hbm>>
    %dma_wait3A_2458 = arith.constant 0 : i32
    %dma_wait3A_2459 = tpu.memref_slice %arg6[%add3A_2069, %dma_wait3A_2458] : memref<315392x128xf32, #tpu.memory_space<hbm>> -> memref<32x128xf32, #tpu.memory_space<hbm>>
    %dma_wait3A_2460 = arith.constant 0 : i32
    %dma_wait3A_2461 = tpu.memref_slice %arg9[%mul3A_2067, %dma_wait3A_2460] : memref<64x128xf32, #tpu.memory_space<vmem>> -> memref<32x128xf32, #tpu.memory_space<vmem>>
    tpu.wait_dma2 semaphore(%arg14 : memref<!tpu.dma_semaphore, #tpu.memory_space<semaphore_mem>>) src(%dma_wait3A_2461 : memref<32x128xf32, #tpu.memory_space<vmem>>) dst(%dma_wait3A_2459 : memref<32x128xf32, #tpu.memory_space<hbm>>)
    %add3A_2462 = arith.constant 1696 : i32
    %add3A_2463 = arith.addi %mul3A_2, %add3A_2462 : i32
    %jit3A_2464 = arith.constant 4096 : i32
    %div3A_2465 = arith.divsi %add3A_2463, %jit3A_2464 : i32
    %sign3A_2466 = arith.constant 0 : i32
    %sign3A_2467 = arith.cmpi sgt, %add3A_2463, %sign3A_2466 : i32
    %sign3A_2468 = arith.extui %sign3A_2467 : i1 to i32
    %sign3A_2469 = arith.constant 0 : i32
    %sign3A_2470 = arith.cmpi slt, %add3A_2463, %sign3A_2469 : i32
    %sign3A_2471 = arith.extui %sign3A_2470 : i1 to i32
    %sign3A_2472 = arith.subi %sign3A_2468, %sign3A_2471 : i32
    %sign3A_2473 = arith.constant 0 : i32
    %sign3A_2474 = arith.cmpi sgt, %jit3A_2464, %sign3A_2473 : i32
    %sign3A_2475 = arith.extui %sign3A_2474 : i1 to i32
    %sign3A_2476 = arith.constant 0 : i32
    %sign3A_2477 = arith.cmpi slt, %jit3A_2464, %sign3A_2476 : i32
    %sign3A_2478 = arith.extui %sign3A_2477 : i1 to i32
    %sign3A_2479 = arith.subi %sign3A_2475, %sign3A_2478 : i32
    %ne3A_2480 = arith.cmpi ne, %sign3A_2472, %sign3A_2479 : i32
    %rem3A_2481 = arith.remsi %add3A_2463, %jit3A_2464 : i32
    %ne3A_2482 = arith.constant 0 : i32
    %ne3A_2483 = arith.cmpi ne, %rem3A_2481, %ne3A_2482 : i32
    %and3A_2484 = arith.andi %ne3A_2480, %ne3A_2483 : i1
    %sub3A_2485 = arith.constant 1 : i32
    %sub3A_2486 = arith.subi %div3A_2465, %sub3A_2485 : i32
    %select_n3A_2487 = arith.select %and3A_2484, %sub3A_2486, %div3A_2465 : i32
    %sub3A_2488 = arith.subi %select_n3A_2487, %select_n3A : i32
    %mul3A_2489 = arith.constant 32 : i32
    %mul3A_2490 = arith.muli %sub3A_2488, %mul3A_2489 : i32
    %add3A_2491 = arith.constant 1696 : i32
    %add3A_2492 = arith.addi %mul3A_2, %add3A_2491 : i32
    %dma_start3A_2493 = arith.constant 0 : i32
    %dma_start3A_2494 = tpu.memref_slice %arg9[%mul3A_2490, %dma_start3A_2493] : memref<64x128xf32, #tpu.memory_space<vmem>> -> memref<32x128xf32, #tpu.memory_space<vmem>>
    %dma_start3A_2495 = arith.constant 0 : i32
    %dma_start3A_2496 = tpu.memref_slice %arg6[%add3A_2492, %dma_start3A_2495] : memref<315392x128xf32, #tpu.memory_space<hbm>> -> memref<32x128xf32, #tpu.memory_space<hbm>>
    %dma_start3A_2497 = arith.constant 0 : i32
    %dma_start3A_2498 = tpu.memref_slice %arg6[%add3A_2492, %dma_start3A_2497] : memref<315392x128xf32, #tpu.memory_space<hbm>> -> memref<32x128xf32, #tpu.memory_space<hbm>>
    %dma_start3A_2499 = arith.constant 0 : i32
    %dma_start3A_2500 = tpu.memref_slice %arg9[%mul3A_2490, %dma_start3A_2499] : memref<64x128xf32, #tpu.memory_space<vmem>> -> memref<32x128xf32, #tpu.memory_space<vmem>>
    tpu.enqueue_dma source(%dma_start3A_2500 : memref<32x128xf32, #tpu.memory_space<vmem>>) target(%dma_start3A_2498 : memref<32x128xf32, #tpu.memory_space<hbm>>) target_semaphore(%arg14 : memref<!tpu.dma_semaphore, #tpu.memory_space<semaphore_mem>>)
    %dma_wait3A_2501 = arith.constant 0 : i32
    %dma_wait3A_2502 = tpu.memref_slice %arg9[%mul3A_2114, %dma_wait3A_2501] : memref<64x128xf32, #tpu.memory_space<vmem>> -> memref<32x128xf32, #tpu.memory_space<vmem>>
    %dma_wait3A_2503 = arith.constant 0 : i32
    %dma_wait3A_2504 = tpu.memref_slice %arg6[%add3A_2116, %dma_wait3A_2503] : memref<315392x128xf32, #tpu.memory_space<hbm>> -> memref<32x128xf32, #tpu.memory_space<hbm>>
    %dma_wait3A_2505 = arith.constant 0 : i32
    %dma_wait3A_2506 = tpu.memref_slice %arg6[%add3A_2116, %dma_wait3A_2505] : memref<315392x128xf32, #tpu.memory_space<hbm>> -> memref<32x128xf32, #tpu.memory_space<hbm>>
    %dma_wait3A_2507 = arith.constant 0 : i32
    %dma_wait3A_2508 = tpu.memref_slice %arg9[%mul3A_2114, %dma_wait3A_2507] : memref<64x128xf32, #tpu.memory_space<vmem>> -> memref<32x128xf32, #tpu.memory_space<vmem>>
    tpu.wait_dma2 semaphore(%arg14 : memref<!tpu.dma_semaphore, #tpu.memory_space<semaphore_mem>>) src(%dma_wait3A_2508 : memref<32x128xf32, #tpu.memory_space<vmem>>) dst(%dma_wait3A_2506 : memref<32x128xf32, #tpu.memory_space<hbm>>)
    %add3A_2509 = arith.constant 1728 : i32
    %add3A_2510 = arith.addi %mul3A_2, %add3A_2509 : i32
    %jit3A_2511 = arith.constant 4096 : i32
    %div3A_2512 = arith.divsi %add3A_2510, %jit3A_2511 : i32
    %sign3A_2513 = arith.constant 0 : i32
    %sign3A_2514 = arith.cmpi sgt, %add3A_2510, %sign3A_2513 : i32
    %sign3A_2515 = arith.extui %sign3A_2514 : i1 to i32
    %sign3A_2516 = arith.constant 0 : i32
    %sign3A_2517 = arith.cmpi slt, %add3A_2510, %sign3A_2516 : i32
    %sign3A_2518 = arith.extui %sign3A_2517 : i1 to i32
    %sign3A_2519 = arith.subi %sign3A_2515, %sign3A_2518 : i32
    %sign3A_2520 = arith.constant 0 : i32
    %sign3A_2521 = arith.cmpi sgt, %jit3A_2511, %sign3A_2520 : i32
    %sign3A_2522 = arith.extui %sign3A_2521 : i1 to i32
    %sign3A_2523 = arith.constant 0 : i32
    %sign3A_2524 = arith.cmpi slt, %jit3A_2511, %sign3A_2523 : i32
    %sign3A_2525 = arith.extui %sign3A_2524 : i1 to i32
    %sign3A_2526 = arith.subi %sign3A_2522, %sign3A_2525 : i32
    %ne3A_2527 = arith.cmpi ne, %sign3A_2519, %sign3A_2526 : i32
    %rem3A_2528 = arith.remsi %add3A_2510, %jit3A_2511 : i32
    %ne3A_2529 = arith.constant 0 : i32
    %ne3A_2530 = arith.cmpi ne, %rem3A_2528, %ne3A_2529 : i32
    %and3A_2531 = arith.andi %ne3A_2527, %ne3A_2530 : i1
    %sub3A_2532 = arith.constant 1 : i32
    %sub3A_2533 = arith.subi %div3A_2512, %sub3A_2532 : i32
    %select_n3A_2534 = arith.select %and3A_2531, %sub3A_2533, %div3A_2512 : i32
    %sub3A_2535 = arith.subi %select_n3A_2534, %select_n3A : i32
    %mul3A_2536 = arith.constant 32 : i32
    %mul3A_2537 = arith.muli %sub3A_2535, %mul3A_2536 : i32
    %add3A_2538 = arith.constant 1728 : i32
    %add3A_2539 = arith.addi %mul3A_2, %add3A_2538 : i32
    %dma_start3A_2540 = arith.constant 0 : i32
    %dma_start3A_2541 = tpu.memref_slice %arg9[%mul3A_2537, %dma_start3A_2540] : memref<64x128xf32, #tpu.memory_space<vmem>> -> memref<32x128xf32, #tpu.memory_space<vmem>>
    %dma_start3A_2542 = arith.constant 0 : i32
    %dma_start3A_2543 = tpu.memref_slice %arg6[%add3A_2539, %dma_start3A_2542] : memref<315392x128xf32, #tpu.memory_space<hbm>> -> memref<32x128xf32, #tpu.memory_space<hbm>>
    %dma_start3A_2544 = arith.constant 0 : i32
    %dma_start3A_2545 = tpu.memref_slice %arg6[%add3A_2539, %dma_start3A_2544] : memref<315392x128xf32, #tpu.memory_space<hbm>> -> memref<32x128xf32, #tpu.memory_space<hbm>>
    %dma_start3A_2546 = arith.constant 0 : i32
    %dma_start3A_2547 = tpu.memref_slice %arg9[%mul3A_2537, %dma_start3A_2546] : memref<64x128xf32, #tpu.memory_space<vmem>> -> memref<32x128xf32, #tpu.memory_space<vmem>>
    tpu.enqueue_dma source(%dma_start3A_2547 : memref<32x128xf32, #tpu.memory_space<vmem>>) target(%dma_start3A_2545 : memref<32x128xf32, #tpu.memory_space<hbm>>) target_semaphore(%arg14 : memref<!tpu.dma_semaphore, #tpu.memory_space<semaphore_mem>>)
    %dma_wait3A_2548 = arith.constant 0 : i32
    %dma_wait3A_2549 = tpu.memref_slice %arg9[%mul3A_2161, %dma_wait3A_2548] : memref<64x128xf32, #tpu.memory_space<vmem>> -> memref<32x128xf32, #tpu.memory_space<vmem>>
    %dma_wait3A_2550 = arith.constant 0 : i32
    %dma_wait3A_2551 = tpu.memref_slice %arg6[%add3A_2163, %dma_wait3A_2550] : memref<315392x128xf32, #tpu.memory_space<hbm>> -> memref<32x128xf32, #tpu.memory_space<hbm>>
    %dma_wait3A_2552 = arith.constant 0 : i32
    %dma_wait3A_2553 = tpu.memref_slice %arg6[%add3A_2163, %dma_wait3A_2552] : memref<315392x128xf32, #tpu.memory_space<hbm>> -> memref<32x128xf32, #tpu.memory_space<hbm>>
    %dma_wait3A_2554 = arith.constant 0 : i32
    %dma_wait3A_2555 = tpu.memref_slice %arg9[%mul3A_2161, %dma_wait3A_2554] : memref<64x128xf32, #tpu.memory_space<vmem>> -> memref<32x128xf32, #tpu.memory_space<vmem>>
    tpu.wait_dma2 semaphore(%arg14 : memref<!tpu.dma_semaphore, #tpu.memory_space<semaphore_mem>>) src(%dma_wait3A_2555 : memref<32x128xf32, #tpu.memory_space<vmem>>) dst(%dma_wait3A_2553 : memref<32x128xf32, #tpu.memory_space<hbm>>)
    %add3A_2556 = arith.constant 1760 : i32
    %add3A_2557 = arith.addi %mul3A_2, %add3A_2556 : i32
    %jit3A_2558 = arith.constant 4096 : i32
    %div3A_2559 = arith.divsi %add3A_2557, %jit3A_2558 : i32
    %sign3A_2560 = arith.constant 0 : i32
    %sign3A_2561 = arith.cmpi sgt, %add3A_2557, %sign3A_2560 : i32
    %sign3A_2562 = arith.extui %sign3A_2561 : i1 to i32
    %sign3A_2563 = arith.constant 0 : i32
    %sign3A_2564 = arith.cmpi slt, %add3A_2557, %sign3A_2563 : i32
    %sign3A_2565 = arith.extui %sign3A_2564 : i1 to i32
    %sign3A_2566 = arith.subi %sign3A_2562, %sign3A_2565 : i32
    %sign3A_2567 = arith.constant 0 : i32
    %sign3A_2568 = arith.cmpi sgt, %jit3A_2558, %sign3A_2567 : i32
    %sign3A_2569 = arith.extui %sign3A_2568 : i1 to i32
    %sign3A_2570 = arith.constant 0 : i32
    %sign3A_2571 = arith.cmpi slt, %jit3A_2558, %sign3A_2570 : i32
    %sign3A_2572 = arith.extui %sign3A_2571 : i1 to i32
    %sign3A_2573 = arith.subi %sign3A_2569, %sign3A_2572 : i32
    %ne3A_2574 = arith.cmpi ne, %sign3A_2566, %sign3A_2573 : i32
    %rem3A_2575 = arith.remsi %add3A_2557, %jit3A_2558 : i32
    %ne3A_2576 = arith.constant 0 : i32
    %ne3A_2577 = arith.cmpi ne, %rem3A_2575, %ne3A_2576 : i32
    %and3A_2578 = arith.andi %ne3A_2574, %ne3A_2577 : i1
    %sub3A_2579 = arith.constant 1 : i32
    %sub3A_2580 = arith.subi %div3A_2559, %sub3A_2579 : i32
    %select_n3A_2581 = arith.select %and3A_2578, %sub3A_2580, %div3A_2559 : i32
    %sub3A_2582 = arith.subi %select_n3A_2581, %select_n3A : i32
    %mul3A_2583 = arith.constant 32 : i32
    %mul3A_2584 = arith.muli %sub3A_2582, %mul3A_2583 : i32
    %add3A_2585 = arith.constant 1760 : i32
    %add3A_2586 = arith.addi %mul3A_2, %add3A_2585 : i32
    %dma_start3A_2587 = arith.constant 0 : i32
    %dma_start3A_2588 = tpu.memref_slice %arg9[%mul3A_2584, %dma_start3A_2587] : memref<64x128xf32, #tpu.memory_space<vmem>> -> memref<32x128xf32, #tpu.memory_space<vmem>>
    %dma_start3A_2589 = arith.constant 0 : i32
    %dma_start3A_2590 = tpu.memref_slice %arg6[%add3A_2586, %dma_start3A_2589] : memref<315392x128xf32, #tpu.memory_space<hbm>> -> memref<32x128xf32, #tpu.memory_space<hbm>>
    %dma_start3A_2591 = arith.constant 0 : i32
    %dma_start3A_2592 = tpu.memref_slice %arg6[%add3A_2586, %dma_start3A_2591] : memref<315392x128xf32, #tpu.memory_space<hbm>> -> memref<32x128xf32, #tpu.memory_space<hbm>>
    %dma_start3A_2593 = arith.constant 0 : i32
    %dma_start3A_2594 = tpu.memref_slice %arg9[%mul3A_2584, %dma_start3A_2593] : memref<64x128xf32, #tpu.memory_space<vmem>> -> memref<32x128xf32, #tpu.memory_space<vmem>>
    tpu.enqueue_dma source(%dma_start3A_2594 : memref<32x128xf32, #tpu.memory_space<vmem>>) target(%dma_start3A_2592 : memref<32x128xf32, #tpu.memory_space<hbm>>) target_semaphore(%arg14 : memref<!tpu.dma_semaphore, #tpu.memory_space<semaphore_mem>>)
    %dma_wait3A_2595 = arith.constant 0 : i32
    %dma_wait3A_2596 = tpu.memref_slice %arg9[%mul3A_2208, %dma_wait3A_2595] : memref<64x128xf32, #tpu.memory_space<vmem>> -> memref<32x128xf32, #tpu.memory_space<vmem>>
    %dma_wait3A_2597 = arith.constant 0 : i32
    %dma_wait3A_2598 = tpu.memref_slice %arg6[%add3A_2210, %dma_wait3A_2597] : memref<315392x128xf32, #tpu.memory_space<hbm>> -> memref<32x128xf32, #tpu.memory_space<hbm>>
    %dma_wait3A_2599 = arith.constant 0 : i32
    %dma_wait3A_2600 = tpu.memref_slice %arg6[%add3A_2210, %dma_wait3A_2599] : memref<315392x128xf32, #tpu.memory_space<hbm>> -> memref<32x128xf32, #tpu.memory_space<hbm>>
    %dma_wait3A_2601 = arith.constant 0 : i32
    %dma_wait3A_2602 = tpu.memref_slice %arg9[%mul3A_2208, %dma_wait3A_2601] : memref<64x128xf32, #tpu.memory_space<vmem>> -> memref<32x128xf32, #tpu.memory_space<vmem>>
    tpu.wait_dma2 semaphore(%arg14 : memref<!tpu.dma_semaphore, #tpu.memory_space<semaphore_mem>>) src(%dma_wait3A_2602 : memref<32x128xf32, #tpu.memory_space<vmem>>) dst(%dma_wait3A_2600 : memref<32x128xf32, #tpu.memory_space<hbm>>)
    %add3A_2603 = arith.constant 1792 : i32
    %add3A_2604 = arith.addi %mul3A_2, %add3A_2603 : i32
    %jit3A_2605 = arith.constant 4096 : i32
    %div3A_2606 = arith.divsi %add3A_2604, %jit3A_2605 : i32
    %sign3A_2607 = arith.constant 0 : i32
    %sign3A_2608 = arith.cmpi sgt, %add3A_2604, %sign3A_2607 : i32
    %sign3A_2609 = arith.extui %sign3A_2608 : i1 to i32
    %sign3A_2610 = arith.constant 0 : i32
    %sign3A_2611 = arith.cmpi slt, %add3A_2604, %sign3A_2610 : i32
    %sign3A_2612 = arith.extui %sign3A_2611 : i1 to i32
    %sign3A_2613 = arith.subi %sign3A_2609, %sign3A_2612 : i32
    %sign3A_2614 = arith.constant 0 : i32
    %sign3A_2615 = arith.cmpi sgt, %jit3A_2605, %sign3A_2614 : i32
    %sign3A_2616 = arith.extui %sign3A_2615 : i1 to i32
    %sign3A_2617 = arith.constant 0 : i32
    %sign3A_2618 = arith.cmpi slt, %jit3A_2605, %sign3A_2617 : i32
    %sign3A_2619 = arith.extui %sign3A_2618 : i1 to i32
    %sign3A_2620 = arith.subi %sign3A_2616, %sign3A_2619 : i32
    %ne3A_2621 = arith.cmpi ne, %sign3A_2613, %sign3A_2620 : i32
    %rem3A_2622 = arith.remsi %add3A_2604, %jit3A_2605 : i32
    %ne3A_2623 = arith.constant 0 : i32
    %ne3A_2624 = arith.cmpi ne, %rem3A_2622, %ne3A_2623 : i32
    %and3A_2625 = arith.andi %ne3A_2621, %ne3A_2624 : i1
    %sub3A_2626 = arith.constant 1 : i32
    %sub3A_2627 = arith.subi %div3A_2606, %sub3A_2626 : i32
    %select_n3A_2628 = arith.select %and3A_2625, %sub3A_2627, %div3A_2606 : i32
    %sub3A_2629 = arith.subi %select_n3A_2628, %select_n3A : i32
    %mul3A_2630 = arith.constant 32 : i32
    %mul3A_2631 = arith.muli %sub3A_2629, %mul3A_2630 : i32
    %add3A_2632 = arith.constant 1792 : i32
    %add3A_2633 = arith.addi %mul3A_2, %add3A_2632 : i32
    %dma_start3A_2634 = arith.constant 0 : i32
    %dma_start3A_2635 = tpu.memref_slice %arg9[%mul3A_2631, %dma_start3A_2634] : memref<64x128xf32, #tpu.memory_space<vmem>> -> memref<32x128xf32, #tpu.memory_space<vmem>>
    %dma_start3A_2636 = arith.constant 0 : i32
    %dma_start3A_2637 = tpu.memref_slice %arg6[%add3A_2633, %dma_start3A_2636] : memref<315392x128xf32, #tpu.memory_space<hbm>> -> memref<32x128xf32, #tpu.memory_space<hbm>>
    %dma_start3A_2638 = arith.constant 0 : i32
    %dma_start3A_2639 = tpu.memref_slice %arg6[%add3A_2633, %dma_start3A_2638] : memref<315392x128xf32, #tpu.memory_space<hbm>> -> memref<32x128xf32, #tpu.memory_space<hbm>>
    %dma_start3A_2640 = arith.constant 0 : i32
    %dma_start3A_2641 = tpu.memref_slice %arg9[%mul3A_2631, %dma_start3A_2640] : memref<64x128xf32, #tpu.memory_space<vmem>> -> memref<32x128xf32, #tpu.memory_space<vmem>>
    tpu.enqueue_dma source(%dma_start3A_2641 : memref<32x128xf32, #tpu.memory_space<vmem>>) target(%dma_start3A_2639 : memref<32x128xf32, #tpu.memory_space<hbm>>) target_semaphore(%arg14 : memref<!tpu.dma_semaphore, #tpu.memory_space<semaphore_mem>>)
    %dma_wait3A_2642 = arith.constant 0 : i32
    %dma_wait3A_2643 = tpu.memref_slice %arg9[%mul3A_2255, %dma_wait3A_2642] : memref<64x128xf32, #tpu.memory_space<vmem>> -> memref<32x128xf32, #tpu.memory_space<vmem>>
    %dma_wait3A_2644 = arith.constant 0 : i32
    %dma_wait3A_2645 = tpu.memref_slice %arg6[%add3A_2257, %dma_wait3A_2644] : memref<315392x128xf32, #tpu.memory_space<hbm>> -> memref<32x128xf32, #tpu.memory_space<hbm>>
    %dma_wait3A_2646 = arith.constant 0 : i32
    %dma_wait3A_2647 = tpu.memref_slice %arg6[%add3A_2257, %dma_wait3A_2646] : memref<315392x128xf32, #tpu.memory_space<hbm>> -> memref<32x128xf32, #tpu.memory_space<hbm>>
    %dma_wait3A_2648 = arith.constant 0 : i32
    %dma_wait3A_2649 = tpu.memref_slice %arg9[%mul3A_2255, %dma_wait3A_2648] : memref<64x128xf32, #tpu.memory_space<vmem>> -> memref<32x128xf32, #tpu.memory_space<vmem>>
    tpu.wait_dma2 semaphore(%arg14 : memref<!tpu.dma_semaphore, #tpu.memory_space<semaphore_mem>>) src(%dma_wait3A_2649 : memref<32x128xf32, #tpu.memory_space<vmem>>) dst(%dma_wait3A_2647 : memref<32x128xf32, #tpu.memory_space<hbm>>)
    %add3A_2650 = arith.constant 1824 : i32
    %add3A_2651 = arith.addi %mul3A_2, %add3A_2650 : i32
    %jit3A_2652 = arith.constant 4096 : i32
    %div3A_2653 = arith.divsi %add3A_2651, %jit3A_2652 : i32
    %sign3A_2654 = arith.constant 0 : i32
    %sign3A_2655 = arith.cmpi sgt, %add3A_2651, %sign3A_2654 : i32
    %sign3A_2656 = arith.extui %sign3A_2655 : i1 to i32
    %sign3A_2657 = arith.constant 0 : i32
    %sign3A_2658 = arith.cmpi slt, %add3A_2651, %sign3A_2657 : i32
    %sign3A_2659 = arith.extui %sign3A_2658 : i1 to i32
    %sign3A_2660 = arith.subi %sign3A_2656, %sign3A_2659 : i32
    %sign3A_2661 = arith.constant 0 : i32
    %sign3A_2662 = arith.cmpi sgt, %jit3A_2652, %sign3A_2661 : i32
    %sign3A_2663 = arith.extui %sign3A_2662 : i1 to i32
    %sign3A_2664 = arith.constant 0 : i32
    %sign3A_2665 = arith.cmpi slt, %jit3A_2652, %sign3A_2664 : i32
    %sign3A_2666 = arith.extui %sign3A_2665 : i1 to i32
    %sign3A_2667 = arith.subi %sign3A_2663, %sign3A_2666 : i32
    %ne3A_2668 = arith.cmpi ne, %sign3A_2660, %sign3A_2667 : i32
    %rem3A_2669 = arith.remsi %add3A_2651, %jit3A_2652 : i32
    %ne3A_2670 = arith.constant 0 : i32
    %ne3A_2671 = arith.cmpi ne, %rem3A_2669, %ne3A_2670 : i32
    %and3A_2672 = arith.andi %ne3A_2668, %ne3A_2671 : i1
    %sub3A_2673 = arith.constant 1 : i32
    %sub3A_2674 = arith.subi %div3A_2653, %sub3A_2673 : i32
    %select_n3A_2675 = arith.select %and3A_2672, %sub3A_2674, %div3A_2653 : i32
    %sub3A_2676 = arith.subi %select_n3A_2675, %select_n3A : i32
    %mul3A_2677 = arith.constant 32 : i32
    %mul3A_2678 = arith.muli %sub3A_2676, %mul3A_2677 : i32
    %add3A_2679 = arith.constant 1824 : i32
    %add3A_2680 = arith.addi %mul3A_2, %add3A_2679 : i32
    %dma_start3A_2681 = arith.constant 0 : i32
    %dma_start3A_2682 = tpu.memref_slice %arg9[%mul3A_2678, %dma_start3A_2681] : memref<64x128xf32, #tpu.memory_space<vmem>> -> memref<32x128xf32, #tpu.memory_space<vmem>>
    %dma_start3A_2683 = arith.constant 0 : i32
    %dma_start3A_2684 = tpu.memref_slice %arg6[%add3A_2680, %dma_start3A_2683] : memref<315392x128xf32, #tpu.memory_space<hbm>> -> memref<32x128xf32, #tpu.memory_space<hbm>>
    %dma_start3A_2685 = arith.constant 0 : i32
    %dma_start3A_2686 = tpu.memref_slice %arg6[%add3A_2680, %dma_start3A_2685] : memref<315392x128xf32, #tpu.memory_space<hbm>> -> memref<32x128xf32, #tpu.memory_space<hbm>>
    %dma_start3A_2687 = arith.constant 0 : i32
    %dma_start3A_2688 = tpu.memref_slice %arg9[%mul3A_2678, %dma_start3A_2687] : memref<64x128xf32, #tpu.memory_space<vmem>> -> memref<32x128xf32, #tpu.memory_space<vmem>>
    tpu.enqueue_dma source(%dma_start3A_2688 : memref<32x128xf32, #tpu.memory_space<vmem>>) target(%dma_start3A_2686 : memref<32x128xf32, #tpu.memory_space<hbm>>) target_semaphore(%arg14 : memref<!tpu.dma_semaphore, #tpu.memory_space<semaphore_mem>>)
    %dma_wait3A_2689 = arith.constant 0 : i32
    %dma_wait3A_2690 = tpu.memref_slice %arg9[%mul3A_2302, %dma_wait3A_2689] : memref<64x128xf32, #tpu.memory_space<vmem>> -> memref<32x128xf32, #tpu.memory_space<vmem>>
    %dma_wait3A_2691 = arith.constant 0 : i32
    %dma_wait3A_2692 = tpu.memref_slice %arg6[%add3A_2304, %dma_wait3A_2691] : memref<315392x128xf32, #tpu.memory_space<hbm>> -> memref<32x128xf32, #tpu.memory_space<hbm>>
    %dma_wait3A_2693 = arith.constant 0 : i32
    %dma_wait3A_2694 = tpu.memref_slice %arg6[%add3A_2304, %dma_wait3A_2693] : memref<315392x128xf32, #tpu.memory_space<hbm>> -> memref<32x128xf32, #tpu.memory_space<hbm>>
    %dma_wait3A_2695 = arith.constant 0 : i32
    %dma_wait3A_2696 = tpu.memref_slice %arg9[%mul3A_2302, %dma_wait3A_2695] : memref<64x128xf32, #tpu.memory_space<vmem>> -> memref<32x128xf32, #tpu.memory_space<vmem>>
    tpu.wait_dma2 semaphore(%arg14 : memref<!tpu.dma_semaphore, #tpu.memory_space<semaphore_mem>>) src(%dma_wait3A_2696 : memref<32x128xf32, #tpu.memory_space<vmem>>) dst(%dma_wait3A_2694 : memref<32x128xf32, #tpu.memory_space<hbm>>)
    %add3A_2697 = arith.constant 1856 : i32
    %add3A_2698 = arith.addi %mul3A_2, %add3A_2697 : i32
    %jit3A_2699 = arith.constant 4096 : i32
    %div3A_2700 = arith.divsi %add3A_2698, %jit3A_2699 : i32
    %sign3A_2701 = arith.constant 0 : i32
    %sign3A_2702 = arith.cmpi sgt, %add3A_2698, %sign3A_2701 : i32
    %sign3A_2703 = arith.extui %sign3A_2702 : i1 to i32
    %sign3A_2704 = arith.constant 0 : i32
    %sign3A_2705 = arith.cmpi slt, %add3A_2698, %sign3A_2704 : i32
    %sign3A_2706 = arith.extui %sign3A_2705 : i1 to i32
    %sign3A_2707 = arith.subi %sign3A_2703, %sign3A_2706 : i32
    %sign3A_2708 = arith.constant 0 : i32
    %sign3A_2709 = arith.cmpi sgt, %jit3A_2699, %sign3A_2708 : i32
    %sign3A_2710 = arith.extui %sign3A_2709 : i1 to i32
    %sign3A_2711 = arith.constant 0 : i32
    %sign3A_2712 = arith.cmpi slt, %jit3A_2699, %sign3A_2711 : i32
    %sign3A_2713 = arith.extui %sign3A_2712 : i1 to i32
    %sign3A_2714 = arith.subi %sign3A_2710, %sign3A_2713 : i32
    %ne3A_2715 = arith.cmpi ne, %sign3A_2707, %sign3A_2714 : i32
    %rem3A_2716 = arith.remsi %add3A_2698, %jit3A_2699 : i32
    %ne3A_2717 = arith.constant 0 : i32
    %ne3A_2718 = arith.cmpi ne, %rem3A_2716, %ne3A_2717 : i32
    %and3A_2719 = arith.andi %ne3A_2715, %ne3A_2718 : i1
    %sub3A_2720 = arith.constant 1 : i32
    %sub3A_2721 = arith.subi %div3A_2700, %sub3A_2720 : i32
    %select_n3A_2722 = arith.select %and3A_2719, %sub3A_2721, %div3A_2700 : i32
    %sub3A_2723 = arith.subi %select_n3A_2722, %select_n3A : i32
    %mul3A_2724 = arith.constant 32 : i32
    %mul3A_2725 = arith.muli %sub3A_2723, %mul3A_2724 : i32
    %add3A_2726 = arith.constant 1856 : i32
    %add3A_2727 = arith.addi %mul3A_2, %add3A_2726 : i32
    %dma_start3A_2728 = arith.constant 0 : i32
    %dma_start3A_2729 = tpu.memref_slice %arg9[%mul3A_2725, %dma_start3A_2728] : memref<64x128xf32, #tpu.memory_space<vmem>> -> memref<32x128xf32, #tpu.memory_space<vmem>>
    %dma_start3A_2730 = arith.constant 0 : i32
    %dma_start3A_2731 = tpu.memref_slice %arg6[%add3A_2727, %dma_start3A_2730] : memref<315392x128xf32, #tpu.memory_space<hbm>> -> memref<32x128xf32, #tpu.memory_space<hbm>>
    %dma_start3A_2732 = arith.constant 0 : i32
    %dma_start3A_2733 = tpu.memref_slice %arg6[%add3A_2727, %dma_start3A_2732] : memref<315392x128xf32, #tpu.memory_space<hbm>> -> memref<32x128xf32, #tpu.memory_space<hbm>>
    %dma_start3A_2734 = arith.constant 0 : i32
    %dma_start3A_2735 = tpu.memref_slice %arg9[%mul3A_2725, %dma_start3A_2734] : memref<64x128xf32, #tpu.memory_space<vmem>> -> memref<32x128xf32, #tpu.memory_space<vmem>>
    tpu.enqueue_dma source(%dma_start3A_2735 : memref<32x128xf32, #tpu.memory_space<vmem>>) target(%dma_start3A_2733 : memref<32x128xf32, #tpu.memory_space<hbm>>) target_semaphore(%arg14 : memref<!tpu.dma_semaphore, #tpu.memory_space<semaphore_mem>>)
    %dma_wait3A_2736 = arith.constant 0 : i32
    %dma_wait3A_2737 = tpu.memref_slice %arg9[%mul3A_2349, %dma_wait3A_2736] : memref<64x128xf32, #tpu.memory_space<vmem>> -> memref<32x128xf32, #tpu.memory_space<vmem>>
    %dma_wait3A_2738 = arith.constant 0 : i32
    %dma_wait3A_2739 = tpu.memref_slice %arg6[%add3A_2351, %dma_wait3A_2738] : memref<315392x128xf32, #tpu.memory_space<hbm>> -> memref<32x128xf32, #tpu.memory_space<hbm>>
    %dma_wait3A_2740 = arith.constant 0 : i32
    %dma_wait3A_2741 = tpu.memref_slice %arg6[%add3A_2351, %dma_wait3A_2740] : memref<315392x128xf32, #tpu.memory_space<hbm>> -> memref<32x128xf32, #tpu.memory_space<hbm>>
    %dma_wait3A_2742 = arith.constant 0 : i32
    %dma_wait3A_2743 = tpu.memref_slice %arg9[%mul3A_2349, %dma_wait3A_2742] : memref<64x128xf32, #tpu.memory_space<vmem>> -> memref<32x128xf32, #tpu.memory_space<vmem>>
    tpu.wait_dma2 semaphore(%arg14 : memref<!tpu.dma_semaphore, #tpu.memory_space<semaphore_mem>>) src(%dma_wait3A_2743 : memref<32x128xf32, #tpu.memory_space<vmem>>) dst(%dma_wait3A_2741 : memref<32x128xf32, #tpu.memory_space<hbm>>)
    %add3A_2744 = arith.constant 1888 : i32
    %add3A_2745 = arith.addi %mul3A_2, %add3A_2744 : i32
    %jit3A_2746 = arith.constant 4096 : i32
    %div3A_2747 = arith.divsi %add3A_2745, %jit3A_2746 : i32
    %sign3A_2748 = arith.constant 0 : i32
    %sign3A_2749 = arith.cmpi sgt, %add3A_2745, %sign3A_2748 : i32
    %sign3A_2750 = arith.extui %sign3A_2749 : i1 to i32
    %sign3A_2751 = arith.constant 0 : i32
    %sign3A_2752 = arith.cmpi slt, %add3A_2745, %sign3A_2751 : i32
    %sign3A_2753 = arith.extui %sign3A_2752 : i1 to i32
    %sign3A_2754 = arith.subi %sign3A_2750, %sign3A_2753 : i32
    %sign3A_2755 = arith.constant 0 : i32
    %sign3A_2756 = arith.cmpi sgt, %jit3A_2746, %sign3A_2755 : i32
    %sign3A_2757 = arith.extui %sign3A_2756 : i1 to i32
    %sign3A_2758 = arith.constant 0 : i32
    %sign3A_2759 = arith.cmpi slt, %jit3A_2746, %sign3A_2758 : i32
    %sign3A_2760 = arith.extui %sign3A_2759 : i1 to i32
    %sign3A_2761 = arith.subi %sign3A_2757, %sign3A_2760 : i32
    %ne3A_2762 = arith.cmpi ne, %sign3A_2754, %sign3A_2761 : i32
    %rem3A_2763 = arith.remsi %add3A_2745, %jit3A_2746 : i32
    %ne3A_2764 = arith.constant 0 : i32
    %ne3A_2765 = arith.cmpi ne, %rem3A_2763, %ne3A_2764 : i32
    %and3A_2766 = arith.andi %ne3A_2762, %ne3A_2765 : i1
    %sub3A_2767 = arith.constant 1 : i32
    %sub3A_2768 = arith.subi %div3A_2747, %sub3A_2767 : i32
    %select_n3A_2769 = arith.select %and3A_2766, %sub3A_2768, %div3A_2747 : i32
    %sub3A_2770 = arith.subi %select_n3A_2769, %select_n3A : i32
    %mul3A_2771 = arith.constant 32 : i32
    %mul3A_2772 = arith.muli %sub3A_2770, %mul3A_2771 : i32
    %add3A_2773 = arith.constant 1888 : i32
    %add3A_2774 = arith.addi %mul3A_2, %add3A_2773 : i32
    %dma_start3A_2775 = arith.constant 0 : i32
    %dma_start3A_2776 = tpu.memref_slice %arg9[%mul3A_2772, %dma_start3A_2775] : memref<64x128xf32, #tpu.memory_space<vmem>> -> memref<32x128xf32, #tpu.memory_space<vmem>>
    %dma_start3A_2777 = arith.constant 0 : i32
    %dma_start3A_2778 = tpu.memref_slice %arg6[%add3A_2774, %dma_start3A_2777] : memref<315392x128xf32, #tpu.memory_space<hbm>> -> memref<32x128xf32, #tpu.memory_space<hbm>>
    %dma_start3A_2779 = arith.constant 0 : i32
    %dma_start3A_2780 = tpu.memref_slice %arg6[%add3A_2774, %dma_start3A_2779] : memref<315392x128xf32, #tpu.memory_space<hbm>> -> memref<32x128xf32, #tpu.memory_space<hbm>>
    %dma_start3A_2781 = arith.constant 0 : i32
    %dma_start3A_2782 = tpu.memref_slice %arg9[%mul3A_2772, %dma_start3A_2781] : memref<64x128xf32, #tpu.memory_space<vmem>> -> memref<32x128xf32, #tpu.memory_space<vmem>>
    tpu.enqueue_dma source(%dma_start3A_2782 : memref<32x128xf32, #tpu.memory_space<vmem>>) target(%dma_start3A_2780 : memref<32x128xf32, #tpu.memory_space<hbm>>) target_semaphore(%arg14 : memref<!tpu.dma_semaphore, #tpu.memory_space<semaphore_mem>>)
    %dma_wait3A_2783 = arith.constant 0 : i32
    %dma_wait3A_2784 = tpu.memref_slice %arg9[%mul3A_2396, %dma_wait3A_2783] : memref<64x128xf32, #tpu.memory_space<vmem>> -> memref<32x128xf32, #tpu.memory_space<vmem>>
    %dma_wait3A_2785 = arith.constant 0 : i32
    %dma_wait3A_2786 = tpu.memref_slice %arg6[%add3A_2398, %dma_wait3A_2785] : memref<315392x128xf32, #tpu.memory_space<hbm>> -> memref<32x128xf32, #tpu.memory_space<hbm>>
    %dma_wait3A_2787 = arith.constant 0 : i32
    %dma_wait3A_2788 = tpu.memref_slice %arg6[%add3A_2398, %dma_wait3A_2787] : memref<315392x128xf32, #tpu.memory_space<hbm>> -> memref<32x128xf32, #tpu.memory_space<hbm>>
    %dma_wait3A_2789 = arith.constant 0 : i32
    %dma_wait3A_2790 = tpu.memref_slice %arg9[%mul3A_2396, %dma_wait3A_2789] : memref<64x128xf32, #tpu.memory_space<vmem>> -> memref<32x128xf32, #tpu.memory_space<vmem>>
    tpu.wait_dma2 semaphore(%arg14 : memref<!tpu.dma_semaphore, #tpu.memory_space<semaphore_mem>>) src(%dma_wait3A_2790 : memref<32x128xf32, #tpu.memory_space<vmem>>) dst(%dma_wait3A_2788 : memref<32x128xf32, #tpu.memory_space<hbm>>)
    %add3A_2791 = arith.constant 1920 : i32
    %add3A_2792 = arith.addi %mul3A_2, %add3A_2791 : i32
    %jit3A_2793 = arith.constant 4096 : i32
    %div3A_2794 = arith.divsi %add3A_2792, %jit3A_2793 : i32
    %sign3A_2795 = arith.constant 0 : i32
    %sign3A_2796 = arith.cmpi sgt, %add3A_2792, %sign3A_2795 : i32
    %sign3A_2797 = arith.extui %sign3A_2796 : i1 to i32
    %sign3A_2798 = arith.constant 0 : i32
    %sign3A_2799 = arith.cmpi slt, %add3A_2792, %sign3A_2798 : i32
    %sign3A_2800 = arith.extui %sign3A_2799 : i1 to i32
    %sign3A_2801 = arith.subi %sign3A_2797, %sign3A_2800 : i32
    %sign3A_2802 = arith.constant 0 : i32
    %sign3A_2803 = arith.cmpi sgt, %jit3A_2793, %sign3A_2802 : i32
    %sign3A_2804 = arith.extui %sign3A_2803 : i1 to i32
    %sign3A_2805 = arith.constant 0 : i32
    %sign3A_2806 = arith.cmpi slt, %jit3A_2793, %sign3A_2805 : i32
    %sign3A_2807 = arith.extui %sign3A_2806 : i1 to i32
    %sign3A_2808 = arith.subi %sign3A_2804, %sign3A_2807 : i32
    %ne3A_2809 = arith.cmpi ne, %sign3A_2801, %sign3A_2808 : i32
    %rem3A_2810 = arith.remsi %add3A_2792, %jit3A_2793 : i32
    %ne3A_2811 = arith.constant 0 : i32
    %ne3A_2812 = arith.cmpi ne, %rem3A_2810, %ne3A_2811 : i32
    %and3A_2813 = arith.andi %ne3A_2809, %ne3A_2812 : i1
    %sub3A_2814 = arith.constant 1 : i32
    %sub3A_2815 = arith.subi %div3A_2794, %sub3A_2814 : i32
    %select_n3A_2816 = arith.select %and3A_2813, %sub3A_2815, %div3A_2794 : i32
    %sub3A_2817 = arith.subi %select_n3A_2816, %select_n3A : i32
    %mul3A_2818 = arith.constant 32 : i32
    %mul3A_2819 = arith.muli %sub3A_2817, %mul3A_2818 : i32
    %add3A_2820 = arith.constant 1920 : i32
    %add3A_2821 = arith.addi %mul3A_2, %add3A_2820 : i32
    %dma_start3A_2822 = arith.constant 0 : i32
    %dma_start3A_2823 = tpu.memref_slice %arg9[%mul3A_2819, %dma_start3A_2822] : memref<64x128xf32, #tpu.memory_space<vmem>> -> memref<32x128xf32, #tpu.memory_space<vmem>>
    %dma_start3A_2824 = arith.constant 0 : i32
    %dma_start3A_2825 = tpu.memref_slice %arg6[%add3A_2821, %dma_start3A_2824] : memref<315392x128xf32, #tpu.memory_space<hbm>> -> memref<32x128xf32, #tpu.memory_space<hbm>>
    %dma_start3A_2826 = arith.constant 0 : i32
    %dma_start3A_2827 = tpu.memref_slice %arg6[%add3A_2821, %dma_start3A_2826] : memref<315392x128xf32, #tpu.memory_space<hbm>> -> memref<32x128xf32, #tpu.memory_space<hbm>>
    %dma_start3A_2828 = arith.constant 0 : i32
    %dma_start3A_2829 = tpu.memref_slice %arg9[%mul3A_2819, %dma_start3A_2828] : memref<64x128xf32, #tpu.memory_space<vmem>> -> memref<32x128xf32, #tpu.memory_space<vmem>>
    tpu.enqueue_dma source(%dma_start3A_2829 : memref<32x128xf32, #tpu.memory_space<vmem>>) target(%dma_start3A_2827 : memref<32x128xf32, #tpu.memory_space<hbm>>) target_semaphore(%arg14 : memref<!tpu.dma_semaphore, #tpu.memory_space<semaphore_mem>>)
    %dma_wait3A_2830 = arith.constant 0 : i32
    %dma_wait3A_2831 = tpu.memref_slice %arg9[%mul3A_2443, %dma_wait3A_2830] : memref<64x128xf32, #tpu.memory_space<vmem>> -> memref<32x128xf32, #tpu.memory_space<vmem>>
    %dma_wait3A_2832 = arith.constant 0 : i32
    %dma_wait3A_2833 = tpu.memref_slice %arg6[%add3A_2445, %dma_wait3A_2832] : memref<315392x128xf32, #tpu.memory_space<hbm>> -> memref<32x128xf32, #tpu.memory_space<hbm>>
    %dma_wait3A_2834 = arith.constant 0 : i32
    %dma_wait3A_2835 = tpu.memref_slice %arg6[%add3A_2445, %dma_wait3A_2834] : memref<315392x128xf32, #tpu.memory_space<hbm>> -> memref<32x128xf32, #tpu.memory_space<hbm>>
    %dma_wait3A_2836 = arith.constant 0 : i32
    %dma_wait3A_2837 = tpu.memref_slice %arg9[%mul3A_2443, %dma_wait3A_2836] : memref<64x128xf32, #tpu.memory_space<vmem>> -> memref<32x128xf32, #tpu.memory_space<vmem>>
    tpu.wait_dma2 semaphore(%arg14 : memref<!tpu.dma_semaphore, #tpu.memory_space<semaphore_mem>>) src(%dma_wait3A_2837 : memref<32x128xf32, #tpu.memory_space<vmem>>) dst(%dma_wait3A_2835 : memref<32x128xf32, #tpu.memory_space<hbm>>)
    %add3A_2838 = arith.constant 1952 : i32
    %add3A_2839 = arith.addi %mul3A_2, %add3A_2838 : i32
    %jit3A_2840 = arith.constant 4096 : i32
    %div3A_2841 = arith.divsi %add3A_2839, %jit3A_2840 : i32
    %sign3A_2842 = arith.constant 0 : i32
    %sign3A_2843 = arith.cmpi sgt, %add3A_2839, %sign3A_2842 : i32
    %sign3A_2844 = arith.extui %sign3A_2843 : i1 to i32
    %sign3A_2845 = arith.constant 0 : i32
    %sign3A_2846 = arith.cmpi slt, %add3A_2839, %sign3A_2845 : i32
    %sign3A_2847 = arith.extui %sign3A_2846 : i1 to i32
    %sign3A_2848 = arith.subi %sign3A_2844, %sign3A_2847 : i32
    %sign3A_2849 = arith.constant 0 : i32
    %sign3A_2850 = arith.cmpi sgt, %jit3A_2840, %sign3A_2849 : i32
    %sign3A_2851 = arith.extui %sign3A_2850 : i1 to i32
    %sign3A_2852 = arith.constant 0 : i32
    %sign3A_2853 = arith.cmpi slt, %jit3A_2840, %sign3A_2852 : i32
    %sign3A_2854 = arith.extui %sign3A_2853 : i1 to i32
    %sign3A_2855 = arith.subi %sign3A_2851, %sign3A_2854 : i32
    %ne3A_2856 = arith.cmpi ne, %sign3A_2848, %sign3A_2855 : i32
    %rem3A_2857 = arith.remsi %add3A_2839, %jit3A_2840 : i32
    %ne3A_2858 = arith.constant 0 : i32
    %ne3A_2859 = arith.cmpi ne, %rem3A_2857, %ne3A_2858 : i32
    %and3A_2860 = arith.andi %ne3A_2856, %ne3A_2859 : i1
    %sub3A_2861 = arith.constant 1 : i32
    %sub3A_2862 = arith.subi %div3A_2841, %sub3A_2861 : i32
    %select_n3A_2863 = arith.select %and3A_2860, %sub3A_2862, %div3A_2841 : i32
    %sub3A_2864 = arith.subi %select_n3A_2863, %select_n3A : i32
    %mul3A_2865 = arith.constant 32 : i32
    %mul3A_2866 = arith.muli %sub3A_2864, %mul3A_2865 : i32
    %add3A_2867 = arith.constant 1952 : i32
    %add3A_2868 = arith.addi %mul3A_2, %add3A_2867 : i32
    %dma_start3A_2869 = arith.constant 0 : i32
    %dma_start3A_2870 = tpu.memref_slice %arg9[%mul3A_2866, %dma_start3A_2869] : memref<64x128xf32, #tpu.memory_space<vmem>> -> memref<32x128xf32, #tpu.memory_space<vmem>>
    %dma_start3A_2871 = arith.constant 0 : i32
    %dma_start3A_2872 = tpu.memref_slice %arg6[%add3A_2868, %dma_start3A_2871] : memref<315392x128xf32, #tpu.memory_space<hbm>> -> memref<32x128xf32, #tpu.memory_space<hbm>>
    %dma_start3A_2873 = arith.constant 0 : i32
    %dma_start3A_2874 = tpu.memref_slice %arg6[%add3A_2868, %dma_start3A_2873] : memref<315392x128xf32, #tpu.memory_space<hbm>> -> memref<32x128xf32, #tpu.memory_space<hbm>>
    %dma_start3A_2875 = arith.constant 0 : i32
    %dma_start3A_2876 = tpu.memref_slice %arg9[%mul3A_2866, %dma_start3A_2875] : memref<64x128xf32, #tpu.memory_space<vmem>> -> memref<32x128xf32, #tpu.memory_space<vmem>>
    tpu.enqueue_dma source(%dma_start3A_2876 : memref<32x128xf32, #tpu.memory_space<vmem>>) target(%dma_start3A_2874 : memref<32x128xf32, #tpu.memory_space<hbm>>) target_semaphore(%arg14 : memref<!tpu.dma_semaphore, #tpu.memory_space<semaphore_mem>>)
    %dma_wait3A_2877 = arith.constant 0 : i32
    %dma_wait3A_2878 = tpu.memref_slice %arg9[%mul3A_2490, %dma_wait3A_2877] : memref<64x128xf32, #tpu.memory_space<vmem>> -> memref<32x128xf32, #tpu.memory_space<vmem>>
    %dma_wait3A_2879 = arith.constant 0 : i32
    %dma_wait3A_2880 = tpu.memref_slice %arg6[%add3A_2492, %dma_wait3A_2879] : memref<315392x128xf32, #tpu.memory_space<hbm>> -> memref<32x128xf32, #tpu.memory_space<hbm>>
    %dma_wait3A_2881 = arith.constant 0 : i32
    %dma_wait3A_2882 = tpu.memref_slice %arg6[%add3A_2492, %dma_wait3A_2881] : memref<315392x128xf32, #tpu.memory_space<hbm>> -> memref<32x128xf32, #tpu.memory_space<hbm>>
    %dma_wait3A_2883 = arith.constant 0 : i32
    %dma_wait3A_2884 = tpu.memref_slice %arg9[%mul3A_2490, %dma_wait3A_2883] : memref<64x128xf32, #tpu.memory_space<vmem>> -> memref<32x128xf32, #tpu.memory_space<vmem>>
    tpu.wait_dma2 semaphore(%arg14 : memref<!tpu.dma_semaphore, #tpu.memory_space<semaphore_mem>>) src(%dma_wait3A_2884 : memref<32x128xf32, #tpu.memory_space<vmem>>) dst(%dma_wait3A_2882 : memref<32x128xf32, #tpu.memory_space<hbm>>)
    %add3A_2885 = arith.constant 1984 : i32
    %add3A_2886 = arith.addi %mul3A_2, %add3A_2885 : i32
    %jit3A_2887 = arith.constant 4096 : i32
    %div3A_2888 = arith.divsi %add3A_2886, %jit3A_2887 : i32
    %sign3A_2889 = arith.constant 0 : i32
    %sign3A_2890 = arith.cmpi sgt, %add3A_2886, %sign3A_2889 : i32
    %sign3A_2891 = arith.extui %sign3A_2890 : i1 to i32
    %sign3A_2892 = arith.constant 0 : i32
    %sign3A_2893 = arith.cmpi slt, %add3A_2886, %sign3A_2892 : i32
    %sign3A_2894 = arith.extui %sign3A_2893 : i1 to i32
    %sign3A_2895 = arith.subi %sign3A_2891, %sign3A_2894 : i32
    %sign3A_2896 = arith.constant 0 : i32
    %sign3A_2897 = arith.cmpi sgt, %jit3A_2887, %sign3A_2896 : i32
    %sign3A_2898 = arith.extui %sign3A_2897 : i1 to i32
    %sign3A_2899 = arith.constant 0 : i32
    %sign3A_2900 = arith.cmpi slt, %jit3A_2887, %sign3A_2899 : i32
    %sign3A_2901 = arith.extui %sign3A_2900 : i1 to i32
    %sign3A_2902 = arith.subi %sign3A_2898, %sign3A_2901 : i32
    %ne3A_2903 = arith.cmpi ne, %sign3A_2895, %sign3A_2902 : i32
    %rem3A_2904 = arith.remsi %add3A_2886, %jit3A_2887 : i32
    %ne3A_2905 = arith.constant 0 : i32
    %ne3A_2906 = arith.cmpi ne, %rem3A_2904, %ne3A_2905 : i32
    %and3A_2907 = arith.andi %ne3A_2903, %ne3A_2906 : i1
    %sub3A_2908 = arith.constant 1 : i32
    %sub3A_2909 = arith.subi %div3A_2888, %sub3A_2908 : i32
    %select_n3A_2910 = arith.select %and3A_2907, %sub3A_2909, %div3A_2888 : i32
    %sub3A_2911 = arith.subi %select_n3A_2910, %select_n3A : i32
    %mul3A_2912 = arith.constant 32 : i32
    %mul3A_2913 = arith.muli %sub3A_2911, %mul3A_2912 : i32
    %add3A_2914 = arith.constant 1984 : i32
    %add3A_2915 = arith.addi %mul3A_2, %add3A_2914 : i32
    %dma_start3A_2916 = arith.constant 0 : i32
    %dma_start3A_2917 = tpu.memref_slice %arg9[%mul3A_2913, %dma_start3A_2916] : memref<64x128xf32, #tpu.memory_space<vmem>> -> memref<32x128xf32, #tpu.memory_space<vmem>>
    %dma_start3A_2918 = arith.constant 0 : i32
    %dma_start3A_2919 = tpu.memref_slice %arg6[%add3A_2915, %dma_start3A_2918] : memref<315392x128xf32, #tpu.memory_space<hbm>> -> memref<32x128xf32, #tpu.memory_space<hbm>>
    %dma_start3A_2920 = arith.constant 0 : i32
    %dma_start3A_2921 = tpu.memref_slice %arg6[%add3A_2915, %dma_start3A_2920] : memref<315392x128xf32, #tpu.memory_space<hbm>> -> memref<32x128xf32, #tpu.memory_space<hbm>>
    %dma_start3A_2922 = arith.constant 0 : i32
    %dma_start3A_2923 = tpu.memref_slice %arg9[%mul3A_2913, %dma_start3A_2922] : memref<64x128xf32, #tpu.memory_space<vmem>> -> memref<32x128xf32, #tpu.memory_space<vmem>>
    tpu.enqueue_dma source(%dma_start3A_2923 : memref<32x128xf32, #tpu.memory_space<vmem>>) target(%dma_start3A_2921 : memref<32x128xf32, #tpu.memory_space<hbm>>) target_semaphore(%arg14 : memref<!tpu.dma_semaphore, #tpu.memory_space<semaphore_mem>>)
    %dma_wait3A_2924 = arith.constant 0 : i32
    %dma_wait3A_2925 = tpu.memref_slice %arg9[%mul3A_2537, %dma_wait3A_2924] : memref<64x128xf32, #tpu.memory_space<vmem>> -> memref<32x128xf32, #tpu.memory_space<vmem>>
    %dma_wait3A_2926 = arith.constant 0 : i32
    %dma_wait3A_2927 = tpu.memref_slice %arg6[%add3A_2539, %dma_wait3A_2926] : memref<315392x128xf32, #tpu.memory_space<hbm>> -> memref<32x128xf32, #tpu.memory_space<hbm>>
    %dma_wait3A_2928 = arith.constant 0 : i32
    %dma_wait3A_2929 = tpu.memref_slice %arg6[%add3A_2539, %dma_wait3A_2928] : memref<315392x128xf32, #tpu.memory_space<hbm>> -> memref<32x128xf32, #tpu.memory_space<hbm>>
    %dma_wait3A_2930 = arith.constant 0 : i32
    %dma_wait3A_2931 = tpu.memref_slice %arg9[%mul3A_2537, %dma_wait3A_2930] : memref<64x128xf32, #tpu.memory_space<vmem>> -> memref<32x128xf32, #tpu.memory_space<vmem>>
    tpu.wait_dma2 semaphore(%arg14 : memref<!tpu.dma_semaphore, #tpu.memory_space<semaphore_mem>>) src(%dma_wait3A_2931 : memref<32x128xf32, #tpu.memory_space<vmem>>) dst(%dma_wait3A_2929 : memref<32x128xf32, #tpu.memory_space<hbm>>)
    %add3A_2932 = arith.constant 2016 : i32
    %add3A_2933 = arith.addi %mul3A_2, %add3A_2932 : i32
    %jit3A_2934 = arith.constant 4096 : i32
    %div3A_2935 = arith.divsi %add3A_2933, %jit3A_2934 : i32
    %sign3A_2936 = arith.constant 0 : i32
    %sign3A_2937 = arith.cmpi sgt, %add3A_2933, %sign3A_2936 : i32
    %sign3A_2938 = arith.extui %sign3A_2937 : i1 to i32
    %sign3A_2939 = arith.constant 0 : i32
    %sign3A_2940 = arith.cmpi slt, %add3A_2933, %sign3A_2939 : i32
    %sign3A_2941 = arith.extui %sign3A_2940 : i1 to i32
    %sign3A_2942 = arith.subi %sign3A_2938, %sign3A_2941 : i32
    %sign3A_2943 = arith.constant 0 : i32
    %sign3A_2944 = arith.cmpi sgt, %jit3A_2934, %sign3A_2943 : i32
    %sign3A_2945 = arith.extui %sign3A_2944 : i1 to i32
    %sign3A_2946 = arith.constant 0 : i32
    %sign3A_2947 = arith.cmpi slt, %jit3A_2934, %sign3A_2946 : i32
    %sign3A_2948 = arith.extui %sign3A_2947 : i1 to i32
    %sign3A_2949 = arith.subi %sign3A_2945, %sign3A_2948 : i32
    %ne3A_2950 = arith.cmpi ne, %sign3A_2942, %sign3A_2949 : i32
    %rem3A_2951 = arith.remsi %add3A_2933, %jit3A_2934 : i32
    %ne3A_2952 = arith.constant 0 : i32
    %ne3A_2953 = arith.cmpi ne, %rem3A_2951, %ne3A_2952 : i32
    %and3A_2954 = arith.andi %ne3A_2950, %ne3A_2953 : i1
    %sub3A_2955 = arith.constant 1 : i32
    %sub3A_2956 = arith.subi %div3A_2935, %sub3A_2955 : i32
    %select_n3A_2957 = arith.select %and3A_2954, %sub3A_2956, %div3A_2935 : i32
    %sub3A_2958 = arith.subi %select_n3A_2957, %select_n3A : i32
    %mul3A_2959 = arith.constant 32 : i32
    %mul3A_2960 = arith.muli %sub3A_2958, %mul3A_2959 : i32
    %add3A_2961 = arith.constant 2016 : i32
    %add3A_2962 = arith.addi %mul3A_2, %add3A_2961 : i32
    %dma_start3A_2963 = arith.constant 0 : i32
    %dma_start3A_2964 = tpu.memref_slice %arg9[%mul3A_2960, %dma_start3A_2963] : memref<64x128xf32, #tpu.memory_space<vmem>> -> memref<32x128xf32, #tpu.memory_space<vmem>>
    %dma_start3A_2965 = arith.constant 0 : i32
    %dma_start3A_2966 = tpu.memref_slice %arg6[%add3A_2962, %dma_start3A_2965] : memref<315392x128xf32, #tpu.memory_space<hbm>> -> memref<32x128xf32, #tpu.memory_space<hbm>>
    %dma_start3A_2967 = arith.constant 0 : i32
    %dma_start3A_2968 = tpu.memref_slice %arg6[%add3A_2962, %dma_start3A_2967] : memref<315392x128xf32, #tpu.memory_space<hbm>> -> memref<32x128xf32, #tpu.memory_space<hbm>>
    %dma_start3A_2969 = arith.constant 0 : i32
    %dma_start3A_2970 = tpu.memref_slice %arg9[%mul3A_2960, %dma_start3A_2969] : memref<64x128xf32, #tpu.memory_space<vmem>> -> memref<32x128xf32, #tpu.memory_space<vmem>>
    tpu.enqueue_dma source(%dma_start3A_2970 : memref<32x128xf32, #tpu.memory_space<vmem>>) target(%dma_start3A_2968 : memref<32x128xf32, #tpu.memory_space<hbm>>) target_semaphore(%arg14 : memref<!tpu.dma_semaphore, #tpu.memory_space<semaphore_mem>>)
    %dma_wait3A_2971 = arith.constant 0 : i32
    %dma_wait3A_2972 = tpu.memref_slice %arg9[%mul3A_2584, %dma_wait3A_2971] : memref<64x128xf32, #tpu.memory_space<vmem>> -> memref<32x128xf32, #tpu.memory_space<vmem>>
    %dma_wait3A_2973 = arith.constant 0 : i32
    %dma_wait3A_2974 = tpu.memref_slice %arg6[%add3A_2586, %dma_wait3A_2973] : memref<315392x128xf32, #tpu.memory_space<hbm>> -> memref<32x128xf32, #tpu.memory_space<hbm>>
    %dma_wait3A_2975 = arith.constant 0 : i32
    %dma_wait3A_2976 = tpu.memref_slice %arg6[%add3A_2586, %dma_wait3A_2975] : memref<315392x128xf32, #tpu.memory_space<hbm>> -> memref<32x128xf32, #tpu.memory_space<hbm>>
    %dma_wait3A_2977 = arith.constant 0 : i32
    %dma_wait3A_2978 = tpu.memref_slice %arg9[%mul3A_2584, %dma_wait3A_2977] : memref<64x128xf32, #tpu.memory_space<vmem>> -> memref<32x128xf32, #tpu.memory_space<vmem>>
    tpu.wait_dma2 semaphore(%arg14 : memref<!tpu.dma_semaphore, #tpu.memory_space<semaphore_mem>>) src(%dma_wait3A_2978 : memref<32x128xf32, #tpu.memory_space<vmem>>) dst(%dma_wait3A_2976 : memref<32x128xf32, #tpu.memory_space<hbm>>)
    %add3A_2979 = arith.constant 2048 : i32
    %add3A_2980 = arith.addi %mul3A_2, %add3A_2979 : i32
    %jit3A_2981 = arith.constant 4096 : i32
    %div3A_2982 = arith.divsi %add3A_2980, %jit3A_2981 : i32
    %sign3A_2983 = arith.constant 0 : i32
    %sign3A_2984 = arith.cmpi sgt, %add3A_2980, %sign3A_2983 : i32
    %sign3A_2985 = arith.extui %sign3A_2984 : i1 to i32
    %sign3A_2986 = arith.constant 0 : i32
    %sign3A_2987 = arith.cmpi slt, %add3A_2980, %sign3A_2986 : i32
    %sign3A_2988 = arith.extui %sign3A_2987 : i1 to i32
    %sign3A_2989 = arith.subi %sign3A_2985, %sign3A_2988 : i32
    %sign3A_2990 = arith.constant 0 : i32
    %sign3A_2991 = arith.cmpi sgt, %jit3A_2981, %sign3A_2990 : i32
    %sign3A_2992 = arith.extui %sign3A_2991 : i1 to i32
    %sign3A_2993 = arith.constant 0 : i32
    %sign3A_2994 = arith.cmpi slt, %jit3A_2981, %sign3A_2993 : i32
    %sign3A_2995 = arith.extui %sign3A_2994 : i1 to i32
    %sign3A_2996 = arith.subi %sign3A_2992, %sign3A_2995 : i32
    %ne3A_2997 = arith.cmpi ne, %sign3A_2989, %sign3A_2996 : i32
    %rem3A_2998 = arith.remsi %add3A_2980, %jit3A_2981 : i32
    %ne3A_2999 = arith.constant 0 : i32
    %ne3A_3000 = arith.cmpi ne, %rem3A_2998, %ne3A_2999 : i32
    %and3A_3001 = arith.andi %ne3A_2997, %ne3A_3000 : i1
    %sub3A_3002 = arith.constant 1 : i32
    %sub3A_3003 = arith.subi %div3A_2982, %sub3A_3002 : i32
    %select_n3A_3004 = arith.select %and3A_3001, %sub3A_3003, %div3A_2982 : i32
    %sub3A_3005 = arith.subi %select_n3A_3004, %select_n3A : i32
    %mul3A_3006 = arith.constant 32 : i32
    %mul3A_3007 = arith.muli %sub3A_3005, %mul3A_3006 : i32
    %add3A_3008 = arith.constant 2048 : i32
    %add3A_3009 = arith.addi %mul3A_2, %add3A_3008 : i32
    %dma_start3A_3010 = arith.constant 0 : i32
    %dma_start3A_3011 = tpu.memref_slice %arg9[%mul3A_3007, %dma_start3A_3010] : memref<64x128xf32, #tpu.memory_space<vmem>> -> memref<32x128xf32, #tpu.memory_space<vmem>>
    %dma_start3A_3012 = arith.constant 0 : i32
    %dma_start3A_3013 = tpu.memref_slice %arg6[%add3A_3009, %dma_start3A_3012] : memref<315392x128xf32, #tpu.memory_space<hbm>> -> memref<32x128xf32, #tpu.memory_space<hbm>>
    %dma_start3A_3014 = arith.constant 0 : i32
    %dma_start3A_3015 = tpu.memref_slice %arg6[%add3A_3009, %dma_start3A_3014] : memref<315392x128xf32, #tpu.memory_space<hbm>> -> memref<32x128xf32, #tpu.memory_space<hbm>>
    %dma_start3A_3016 = arith.constant 0 : i32
    %dma_start3A_3017 = tpu.memref_slice %arg9[%mul3A_3007, %dma_start3A_3016] : memref<64x128xf32, #tpu.memory_space<vmem>> -> memref<32x128xf32, #tpu.memory_space<vmem>>
    tpu.enqueue_dma source(%dma_start3A_3017 : memref<32x128xf32, #tpu.memory_space<vmem>>) target(%dma_start3A_3015 : memref<32x128xf32, #tpu.memory_space<hbm>>) target_semaphore(%arg14 : memref<!tpu.dma_semaphore, #tpu.memory_space<semaphore_mem>>)
    %dma_wait3A_3018 = arith.constant 0 : i32
    %dma_wait3A_3019 = tpu.memref_slice %arg9[%mul3A_2631, %dma_wait3A_3018] : memref<64x128xf32, #tpu.memory_space<vmem>> -> memref<32x128xf32, #tpu.memory_space<vmem>>
    %dma_wait3A_3020 = arith.constant 0 : i32
    %dma_wait3A_3021 = tpu.memref_slice %arg6[%add3A_2633, %dma_wait3A_3020] : memref<315392x128xf32, #tpu.memory_space<hbm>> -> memref<32x128xf32, #tpu.memory_space<hbm>>
    %dma_wait3A_3022 = arith.constant 0 : i32
    %dma_wait3A_3023 = tpu.memref_slice %arg6[%add3A_2633, %dma_wait3A_3022] : memref<315392x128xf32, #tpu.memory_space<hbm>> -> memref<32x128xf32, #tpu.memory_space<hbm>>
    %dma_wait3A_3024 = arith.constant 0 : i32
    %dma_wait3A_3025 = tpu.memref_slice %arg9[%mul3A_2631, %dma_wait3A_3024] : memref<64x128xf32, #tpu.memory_space<vmem>> -> memref<32x128xf32, #tpu.memory_space<vmem>>
    tpu.wait_dma2 semaphore(%arg14 : memref<!tpu.dma_semaphore, #tpu.memory_space<semaphore_mem>>) src(%dma_wait3A_3025 : memref<32x128xf32, #tpu.memory_space<vmem>>) dst(%dma_wait3A_3023 : memref<32x128xf32, #tpu.memory_space<hbm>>)
    %add3A_3026 = arith.constant 2080 : i32
    %add3A_3027 = arith.addi %mul3A_2, %add3A_3026 : i32
    %jit3A_3028 = arith.constant 4096 : i32
    %div3A_3029 = arith.divsi %add3A_3027, %jit3A_3028 : i32
    %sign3A_3030 = arith.constant 0 : i32
    %sign3A_3031 = arith.cmpi sgt, %add3A_3027, %sign3A_3030 : i32
    %sign3A_3032 = arith.extui %sign3A_3031 : i1 to i32
    %sign3A_3033 = arith.constant 0 : i32
    %sign3A_3034 = arith.cmpi slt, %add3A_3027, %sign3A_3033 : i32
    %sign3A_3035 = arith.extui %sign3A_3034 : i1 to i32
    %sign3A_3036 = arith.subi %sign3A_3032, %sign3A_3035 : i32
    %sign3A_3037 = arith.constant 0 : i32
    %sign3A_3038 = arith.cmpi sgt, %jit3A_3028, %sign3A_3037 : i32
    %sign3A_3039 = arith.extui %sign3A_3038 : i1 to i32
    %sign3A_3040 = arith.constant 0 : i32
    %sign3A_3041 = arith.cmpi slt, %jit3A_3028, %sign3A_3040 : i32
    %sign3A_3042 = arith.extui %sign3A_3041 : i1 to i32
    %sign3A_3043 = arith.subi %sign3A_3039, %sign3A_3042 : i32
    %ne3A_3044 = arith.cmpi ne, %sign3A_3036, %sign3A_3043 : i32
    %rem3A_3045 = arith.remsi %add3A_3027, %jit3A_3028 : i32
    %ne3A_3046 = arith.constant 0 : i32
    %ne3A_3047 = arith.cmpi ne, %rem3A_3045, %ne3A_3046 : i32
    %and3A_3048 = arith.andi %ne3A_3044, %ne3A_3047 : i1
    %sub3A_3049 = arith.constant 1 : i32
    %sub3A_3050 = arith.subi %div3A_3029, %sub3A_3049 : i32
    %select_n3A_3051 = arith.select %and3A_3048, %sub3A_3050, %div3A_3029 : i32
    %sub3A_3052 = arith.subi %select_n3A_3051, %select_n3A : i32
    %mul3A_3053 = arith.constant 32 : i32
    %mul3A_3054 = arith.muli %sub3A_3052, %mul3A_3053 : i32
    %add3A_3055 = arith.constant 2080 : i32
    %add3A_3056 = arith.addi %mul3A_2, %add3A_3055 : i32
    %dma_start3A_3057 = arith.constant 0 : i32
    %dma_start3A_3058 = tpu.memref_slice %arg9[%mul3A_3054, %dma_start3A_3057] : memref<64x128xf32, #tpu.memory_space<vmem>> -> memref<32x128xf32, #tpu.memory_space<vmem>>
    %dma_start3A_3059 = arith.constant 0 : i32
    %dma_start3A_3060 = tpu.memref_slice %arg6[%add3A_3056, %dma_start3A_3059] : memref<315392x128xf32, #tpu.memory_space<hbm>> -> memref<32x128xf32, #tpu.memory_space<hbm>>
    %dma_start3A_3061 = arith.constant 0 : i32
    %dma_start3A_3062 = tpu.memref_slice %arg6[%add3A_3056, %dma_start3A_3061] : memref<315392x128xf32, #tpu.memory_space<hbm>> -> memref<32x128xf32, #tpu.memory_space<hbm>>
    %dma_start3A_3063 = arith.constant 0 : i32
    %dma_start3A_3064 = tpu.memref_slice %arg9[%mul3A_3054, %dma_start3A_3063] : memref<64x128xf32, #tpu.memory_space<vmem>> -> memref<32x128xf32, #tpu.memory_space<vmem>>
    tpu.enqueue_dma source(%dma_start3A_3064 : memref<32x128xf32, #tpu.memory_space<vmem>>) target(%dma_start3A_3062 : memref<32x128xf32, #tpu.memory_space<hbm>>) target_semaphore(%arg14 : memref<!tpu.dma_semaphore, #tpu.memory_space<semaphore_mem>>)
    %dma_wait3A_3065 = arith.constant 0 : i32
    %dma_wait3A_3066 = tpu.memref_slice %arg9[%mul3A_2678, %dma_wait3A_3065] : memref<64x128xf32, #tpu.memory_space<vmem>> -> memref<32x128xf32, #tpu.memory_space<vmem>>
    %dma_wait3A_3067 = arith.constant 0 : i32
    %dma_wait3A_3068 = tpu.memref_slice %arg6[%add3A_2680, %dma_wait3A_3067] : memref<315392x128xf32, #tpu.memory_space<hbm>> -> memref<32x128xf32, #tpu.memory_space<hbm>>
    %dma_wait3A_3069 = arith.constant 0 : i32
    %dma_wait3A_3070 = tpu.memref_slice %arg6[%add3A_2680, %dma_wait3A_3069] : memref<315392x128xf32, #tpu.memory_space<hbm>> -> memref<32x128xf32, #tpu.memory_space<hbm>>
    %dma_wait3A_3071 = arith.constant 0 : i32
    %dma_wait3A_3072 = tpu.memref_slice %arg9[%mul3A_2678, %dma_wait3A_3071] : memref<64x128xf32, #tpu.memory_space<vmem>> -> memref<32x128xf32, #tpu.memory_space<vmem>>
    tpu.wait_dma2 semaphore(%arg14 : memref<!tpu.dma_semaphore, #tpu.memory_space<semaphore_mem>>) src(%dma_wait3A_3072 : memref<32x128xf32, #tpu.memory_space<vmem>>) dst(%dma_wait3A_3070 : memref<32x128xf32, #tpu.memory_space<hbm>>)
    %add3A_3073 = arith.constant 2112 : i32
    %add3A_3074 = arith.addi %mul3A_2, %add3A_3073 : i32
    %jit3A_3075 = arith.constant 4096 : i32
    %div3A_3076 = arith.divsi %add3A_3074, %jit3A_3075 : i32
    %sign3A_3077 = arith.constant 0 : i32
    %sign3A_3078 = arith.cmpi sgt, %add3A_3074, %sign3A_3077 : i32
    %sign3A_3079 = arith.extui %sign3A_3078 : i1 to i32
    %sign3A_3080 = arith.constant 0 : i32
    %sign3A_3081 = arith.cmpi slt, %add3A_3074, %sign3A_3080 : i32
    %sign3A_3082 = arith.extui %sign3A_3081 : i1 to i32
    %sign3A_3083 = arith.subi %sign3A_3079, %sign3A_3082 : i32
    %sign3A_3084 = arith.constant 0 : i32
    %sign3A_3085 = arith.cmpi sgt, %jit3A_3075, %sign3A_3084 : i32
    %sign3A_3086 = arith.extui %sign3A_3085 : i1 to i32
    %sign3A_3087 = arith.constant 0 : i32
    %sign3A_3088 = arith.cmpi slt, %jit3A_3075, %sign3A_3087 : i32
    %sign3A_3089 = arith.extui %sign3A_3088 : i1 to i32
    %sign3A_3090 = arith.subi %sign3A_3086, %sign3A_3089 : i32
    %ne3A_3091 = arith.cmpi ne, %sign3A_3083, %sign3A_3090 : i32
    %rem3A_3092 = arith.remsi %add3A_3074, %jit3A_3075 : i32
    %ne3A_3093 = arith.constant 0 : i32
    %ne3A_3094 = arith.cmpi ne, %rem3A_3092, %ne3A_3093 : i32
    %and3A_3095 = arith.andi %ne3A_3091, %ne3A_3094 : i1
    %sub3A_3096 = arith.constant 1 : i32
    %sub3A_3097 = arith.subi %div3A_3076, %sub3A_3096 : i32
    %select_n3A_3098 = arith.select %and3A_3095, %sub3A_3097, %div3A_3076 : i32
    %sub3A_3099 = arith.subi %select_n3A_3098, %select_n3A : i32
    %mul3A_3100 = arith.constant 32 : i32
    %mul3A_3101 = arith.muli %sub3A_3099, %mul3A_3100 : i32
    %add3A_3102 = arith.constant 2112 : i32
    %add3A_3103 = arith.addi %mul3A_2, %add3A_3102 : i32
    %dma_start3A_3104 = arith.constant 0 : i32
    %dma_start3A_3105 = tpu.memref_slice %arg9[%mul3A_3101, %dma_start3A_3104] : memref<64x128xf32, #tpu.memory_space<vmem>> -> memref<32x128xf32, #tpu.memory_space<vmem>>
    %dma_start3A_3106 = arith.constant 0 : i32
    %dma_start3A_3107 = tpu.memref_slice %arg6[%add3A_3103, %dma_start3A_3106] : memref<315392x128xf32, #tpu.memory_space<hbm>> -> memref<32x128xf32, #tpu.memory_space<hbm>>
    %dma_start3A_3108 = arith.constant 0 : i32
    %dma_start3A_3109 = tpu.memref_slice %arg6[%add3A_3103, %dma_start3A_3108] : memref<315392x128xf32, #tpu.memory_space<hbm>> -> memref<32x128xf32, #tpu.memory_space<hbm>>
    %dma_start3A_3110 = arith.constant 0 : i32
    %dma_start3A_3111 = tpu.memref_slice %arg9[%mul3A_3101, %dma_start3A_3110] : memref<64x128xf32, #tpu.memory_space<vmem>> -> memref<32x128xf32, #tpu.memory_space<vmem>>
    tpu.enqueue_dma source(%dma_start3A_3111 : memref<32x128xf32, #tpu.memory_space<vmem>>) target(%dma_start3A_3109 : memref<32x128xf32, #tpu.memory_space<hbm>>) target_semaphore(%arg14 : memref<!tpu.dma_semaphore, #tpu.memory_space<semaphore_mem>>)
    %dma_wait3A_3112 = arith.constant 0 : i32
    %dma_wait3A_3113 = tpu.memref_slice %arg9[%mul3A_2725, %dma_wait3A_3112] : memref<64x128xf32, #tpu.memory_space<vmem>> -> memref<32x128xf32, #tpu.memory_space<vmem>>
    %dma_wait3A_3114 = arith.constant 0 : i32
    %dma_wait3A_3115 = tpu.memref_slice %arg6[%add3A_2727, %dma_wait3A_3114] : memref<315392x128xf32, #tpu.memory_space<hbm>> -> memref<32x128xf32, #tpu.memory_space<hbm>>
    %dma_wait3A_3116 = arith.constant 0 : i32
    %dma_wait3A_3117 = tpu.memref_slice %arg6[%add3A_2727, %dma_wait3A_3116] : memref<315392x128xf32, #tpu.memory_space<hbm>> -> memref<32x128xf32, #tpu.memory_space<hbm>>
    %dma_wait3A_3118 = arith.constant 0 : i32
    %dma_wait3A_3119 = tpu.memref_slice %arg9[%mul3A_2725, %dma_wait3A_3118] : memref<64x128xf32, #tpu.memory_space<vmem>> -> memref<32x128xf32, #tpu.memory_space<vmem>>
    tpu.wait_dma2 semaphore(%arg14 : memref<!tpu.dma_semaphore, #tpu.memory_space<semaphore_mem>>) src(%dma_wait3A_3119 : memref<32x128xf32, #tpu.memory_space<vmem>>) dst(%dma_wait3A_3117 : memref<32x128xf32, #tpu.memory_space<hbm>>)
    %add3A_3120 = arith.constant 2144 : i32
    %add3A_3121 = arith.addi %mul3A_2, %add3A_3120 : i32
    %jit3A_3122 = arith.constant 4096 : i32
    %div3A_3123 = arith.divsi %add3A_3121, %jit3A_3122 : i32
    %sign3A_3124 = arith.constant 0 : i32
    %sign3A_3125 = arith.cmpi sgt, %add3A_3121, %sign3A_3124 : i32
    %sign3A_3126 = arith.extui %sign3A_3125 : i1 to i32
    %sign3A_3127 = arith.constant 0 : i32
    %sign3A_3128 = arith.cmpi slt, %add3A_3121, %sign3A_3127 : i32
    %sign3A_3129 = arith.extui %sign3A_3128 : i1 to i32
    %sign3A_3130 = arith.subi %sign3A_3126, %sign3A_3129 : i32
    %sign3A_3131 = arith.constant 0 : i32
    %sign3A_3132 = arith.cmpi sgt, %jit3A_3122, %sign3A_3131 : i32
    %sign3A_3133 = arith.extui %sign3A_3132 : i1 to i32
    %sign3A_3134 = arith.constant 0 : i32
    %sign3A_3135 = arith.cmpi slt, %jit3A_3122, %sign3A_3134 : i32
    %sign3A_3136 = arith.extui %sign3A_3135 : i1 to i32
    %sign3A_3137 = arith.subi %sign3A_3133, %sign3A_3136 : i32
    %ne3A_3138 = arith.cmpi ne, %sign3A_3130, %sign3A_3137 : i32
    %rem3A_3139 = arith.remsi %add3A_3121, %jit3A_3122 : i32
    %ne3A_3140 = arith.constant 0 : i32
    %ne3A_3141 = arith.cmpi ne, %rem3A_3139, %ne3A_3140 : i32
    %and3A_3142 = arith.andi %ne3A_3138, %ne3A_3141 : i1
    %sub3A_3143 = arith.constant 1 : i32
    %sub3A_3144 = arith.subi %div3A_3123, %sub3A_3143 : i32
    %select_n3A_3145 = arith.select %and3A_3142, %sub3A_3144, %div3A_3123 : i32
    %sub3A_3146 = arith.subi %select_n3A_3145, %select_n3A : i32
    %mul3A_3147 = arith.constant 32 : i32
    %mul3A_3148 = arith.muli %sub3A_3146, %mul3A_3147 : i32
    %add3A_3149 = arith.constant 2144 : i32
    %add3A_3150 = arith.addi %mul3A_2, %add3A_3149 : i32
    %dma_start3A_3151 = arith.constant 0 : i32
    %dma_start3A_3152 = tpu.memref_slice %arg9[%mul3A_3148, %dma_start3A_3151] : memref<64x128xf32, #tpu.memory_space<vmem>> -> memref<32x128xf32, #tpu.memory_space<vmem>>
    %dma_start3A_3153 = arith.constant 0 : i32
    %dma_start3A_3154 = tpu.memref_slice %arg6[%add3A_3150, %dma_start3A_3153] : memref<315392x128xf32, #tpu.memory_space<hbm>> -> memref<32x128xf32, #tpu.memory_space<hbm>>
    %dma_start3A_3155 = arith.constant 0 : i32
    %dma_start3A_3156 = tpu.memref_slice %arg6[%add3A_3150, %dma_start3A_3155] : memref<315392x128xf32, #tpu.memory_space<hbm>> -> memref<32x128xf32, #tpu.memory_space<hbm>>
    %dma_start3A_3157 = arith.constant 0 : i32
    %dma_start3A_3158 = tpu.memref_slice %arg9[%mul3A_3148, %dma_start3A_3157] : memref<64x128xf32, #tpu.memory_space<vmem>> -> memref<32x128xf32, #tpu.memory_space<vmem>>
    tpu.enqueue_dma source(%dma_start3A_3158 : memref<32x128xf32, #tpu.memory_space<vmem>>) target(%dma_start3A_3156 : memref<32x128xf32, #tpu.memory_space<hbm>>) target_semaphore(%arg14 : memref<!tpu.dma_semaphore, #tpu.memory_space<semaphore_mem>>)
    %dma_wait3A_3159 = arith.constant 0 : i32
    %dma_wait3A_3160 = tpu.memref_slice %arg9[%mul3A_2772, %dma_wait3A_3159] : memref<64x128xf32, #tpu.memory_space<vmem>> -> memref<32x128xf32, #tpu.memory_space<vmem>>
    %dma_wait3A_3161 = arith.constant 0 : i32
    %dma_wait3A_3162 = tpu.memref_slice %arg6[%add3A_2774, %dma_wait3A_3161] : memref<315392x128xf32, #tpu.memory_space<hbm>> -> memref<32x128xf32, #tpu.memory_space<hbm>>
    %dma_wait3A_3163 = arith.constant 0 : i32
    %dma_wait3A_3164 = tpu.memref_slice %arg6[%add3A_2774, %dma_wait3A_3163] : memref<315392x128xf32, #tpu.memory_space<hbm>> -> memref<32x128xf32, #tpu.memory_space<hbm>>
    %dma_wait3A_3165 = arith.constant 0 : i32
    %dma_wait3A_3166 = tpu.memref_slice %arg9[%mul3A_2772, %dma_wait3A_3165] : memref<64x128xf32, #tpu.memory_space<vmem>> -> memref<32x128xf32, #tpu.memory_space<vmem>>
    tpu.wait_dma2 semaphore(%arg14 : memref<!tpu.dma_semaphore, #tpu.memory_space<semaphore_mem>>) src(%dma_wait3A_3166 : memref<32x128xf32, #tpu.memory_space<vmem>>) dst(%dma_wait3A_3164 : memref<32x128xf32, #tpu.memory_space<hbm>>)
    %dma_wait3A_3167 = tpu.memref_slice %arg5[%mul3A_4] : memref<245760xi32, #tpu.memory_space<hbm>> -> memref<7680xi32, #tpu.memory_space<hbm>>
    %dma_wait3A_3168 = tpu.memref_slice %arg5[%mul3A_4] : memref<245760xi32, #tpu.memory_space<hbm>> -> memref<7680xi32, #tpu.memory_space<hbm>>
    tpu.wait_dma2 semaphore(%arg13 : memref<!tpu.dma_semaphore, #tpu.memory_space<semaphore_mem>>) src(%dma_wait3A_3168 : memref<7680xi32, #tpu.memory_space<hbm>>) dst(%arg8 : memref<7680xi32, #tpu.memory_space<vmem>>)
    %add3A_3169 = arith.constant 69632 : i32
    %add3A_3170 = arith.addi %add3A_3169, %mul3A_4 : i32
    %add3A_3171 = arith.constant 0 : i32
    %add3A_3172 = arith.addi %add3A_3170, %add3A_3171 : i32
    %add3A_3173 = arith.constant 69632 : i32
    %add3A_3174 = arith.addi %add3A_3173, %mul3A_4 : i32
    %add3A_3175 = arith.constant 256 : i32
    %add3A_3176 = arith.addi %add3A_3174, %add3A_3175 : i32
    %add3A_3177 = arith.constant 69632 : i32
    %add3A_3178 = arith.addi %add3A_3177, %mul3A_4 : i32
    %add3A_3179 = arith.constant 512 : i32
    %add3A_3180 = arith.addi %add3A_3178, %add3A_3179 : i32
    %add3A_3181 = arith.constant 69632 : i32
    %add3A_3182 = arith.addi %add3A_3181, %mul3A_4 : i32
    %add3A_3183 = arith.constant 768 : i32
    %add3A_3184 = arith.addi %add3A_3182, %add3A_3183 : i32
    %add3A_3185 = arith.constant 69632 : i32
    %add3A_3186 = arith.addi %add3A_3185, %mul3A_4 : i32
    %add3A_3187 = arith.constant 1024 : i32
    %add3A_3188 = arith.addi %add3A_3186, %add3A_3187 : i32
    %add3A_3189 = arith.constant 69632 : i32
    %add3A_3190 = arith.addi %add3A_3189, %mul3A_4 : i32
    %add3A_3191 = arith.constant 1280 : i32
    %add3A_3192 = arith.addi %add3A_3190, %add3A_3191 : i32
    %add3A_3193 = arith.constant 69632 : i32
    %add3A_3194 = arith.addi %add3A_3193, %mul3A_4 : i32
    %add3A_3195 = arith.constant 1536 : i32
    %add3A_3196 = arith.addi %add3A_3194, %add3A_3195 : i32
    %add3A_3197 = arith.constant 69632 : i32
    %add3A_3198 = arith.addi %add3A_3197, %mul3A_4 : i32
    %add3A_3199 = arith.constant 1792 : i32
    %add3A_3200 = arith.addi %add3A_3198, %add3A_3199 : i32
    %add3A_3201 = arith.constant 69632 : i32
    %add3A_3202 = arith.addi %add3A_3201, %mul3A_4 : i32
    %add3A_3203 = arith.constant 2048 : i32
    %add3A_3204 = arith.addi %add3A_3202, %add3A_3203 : i32
    %add3A_3205 = arith.constant 69632 : i32
    %add3A_3206 = arith.addi %add3A_3205, %mul3A_4 : i32
    %add3A_3207 = arith.constant 2304 : i32
    %add3A_3208 = arith.addi %add3A_3206, %add3A_3207 : i32
    %add3A_3209 = arith.constant 69632 : i32
    %add3A_3210 = arith.addi %add3A_3209, %mul3A_4 : i32
    %add3A_3211 = arith.constant 2560 : i32
    %add3A_3212 = arith.addi %add3A_3210, %add3A_3211 : i32
    %add3A_3213 = arith.constant 69632 : i32
    %add3A_3214 = arith.addi %add3A_3213, %mul3A_4 : i32
    %add3A_3215 = arith.constant 2816 : i32
    %add3A_3216 = arith.addi %add3A_3214, %add3A_3215 : i32
    %add3A_3217 = arith.constant 69632 : i32
    %add3A_3218 = arith.addi %add3A_3217, %mul3A_4 : i32
    %add3A_3219 = arith.constant 3072 : i32
    %add3A_3220 = arith.addi %add3A_3218, %add3A_3219 : i32
    %add3A_3221 = arith.constant 69632 : i32
    %add3A_3222 = arith.addi %add3A_3221, %mul3A_4 : i32
    %add3A_3223 = arith.constant 3328 : i32
    %add3A_3224 = arith.addi %add3A_3222, %add3A_3223 : i32
    %add3A_3225 = arith.constant 69632 : i32
    %add3A_3226 = arith.addi %add3A_3225, %mul3A_4 : i32
    %add3A_3227 = arith.constant 3584 : i32
    %add3A_3228 = arith.addi %add3A_3226, %add3A_3227 : i32
    %add3A_3229 = arith.constant 69632 : i32
    %add3A_3230 = arith.addi %add3A_3229, %mul3A_4 : i32
    %add3A_3231 = arith.constant 3840 : i32
    %add3A_3232 = arith.addi %add3A_3230, %add3A_3231 : i32
    %add3A_3233 = arith.constant 69632 : i32
    %add3A_3234 = arith.addi %add3A_3233, %mul3A_4 : i32
    %add3A_3235 = arith.constant 4096 : i32
    %add3A_3236 = arith.addi %add3A_3234, %add3A_3235 : i32
    %add3A_3237 = arith.constant 69632 : i32
    %add3A_3238 = arith.addi %add3A_3237, %mul3A_4 : i32
    %add3A_3239 = arith.constant 4352 : i32
    %add3A_3240 = arith.addi %add3A_3238, %add3A_3239 : i32
    %add3A_3241 = arith.constant 69632 : i32
    %add3A_3242 = arith.addi %add3A_3241, %mul3A_4 : i32
    %add3A_3243 = arith.constant 4608 : i32
    %add3A_3244 = arith.addi %add3A_3242, %add3A_3243 : i32
    %add3A_3245 = arith.constant 69632 : i32
    %add3A_3246 = arith.addi %add3A_3245, %mul3A_4 : i32
    %add3A_3247 = arith.constant 4864 : i32
    %add3A_3248 = arith.addi %add3A_3246, %add3A_3247 : i32
    %add3A_3249 = arith.constant 69632 : i32
    %add3A_3250 = arith.addi %add3A_3249, %mul3A_4 : i32
    %add3A_3251 = arith.constant 5120 : i32
    %add3A_3252 = arith.addi %add3A_3250, %add3A_3251 : i32
    %add3A_3253 = arith.constant 69632 : i32
    %add3A_3254 = arith.addi %add3A_3253, %mul3A_4 : i32
    %add3A_3255 = arith.constant 5376 : i32
    %add3A_3256 = arith.addi %add3A_3254, %add3A_3255 : i32
    %add3A_3257 = arith.constant 69632 : i32
    %add3A_3258 = arith.addi %add3A_3257, %mul3A_4 : i32
    %add3A_3259 = arith.constant 5632 : i32
    %add3A_3260 = arith.addi %add3A_3258, %add3A_3259 : i32
    %add3A_3261 = arith.constant 69632 : i32
    %add3A_3262 = arith.addi %add3A_3261, %mul3A_4 : i32
    %add3A_3263 = arith.constant 5888 : i32
    %add3A_3264 = arith.addi %add3A_3262, %add3A_3263 : i32
    %add3A_3265 = arith.constant 69632 : i32
    %add3A_3266 = arith.addi %add3A_3265, %mul3A_4 : i32
    %add3A_3267 = arith.constant 6144 : i32
    %add3A_3268 = arith.addi %add3A_3266, %add3A_3267 : i32
    %add3A_3269 = arith.constant 69632 : i32
    %add3A_3270 = arith.addi %add3A_3269, %mul3A_4 : i32
    %add3A_3271 = arith.constant 6400 : i32
    %add3A_3272 = arith.addi %add3A_3270, %add3A_3271 : i32
    %add3A_3273 = arith.constant 69632 : i32
    %add3A_3274 = arith.addi %add3A_3273, %mul3A_4 : i32
    %add3A_3275 = arith.constant 6656 : i32
    %add3A_3276 = arith.addi %add3A_3274, %add3A_3275 : i32
    %add3A_3277 = arith.constant 69632 : i32
    %add3A_3278 = arith.addi %add3A_3277, %mul3A_4 : i32
    %add3A_3279 = arith.constant 6912 : i32
    %add3A_3280 = arith.addi %add3A_3278, %add3A_3279 : i32
    %add3A_3281 = arith.constant 69632 : i32
    %add3A_3282 = arith.addi %add3A_3281, %mul3A_4 : i32
    %add3A_3283 = arith.constant 7168 : i32
    %add3A_3284 = arith.addi %add3A_3282, %add3A_3283 : i32
    %add3A_3285 = arith.constant 69632 : i32
    %add3A_3286 = arith.addi %add3A_3285, %mul3A_4 : i32
    %add3A_3287 = arith.constant 7424 : i32
    %add3A_3288 = arith.addi %add3A_3286, %add3A_3287 : i32
    %dma_start3A_3289 = arith.constant 0 : i32
    %dma_start3A_3290 = arith.constant 0 : i32
    %dma_start3A_3291 = tpu.memref_slice %arg10[%dma_start3A_3289, %dma_start3A_3290] : memref<256x128xf32, #tpu.memory_space<vmem>> -> memref<256x128xf32, #tpu.memory_space<vmem>>
    %dma_start3A_3292 = arith.constant 0 : i32
    %dma_start3A_3293 = tpu.memref_slice %arg8[%dma_start3A_3292] : memref<7680xi32, #tpu.memory_space<vmem>> -> memref<256xi32, #tpu.memory_space<vmem>>
    %dma_start3A_3294 = arith.constant 0 : i32
    %dma_start3A_3295 = arith.constant 0 : i32
    %dma_start3A_3296 = tpu.memref_slice %arg3[%dma_start3A_3294, %dma_start3A_3295] : memref<197632x128xf32, #tpu.memory_space<hbm>> -> memref<197632x128xf32, #tpu.memory_space<hbm>>
    tpu.enqueue_indirect_dma source(%dma_start3A_3296 : memref<197632x128xf32, #tpu.memory_space<hbm>>) target(%dma_start3A_3291 : memref<256x128xf32, #tpu.memory_space<vmem>>) offsets(%dma_start3A_3293 : memref<256xi32, #tpu.memory_space<vmem>>) semaphore(%arg15 : memref<!tpu.dma_semaphore, #tpu.memory_space<semaphore_mem>>)
    %dma_start3A_3297 = arith.constant 0 : i32
    %dma_start3A_3298 = arith.constant 0 : i32
    %dma_start3A_3299 = tpu.memref_slice %arg11[%dma_start3A_3297, %dma_start3A_3298] : memref<256x128xf32, #tpu.memory_space<vmem>> -> memref<256x128xf32, #tpu.memory_space<vmem>>
    %dma_start3A_3300 = arith.constant 256 : i32
    %dma_start3A_3301 = tpu.memref_slice %arg8[%dma_start3A_3300] : memref<7680xi32, #tpu.memory_space<vmem>> -> memref<256xi32, #tpu.memory_space<vmem>>
    %dma_start3A_3302 = arith.constant 0 : i32
    %dma_start3A_3303 = arith.constant 0 : i32
    %dma_start3A_3304 = tpu.memref_slice %arg3[%dma_start3A_3302, %dma_start3A_3303] : memref<197632x128xf32, #tpu.memory_space<hbm>> -> memref<197632x128xf32, #tpu.memory_space<hbm>>
    tpu.enqueue_indirect_dma source(%dma_start3A_3304 : memref<197632x128xf32, #tpu.memory_space<hbm>>) target(%dma_start3A_3299 : memref<256x128xf32, #tpu.memory_space<vmem>>) offsets(%dma_start3A_3301 : memref<256xi32, #tpu.memory_space<vmem>>) semaphore(%arg16 : memref<!tpu.dma_semaphore, #tpu.memory_space<semaphore_mem>>)
    %dma_start3A_3305 = arith.constant 0 : i32
    %dma_start3A_3306 = arith.constant 0 : i32
    %dma_start3A_3307 = tpu.memref_slice %arg12[%dma_start3A_3305, %dma_start3A_3306] : memref<256x128xf32, #tpu.memory_space<vmem>> -> memref<256x128xf32, #tpu.memory_space<vmem>>
    %dma_start3A_3308 = arith.constant 512 : i32
    %dma_start3A_3309 = tpu.memref_slice %arg8[%dma_start3A_3308] : memref<7680xi32, #tpu.memory_space<vmem>> -> memref<256xi32, #tpu.memory_space<vmem>>
    %dma_start3A_3310 = arith.constant 0 : i32
    %dma_start3A_3311 = arith.constant 0 : i32
    %dma_start3A_3312 = tpu.memref_slice %arg3[%dma_start3A_3310, %dma_start3A_3311] : memref<197632x128xf32, #tpu.memory_space<hbm>> -> memref<197632x128xf32, #tpu.memory_space<hbm>>
    tpu.enqueue_indirect_dma source(%dma_start3A_3312 : memref<197632x128xf32, #tpu.memory_space<hbm>>) target(%dma_start3A_3307 : memref<256x128xf32, #tpu.memory_space<vmem>>) offsets(%dma_start3A_3309 : memref<256xi32, #tpu.memory_space<vmem>>) semaphore(%arg17 : memref<!tpu.dma_semaphore, #tpu.memory_space<semaphore_mem>>)
    %dma_wait3A_3313 = arith.constant 0 : i32
    %dma_wait3A_3314 = arith.constant 0 : i32
    %dma_wait3A_3315 = tpu.memref_slice %arg10[%dma_wait3A_3313, %dma_wait3A_3314] : memref<256x128xf32, #tpu.memory_space<vmem>> -> memref<256x128xf32, #tpu.memory_space<vmem>>
    %dma_wait3A_3316 = arith.constant 0 : i32
    %dma_wait3A_3317 = tpu.memref_slice %arg8[%dma_wait3A_3316] : memref<7680xi32, #tpu.memory_space<vmem>> -> memref<256xi32, #tpu.memory_space<vmem>>
    %dma_wait3A_3318 = arith.constant 0 : i32
    %dma_wait3A_3319 = arith.constant 0 : i32
    %dma_wait3A_3320 = tpu.memref_slice %arg3[%dma_wait3A_3318, %dma_wait3A_3319] : memref<197632x128xf32, #tpu.memory_space<hbm>> -> memref<197632x128xf32, #tpu.memory_space<hbm>>
    tpu.wait_indirect_dma semaphore(%arg15 : memref<!tpu.dma_semaphore, #tpu.memory_space<semaphore_mem>>) src(%dma_wait3A_3320 : memref<197632x128xf32, #tpu.memory_space<hbm>>) dst(%dma_wait3A_3315 : memref<256x128xf32, #tpu.memory_space<vmem>>)
    %dma_start3A_3321 = arith.constant 0 : i32
    %dma_start3A_3322 = arith.constant 0 : i32
    %dma_start3A_3323 = tpu.memref_slice %arg10[%dma_start3A_3321, %dma_start3A_3322] : memref<256x128xf32, #tpu.memory_space<vmem>> -> memref<256x128xf32, #tpu.memory_space<vmem>>
    %dma_start3A_3324 = arith.constant 0 : i32
    %dma_start3A_3325 = tpu.memref_slice %arg6[%add3A_3172, %dma_start3A_3324] : memref<315392x128xf32, #tpu.memory_space<hbm>> -> memref<256x128xf32, #tpu.memory_space<hbm>>
    %dma_start3A_3326 = arith.constant 0 : i32
    %dma_start3A_3327 = tpu.memref_slice %arg6[%add3A_3172, %dma_start3A_3326] : memref<315392x128xf32, #tpu.memory_space<hbm>> -> memref<256x128xf32, #tpu.memory_space<hbm>>
    %dma_start3A_3328 = arith.constant 0 : i32
    %dma_start3A_3329 = arith.constant 0 : i32
    %dma_start3A_3330 = tpu.memref_slice %arg10[%dma_start3A_3328, %dma_start3A_3329] : memref<256x128xf32, #tpu.memory_space<vmem>> -> memref<256x128xf32, #tpu.memory_space<vmem>>
    tpu.enqueue_dma source(%dma_start3A_3330 : memref<256x128xf32, #tpu.memory_space<vmem>>) target(%dma_start3A_3327 : memref<256x128xf32, #tpu.memory_space<hbm>>) target_semaphore(%arg18 : memref<!tpu.dma_semaphore, #tpu.memory_space<semaphore_mem>>)
    %dma_wait3A_3331 = arith.constant 0 : i32
    %dma_wait3A_3332 = arith.constant 0 : i32
    %dma_wait3A_3333 = tpu.memref_slice %arg10[%dma_wait3A_3331, %dma_wait3A_3332] : memref<256x128xf32, #tpu.memory_space<vmem>> -> memref<256x128xf32, #tpu.memory_space<vmem>>
    %dma_wait3A_3334 = arith.constant 0 : i32
    %dma_wait3A_3335 = tpu.memref_slice %arg6[%add3A_3172, %dma_wait3A_3334] : memref<315392x128xf32, #tpu.memory_space<hbm>> -> memref<256x128xf32, #tpu.memory_space<hbm>>
    %dma_wait3A_3336 = arith.constant 0 : i32
    %dma_wait3A_3337 = tpu.memref_slice %arg6[%add3A_3172, %dma_wait3A_3336] : memref<315392x128xf32, #tpu.memory_space<hbm>> -> memref<256x128xf32, #tpu.memory_space<hbm>>
    %dma_wait3A_3338 = arith.constant 0 : i32
    %dma_wait3A_3339 = arith.constant 0 : i32
    %dma_wait3A_3340 = tpu.memref_slice %arg10[%dma_wait3A_3338, %dma_wait3A_3339] : memref<256x128xf32, #tpu.memory_space<vmem>> -> memref<256x128xf32, #tpu.memory_space<vmem>>
    tpu.wait_dma2 semaphore(%arg18 : memref<!tpu.dma_semaphore, #tpu.memory_space<semaphore_mem>>) src(%dma_wait3A_3340 : memref<256x128xf32, #tpu.memory_space<vmem>>) dst(%dma_wait3A_3337 : memref<256x128xf32, #tpu.memory_space<hbm>>)
    %dma_start3A_3341 = arith.constant 0 : i32
    %dma_start3A_3342 = arith.constant 0 : i32
    %dma_start3A_3343 = tpu.memref_slice %arg10[%dma_start3A_3341, %dma_start3A_3342] : memref<256x128xf32, #tpu.memory_space<vmem>> -> memref<256x128xf32, #tpu.memory_space<vmem>>
    %dma_start3A_3344 = arith.constant 768 : i32
    %dma_start3A_3345 = tpu.memref_slice %arg8[%dma_start3A_3344] : memref<7680xi32, #tpu.memory_space<vmem>> -> memref<256xi32, #tpu.memory_space<vmem>>
    %dma_start3A_3346 = arith.constant 0 : i32
    %dma_start3A_3347 = arith.constant 0 : i32
    %dma_start3A_3348 = tpu.memref_slice %arg3[%dma_start3A_3346, %dma_start3A_3347] : memref<197632x128xf32, #tpu.memory_space<hbm>> -> memref<197632x128xf32, #tpu.memory_space<hbm>>
    tpu.enqueue_indirect_dma source(%dma_start3A_3348 : memref<197632x128xf32, #tpu.memory_space<hbm>>) target(%dma_start3A_3343 : memref<256x128xf32, #tpu.memory_space<vmem>>) offsets(%dma_start3A_3345 : memref<256xi32, #tpu.memory_space<vmem>>) semaphore(%arg15 : memref<!tpu.dma_semaphore, #tpu.memory_space<semaphore_mem>>)
    %dma_wait3A_3349 = arith.constant 0 : i32
    %dma_wait3A_3350 = arith.constant 0 : i32
    %dma_wait3A_3351 = tpu.memref_slice %arg11[%dma_wait3A_3349, %dma_wait3A_3350] : memref<256x128xf32, #tpu.memory_space<vmem>> -> memref<256x128xf32, #tpu.memory_space<vmem>>
    %dma_wait3A_3352 = arith.constant 256 : i32
    %dma_wait3A_3353 = tpu.memref_slice %arg8[%dma_wait3A_3352] : memref<7680xi32, #tpu.memory_space<vmem>> -> memref<256xi32, #tpu.memory_space<vmem>>
    %dma_wait3A_3354 = arith.constant 0 : i32
    %dma_wait3A_3355 = arith.constant 0 : i32
    %dma_wait3A_3356 = tpu.memref_slice %arg3[%dma_wait3A_3354, %dma_wait3A_3355] : memref<197632x128xf32, #tpu.memory_space<hbm>> -> memref<197632x128xf32, #tpu.memory_space<hbm>>
    tpu.wait_indirect_dma semaphore(%arg16 : memref<!tpu.dma_semaphore, #tpu.memory_space<semaphore_mem>>) src(%dma_wait3A_3356 : memref<197632x128xf32, #tpu.memory_space<hbm>>) dst(%dma_wait3A_3351 : memref<256x128xf32, #tpu.memory_space<vmem>>)
    %dma_start3A_3357 = arith.constant 0 : i32
    %dma_start3A_3358 = arith.constant 0 : i32
    %dma_start3A_3359 = tpu.memref_slice %arg11[%dma_start3A_3357, %dma_start3A_3358] : memref<256x128xf32, #tpu.memory_space<vmem>> -> memref<256x128xf32, #tpu.memory_space<vmem>>
    %dma_start3A_3360 = arith.constant 0 : i32
    %dma_start3A_3361 = tpu.memref_slice %arg6[%add3A_3176, %dma_start3A_3360] : memref<315392x128xf32, #tpu.memory_space<hbm>> -> memref<256x128xf32, #tpu.memory_space<hbm>>
    %dma_start3A_3362 = arith.constant 0 : i32
    %dma_start3A_3363 = tpu.memref_slice %arg6[%add3A_3176, %dma_start3A_3362] : memref<315392x128xf32, #tpu.memory_space<hbm>> -> memref<256x128xf32, #tpu.memory_space<hbm>>
    %dma_start3A_3364 = arith.constant 0 : i32
    %dma_start3A_3365 = arith.constant 0 : i32
    %dma_start3A_3366 = tpu.memref_slice %arg11[%dma_start3A_3364, %dma_start3A_3365] : memref<256x128xf32, #tpu.memory_space<vmem>> -> memref<256x128xf32, #tpu.memory_space<vmem>>
    tpu.enqueue_dma source(%dma_start3A_3366 : memref<256x128xf32, #tpu.memory_space<vmem>>) target(%dma_start3A_3363 : memref<256x128xf32, #tpu.memory_space<hbm>>) target_semaphore(%arg19 : memref<!tpu.dma_semaphore, #tpu.memory_space<semaphore_mem>>)
    %dma_wait3A_3367 = arith.constant 0 : i32
    %dma_wait3A_3368 = arith.constant 0 : i32
    %dma_wait3A_3369 = tpu.memref_slice %arg11[%dma_wait3A_3367, %dma_wait3A_3368] : memref<256x128xf32, #tpu.memory_space<vmem>> -> memref<256x128xf32, #tpu.memory_space<vmem>>
    %dma_wait3A_3370 = arith.constant 0 : i32
    %dma_wait3A_3371 = tpu.memref_slice %arg6[%add3A_3176, %dma_wait3A_3370] : memref<315392x128xf32, #tpu.memory_space<hbm>> -> memref<256x128xf32, #tpu.memory_space<hbm>>
    %dma_wait3A_3372 = arith.constant 0 : i32
    %dma_wait3A_3373 = tpu.memref_slice %arg6[%add3A_3176, %dma_wait3A_3372] : memref<315392x128xf32, #tpu.memory_space<hbm>> -> memref<256x128xf32, #tpu.memory_space<hbm>>
    %dma_wait3A_3374 = arith.constant 0 : i32
    %dma_wait3A_3375 = arith.constant 0 : i32
    %dma_wait3A_3376 = tpu.memref_slice %arg11[%dma_wait3A_3374, %dma_wait3A_3375] : memref<256x128xf32, #tpu.memory_space<vmem>> -> memref<256x128xf32, #tpu.memory_space<vmem>>
    tpu.wait_dma2 semaphore(%arg19 : memref<!tpu.dma_semaphore, #tpu.memory_space<semaphore_mem>>) src(%dma_wait3A_3376 : memref<256x128xf32, #tpu.memory_space<vmem>>) dst(%dma_wait3A_3373 : memref<256x128xf32, #tpu.memory_space<hbm>>)
    %dma_start3A_3377 = arith.constant 0 : i32
    %dma_start3A_3378 = arith.constant 0 : i32
    %dma_start3A_3379 = tpu.memref_slice %arg11[%dma_start3A_3377, %dma_start3A_3378] : memref<256x128xf32, #tpu.memory_space<vmem>> -> memref<256x128xf32, #tpu.memory_space<vmem>>
    %dma_start3A_3380 = arith.constant 1024 : i32
    %dma_start3A_3381 = tpu.memref_slice %arg8[%dma_start3A_3380] : memref<7680xi32, #tpu.memory_space<vmem>> -> memref<256xi32, #tpu.memory_space<vmem>>
    %dma_start3A_3382 = arith.constant 0 : i32
    %dma_start3A_3383 = arith.constant 0 : i32
    %dma_start3A_3384 = tpu.memref_slice %arg3[%dma_start3A_3382, %dma_start3A_3383] : memref<197632x128xf32, #tpu.memory_space<hbm>> -> memref<197632x128xf32, #tpu.memory_space<hbm>>
    tpu.enqueue_indirect_dma source(%dma_start3A_3384 : memref<197632x128xf32, #tpu.memory_space<hbm>>) target(%dma_start3A_3379 : memref<256x128xf32, #tpu.memory_space<vmem>>) offsets(%dma_start3A_3381 : memref<256xi32, #tpu.memory_space<vmem>>) semaphore(%arg16 : memref<!tpu.dma_semaphore, #tpu.memory_space<semaphore_mem>>)
    %dma_wait3A_3385 = arith.constant 0 : i32
    %dma_wait3A_3386 = arith.constant 0 : i32
    %dma_wait3A_3387 = tpu.memref_slice %arg12[%dma_wait3A_3385, %dma_wait3A_3386] : memref<256x128xf32, #tpu.memory_space<vmem>> -> memref<256x128xf32, #tpu.memory_space<vmem>>
    %dma_wait3A_3388 = arith.constant 512 : i32
    %dma_wait3A_3389 = tpu.memref_slice %arg8[%dma_wait3A_3388] : memref<7680xi32, #tpu.memory_space<vmem>> -> memref<256xi32, #tpu.memory_space<vmem>>
    %dma_wait3A_3390 = arith.constant 0 : i32
    %dma_wait3A_3391 = arith.constant 0 : i32
    %dma_wait3A_3392 = tpu.memref_slice %arg3[%dma_wait3A_3390, %dma_wait3A_3391] : memref<197632x128xf32, #tpu.memory_space<hbm>> -> memref<197632x128xf32, #tpu.memory_space<hbm>>
    tpu.wait_indirect_dma semaphore(%arg17 : memref<!tpu.dma_semaphore, #tpu.memory_space<semaphore_mem>>) src(%dma_wait3A_3392 : memref<197632x128xf32, #tpu.memory_space<hbm>>) dst(%dma_wait3A_3387 : memref<256x128xf32, #tpu.memory_space<vmem>>)
    %dma_start3A_3393 = arith.constant 0 : i32
    %dma_start3A_3394 = arith.constant 0 : i32
    %dma_start3A_3395 = tpu.memref_slice %arg12[%dma_start3A_3393, %dma_start3A_3394] : memref<256x128xf32, #tpu.memory_space<vmem>> -> memref<256x128xf32, #tpu.memory_space<vmem>>
    %dma_start3A_3396 = arith.constant 0 : i32
    %dma_start3A_3397 = tpu.memref_slice %arg6[%add3A_3180, %dma_start3A_3396] : memref<315392x128xf32, #tpu.memory_space<hbm>> -> memref<256x128xf32, #tpu.memory_space<hbm>>
    %dma_start3A_3398 = arith.constant 0 : i32
    %dma_start3A_3399 = tpu.memref_slice %arg6[%add3A_3180, %dma_start3A_3398] : memref<315392x128xf32, #tpu.memory_space<hbm>> -> memref<256x128xf32, #tpu.memory_space<hbm>>
    %dma_start3A_3400 = arith.constant 0 : i32
    %dma_start3A_3401 = arith.constant 0 : i32
    %dma_start3A_3402 = tpu.memref_slice %arg12[%dma_start3A_3400, %dma_start3A_3401] : memref<256x128xf32, #tpu.memory_space<vmem>> -> memref<256x128xf32, #tpu.memory_space<vmem>>
    tpu.enqueue_dma source(%dma_start3A_3402 : memref<256x128xf32, #tpu.memory_space<vmem>>) target(%dma_start3A_3399 : memref<256x128xf32, #tpu.memory_space<hbm>>) target_semaphore(%arg20 : memref<!tpu.dma_semaphore, #tpu.memory_space<semaphore_mem>>)
    %dma_wait3A_3403 = arith.constant 0 : i32
    %dma_wait3A_3404 = arith.constant 0 : i32
    %dma_wait3A_3405 = tpu.memref_slice %arg12[%dma_wait3A_3403, %dma_wait3A_3404] : memref<256x128xf32, #tpu.memory_space<vmem>> -> memref<256x128xf32, #tpu.memory_space<vmem>>
    %dma_wait3A_3406 = arith.constant 0 : i32
    %dma_wait3A_3407 = tpu.memref_slice %arg6[%add3A_3180, %dma_wait3A_3406] : memref<315392x128xf32, #tpu.memory_space<hbm>> -> memref<256x128xf32, #tpu.memory_space<hbm>>
    %dma_wait3A_3408 = arith.constant 0 : i32
    %dma_wait3A_3409 = tpu.memref_slice %arg6[%add3A_3180, %dma_wait3A_3408] : memref<315392x128xf32, #tpu.memory_space<hbm>> -> memref<256x128xf32, #tpu.memory_space<hbm>>
    %dma_wait3A_3410 = arith.constant 0 : i32
    %dma_wait3A_3411 = arith.constant 0 : i32
    %dma_wait3A_3412 = tpu.memref_slice %arg12[%dma_wait3A_3410, %dma_wait3A_3411] : memref<256x128xf32, #tpu.memory_space<vmem>> -> memref<256x128xf32, #tpu.memory_space<vmem>>
    tpu.wait_dma2 semaphore(%arg20 : memref<!tpu.dma_semaphore, #tpu.memory_space<semaphore_mem>>) src(%dma_wait3A_3412 : memref<256x128xf32, #tpu.memory_space<vmem>>) dst(%dma_wait3A_3409 : memref<256x128xf32, #tpu.memory_space<hbm>>)
    %dma_start3A_3413 = arith.constant 0 : i32
    %dma_start3A_3414 = arith.constant 0 : i32
    %dma_start3A_3415 = tpu.memref_slice %arg12[%dma_start3A_3413, %dma_start3A_3414] : memref<256x128xf32, #tpu.memory_space<vmem>> -> memref<256x128xf32, #tpu.memory_space<vmem>>
    %dma_start3A_3416 = arith.constant 1280 : i32
    %dma_start3A_3417 = tpu.memref_slice %arg8[%dma_start3A_3416] : memref<7680xi32, #tpu.memory_space<vmem>> -> memref<256xi32, #tpu.memory_space<vmem>>
    %dma_start3A_3418 = arith.constant 0 : i32
    %dma_start3A_3419 = arith.constant 0 : i32
    %dma_start3A_3420 = tpu.memref_slice %arg3[%dma_start3A_3418, %dma_start3A_3419] : memref<197632x128xf32, #tpu.memory_space<hbm>> -> memref<197632x128xf32, #tpu.memory_space<hbm>>
    tpu.enqueue_indirect_dma source(%dma_start3A_3420 : memref<197632x128xf32, #tpu.memory_space<hbm>>) target(%dma_start3A_3415 : memref<256x128xf32, #tpu.memory_space<vmem>>) offsets(%dma_start3A_3417 : memref<256xi32, #tpu.memory_space<vmem>>) semaphore(%arg17 : memref<!tpu.dma_semaphore, #tpu.memory_space<semaphore_mem>>)
    %dma_wait3A_3421 = arith.constant 0 : i32
    %dma_wait3A_3422 = arith.constant 0 : i32
    %dma_wait3A_3423 = tpu.memref_slice %arg10[%dma_wait3A_3421, %dma_wait3A_3422] : memref<256x128xf32, #tpu.memory_space<vmem>> -> memref<256x128xf32, #tpu.memory_space<vmem>>
    %dma_wait3A_3424 = arith.constant 768 : i32
    %dma_wait3A_3425 = tpu.memref_slice %arg8[%dma_wait3A_3424] : memref<7680xi32, #tpu.memory_space<vmem>> -> memref<256xi32, #tpu.memory_space<vmem>>
    %dma_wait3A_3426 = arith.constant 0 : i32
    %dma_wait3A_3427 = arith.constant 0 : i32
    %dma_wait3A_3428 = tpu.memref_slice %arg3[%dma_wait3A_3426, %dma_wait3A_3427] : memref<197632x128xf32, #tpu.memory_space<hbm>> -> memref<197632x128xf32, #tpu.memory_space<hbm>>
    tpu.wait_indirect_dma semaphore(%arg15 : memref<!tpu.dma_semaphore, #tpu.memory_space<semaphore_mem>>) src(%dma_wait3A_3428 : memref<197632x128xf32, #tpu.memory_space<hbm>>) dst(%dma_wait3A_3423 : memref<256x128xf32, #tpu.memory_space<vmem>>)
    %dma_start3A_3429 = arith.constant 0 : i32
    %dma_start3A_3430 = arith.constant 0 : i32
    %dma_start3A_3431 = tpu.memref_slice %arg10[%dma_start3A_3429, %dma_start3A_3430] : memref<256x128xf32, #tpu.memory_space<vmem>> -> memref<256x128xf32, #tpu.memory_space<vmem>>
    %dma_start3A_3432 = arith.constant 0 : i32
    %dma_start3A_3433 = tpu.memref_slice %arg6[%add3A_3184, %dma_start3A_3432] : memref<315392x128xf32, #tpu.memory_space<hbm>> -> memref<256x128xf32, #tpu.memory_space<hbm>>
    %dma_start3A_3434 = arith.constant 0 : i32
    %dma_start3A_3435 = tpu.memref_slice %arg6[%add3A_3184, %dma_start3A_3434] : memref<315392x128xf32, #tpu.memory_space<hbm>> -> memref<256x128xf32, #tpu.memory_space<hbm>>
    %dma_start3A_3436 = arith.constant 0 : i32
    %dma_start3A_3437 = arith.constant 0 : i32
    %dma_start3A_3438 = tpu.memref_slice %arg10[%dma_start3A_3436, %dma_start3A_3437] : memref<256x128xf32, #tpu.memory_space<vmem>> -> memref<256x128xf32, #tpu.memory_space<vmem>>
    tpu.enqueue_dma source(%dma_start3A_3438 : memref<256x128xf32, #tpu.memory_space<vmem>>) target(%dma_start3A_3435 : memref<256x128xf32, #tpu.memory_space<hbm>>) target_semaphore(%arg18 : memref<!tpu.dma_semaphore, #tpu.memory_space<semaphore_mem>>)
    %dma_wait3A_3439 = arith.constant 0 : i32
    %dma_wait3A_3440 = arith.constant 0 : i32
    %dma_wait3A_3441 = tpu.memref_slice %arg10[%dma_wait3A_3439, %dma_wait3A_3440] : memref<256x128xf32, #tpu.memory_space<vmem>> -> memref<256x128xf32, #tpu.memory_space<vmem>>
    %dma_wait3A_3442 = arith.constant 0 : i32
    %dma_wait3A_3443 = tpu.memref_slice %arg6[%add3A_3184, %dma_wait3A_3442] : memref<315392x128xf32, #tpu.memory_space<hbm>> -> memref<256x128xf32, #tpu.memory_space<hbm>>
    %dma_wait3A_3444 = arith.constant 0 : i32
    %dma_wait3A_3445 = tpu.memref_slice %arg6[%add3A_3184, %dma_wait3A_3444] : memref<315392x128xf32, #tpu.memory_space<hbm>> -> memref<256x128xf32, #tpu.memory_space<hbm>>
    %dma_wait3A_3446 = arith.constant 0 : i32
    %dma_wait3A_3447 = arith.constant 0 : i32
    %dma_wait3A_3448 = tpu.memref_slice %arg10[%dma_wait3A_3446, %dma_wait3A_3447] : memref<256x128xf32, #tpu.memory_space<vmem>> -> memref<256x128xf32, #tpu.memory_space<vmem>>
    tpu.wait_dma2 semaphore(%arg18 : memref<!tpu.dma_semaphore, #tpu.memory_space<semaphore_mem>>) src(%dma_wait3A_3448 : memref<256x128xf32, #tpu.memory_space<vmem>>) dst(%dma_wait3A_3445 : memref<256x128xf32, #tpu.memory_space<hbm>>)
    %dma_start3A_3449 = arith.constant 0 : i32
    %dma_start3A_3450 = arith.constant 0 : i32
    %dma_start3A_3451 = tpu.memref_slice %arg10[%dma_start3A_3449, %dma_start3A_3450] : memref<256x128xf32, #tpu.memory_space<vmem>> -> memref<256x128xf32, #tpu.memory_space<vmem>>
    %dma_start3A_3452 = arith.constant 1536 : i32
    %dma_start3A_3453 = tpu.memref_slice %arg8[%dma_start3A_3452] : memref<7680xi32, #tpu.memory_space<vmem>> -> memref<256xi32, #tpu.memory_space<vmem>>
    %dma_start3A_3454 = arith.constant 0 : i32
    %dma_start3A_3455 = arith.constant 0 : i32
    %dma_start3A_3456 = tpu.memref_slice %arg3[%dma_start3A_3454, %dma_start3A_3455] : memref<197632x128xf32, #tpu.memory_space<hbm>> -> memref<197632x128xf32, #tpu.memory_space<hbm>>
    tpu.enqueue_indirect_dma source(%dma_start3A_3456 : memref<197632x128xf32, #tpu.memory_space<hbm>>) target(%dma_start3A_3451 : memref<256x128xf32, #tpu.memory_space<vmem>>) offsets(%dma_start3A_3453 : memref<256xi32, #tpu.memory_space<vmem>>) semaphore(%arg15 : memref<!tpu.dma_semaphore, #tpu.memory_space<semaphore_mem>>)
    %dma_wait3A_3457 = arith.constant 0 : i32
    %dma_wait3A_3458 = arith.constant 0 : i32
    %dma_wait3A_3459 = tpu.memref_slice %arg11[%dma_wait3A_3457, %dma_wait3A_3458] : memref<256x128xf32, #tpu.memory_space<vmem>> -> memref<256x128xf32, #tpu.memory_space<vmem>>
    %dma_wait3A_3460 = arith.constant 1024 : i32
    %dma_wait3A_3461 = tpu.memref_slice %arg8[%dma_wait3A_3460] : memref<7680xi32, #tpu.memory_space<vmem>> -> memref<256xi32, #tpu.memory_space<vmem>>
    %dma_wait3A_3462 = arith.constant 0 : i32
    %dma_wait3A_3463 = arith.constant 0 : i32
    %dma_wait3A_3464 = tpu.memref_slice %arg3[%dma_wait3A_3462, %dma_wait3A_3463] : memref<197632x128xf32, #tpu.memory_space<hbm>> -> memref<197632x128xf32, #tpu.memory_space<hbm>>
    tpu.wait_indirect_dma semaphore(%arg16 : memref<!tpu.dma_semaphore, #tpu.memory_space<semaphore_mem>>) src(%dma_wait3A_3464 : memref<197632x128xf32, #tpu.memory_space<hbm>>) dst(%dma_wait3A_3459 : memref<256x128xf32, #tpu.memory_space<vmem>>)
    %dma_start3A_3465 = arith.constant 0 : i32
    %dma_start3A_3466 = arith.constant 0 : i32
    %dma_start3A_3467 = tpu.memref_slice %arg11[%dma_start3A_3465, %dma_start3A_3466] : memref<256x128xf32, #tpu.memory_space<vmem>> -> memref<256x128xf32, #tpu.memory_space<vmem>>
    %dma_start3A_3468 = arith.constant 0 : i32
    %dma_start3A_3469 = tpu.memref_slice %arg6[%add3A_3188, %dma_start3A_3468] : memref<315392x128xf32, #tpu.memory_space<hbm>> -> memref<256x128xf32, #tpu.memory_space<hbm>>
    %dma_start3A_3470 = arith.constant 0 : i32
    %dma_start3A_3471 = tpu.memref_slice %arg6[%add3A_3188, %dma_start3A_3470] : memref<315392x128xf32, #tpu.memory_space<hbm>> -> memref<256x128xf32, #tpu.memory_space<hbm>>
    %dma_start3A_3472 = arith.constant 0 : i32
    %dma_start3A_3473 = arith.constant 0 : i32
    %dma_start3A_3474 = tpu.memref_slice %arg11[%dma_start3A_3472, %dma_start3A_3473] : memref<256x128xf32, #tpu.memory_space<vmem>> -> memref<256x128xf32, #tpu.memory_space<vmem>>
    tpu.enqueue_dma source(%dma_start3A_3474 : memref<256x128xf32, #tpu.memory_space<vmem>>) target(%dma_start3A_3471 : memref<256x128xf32, #tpu.memory_space<hbm>>) target_semaphore(%arg19 : memref<!tpu.dma_semaphore, #tpu.memory_space<semaphore_mem>>)
    %dma_wait3A_3475 = arith.constant 0 : i32
    %dma_wait3A_3476 = arith.constant 0 : i32
    %dma_wait3A_3477 = tpu.memref_slice %arg11[%dma_wait3A_3475, %dma_wait3A_3476] : memref<256x128xf32, #tpu.memory_space<vmem>> -> memref<256x128xf32, #tpu.memory_space<vmem>>
    %dma_wait3A_3478 = arith.constant 0 : i32
    %dma_wait3A_3479 = tpu.memref_slice %arg6[%add3A_3188, %dma_wait3A_3478] : memref<315392x128xf32, #tpu.memory_space<hbm>> -> memref<256x128xf32, #tpu.memory_space<hbm>>
    %dma_wait3A_3480 = arith.constant 0 : i32
    %dma_wait3A_3481 = tpu.memref_slice %arg6[%add3A_3188, %dma_wait3A_3480] : memref<315392x128xf32, #tpu.memory_space<hbm>> -> memref<256x128xf32, #tpu.memory_space<hbm>>
    %dma_wait3A_3482 = arith.constant 0 : i32
    %dma_wait3A_3483 = arith.constant 0 : i32
    %dma_wait3A_3484 = tpu.memref_slice %arg11[%dma_wait3A_3482, %dma_wait3A_3483] : memref<256x128xf32, #tpu.memory_space<vmem>> -> memref<256x128xf32, #tpu.memory_space<vmem>>
    tpu.wait_dma2 semaphore(%arg19 : memref<!tpu.dma_semaphore, #tpu.memory_space<semaphore_mem>>) src(%dma_wait3A_3484 : memref<256x128xf32, #tpu.memory_space<vmem>>) dst(%dma_wait3A_3481 : memref<256x128xf32, #tpu.memory_space<hbm>>)
    %dma_start3A_3485 = arith.constant 0 : i32
    %dma_start3A_3486 = arith.constant 0 : i32
    %dma_start3A_3487 = tpu.memref_slice %arg11[%dma_start3A_3485, %dma_start3A_3486] : memref<256x128xf32, #tpu.memory_space<vmem>> -> memref<256x128xf32, #tpu.memory_space<vmem>>
    %dma_start3A_3488 = arith.constant 1792 : i32
    %dma_start3A_3489 = tpu.memref_slice %arg8[%dma_start3A_3488] : memref<7680xi32, #tpu.memory_space<vmem>> -> memref<256xi32, #tpu.memory_space<vmem>>
    %dma_start3A_3490 = arith.constant 0 : i32
    %dma_start3A_3491 = arith.constant 0 : i32
    %dma_start3A_3492 = tpu.memref_slice %arg3[%dma_start3A_3490, %dma_start3A_3491] : memref<197632x128xf32, #tpu.memory_space<hbm>> -> memref<197632x128xf32, #tpu.memory_space<hbm>>
    tpu.enqueue_indirect_dma source(%dma_start3A_3492 : memref<197632x128xf32, #tpu.memory_space<hbm>>) target(%dma_start3A_3487 : memref<256x128xf32, #tpu.memory_space<vmem>>) offsets(%dma_start3A_3489 : memref<256xi32, #tpu.memory_space<vmem>>) semaphore(%arg16 : memref<!tpu.dma_semaphore, #tpu.memory_space<semaphore_mem>>)
    %dma_wait3A_3493 = arith.constant 0 : i32
    %dma_wait3A_3494 = arith.constant 0 : i32
    %dma_wait3A_3495 = tpu.memref_slice %arg12[%dma_wait3A_3493, %dma_wait3A_3494] : memref<256x128xf32, #tpu.memory_space<vmem>> -> memref<256x128xf32, #tpu.memory_space<vmem>>
    %dma_wait3A_3496 = arith.constant 1280 : i32
    %dma_wait3A_3497 = tpu.memref_slice %arg8[%dma_wait3A_3496] : memref<7680xi32, #tpu.memory_space<vmem>> -> memref<256xi32, #tpu.memory_space<vmem>>
    %dma_wait3A_3498 = arith.constant 0 : i32
    %dma_wait3A_3499 = arith.constant 0 : i32
    %dma_wait3A_3500 = tpu.memref_slice %arg3[%dma_wait3A_3498, %dma_wait3A_3499] : memref<197632x128xf32, #tpu.memory_space<hbm>> -> memref<197632x128xf32, #tpu.memory_space<hbm>>
    tpu.wait_indirect_dma semaphore(%arg17 : memref<!tpu.dma_semaphore, #tpu.memory_space<semaphore_mem>>) src(%dma_wait3A_3500 : memref<197632x128xf32, #tpu.memory_space<hbm>>) dst(%dma_wait3A_3495 : memref<256x128xf32, #tpu.memory_space<vmem>>)
    %dma_start3A_3501 = arith.constant 0 : i32
    %dma_start3A_3502 = arith.constant 0 : i32
    %dma_start3A_3503 = tpu.memref_slice %arg12[%dma_start3A_3501, %dma_start3A_3502] : memref<256x128xf32, #tpu.memory_space<vmem>> -> memref<256x128xf32, #tpu.memory_space<vmem>>
    %dma_start3A_3504 = arith.constant 0 : i32
    %dma_start3A_3505 = tpu.memref_slice %arg6[%add3A_3192, %dma_start3A_3504] : memref<315392x128xf32, #tpu.memory_space<hbm>> -> memref<256x128xf32, #tpu.memory_space<hbm>>
    %dma_start3A_3506 = arith.constant 0 : i32
    %dma_start3A_3507 = tpu.memref_slice %arg6[%add3A_3192, %dma_start3A_3506] : memref<315392x128xf32, #tpu.memory_space<hbm>> -> memref<256x128xf32, #tpu.memory_space<hbm>>
    %dma_start3A_3508 = arith.constant 0 : i32
    %dma_start3A_3509 = arith.constant 0 : i32
    %dma_start3A_3510 = tpu.memref_slice %arg12[%dma_start3A_3508, %dma_start3A_3509] : memref<256x128xf32, #tpu.memory_space<vmem>> -> memref<256x128xf32, #tpu.memory_space<vmem>>
    tpu.enqueue_dma source(%dma_start3A_3510 : memref<256x128xf32, #tpu.memory_space<vmem>>) target(%dma_start3A_3507 : memref<256x128xf32, #tpu.memory_space<hbm>>) target_semaphore(%arg20 : memref<!tpu.dma_semaphore, #tpu.memory_space<semaphore_mem>>)
    %dma_wait3A_3511 = arith.constant 0 : i32
    %dma_wait3A_3512 = arith.constant 0 : i32
    %dma_wait3A_3513 = tpu.memref_slice %arg12[%dma_wait3A_3511, %dma_wait3A_3512] : memref<256x128xf32, #tpu.memory_space<vmem>> -> memref<256x128xf32, #tpu.memory_space<vmem>>
    %dma_wait3A_3514 = arith.constant 0 : i32
    %dma_wait3A_3515 = tpu.memref_slice %arg6[%add3A_3192, %dma_wait3A_3514] : memref<315392x128xf32, #tpu.memory_space<hbm>> -> memref<256x128xf32, #tpu.memory_space<hbm>>
    %dma_wait3A_3516 = arith.constant 0 : i32
    %dma_wait3A_3517 = tpu.memref_slice %arg6[%add3A_3192, %dma_wait3A_3516] : memref<315392x128xf32, #tpu.memory_space<hbm>> -> memref<256x128xf32, #tpu.memory_space<hbm>>
    %dma_wait3A_3518 = arith.constant 0 : i32
    %dma_wait3A_3519 = arith.constant 0 : i32
    %dma_wait3A_3520 = tpu.memref_slice %arg12[%dma_wait3A_3518, %dma_wait3A_3519] : memref<256x128xf32, #tpu.memory_space<vmem>> -> memref<256x128xf32, #tpu.memory_space<vmem>>
    tpu.wait_dma2 semaphore(%arg20 : memref<!tpu.dma_semaphore, #tpu.memory_space<semaphore_mem>>) src(%dma_wait3A_3520 : memref<256x128xf32, #tpu.memory_space<vmem>>) dst(%dma_wait3A_3517 : memref<256x128xf32, #tpu.memory_space<hbm>>)
    %dma_start3A_3521 = arith.constant 0 : i32
    %dma_start3A_3522 = arith.constant 0 : i32
    %dma_start3A_3523 = tpu.memref_slice %arg12[%dma_start3A_3521, %dma_start3A_3522] : memref<256x128xf32, #tpu.memory_space<vmem>> -> memref<256x128xf32, #tpu.memory_space<vmem>>
    %dma_start3A_3524 = arith.constant 2048 : i32
    %dma_start3A_3525 = tpu.memref_slice %arg8[%dma_start3A_3524] : memref<7680xi32, #tpu.memory_space<vmem>> -> memref<256xi32, #tpu.memory_space<vmem>>
    %dma_start3A_3526 = arith.constant 0 : i32
    %dma_start3A_3527 = arith.constant 0 : i32
    %dma_start3A_3528 = tpu.memref_slice %arg3[%dma_start3A_3526, %dma_start3A_3527] : memref<197632x128xf32, #tpu.memory_space<hbm>> -> memref<197632x128xf32, #tpu.memory_space<hbm>>
    tpu.enqueue_indirect_dma source(%dma_start3A_3528 : memref<197632x128xf32, #tpu.memory_space<hbm>>) target(%dma_start3A_3523 : memref<256x128xf32, #tpu.memory_space<vmem>>) offsets(%dma_start3A_3525 : memref<256xi32, #tpu.memory_space<vmem>>) semaphore(%arg17 : memref<!tpu.dma_semaphore, #tpu.memory_space<semaphore_mem>>)
    %dma_wait3A_3529 = arith.constant 0 : i32
    %dma_wait3A_3530 = arith.constant 0 : i32
    %dma_wait3A_3531 = tpu.memref_slice %arg10[%dma_wait3A_3529, %dma_wait3A_3530] : memref<256x128xf32, #tpu.memory_space<vmem>> -> memref<256x128xf32, #tpu.memory_space<vmem>>
    %dma_wait3A_3532 = arith.constant 1536 : i32
    %dma_wait3A_3533 = tpu.memref_slice %arg8[%dma_wait3A_3532] : memref<7680xi32, #tpu.memory_space<vmem>> -> memref<256xi32, #tpu.memory_space<vmem>>
    %dma_wait3A_3534 = arith.constant 0 : i32
    %dma_wait3A_3535 = arith.constant 0 : i32
    %dma_wait3A_3536 = tpu.memref_slice %arg3[%dma_wait3A_3534, %dma_wait3A_3535] : memref<197632x128xf32, #tpu.memory_space<hbm>> -> memref<197632x128xf32, #tpu.memory_space<hbm>>
    tpu.wait_indirect_dma semaphore(%arg15 : memref<!tpu.dma_semaphore, #tpu.memory_space<semaphore_mem>>) src(%dma_wait3A_3536 : memref<197632x128xf32, #tpu.memory_space<hbm>>) dst(%dma_wait3A_3531 : memref<256x128xf32, #tpu.memory_space<vmem>>)
    %dma_start3A_3537 = arith.constant 0 : i32
    %dma_start3A_3538 = arith.constant 0 : i32
    %dma_start3A_3539 = tpu.memref_slice %arg10[%dma_start3A_3537, %dma_start3A_3538] : memref<256x128xf32, #tpu.memory_space<vmem>> -> memref<256x128xf32, #tpu.memory_space<vmem>>
    %dma_start3A_3540 = arith.constant 0 : i32
    %dma_start3A_3541 = tpu.memref_slice %arg6[%add3A_3196, %dma_start3A_3540] : memref<315392x128xf32, #tpu.memory_space<hbm>> -> memref<256x128xf32, #tpu.memory_space<hbm>>
    %dma_start3A_3542 = arith.constant 0 : i32
    %dma_start3A_3543 = tpu.memref_slice %arg6[%add3A_3196, %dma_start3A_3542] : memref<315392x128xf32, #tpu.memory_space<hbm>> -> memref<256x128xf32, #tpu.memory_space<hbm>>
    %dma_start3A_3544 = arith.constant 0 : i32
    %dma_start3A_3545 = arith.constant 0 : i32
    %dma_start3A_3546 = tpu.memref_slice %arg10[%dma_start3A_3544, %dma_start3A_3545] : memref<256x128xf32, #tpu.memory_space<vmem>> -> memref<256x128xf32, #tpu.memory_space<vmem>>
    tpu.enqueue_dma source(%dma_start3A_3546 : memref<256x128xf32, #tpu.memory_space<vmem>>) target(%dma_start3A_3543 : memref<256x128xf32, #tpu.memory_space<hbm>>) target_semaphore(%arg18 : memref<!tpu.dma_semaphore, #tpu.memory_space<semaphore_mem>>)
    %dma_wait3A_3547 = arith.constant 0 : i32
    %dma_wait3A_3548 = arith.constant 0 : i32
    %dma_wait3A_3549 = tpu.memref_slice %arg10[%dma_wait3A_3547, %dma_wait3A_3548] : memref<256x128xf32, #tpu.memory_space<vmem>> -> memref<256x128xf32, #tpu.memory_space<vmem>>
    %dma_wait3A_3550 = arith.constant 0 : i32
    %dma_wait3A_3551 = tpu.memref_slice %arg6[%add3A_3196, %dma_wait3A_3550] : memref<315392x128xf32, #tpu.memory_space<hbm>> -> memref<256x128xf32, #tpu.memory_space<hbm>>
    %dma_wait3A_3552 = arith.constant 0 : i32
    %dma_wait3A_3553 = tpu.memref_slice %arg6[%add3A_3196, %dma_wait3A_3552] : memref<315392x128xf32, #tpu.memory_space<hbm>> -> memref<256x128xf32, #tpu.memory_space<hbm>>
    %dma_wait3A_3554 = arith.constant 0 : i32
    %dma_wait3A_3555 = arith.constant 0 : i32
    %dma_wait3A_3556 = tpu.memref_slice %arg10[%dma_wait3A_3554, %dma_wait3A_3555] : memref<256x128xf32, #tpu.memory_space<vmem>> -> memref<256x128xf32, #tpu.memory_space<vmem>>
    tpu.wait_dma2 semaphore(%arg18 : memref<!tpu.dma_semaphore, #tpu.memory_space<semaphore_mem>>) src(%dma_wait3A_3556 : memref<256x128xf32, #tpu.memory_space<vmem>>) dst(%dma_wait3A_3553 : memref<256x128xf32, #tpu.memory_space<hbm>>)
    %dma_start3A_3557 = arith.constant 0 : i32
    %dma_start3A_3558 = arith.constant 0 : i32
    %dma_start3A_3559 = tpu.memref_slice %arg10[%dma_start3A_3557, %dma_start3A_3558] : memref<256x128xf32, #tpu.memory_space<vmem>> -> memref<256x128xf32, #tpu.memory_space<vmem>>
    %dma_start3A_3560 = arith.constant 2304 : i32
    %dma_start3A_3561 = tpu.memref_slice %arg8[%dma_start3A_3560] : memref<7680xi32, #tpu.memory_space<vmem>> -> memref<256xi32, #tpu.memory_space<vmem>>
    %dma_start3A_3562 = arith.constant 0 : i32
    %dma_start3A_3563 = arith.constant 0 : i32
    %dma_start3A_3564 = tpu.memref_slice %arg3[%dma_start3A_3562, %dma_start3A_3563] : memref<197632x128xf32, #tpu.memory_space<hbm>> -> memref<197632x128xf32, #tpu.memory_space<hbm>>
    tpu.enqueue_indirect_dma source(%dma_start3A_3564 : memref<197632x128xf32, #tpu.memory_space<hbm>>) target(%dma_start3A_3559 : memref<256x128xf32, #tpu.memory_space<vmem>>) offsets(%dma_start3A_3561 : memref<256xi32, #tpu.memory_space<vmem>>) semaphore(%arg15 : memref<!tpu.dma_semaphore, #tpu.memory_space<semaphore_mem>>)
    %dma_wait3A_3565 = arith.constant 0 : i32
    %dma_wait3A_3566 = arith.constant 0 : i32
    %dma_wait3A_3567 = tpu.memref_slice %arg11[%dma_wait3A_3565, %dma_wait3A_3566] : memref<256x128xf32, #tpu.memory_space<vmem>> -> memref<256x128xf32, #tpu.memory_space<vmem>>
    %dma_wait3A_3568 = arith.constant 1792 : i32
    %dma_wait3A_3569 = tpu.memref_slice %arg8[%dma_wait3A_3568] : memref<7680xi32, #tpu.memory_space<vmem>> -> memref<256xi32, #tpu.memory_space<vmem>>
    %dma_wait3A_3570 = arith.constant 0 : i32
    %dma_wait3A_3571 = arith.constant 0 : i32
    %dma_wait3A_3572 = tpu.memref_slice %arg3[%dma_wait3A_3570, %dma_wait3A_3571] : memref<197632x128xf32, #tpu.memory_space<hbm>> -> memref<197632x128xf32, #tpu.memory_space<hbm>>
    tpu.wait_indirect_dma semaphore(%arg16 : memref<!tpu.dma_semaphore, #tpu.memory_space<semaphore_mem>>) src(%dma_wait3A_3572 : memref<197632x128xf32, #tpu.memory_space<hbm>>) dst(%dma_wait3A_3567 : memref<256x128xf32, #tpu.memory_space<vmem>>)
    %dma_start3A_3573 = arith.constant 0 : i32
    %dma_start3A_3574 = arith.constant 0 : i32
    %dma_start3A_3575 = tpu.memref_slice %arg11[%dma_start3A_3573, %dma_start3A_3574] : memref<256x128xf32, #tpu.memory_space<vmem>> -> memref<256x128xf32, #tpu.memory_space<vmem>>
    %dma_start3A_3576 = arith.constant 0 : i32
    %dma_start3A_3577 = tpu.memref_slice %arg6[%add3A_3200, %dma_start3A_3576] : memref<315392x128xf32, #tpu.memory_space<hbm>> -> memref<256x128xf32, #tpu.memory_space<hbm>>
    %dma_start3A_3578 = arith.constant 0 : i32
    %dma_start3A_3579 = tpu.memref_slice %arg6[%add3A_3200, %dma_start3A_3578] : memref<315392x128xf32, #tpu.memory_space<hbm>> -> memref<256x128xf32, #tpu.memory_space<hbm>>
    %dma_start3A_3580 = arith.constant 0 : i32
    %dma_start3A_3581 = arith.constant 0 : i32
    %dma_start3A_3582 = tpu.memref_slice %arg11[%dma_start3A_3580, %dma_start3A_3581] : memref<256x128xf32, #tpu.memory_space<vmem>> -> memref<256x128xf32, #tpu.memory_space<vmem>>
    tpu.enqueue_dma source(%dma_start3A_3582 : memref<256x128xf32, #tpu.memory_space<vmem>>) target(%dma_start3A_3579 : memref<256x128xf32, #tpu.memory_space<hbm>>) target_semaphore(%arg19 : memref<!tpu.dma_semaphore, #tpu.memory_space<semaphore_mem>>)
    %dma_wait3A_3583 = arith.constant 0 : i32
    %dma_wait3A_3584 = arith.constant 0 : i32
    %dma_wait3A_3585 = tpu.memref_slice %arg11[%dma_wait3A_3583, %dma_wait3A_3584] : memref<256x128xf32, #tpu.memory_space<vmem>> -> memref<256x128xf32, #tpu.memory_space<vmem>>
    %dma_wait3A_3586 = arith.constant 0 : i32
    %dma_wait3A_3587 = tpu.memref_slice %arg6[%add3A_3200, %dma_wait3A_3586] : memref<315392x128xf32, #tpu.memory_space<hbm>> -> memref<256x128xf32, #tpu.memory_space<hbm>>
    %dma_wait3A_3588 = arith.constant 0 : i32
    %dma_wait3A_3589 = tpu.memref_slice %arg6[%add3A_3200, %dma_wait3A_3588] : memref<315392x128xf32, #tpu.memory_space<hbm>> -> memref<256x128xf32, #tpu.memory_space<hbm>>
    %dma_wait3A_3590 = arith.constant 0 : i32
    %dma_wait3A_3591 = arith.constant 0 : i32
    %dma_wait3A_3592 = tpu.memref_slice %arg11[%dma_wait3A_3590, %dma_wait3A_3591] : memref<256x128xf32, #tpu.memory_space<vmem>> -> memref<256x128xf32, #tpu.memory_space<vmem>>
    tpu.wait_dma2 semaphore(%arg19 : memref<!tpu.dma_semaphore, #tpu.memory_space<semaphore_mem>>) src(%dma_wait3A_3592 : memref<256x128xf32, #tpu.memory_space<vmem>>) dst(%dma_wait3A_3589 : memref<256x128xf32, #tpu.memory_space<hbm>>)
    %dma_start3A_3593 = arith.constant 0 : i32
    %dma_start3A_3594 = arith.constant 0 : i32
    %dma_start3A_3595 = tpu.memref_slice %arg11[%dma_start3A_3593, %dma_start3A_3594] : memref<256x128xf32, #tpu.memory_space<vmem>> -> memref<256x128xf32, #tpu.memory_space<vmem>>
    %dma_start3A_3596 = arith.constant 2560 : i32
    %dma_start3A_3597 = tpu.memref_slice %arg8[%dma_start3A_3596] : memref<7680xi32, #tpu.memory_space<vmem>> -> memref<256xi32, #tpu.memory_space<vmem>>
    %dma_start3A_3598 = arith.constant 0 : i32
    %dma_start3A_3599 = arith.constant 0 : i32
    %dma_start3A_3600 = tpu.memref_slice %arg3[%dma_start3A_3598, %dma_start3A_3599] : memref<197632x128xf32, #tpu.memory_space<hbm>> -> memref<197632x128xf32, #tpu.memory_space<hbm>>
    tpu.enqueue_indirect_dma source(%dma_start3A_3600 : memref<197632x128xf32, #tpu.memory_space<hbm>>) target(%dma_start3A_3595 : memref<256x128xf32, #tpu.memory_space<vmem>>) offsets(%dma_start3A_3597 : memref<256xi32, #tpu.memory_space<vmem>>) semaphore(%arg16 : memref<!tpu.dma_semaphore, #tpu.memory_space<semaphore_mem>>)
    %dma_wait3A_3601 = arith.constant 0 : i32
    %dma_wait3A_3602 = arith.constant 0 : i32
    %dma_wait3A_3603 = tpu.memref_slice %arg12[%dma_wait3A_3601, %dma_wait3A_3602] : memref<256x128xf32, #tpu.memory_space<vmem>> -> memref<256x128xf32, #tpu.memory_space<vmem>>
    %dma_wait3A_3604 = arith.constant 2048 : i32
    %dma_wait3A_3605 = tpu.memref_slice %arg8[%dma_wait3A_3604] : memref<7680xi32, #tpu.memory_space<vmem>> -> memref<256xi32, #tpu.memory_space<vmem>>
    %dma_wait3A_3606 = arith.constant 0 : i32
    %dma_wait3A_3607 = arith.constant 0 : i32
    %dma_wait3A_3608 = tpu.memref_slice %arg3[%dma_wait3A_3606, %dma_wait3A_3607] : memref<197632x128xf32, #tpu.memory_space<hbm>> -> memref<197632x128xf32, #tpu.memory_space<hbm>>
    tpu.wait_indirect_dma semaphore(%arg17 : memref<!tpu.dma_semaphore, #tpu.memory_space<semaphore_mem>>) src(%dma_wait3A_3608 : memref<197632x128xf32, #tpu.memory_space<hbm>>) dst(%dma_wait3A_3603 : memref<256x128xf32, #tpu.memory_space<vmem>>)
    %dma_start3A_3609 = arith.constant 0 : i32
    %dma_start3A_3610 = arith.constant 0 : i32
    %dma_start3A_3611 = tpu.memref_slice %arg12[%dma_start3A_3609, %dma_start3A_3610] : memref<256x128xf32, #tpu.memory_space<vmem>> -> memref<256x128xf32, #tpu.memory_space<vmem>>
    %dma_start3A_3612 = arith.constant 0 : i32
    %dma_start3A_3613 = tpu.memref_slice %arg6[%add3A_3204, %dma_start3A_3612] : memref<315392x128xf32, #tpu.memory_space<hbm>> -> memref<256x128xf32, #tpu.memory_space<hbm>>
    %dma_start3A_3614 = arith.constant 0 : i32
    %dma_start3A_3615 = tpu.memref_slice %arg6[%add3A_3204, %dma_start3A_3614] : memref<315392x128xf32, #tpu.memory_space<hbm>> -> memref<256x128xf32, #tpu.memory_space<hbm>>
    %dma_start3A_3616 = arith.constant 0 : i32
    %dma_start3A_3617 = arith.constant 0 : i32
    %dma_start3A_3618 = tpu.memref_slice %arg12[%dma_start3A_3616, %dma_start3A_3617] : memref<256x128xf32, #tpu.memory_space<vmem>> -> memref<256x128xf32, #tpu.memory_space<vmem>>
    tpu.enqueue_dma source(%dma_start3A_3618 : memref<256x128xf32, #tpu.memory_space<vmem>>) target(%dma_start3A_3615 : memref<256x128xf32, #tpu.memory_space<hbm>>) target_semaphore(%arg20 : memref<!tpu.dma_semaphore, #tpu.memory_space<semaphore_mem>>)
    %dma_wait3A_3619 = arith.constant 0 : i32
    %dma_wait3A_3620 = arith.constant 0 : i32
    %dma_wait3A_3621 = tpu.memref_slice %arg12[%dma_wait3A_3619, %dma_wait3A_3620] : memref<256x128xf32, #tpu.memory_space<vmem>> -> memref<256x128xf32, #tpu.memory_space<vmem>>
    %dma_wait3A_3622 = arith.constant 0 : i32
    %dma_wait3A_3623 = tpu.memref_slice %arg6[%add3A_3204, %dma_wait3A_3622] : memref<315392x128xf32, #tpu.memory_space<hbm>> -> memref<256x128xf32, #tpu.memory_space<hbm>>
    %dma_wait3A_3624 = arith.constant 0 : i32
    %dma_wait3A_3625 = tpu.memref_slice %arg6[%add3A_3204, %dma_wait3A_3624] : memref<315392x128xf32, #tpu.memory_space<hbm>> -> memref<256x128xf32, #tpu.memory_space<hbm>>
    %dma_wait3A_3626 = arith.constant 0 : i32
    %dma_wait3A_3627 = arith.constant 0 : i32
    %dma_wait3A_3628 = tpu.memref_slice %arg12[%dma_wait3A_3626, %dma_wait3A_3627] : memref<256x128xf32, #tpu.memory_space<vmem>> -> memref<256x128xf32, #tpu.memory_space<vmem>>
    tpu.wait_dma2 semaphore(%arg20 : memref<!tpu.dma_semaphore, #tpu.memory_space<semaphore_mem>>) src(%dma_wait3A_3628 : memref<256x128xf32, #tpu.memory_space<vmem>>) dst(%dma_wait3A_3625 : memref<256x128xf32, #tpu.memory_space<hbm>>)
    %dma_start3A_3629 = arith.constant 0 : i32
    %dma_start3A_3630 = arith.constant 0 : i32
    %dma_start3A_3631 = tpu.memref_slice %arg12[%dma_start3A_3629, %dma_start3A_3630] : memref<256x128xf32, #tpu.memory_space<vmem>> -> memref<256x128xf32, #tpu.memory_space<vmem>>
    %dma_start3A_3632 = arith.constant 2816 : i32
    %dma_start3A_3633 = tpu.memref_slice %arg8[%dma_start3A_3632] : memref<7680xi32, #tpu.memory_space<vmem>> -> memref<256xi32, #tpu.memory_space<vmem>>
    %dma_start3A_3634 = arith.constant 0 : i32
    %dma_start3A_3635 = arith.constant 0 : i32
    %dma_start3A_3636 = tpu.memref_slice %arg3[%dma_start3A_3634, %dma_start3A_3635] : memref<197632x128xf32, #tpu.memory_space<hbm>> -> memref<197632x128xf32, #tpu.memory_space<hbm>>
    tpu.enqueue_indirect_dma source(%dma_start3A_3636 : memref<197632x128xf32, #tpu.memory_space<hbm>>) target(%dma_start3A_3631 : memref<256x128xf32, #tpu.memory_space<vmem>>) offsets(%dma_start3A_3633 : memref<256xi32, #tpu.memory_space<vmem>>) semaphore(%arg17 : memref<!tpu.dma_semaphore, #tpu.memory_space<semaphore_mem>>)
    %dma_wait3A_3637 = arith.constant 0 : i32
    %dma_wait3A_3638 = arith.constant 0 : i32
    %dma_wait3A_3639 = tpu.memref_slice %arg10[%dma_wait3A_3637, %dma_wait3A_3638] : memref<256x128xf32, #tpu.memory_space<vmem>> -> memref<256x128xf32, #tpu.memory_space<vmem>>
    %dma_wait3A_3640 = arith.constant 2304 : i32
    %dma_wait3A_3641 = tpu.memref_slice %arg8[%dma_wait3A_3640] : memref<7680xi32, #tpu.memory_space<vmem>> -> memref<256xi32, #tpu.memory_space<vmem>>
    %dma_wait3A_3642 = arith.constant 0 : i32
    %dma_wait3A_3643 = arith.constant 0 : i32
    %dma_wait3A_3644 = tpu.memref_slice %arg3[%dma_wait3A_3642, %dma_wait3A_3643] : memref<197632x128xf32, #tpu.memory_space<hbm>> -> memref<197632x128xf32, #tpu.memory_space<hbm>>
    tpu.wait_indirect_dma semaphore(%arg15 : memref<!tpu.dma_semaphore, #tpu.memory_space<semaphore_mem>>) src(%dma_wait3A_3644 : memref<197632x128xf32, #tpu.memory_space<hbm>>) dst(%dma_wait3A_3639 : memref<256x128xf32, #tpu.memory_space<vmem>>)
    %dma_start3A_3645 = arith.constant 0 : i32
    %dma_start3A_3646 = arith.constant 0 : i32
    %dma_start3A_3647 = tpu.memref_slice %arg10[%dma_start3A_3645, %dma_start3A_3646] : memref<256x128xf32, #tpu.memory_space<vmem>> -> memref<256x128xf32, #tpu.memory_space<vmem>>
    %dma_start3A_3648 = arith.constant 0 : i32
    %dma_start3A_3649 = tpu.memref_slice %arg6[%add3A_3208, %dma_start3A_3648] : memref<315392x128xf32, #tpu.memory_space<hbm>> -> memref<256x128xf32, #tpu.memory_space<hbm>>
    %dma_start3A_3650 = arith.constant 0 : i32
    %dma_start3A_3651 = tpu.memref_slice %arg6[%add3A_3208, %dma_start3A_3650] : memref<315392x128xf32, #tpu.memory_space<hbm>> -> memref<256x128xf32, #tpu.memory_space<hbm>>
    %dma_start3A_3652 = arith.constant 0 : i32
    %dma_start3A_3653 = arith.constant 0 : i32
    %dma_start3A_3654 = tpu.memref_slice %arg10[%dma_start3A_3652, %dma_start3A_3653] : memref<256x128xf32, #tpu.memory_space<vmem>> -> memref<256x128xf32, #tpu.memory_space<vmem>>
    tpu.enqueue_dma source(%dma_start3A_3654 : memref<256x128xf32, #tpu.memory_space<vmem>>) target(%dma_start3A_3651 : memref<256x128xf32, #tpu.memory_space<hbm>>) target_semaphore(%arg18 : memref<!tpu.dma_semaphore, #tpu.memory_space<semaphore_mem>>)
    %dma_wait3A_3655 = arith.constant 0 : i32
    %dma_wait3A_3656 = arith.constant 0 : i32
    %dma_wait3A_3657 = tpu.memref_slice %arg10[%dma_wait3A_3655, %dma_wait3A_3656] : memref<256x128xf32, #tpu.memory_space<vmem>> -> memref<256x128xf32, #tpu.memory_space<vmem>>
    %dma_wait3A_3658 = arith.constant 0 : i32
    %dma_wait3A_3659 = tpu.memref_slice %arg6[%add3A_3208, %dma_wait3A_3658] : memref<315392x128xf32, #tpu.memory_space<hbm>> -> memref<256x128xf32, #tpu.memory_space<hbm>>
    %dma_wait3A_3660 = arith.constant 0 : i32
    %dma_wait3A_3661 = tpu.memref_slice %arg6[%add3A_3208, %dma_wait3A_3660] : memref<315392x128xf32, #tpu.memory_space<hbm>> -> memref<256x128xf32, #tpu.memory_space<hbm>>
    %dma_wait3A_3662 = arith.constant 0 : i32
    %dma_wait3A_3663 = arith.constant 0 : i32
    %dma_wait3A_3664 = tpu.memref_slice %arg10[%dma_wait3A_3662, %dma_wait3A_3663] : memref<256x128xf32, #tpu.memory_space<vmem>> -> memref<256x128xf32, #tpu.memory_space<vmem>>
    tpu.wait_dma2 semaphore(%arg18 : memref<!tpu.dma_semaphore, #tpu.memory_space<semaphore_mem>>) src(%dma_wait3A_3664 : memref<256x128xf32, #tpu.memory_space<vmem>>) dst(%dma_wait3A_3661 : memref<256x128xf32, #tpu.memory_space<hbm>>)
    %dma_start3A_3665 = arith.constant 0 : i32
    %dma_start3A_3666 = arith.constant 0 : i32
    %dma_start3A_3667 = tpu.memref_slice %arg10[%dma_start3A_3665, %dma_start3A_3666] : memref<256x128xf32, #tpu.memory_space<vmem>> -> memref<256x128xf32, #tpu.memory_space<vmem>>
    %dma_start3A_3668 = arith.constant 3072 : i32
    %dma_start3A_3669 = tpu.memref_slice %arg8[%dma_start3A_3668] : memref<7680xi32, #tpu.memory_space<vmem>> -> memref<256xi32, #tpu.memory_space<vmem>>
    %dma_start3A_3670 = arith.constant 0 : i32
    %dma_start3A_3671 = arith.constant 0 : i32
    %dma_start3A_3672 = tpu.memref_slice %arg3[%dma_start3A_3670, %dma_start3A_3671] : memref<197632x128xf32, #tpu.memory_space<hbm>> -> memref<197632x128xf32, #tpu.memory_space<hbm>>
    tpu.enqueue_indirect_dma source(%dma_start3A_3672 : memref<197632x128xf32, #tpu.memory_space<hbm>>) target(%dma_start3A_3667 : memref<256x128xf32, #tpu.memory_space<vmem>>) offsets(%dma_start3A_3669 : memref<256xi32, #tpu.memory_space<vmem>>) semaphore(%arg15 : memref<!tpu.dma_semaphore, #tpu.memory_space<semaphore_mem>>)
    %dma_wait3A_3673 = arith.constant 0 : i32
    %dma_wait3A_3674 = arith.constant 0 : i32
    %dma_wait3A_3675 = tpu.memref_slice %arg11[%dma_wait3A_3673, %dma_wait3A_3674] : memref<256x128xf32, #tpu.memory_space<vmem>> -> memref<256x128xf32, #tpu.memory_space<vmem>>
    %dma_wait3A_3676 = arith.constant 2560 : i32
    %dma_wait3A_3677 = tpu.memref_slice %arg8[%dma_wait3A_3676] : memref<7680xi32, #tpu.memory_space<vmem>> -> memref<256xi32, #tpu.memory_space<vmem>>
    %dma_wait3A_3678 = arith.constant 0 : i32
    %dma_wait3A_3679 = arith.constant 0 : i32
    %dma_wait3A_3680 = tpu.memref_slice %arg3[%dma_wait3A_3678, %dma_wait3A_3679] : memref<197632x128xf32, #tpu.memory_space<hbm>> -> memref<197632x128xf32, #tpu.memory_space<hbm>>
    tpu.wait_indirect_dma semaphore(%arg16 : memref<!tpu.dma_semaphore, #tpu.memory_space<semaphore_mem>>) src(%dma_wait3A_3680 : memref<197632x128xf32, #tpu.memory_space<hbm>>) dst(%dma_wait3A_3675 : memref<256x128xf32, #tpu.memory_space<vmem>>)
    %dma_start3A_3681 = arith.constant 0 : i32
    %dma_start3A_3682 = arith.constant 0 : i32
    %dma_start3A_3683 = tpu.memref_slice %arg11[%dma_start3A_3681, %dma_start3A_3682] : memref<256x128xf32, #tpu.memory_space<vmem>> -> memref<256x128xf32, #tpu.memory_space<vmem>>
    %dma_start3A_3684 = arith.constant 0 : i32
    %dma_start3A_3685 = tpu.memref_slice %arg6[%add3A_3212, %dma_start3A_3684] : memref<315392x128xf32, #tpu.memory_space<hbm>> -> memref<256x128xf32, #tpu.memory_space<hbm>>
    %dma_start3A_3686 = arith.constant 0 : i32
    %dma_start3A_3687 = tpu.memref_slice %arg6[%add3A_3212, %dma_start3A_3686] : memref<315392x128xf32, #tpu.memory_space<hbm>> -> memref<256x128xf32, #tpu.memory_space<hbm>>
    %dma_start3A_3688 = arith.constant 0 : i32
    %dma_start3A_3689 = arith.constant 0 : i32
    %dma_start3A_3690 = tpu.memref_slice %arg11[%dma_start3A_3688, %dma_start3A_3689] : memref<256x128xf32, #tpu.memory_space<vmem>> -> memref<256x128xf32, #tpu.memory_space<vmem>>
    tpu.enqueue_dma source(%dma_start3A_3690 : memref<256x128xf32, #tpu.memory_space<vmem>>) target(%dma_start3A_3687 : memref<256x128xf32, #tpu.memory_space<hbm>>) target_semaphore(%arg19 : memref<!tpu.dma_semaphore, #tpu.memory_space<semaphore_mem>>)
    %dma_wait3A_3691 = arith.constant 0 : i32
    %dma_wait3A_3692 = arith.constant 0 : i32
    %dma_wait3A_3693 = tpu.memref_slice %arg11[%dma_wait3A_3691, %dma_wait3A_3692] : memref<256x128xf32, #tpu.memory_space<vmem>> -> memref<256x128xf32, #tpu.memory_space<vmem>>
    %dma_wait3A_3694 = arith.constant 0 : i32
    %dma_wait3A_3695 = tpu.memref_slice %arg6[%add3A_3212, %dma_wait3A_3694] : memref<315392x128xf32, #tpu.memory_space<hbm>> -> memref<256x128xf32, #tpu.memory_space<hbm>>
    %dma_wait3A_3696 = arith.constant 0 : i32
    %dma_wait3A_3697 = tpu.memref_slice %arg6[%add3A_3212, %dma_wait3A_3696] : memref<315392x128xf32, #tpu.memory_space<hbm>> -> memref<256x128xf32, #tpu.memory_space<hbm>>
    %dma_wait3A_3698 = arith.constant 0 : i32
    %dma_wait3A_3699 = arith.constant 0 : i32
    %dma_wait3A_3700 = tpu.memref_slice %arg11[%dma_wait3A_3698, %dma_wait3A_3699] : memref<256x128xf32, #tpu.memory_space<vmem>> -> memref<256x128xf32, #tpu.memory_space<vmem>>
    tpu.wait_dma2 semaphore(%arg19 : memref<!tpu.dma_semaphore, #tpu.memory_space<semaphore_mem>>) src(%dma_wait3A_3700 : memref<256x128xf32, #tpu.memory_space<vmem>>) dst(%dma_wait3A_3697 : memref<256x128xf32, #tpu.memory_space<hbm>>)
    %dma_start3A_3701 = arith.constant 0 : i32
    %dma_start3A_3702 = arith.constant 0 : i32
    %dma_start3A_3703 = tpu.memref_slice %arg11[%dma_start3A_3701, %dma_start3A_3702] : memref<256x128xf32, #tpu.memory_space<vmem>> -> memref<256x128xf32, #tpu.memory_space<vmem>>
    %dma_start3A_3704 = arith.constant 3328 : i32
    %dma_start3A_3705 = tpu.memref_slice %arg8[%dma_start3A_3704] : memref<7680xi32, #tpu.memory_space<vmem>> -> memref<256xi32, #tpu.memory_space<vmem>>
    %dma_start3A_3706 = arith.constant 0 : i32
    %dma_start3A_3707 = arith.constant 0 : i32
    %dma_start3A_3708 = tpu.memref_slice %arg3[%dma_start3A_3706, %dma_start3A_3707] : memref<197632x128xf32, #tpu.memory_space<hbm>> -> memref<197632x128xf32, #tpu.memory_space<hbm>>
    tpu.enqueue_indirect_dma source(%dma_start3A_3708 : memref<197632x128xf32, #tpu.memory_space<hbm>>) target(%dma_start3A_3703 : memref<256x128xf32, #tpu.memory_space<vmem>>) offsets(%dma_start3A_3705 : memref<256xi32, #tpu.memory_space<vmem>>) semaphore(%arg16 : memref<!tpu.dma_semaphore, #tpu.memory_space<semaphore_mem>>)
    %dma_wait3A_3709 = arith.constant 0 : i32
    %dma_wait3A_3710 = arith.constant 0 : i32
    %dma_wait3A_3711 = tpu.memref_slice %arg12[%dma_wait3A_3709, %dma_wait3A_3710] : memref<256x128xf32, #tpu.memory_space<vmem>> -> memref<256x128xf32, #tpu.memory_space<vmem>>
    %dma_wait3A_3712 = arith.constant 2816 : i32
    %dma_wait3A_3713 = tpu.memref_slice %arg8[%dma_wait3A_3712] : memref<7680xi32, #tpu.memory_space<vmem>> -> memref<256xi32, #tpu.memory_space<vmem>>
    %dma_wait3A_3714 = arith.constant 0 : i32
    %dma_wait3A_3715 = arith.constant 0 : i32
    %dma_wait3A_3716 = tpu.memref_slice %arg3[%dma_wait3A_3714, %dma_wait3A_3715] : memref<197632x128xf32, #tpu.memory_space<hbm>> -> memref<197632x128xf32, #tpu.memory_space<hbm>>
    tpu.wait_indirect_dma semaphore(%arg17 : memref<!tpu.dma_semaphore, #tpu.memory_space<semaphore_mem>>) src(%dma_wait3A_3716 : memref<197632x128xf32, #tpu.memory_space<hbm>>) dst(%dma_wait3A_3711 : memref<256x128xf32, #tpu.memory_space<vmem>>)
    %dma_start3A_3717 = arith.constant 0 : i32
    %dma_start3A_3718 = arith.constant 0 : i32
    %dma_start3A_3719 = tpu.memref_slice %arg12[%dma_start3A_3717, %dma_start3A_3718] : memref<256x128xf32, #tpu.memory_space<vmem>> -> memref<256x128xf32, #tpu.memory_space<vmem>>
    %dma_start3A_3720 = arith.constant 0 : i32
    %dma_start3A_3721 = tpu.memref_slice %arg6[%add3A_3216, %dma_start3A_3720] : memref<315392x128xf32, #tpu.memory_space<hbm>> -> memref<256x128xf32, #tpu.memory_space<hbm>>
    %dma_start3A_3722 = arith.constant 0 : i32
    %dma_start3A_3723 = tpu.memref_slice %arg6[%add3A_3216, %dma_start3A_3722] : memref<315392x128xf32, #tpu.memory_space<hbm>> -> memref<256x128xf32, #tpu.memory_space<hbm>>
    %dma_start3A_3724 = arith.constant 0 : i32
    %dma_start3A_3725 = arith.constant 0 : i32
    %dma_start3A_3726 = tpu.memref_slice %arg12[%dma_start3A_3724, %dma_start3A_3725] : memref<256x128xf32, #tpu.memory_space<vmem>> -> memref<256x128xf32, #tpu.memory_space<vmem>>
    tpu.enqueue_dma source(%dma_start3A_3726 : memref<256x128xf32, #tpu.memory_space<vmem>>) target(%dma_start3A_3723 : memref<256x128xf32, #tpu.memory_space<hbm>>) target_semaphore(%arg20 : memref<!tpu.dma_semaphore, #tpu.memory_space<semaphore_mem>>)
    %dma_wait3A_3727 = arith.constant 0 : i32
    %dma_wait3A_3728 = arith.constant 0 : i32
    %dma_wait3A_3729 = tpu.memref_slice %arg12[%dma_wait3A_3727, %dma_wait3A_3728] : memref<256x128xf32, #tpu.memory_space<vmem>> -> memref<256x128xf32, #tpu.memory_space<vmem>>
    %dma_wait3A_3730 = arith.constant 0 : i32
    %dma_wait3A_3731 = tpu.memref_slice %arg6[%add3A_3216, %dma_wait3A_3730] : memref<315392x128xf32, #tpu.memory_space<hbm>> -> memref<256x128xf32, #tpu.memory_space<hbm>>
    %dma_wait3A_3732 = arith.constant 0 : i32
    %dma_wait3A_3733 = tpu.memref_slice %arg6[%add3A_3216, %dma_wait3A_3732] : memref<315392x128xf32, #tpu.memory_space<hbm>> -> memref<256x128xf32, #tpu.memory_space<hbm>>
    %dma_wait3A_3734 = arith.constant 0 : i32
    %dma_wait3A_3735 = arith.constant 0 : i32
    %dma_wait3A_3736 = tpu.memref_slice %arg12[%dma_wait3A_3734, %dma_wait3A_3735] : memref<256x128xf32, #tpu.memory_space<vmem>> -> memref<256x128xf32, #tpu.memory_space<vmem>>
    tpu.wait_dma2 semaphore(%arg20 : memref<!tpu.dma_semaphore, #tpu.memory_space<semaphore_mem>>) src(%dma_wait3A_3736 : memref<256x128xf32, #tpu.memory_space<vmem>>) dst(%dma_wait3A_3733 : memref<256x128xf32, #tpu.memory_space<hbm>>)
    %dma_start3A_3737 = arith.constant 0 : i32
    %dma_start3A_3738 = arith.constant 0 : i32
    %dma_start3A_3739 = tpu.memref_slice %arg12[%dma_start3A_3737, %dma_start3A_3738] : memref<256x128xf32, #tpu.memory_space<vmem>> -> memref<256x128xf32, #tpu.memory_space<vmem>>
    %dma_start3A_3740 = arith.constant 3584 : i32
    %dma_start3A_3741 = tpu.memref_slice %arg8[%dma_start3A_3740] : memref<7680xi32, #tpu.memory_space<vmem>> -> memref<256xi32, #tpu.memory_space<vmem>>
    %dma_start3A_3742 = arith.constant 0 : i32
    %dma_start3A_3743 = arith.constant 0 : i32
    %dma_start3A_3744 = tpu.memref_slice %arg3[%dma_start3A_3742, %dma_start3A_3743] : memref<197632x128xf32, #tpu.memory_space<hbm>> -> memref<197632x128xf32, #tpu.memory_space<hbm>>
    tpu.enqueue_indirect_dma source(%dma_start3A_3744 : memref<197632x128xf32, #tpu.memory_space<hbm>>) target(%dma_start3A_3739 : memref<256x128xf32, #tpu.memory_space<vmem>>) offsets(%dma_start3A_3741 : memref<256xi32, #tpu.memory_space<vmem>>) semaphore(%arg17 : memref<!tpu.dma_semaphore, #tpu.memory_space<semaphore_mem>>)
    %dma_wait3A_3745 = arith.constant 0 : i32
    %dma_wait3A_3746 = arith.constant 0 : i32
    %dma_wait3A_3747 = tpu.memref_slice %arg10[%dma_wait3A_3745, %dma_wait3A_3746] : memref<256x128xf32, #tpu.memory_space<vmem>> -> memref<256x128xf32, #tpu.memory_space<vmem>>
    %dma_wait3A_3748 = arith.constant 3072 : i32
    %dma_wait3A_3749 = tpu.memref_slice %arg8[%dma_wait3A_3748] : memref<7680xi32, #tpu.memory_space<vmem>> -> memref<256xi32, #tpu.memory_space<vmem>>
    %dma_wait3A_3750 = arith.constant 0 : i32
    %dma_wait3A_3751 = arith.constant 0 : i32
    %dma_wait3A_3752 = tpu.memref_slice %arg3[%dma_wait3A_3750, %dma_wait3A_3751] : memref<197632x128xf32, #tpu.memory_space<hbm>> -> memref<197632x128xf32, #tpu.memory_space<hbm>>
    tpu.wait_indirect_dma semaphore(%arg15 : memref<!tpu.dma_semaphore, #tpu.memory_space<semaphore_mem>>) src(%dma_wait3A_3752 : memref<197632x128xf32, #tpu.memory_space<hbm>>) dst(%dma_wait3A_3747 : memref<256x128xf32, #tpu.memory_space<vmem>>)
    %dma_start3A_3753 = arith.constant 0 : i32
    %dma_start3A_3754 = arith.constant 0 : i32
    %dma_start3A_3755 = tpu.memref_slice %arg10[%dma_start3A_3753, %dma_start3A_3754] : memref<256x128xf32, #tpu.memory_space<vmem>> -> memref<256x128xf32, #tpu.memory_space<vmem>>
    %dma_start3A_3756 = arith.constant 0 : i32
    %dma_start3A_3757 = tpu.memref_slice %arg6[%add3A_3220, %dma_start3A_3756] : memref<315392x128xf32, #tpu.memory_space<hbm>> -> memref<256x128xf32, #tpu.memory_space<hbm>>
    %dma_start3A_3758 = arith.constant 0 : i32
    %dma_start3A_3759 = tpu.memref_slice %arg6[%add3A_3220, %dma_start3A_3758] : memref<315392x128xf32, #tpu.memory_space<hbm>> -> memref<256x128xf32, #tpu.memory_space<hbm>>
    %dma_start3A_3760 = arith.constant 0 : i32
    %dma_start3A_3761 = arith.constant 0 : i32
    %dma_start3A_3762 = tpu.memref_slice %arg10[%dma_start3A_3760, %dma_start3A_3761] : memref<256x128xf32, #tpu.memory_space<vmem>> -> memref<256x128xf32, #tpu.memory_space<vmem>>
    tpu.enqueue_dma source(%dma_start3A_3762 : memref<256x128xf32, #tpu.memory_space<vmem>>) target(%dma_start3A_3759 : memref<256x128xf32, #tpu.memory_space<hbm>>) target_semaphore(%arg18 : memref<!tpu.dma_semaphore, #tpu.memory_space<semaphore_mem>>)
    %dma_wait3A_3763 = arith.constant 0 : i32
    %dma_wait3A_3764 = arith.constant 0 : i32
    %dma_wait3A_3765 = tpu.memref_slice %arg10[%dma_wait3A_3763, %dma_wait3A_3764] : memref<256x128xf32, #tpu.memory_space<vmem>> -> memref<256x128xf32, #tpu.memory_space<vmem>>
    %dma_wait3A_3766 = arith.constant 0 : i32
    %dma_wait3A_3767 = tpu.memref_slice %arg6[%add3A_3220, %dma_wait3A_3766] : memref<315392x128xf32, #tpu.memory_space<hbm>> -> memref<256x128xf32, #tpu.memory_space<hbm>>
    %dma_wait3A_3768 = arith.constant 0 : i32
    %dma_wait3A_3769 = tpu.memref_slice %arg6[%add3A_3220, %dma_wait3A_3768] : memref<315392x128xf32, #tpu.memory_space<hbm>> -> memref<256x128xf32, #tpu.memory_space<hbm>>
    %dma_wait3A_3770 = arith.constant 0 : i32
    %dma_wait3A_3771 = arith.constant 0 : i32
    %dma_wait3A_3772 = tpu.memref_slice %arg10[%dma_wait3A_3770, %dma_wait3A_3771] : memref<256x128xf32, #tpu.memory_space<vmem>> -> memref<256x128xf32, #tpu.memory_space<vmem>>
    tpu.wait_dma2 semaphore(%arg18 : memref<!tpu.dma_semaphore, #tpu.memory_space<semaphore_mem>>) src(%dma_wait3A_3772 : memref<256x128xf32, #tpu.memory_space<vmem>>) dst(%dma_wait3A_3769 : memref<256x128xf32, #tpu.memory_space<hbm>>)
    %dma_start3A_3773 = arith.constant 0 : i32
    %dma_start3A_3774 = arith.constant 0 : i32
    %dma_start3A_3775 = tpu.memref_slice %arg10[%dma_start3A_3773, %dma_start3A_3774] : memref<256x128xf32, #tpu.memory_space<vmem>> -> memref<256x128xf32, #tpu.memory_space<vmem>>
    %dma_start3A_3776 = arith.constant 3840 : i32
    %dma_start3A_3777 = tpu.memref_slice %arg8[%dma_start3A_3776] : memref<7680xi32, #tpu.memory_space<vmem>> -> memref<256xi32, #tpu.memory_space<vmem>>
    %dma_start3A_3778 = arith.constant 0 : i32
    %dma_start3A_3779 = arith.constant 0 : i32
    %dma_start3A_3780 = tpu.memref_slice %arg3[%dma_start3A_3778, %dma_start3A_3779] : memref<197632x128xf32, #tpu.memory_space<hbm>> -> memref<197632x128xf32, #tpu.memory_space<hbm>>
    tpu.enqueue_indirect_dma source(%dma_start3A_3780 : memref<197632x128xf32, #tpu.memory_space<hbm>>) target(%dma_start3A_3775 : memref<256x128xf32, #tpu.memory_space<vmem>>) offsets(%dma_start3A_3777 : memref<256xi32, #tpu.memory_space<vmem>>) semaphore(%arg15 : memref<!tpu.dma_semaphore, #tpu.memory_space<semaphore_mem>>)
    %dma_wait3A_3781 = arith.constant 0 : i32
    %dma_wait3A_3782 = arith.constant 0 : i32
    %dma_wait3A_3783 = tpu.memref_slice %arg11[%dma_wait3A_3781, %dma_wait3A_3782] : memref<256x128xf32, #tpu.memory_space<vmem>> -> memref<256x128xf32, #tpu.memory_space<vmem>>
    %dma_wait3A_3784 = arith.constant 3328 : i32
    %dma_wait3A_3785 = tpu.memref_slice %arg8[%dma_wait3A_3784] : memref<7680xi32, #tpu.memory_space<vmem>> -> memref<256xi32, #tpu.memory_space<vmem>>
    %dma_wait3A_3786 = arith.constant 0 : i32
    %dma_wait3A_3787 = arith.constant 0 : i32
    %dma_wait3A_3788 = tpu.memref_slice %arg3[%dma_wait3A_3786, %dma_wait3A_3787] : memref<197632x128xf32, #tpu.memory_space<hbm>> -> memref<197632x128xf32, #tpu.memory_space<hbm>>
    tpu.wait_indirect_dma semaphore(%arg16 : memref<!tpu.dma_semaphore, #tpu.memory_space<semaphore_mem>>) src(%dma_wait3A_3788 : memref<197632x128xf32, #tpu.memory_space<hbm>>) dst(%dma_wait3A_3783 : memref<256x128xf32, #tpu.memory_space<vmem>>)
    %dma_start3A_3789 = arith.constant 0 : i32
    %dma_start3A_3790 = arith.constant 0 : i32
    %dma_start3A_3791 = tpu.memref_slice %arg11[%dma_start3A_3789, %dma_start3A_3790] : memref<256x128xf32, #tpu.memory_space<vmem>> -> memref<256x128xf32, #tpu.memory_space<vmem>>
    %dma_start3A_3792 = arith.constant 0 : i32
    %dma_start3A_3793 = tpu.memref_slice %arg6[%add3A_3224, %dma_start3A_3792] : memref<315392x128xf32, #tpu.memory_space<hbm>> -> memref<256x128xf32, #tpu.memory_space<hbm>>
    %dma_start3A_3794 = arith.constant 0 : i32
    %dma_start3A_3795 = tpu.memref_slice %arg6[%add3A_3224, %dma_start3A_3794] : memref<315392x128xf32, #tpu.memory_space<hbm>> -> memref<256x128xf32, #tpu.memory_space<hbm>>
    %dma_start3A_3796 = arith.constant 0 : i32
    %dma_start3A_3797 = arith.constant 0 : i32
    %dma_start3A_3798 = tpu.memref_slice %arg11[%dma_start3A_3796, %dma_start3A_3797] : memref<256x128xf32, #tpu.memory_space<vmem>> -> memref<256x128xf32, #tpu.memory_space<vmem>>
    tpu.enqueue_dma source(%dma_start3A_3798 : memref<256x128xf32, #tpu.memory_space<vmem>>) target(%dma_start3A_3795 : memref<256x128xf32, #tpu.memory_space<hbm>>) target_semaphore(%arg19 : memref<!tpu.dma_semaphore, #tpu.memory_space<semaphore_mem>>)
    %dma_wait3A_3799 = arith.constant 0 : i32
    %dma_wait3A_3800 = arith.constant 0 : i32
    %dma_wait3A_3801 = tpu.memref_slice %arg11[%dma_wait3A_3799, %dma_wait3A_3800] : memref<256x128xf32, #tpu.memory_space<vmem>> -> memref<256x128xf32, #tpu.memory_space<vmem>>
    %dma_wait3A_3802 = arith.constant 0 : i32
    %dma_wait3A_3803 = tpu.memref_slice %arg6[%add3A_3224, %dma_wait3A_3802] : memref<315392x128xf32, #tpu.memory_space<hbm>> -> memref<256x128xf32, #tpu.memory_space<hbm>>
    %dma_wait3A_3804 = arith.constant 0 : i32
    %dma_wait3A_3805 = tpu.memref_slice %arg6[%add3A_3224, %dma_wait3A_3804] : memref<315392x128xf32, #tpu.memory_space<hbm>> -> memref<256x128xf32, #tpu.memory_space<hbm>>
    %dma_wait3A_3806 = arith.constant 0 : i32
    %dma_wait3A_3807 = arith.constant 0 : i32
    %dma_wait3A_3808 = tpu.memref_slice %arg11[%dma_wait3A_3806, %dma_wait3A_3807] : memref<256x128xf32, #tpu.memory_space<vmem>> -> memref<256x128xf32, #tpu.memory_space<vmem>>
    tpu.wait_dma2 semaphore(%arg19 : memref<!tpu.dma_semaphore, #tpu.memory_space<semaphore_mem>>) src(%dma_wait3A_3808 : memref<256x128xf32, #tpu.memory_space<vmem>>) dst(%dma_wait3A_3805 : memref<256x128xf32, #tpu.memory_space<hbm>>)
    %dma_start3A_3809 = arith.constant 0 : i32
    %dma_start3A_3810 = arith.constant 0 : i32
    %dma_start3A_3811 = tpu.memref_slice %arg11[%dma_start3A_3809, %dma_start3A_3810] : memref<256x128xf32, #tpu.memory_space<vmem>> -> memref<256x128xf32, #tpu.memory_space<vmem>>
    %dma_start3A_3812 = arith.constant 4096 : i32
    %dma_start3A_3813 = tpu.memref_slice %arg8[%dma_start3A_3812] : memref<7680xi32, #tpu.memory_space<vmem>> -> memref<256xi32, #tpu.memory_space<vmem>>
    %dma_start3A_3814 = arith.constant 0 : i32
    %dma_start3A_3815 = arith.constant 0 : i32
    %dma_start3A_3816 = tpu.memref_slice %arg3[%dma_start3A_3814, %dma_start3A_3815] : memref<197632x128xf32, #tpu.memory_space<hbm>> -> memref<197632x128xf32, #tpu.memory_space<hbm>>
    tpu.enqueue_indirect_dma source(%dma_start3A_3816 : memref<197632x128xf32, #tpu.memory_space<hbm>>) target(%dma_start3A_3811 : memref<256x128xf32, #tpu.memory_space<vmem>>) offsets(%dma_start3A_3813 : memref<256xi32, #tpu.memory_space<vmem>>) semaphore(%arg16 : memref<!tpu.dma_semaphore, #tpu.memory_space<semaphore_mem>>)
    %dma_wait3A_3817 = arith.constant 0 : i32
    %dma_wait3A_3818 = arith.constant 0 : i32
    %dma_wait3A_3819 = tpu.memref_slice %arg12[%dma_wait3A_3817, %dma_wait3A_3818] : memref<256x128xf32, #tpu.memory_space<vmem>> -> memref<256x128xf32, #tpu.memory_space<vmem>>
    %dma_wait3A_3820 = arith.constant 3584 : i32
    %dma_wait3A_3821 = tpu.memref_slice %arg8[%dma_wait3A_3820] : memref<7680xi32, #tpu.memory_space<vmem>> -> memref<256xi32, #tpu.memory_space<vmem>>
    %dma_wait3A_3822 = arith.constant 0 : i32
    %dma_wait3A_3823 = arith.constant 0 : i32
    %dma_wait3A_3824 = tpu.memref_slice %arg3[%dma_wait3A_3822, %dma_wait3A_3823] : memref<197632x128xf32, #tpu.memory_space<hbm>> -> memref<197632x128xf32, #tpu.memory_space<hbm>>
    tpu.wait_indirect_dma semaphore(%arg17 : memref<!tpu.dma_semaphore, #tpu.memory_space<semaphore_mem>>) src(%dma_wait3A_3824 : memref<197632x128xf32, #tpu.memory_space<hbm>>) dst(%dma_wait3A_3819 : memref<256x128xf32, #tpu.memory_space<vmem>>)
    %dma_start3A_3825 = arith.constant 0 : i32
    %dma_start3A_3826 = arith.constant 0 : i32
    %dma_start3A_3827 = tpu.memref_slice %arg12[%dma_start3A_3825, %dma_start3A_3826] : memref<256x128xf32, #tpu.memory_space<vmem>> -> memref<256x128xf32, #tpu.memory_space<vmem>>
    %dma_start3A_3828 = arith.constant 0 : i32
    %dma_start3A_3829 = tpu.memref_slice %arg6[%add3A_3228, %dma_start3A_3828] : memref<315392x128xf32, #tpu.memory_space<hbm>> -> memref<256x128xf32, #tpu.memory_space<hbm>>
    %dma_start3A_3830 = arith.constant 0 : i32
    %dma_start3A_3831 = tpu.memref_slice %arg6[%add3A_3228, %dma_start3A_3830] : memref<315392x128xf32, #tpu.memory_space<hbm>> -> memref<256x128xf32, #tpu.memory_space<hbm>>
    %dma_start3A_3832 = arith.constant 0 : i32
    %dma_start3A_3833 = arith.constant 0 : i32
    %dma_start3A_3834 = tpu.memref_slice %arg12[%dma_start3A_3832, %dma_start3A_3833] : memref<256x128xf32, #tpu.memory_space<vmem>> -> memref<256x128xf32, #tpu.memory_space<vmem>>
    tpu.enqueue_dma source(%dma_start3A_3834 : memref<256x128xf32, #tpu.memory_space<vmem>>) target(%dma_start3A_3831 : memref<256x128xf32, #tpu.memory_space<hbm>>) target_semaphore(%arg20 : memref<!tpu.dma_semaphore, #tpu.memory_space<semaphore_mem>>)
    %dma_wait3A_3835 = arith.constant 0 : i32
    %dma_wait3A_3836 = arith.constant 0 : i32
    %dma_wait3A_3837 = tpu.memref_slice %arg12[%dma_wait3A_3835, %dma_wait3A_3836] : memref<256x128xf32, #tpu.memory_space<vmem>> -> memref<256x128xf32, #tpu.memory_space<vmem>>
    %dma_wait3A_3838 = arith.constant 0 : i32
    %dma_wait3A_3839 = tpu.memref_slice %arg6[%add3A_3228, %dma_wait3A_3838] : memref<315392x128xf32, #tpu.memory_space<hbm>> -> memref<256x128xf32, #tpu.memory_space<hbm>>
    %dma_wait3A_3840 = arith.constant 0 : i32
    %dma_wait3A_3841 = tpu.memref_slice %arg6[%add3A_3228, %dma_wait3A_3840] : memref<315392x128xf32, #tpu.memory_space<hbm>> -> memref<256x128xf32, #tpu.memory_space<hbm>>
    %dma_wait3A_3842 = arith.constant 0 : i32
    %dma_wait3A_3843 = arith.constant 0 : i32
    %dma_wait3A_3844 = tpu.memref_slice %arg12[%dma_wait3A_3842, %dma_wait3A_3843] : memref<256x128xf32, #tpu.memory_space<vmem>> -> memref<256x128xf32, #tpu.memory_space<vmem>>
    tpu.wait_dma2 semaphore(%arg20 : memref<!tpu.dma_semaphore, #tpu.memory_space<semaphore_mem>>) src(%dma_wait3A_3844 : memref<256x128xf32, #tpu.memory_space<vmem>>) dst(%dma_wait3A_3841 : memref<256x128xf32, #tpu.memory_space<hbm>>)
    %dma_start3A_3845 = arith.constant 0 : i32
    %dma_start3A_3846 = arith.constant 0 : i32
    %dma_start3A_3847 = tpu.memref_slice %arg12[%dma_start3A_3845, %dma_start3A_3846] : memref<256x128xf32, #tpu.memory_space<vmem>> -> memref<256x128xf32, #tpu.memory_space<vmem>>
    %dma_start3A_3848 = arith.constant 4352 : i32
    %dma_start3A_3849 = tpu.memref_slice %arg8[%dma_start3A_3848] : memref<7680xi32, #tpu.memory_space<vmem>> -> memref<256xi32, #tpu.memory_space<vmem>>
    %dma_start3A_3850 = arith.constant 0 : i32
    %dma_start3A_3851 = arith.constant 0 : i32
    %dma_start3A_3852 = tpu.memref_slice %arg3[%dma_start3A_3850, %dma_start3A_3851] : memref<197632x128xf32, #tpu.memory_space<hbm>> -> memref<197632x128xf32, #tpu.memory_space<hbm>>
    tpu.enqueue_indirect_dma source(%dma_start3A_3852 : memref<197632x128xf32, #tpu.memory_space<hbm>>) target(%dma_start3A_3847 : memref<256x128xf32, #tpu.memory_space<vmem>>) offsets(%dma_start3A_3849 : memref<256xi32, #tpu.memory_space<vmem>>) semaphore(%arg17 : memref<!tpu.dma_semaphore, #tpu.memory_space<semaphore_mem>>)
    %dma_wait3A_3853 = arith.constant 0 : i32
    %dma_wait3A_3854 = arith.constant 0 : i32
    %dma_wait3A_3855 = tpu.memref_slice %arg10[%dma_wait3A_3853, %dma_wait3A_3854] : memref<256x128xf32, #tpu.memory_space<vmem>> -> memref<256x128xf32, #tpu.memory_space<vmem>>
    %dma_wait3A_3856 = arith.constant 3840 : i32
    %dma_wait3A_3857 = tpu.memref_slice %arg8[%dma_wait3A_3856] : memref<7680xi32, #tpu.memory_space<vmem>> -> memref<256xi32, #tpu.memory_space<vmem>>
    %dma_wait3A_3858 = arith.constant 0 : i32
    %dma_wait3A_3859 = arith.constant 0 : i32
    %dma_wait3A_3860 = tpu.memref_slice %arg3[%dma_wait3A_3858, %dma_wait3A_3859] : memref<197632x128xf32, #tpu.memory_space<hbm>> -> memref<197632x128xf32, #tpu.memory_space<hbm>>
    tpu.wait_indirect_dma semaphore(%arg15 : memref<!tpu.dma_semaphore, #tpu.memory_space<semaphore_mem>>) src(%dma_wait3A_3860 : memref<197632x128xf32, #tpu.memory_space<hbm>>) dst(%dma_wait3A_3855 : memref<256x128xf32, #tpu.memory_space<vmem>>)
    %dma_start3A_3861 = arith.constant 0 : i32
    %dma_start3A_3862 = arith.constant 0 : i32
    %dma_start3A_3863 = tpu.memref_slice %arg10[%dma_start3A_3861, %dma_start3A_3862] : memref<256x128xf32, #tpu.memory_space<vmem>> -> memref<256x128xf32, #tpu.memory_space<vmem>>
    %dma_start3A_3864 = arith.constant 0 : i32
    %dma_start3A_3865 = tpu.memref_slice %arg6[%add3A_3232, %dma_start3A_3864] : memref<315392x128xf32, #tpu.memory_space<hbm>> -> memref<256x128xf32, #tpu.memory_space<hbm>>
    %dma_start3A_3866 = arith.constant 0 : i32
    %dma_start3A_3867 = tpu.memref_slice %arg6[%add3A_3232, %dma_start3A_3866] : memref<315392x128xf32, #tpu.memory_space<hbm>> -> memref<256x128xf32, #tpu.memory_space<hbm>>
    %dma_start3A_3868 = arith.constant 0 : i32
    %dma_start3A_3869 = arith.constant 0 : i32
    %dma_start3A_3870 = tpu.memref_slice %arg10[%dma_start3A_3868, %dma_start3A_3869] : memref<256x128xf32, #tpu.memory_space<vmem>> -> memref<256x128xf32, #tpu.memory_space<vmem>>
    tpu.enqueue_dma source(%dma_start3A_3870 : memref<256x128xf32, #tpu.memory_space<vmem>>) target(%dma_start3A_3867 : memref<256x128xf32, #tpu.memory_space<hbm>>) target_semaphore(%arg18 : memref<!tpu.dma_semaphore, #tpu.memory_space<semaphore_mem>>)
    %dma_wait3A_3871 = arith.constant 0 : i32
    %dma_wait3A_3872 = arith.constant 0 : i32
    %dma_wait3A_3873 = tpu.memref_slice %arg10[%dma_wait3A_3871, %dma_wait3A_3872] : memref<256x128xf32, #tpu.memory_space<vmem>> -> memref<256x128xf32, #tpu.memory_space<vmem>>
    %dma_wait3A_3874 = arith.constant 0 : i32
    %dma_wait3A_3875 = tpu.memref_slice %arg6[%add3A_3232, %dma_wait3A_3874] : memref<315392x128xf32, #tpu.memory_space<hbm>> -> memref<256x128xf32, #tpu.memory_space<hbm>>
    %dma_wait3A_3876 = arith.constant 0 : i32
    %dma_wait3A_3877 = tpu.memref_slice %arg6[%add3A_3232, %dma_wait3A_3876] : memref<315392x128xf32, #tpu.memory_space<hbm>> -> memref<256x128xf32, #tpu.memory_space<hbm>>
    %dma_wait3A_3878 = arith.constant 0 : i32
    %dma_wait3A_3879 = arith.constant 0 : i32
    %dma_wait3A_3880 = tpu.memref_slice %arg10[%dma_wait3A_3878, %dma_wait3A_3879] : memref<256x128xf32, #tpu.memory_space<vmem>> -> memref<256x128xf32, #tpu.memory_space<vmem>>
    tpu.wait_dma2 semaphore(%arg18 : memref<!tpu.dma_semaphore, #tpu.memory_space<semaphore_mem>>) src(%dma_wait3A_3880 : memref<256x128xf32, #tpu.memory_space<vmem>>) dst(%dma_wait3A_3877 : memref<256x128xf32, #tpu.memory_space<hbm>>)
    %dma_start3A_3881 = arith.constant 0 : i32
    %dma_start3A_3882 = arith.constant 0 : i32
    %dma_start3A_3883 = tpu.memref_slice %arg10[%dma_start3A_3881, %dma_start3A_3882] : memref<256x128xf32, #tpu.memory_space<vmem>> -> memref<256x128xf32, #tpu.memory_space<vmem>>
    %dma_start3A_3884 = arith.constant 4608 : i32
    %dma_start3A_3885 = tpu.memref_slice %arg8[%dma_start3A_3884] : memref<7680xi32, #tpu.memory_space<vmem>> -> memref<256xi32, #tpu.memory_space<vmem>>
    %dma_start3A_3886 = arith.constant 0 : i32
    %dma_start3A_3887 = arith.constant 0 : i32
    %dma_start3A_3888 = tpu.memref_slice %arg3[%dma_start3A_3886, %dma_start3A_3887] : memref<197632x128xf32, #tpu.memory_space<hbm>> -> memref<197632x128xf32, #tpu.memory_space<hbm>>
    tpu.enqueue_indirect_dma source(%dma_start3A_3888 : memref<197632x128xf32, #tpu.memory_space<hbm>>) target(%dma_start3A_3883 : memref<256x128xf32, #tpu.memory_space<vmem>>) offsets(%dma_start3A_3885 : memref<256xi32, #tpu.memory_space<vmem>>) semaphore(%arg15 : memref<!tpu.dma_semaphore, #tpu.memory_space<semaphore_mem>>)
    %dma_wait3A_3889 = arith.constant 0 : i32
    %dma_wait3A_3890 = arith.constant 0 : i32
    %dma_wait3A_3891 = tpu.memref_slice %arg11[%dma_wait3A_3889, %dma_wait3A_3890] : memref<256x128xf32, #tpu.memory_space<vmem>> -> memref<256x128xf32, #tpu.memory_space<vmem>>
    %dma_wait3A_3892 = arith.constant 4096 : i32
    %dma_wait3A_3893 = tpu.memref_slice %arg8[%dma_wait3A_3892] : memref<7680xi32, #tpu.memory_space<vmem>> -> memref<256xi32, #tpu.memory_space<vmem>>
    %dma_wait3A_3894 = arith.constant 0 : i32
    %dma_wait3A_3895 = arith.constant 0 : i32
    %dma_wait3A_3896 = tpu.memref_slice %arg3[%dma_wait3A_3894, %dma_wait3A_3895] : memref<197632x128xf32, #tpu.memory_space<hbm>> -> memref<197632x128xf32, #tpu.memory_space<hbm>>
    tpu.wait_indirect_dma semaphore(%arg16 : memref<!tpu.dma_semaphore, #tpu.memory_space<semaphore_mem>>) src(%dma_wait3A_3896 : memref<197632x128xf32, #tpu.memory_space<hbm>>) dst(%dma_wait3A_3891 : memref<256x128xf32, #tpu.memory_space<vmem>>)
    %dma_start3A_3897 = arith.constant 0 : i32
    %dma_start3A_3898 = arith.constant 0 : i32
    %dma_start3A_3899 = tpu.memref_slice %arg11[%dma_start3A_3897, %dma_start3A_3898] : memref<256x128xf32, #tpu.memory_space<vmem>> -> memref<256x128xf32, #tpu.memory_space<vmem>>
    %dma_start3A_3900 = arith.constant 0 : i32
    %dma_start3A_3901 = tpu.memref_slice %arg6[%add3A_3236, %dma_start3A_3900] : memref<315392x128xf32, #tpu.memory_space<hbm>> -> memref<256x128xf32, #tpu.memory_space<hbm>>
    %dma_start3A_3902 = arith.constant 0 : i32
    %dma_start3A_3903 = tpu.memref_slice %arg6[%add3A_3236, %dma_start3A_3902] : memref<315392x128xf32, #tpu.memory_space<hbm>> -> memref<256x128xf32, #tpu.memory_space<hbm>>
    %dma_start3A_3904 = arith.constant 0 : i32
    %dma_start3A_3905 = arith.constant 0 : i32
    %dma_start3A_3906 = tpu.memref_slice %arg11[%dma_start3A_3904, %dma_start3A_3905] : memref<256x128xf32, #tpu.memory_space<vmem>> -> memref<256x128xf32, #tpu.memory_space<vmem>>
    tpu.enqueue_dma source(%dma_start3A_3906 : memref<256x128xf32, #tpu.memory_space<vmem>>) target(%dma_start3A_3903 : memref<256x128xf32, #tpu.memory_space<hbm>>) target_semaphore(%arg19 : memref<!tpu.dma_semaphore, #tpu.memory_space<semaphore_mem>>)
    %dma_wait3A_3907 = arith.constant 0 : i32
    %dma_wait3A_3908 = arith.constant 0 : i32
    %dma_wait3A_3909 = tpu.memref_slice %arg11[%dma_wait3A_3907, %dma_wait3A_3908] : memref<256x128xf32, #tpu.memory_space<vmem>> -> memref<256x128xf32, #tpu.memory_space<vmem>>
    %dma_wait3A_3910 = arith.constant 0 : i32
    %dma_wait3A_3911 = tpu.memref_slice %arg6[%add3A_3236, %dma_wait3A_3910] : memref<315392x128xf32, #tpu.memory_space<hbm>> -> memref<256x128xf32, #tpu.memory_space<hbm>>
    %dma_wait3A_3912 = arith.constant 0 : i32
    %dma_wait3A_3913 = tpu.memref_slice %arg6[%add3A_3236, %dma_wait3A_3912] : memref<315392x128xf32, #tpu.memory_space<hbm>> -> memref<256x128xf32, #tpu.memory_space<hbm>>
    %dma_wait3A_3914 = arith.constant 0 : i32
    %dma_wait3A_3915 = arith.constant 0 : i32
    %dma_wait3A_3916 = tpu.memref_slice %arg11[%dma_wait3A_3914, %dma_wait3A_3915] : memref<256x128xf32, #tpu.memory_space<vmem>> -> memref<256x128xf32, #tpu.memory_space<vmem>>
    tpu.wait_dma2 semaphore(%arg19 : memref<!tpu.dma_semaphore, #tpu.memory_space<semaphore_mem>>) src(%dma_wait3A_3916 : memref<256x128xf32, #tpu.memory_space<vmem>>) dst(%dma_wait3A_3913 : memref<256x128xf32, #tpu.memory_space<hbm>>)
    %dma_start3A_3917 = arith.constant 0 : i32
    %dma_start3A_3918 = arith.constant 0 : i32
    %dma_start3A_3919 = tpu.memref_slice %arg11[%dma_start3A_3917, %dma_start3A_3918] : memref<256x128xf32, #tpu.memory_space<vmem>> -> memref<256x128xf32, #tpu.memory_space<vmem>>
    %dma_start3A_3920 = arith.constant 4864 : i32
    %dma_start3A_3921 = tpu.memref_slice %arg8[%dma_start3A_3920] : memref<7680xi32, #tpu.memory_space<vmem>> -> memref<256xi32, #tpu.memory_space<vmem>>
    %dma_start3A_3922 = arith.constant 0 : i32
    %dma_start3A_3923 = arith.constant 0 : i32
    %dma_start3A_3924 = tpu.memref_slice %arg3[%dma_start3A_3922, %dma_start3A_3923] : memref<197632x128xf32, #tpu.memory_space<hbm>> -> memref<197632x128xf32, #tpu.memory_space<hbm>>
    tpu.enqueue_indirect_dma source(%dma_start3A_3924 : memref<197632x128xf32, #tpu.memory_space<hbm>>) target(%dma_start3A_3919 : memref<256x128xf32, #tpu.memory_space<vmem>>) offsets(%dma_start3A_3921 : memref<256xi32, #tpu.memory_space<vmem>>) semaphore(%arg16 : memref<!tpu.dma_semaphore, #tpu.memory_space<semaphore_mem>>)
    %dma_wait3A_3925 = arith.constant 0 : i32
    %dma_wait3A_3926 = arith.constant 0 : i32
    %dma_wait3A_3927 = tpu.memref_slice %arg12[%dma_wait3A_3925, %dma_wait3A_3926] : memref<256x128xf32, #tpu.memory_space<vmem>> -> memref<256x128xf32, #tpu.memory_space<vmem>>
    %dma_wait3A_3928 = arith.constant 4352 : i32
    %dma_wait3A_3929 = tpu.memref_slice %arg8[%dma_wait3A_3928] : memref<7680xi32, #tpu.memory_space<vmem>> -> memref<256xi32, #tpu.memory_space<vmem>>
    %dma_wait3A_3930 = arith.constant 0 : i32
    %dma_wait3A_3931 = arith.constant 0 : i32
    %dma_wait3A_3932 = tpu.memref_slice %arg3[%dma_wait3A_3930, %dma_wait3A_3931] : memref<197632x128xf32, #tpu.memory_space<hbm>> -> memref<197632x128xf32, #tpu.memory_space<hbm>>
    tpu.wait_indirect_dma semaphore(%arg17 : memref<!tpu.dma_semaphore, #tpu.memory_space<semaphore_mem>>) src(%dma_wait3A_3932 : memref<197632x128xf32, #tpu.memory_space<hbm>>) dst(%dma_wait3A_3927 : memref<256x128xf32, #tpu.memory_space<vmem>>)
    %dma_start3A_3933 = arith.constant 0 : i32
    %dma_start3A_3934 = arith.constant 0 : i32
    %dma_start3A_3935 = tpu.memref_slice %arg12[%dma_start3A_3933, %dma_start3A_3934] : memref<256x128xf32, #tpu.memory_space<vmem>> -> memref<256x128xf32, #tpu.memory_space<vmem>>
    %dma_start3A_3936 = arith.constant 0 : i32
    %dma_start3A_3937 = tpu.memref_slice %arg6[%add3A_3240, %dma_start3A_3936] : memref<315392x128xf32, #tpu.memory_space<hbm>> -> memref<256x128xf32, #tpu.memory_space<hbm>>
    %dma_start3A_3938 = arith.constant 0 : i32
    %dma_start3A_3939 = tpu.memref_slice %arg6[%add3A_3240, %dma_start3A_3938] : memref<315392x128xf32, #tpu.memory_space<hbm>> -> memref<256x128xf32, #tpu.memory_space<hbm>>
    %dma_start3A_3940 = arith.constant 0 : i32
    %dma_start3A_3941 = arith.constant 0 : i32
    %dma_start3A_3942 = tpu.memref_slice %arg12[%dma_start3A_3940, %dma_start3A_3941] : memref<256x128xf32, #tpu.memory_space<vmem>> -> memref<256x128xf32, #tpu.memory_space<vmem>>
    tpu.enqueue_dma source(%dma_start3A_3942 : memref<256x128xf32, #tpu.memory_space<vmem>>) target(%dma_start3A_3939 : memref<256x128xf32, #tpu.memory_space<hbm>>) target_semaphore(%arg20 : memref<!tpu.dma_semaphore, #tpu.memory_space<semaphore_mem>>)
    %dma_wait3A_3943 = arith.constant 0 : i32
    %dma_wait3A_3944 = arith.constant 0 : i32
    %dma_wait3A_3945 = tpu.memref_slice %arg12[%dma_wait3A_3943, %dma_wait3A_3944] : memref<256x128xf32, #tpu.memory_space<vmem>> -> memref<256x128xf32, #tpu.memory_space<vmem>>
    %dma_wait3A_3946 = arith.constant 0 : i32
    %dma_wait3A_3947 = tpu.memref_slice %arg6[%add3A_3240, %dma_wait3A_3946] : memref<315392x128xf32, #tpu.memory_space<hbm>> -> memref<256x128xf32, #tpu.memory_space<hbm>>
    %dma_wait3A_3948 = arith.constant 0 : i32
    %dma_wait3A_3949 = tpu.memref_slice %arg6[%add3A_3240, %dma_wait3A_3948] : memref<315392x128xf32, #tpu.memory_space<hbm>> -> memref<256x128xf32, #tpu.memory_space<hbm>>
    %dma_wait3A_3950 = arith.constant 0 : i32
    %dma_wait3A_3951 = arith.constant 0 : i32
    %dma_wait3A_3952 = tpu.memref_slice %arg12[%dma_wait3A_3950, %dma_wait3A_3951] : memref<256x128xf32, #tpu.memory_space<vmem>> -> memref<256x128xf32, #tpu.memory_space<vmem>>
    tpu.wait_dma2 semaphore(%arg20 : memref<!tpu.dma_semaphore, #tpu.memory_space<semaphore_mem>>) src(%dma_wait3A_3952 : memref<256x128xf32, #tpu.memory_space<vmem>>) dst(%dma_wait3A_3949 : memref<256x128xf32, #tpu.memory_space<hbm>>)
    %dma_start3A_3953 = arith.constant 0 : i32
    %dma_start3A_3954 = arith.constant 0 : i32
    %dma_start3A_3955 = tpu.memref_slice %arg12[%dma_start3A_3953, %dma_start3A_3954] : memref<256x128xf32, #tpu.memory_space<vmem>> -> memref<256x128xf32, #tpu.memory_space<vmem>>
    %dma_start3A_3956 = arith.constant 5120 : i32
    %dma_start3A_3957 = tpu.memref_slice %arg8[%dma_start3A_3956] : memref<7680xi32, #tpu.memory_space<vmem>> -> memref<256xi32, #tpu.memory_space<vmem>>
    %dma_start3A_3958 = arith.constant 0 : i32
    %dma_start3A_3959 = arith.constant 0 : i32
    %dma_start3A_3960 = tpu.memref_slice %arg3[%dma_start3A_3958, %dma_start3A_3959] : memref<197632x128xf32, #tpu.memory_space<hbm>> -> memref<197632x128xf32, #tpu.memory_space<hbm>>
    tpu.enqueue_indirect_dma source(%dma_start3A_3960 : memref<197632x128xf32, #tpu.memory_space<hbm>>) target(%dma_start3A_3955 : memref<256x128xf32, #tpu.memory_space<vmem>>) offsets(%dma_start3A_3957 : memref<256xi32, #tpu.memory_space<vmem>>) semaphore(%arg17 : memref<!tpu.dma_semaphore, #tpu.memory_space<semaphore_mem>>)
    %dma_wait3A_3961 = arith.constant 0 : i32
    %dma_wait3A_3962 = arith.constant 0 : i32
    %dma_wait3A_3963 = tpu.memref_slice %arg10[%dma_wait3A_3961, %dma_wait3A_3962] : memref<256x128xf32, #tpu.memory_space<vmem>> -> memref<256x128xf32, #tpu.memory_space<vmem>>
    %dma_wait3A_3964 = arith.constant 4608 : i32
    %dma_wait3A_3965 = tpu.memref_slice %arg8[%dma_wait3A_3964] : memref<7680xi32, #tpu.memory_space<vmem>> -> memref<256xi32, #tpu.memory_space<vmem>>
    %dma_wait3A_3966 = arith.constant 0 : i32
    %dma_wait3A_3967 = arith.constant 0 : i32
    %dma_wait3A_3968 = tpu.memref_slice %arg3[%dma_wait3A_3966, %dma_wait3A_3967] : memref<197632x128xf32, #tpu.memory_space<hbm>> -> memref<197632x128xf32, #tpu.memory_space<hbm>>
    tpu.wait_indirect_dma semaphore(%arg15 : memref<!tpu.dma_semaphore, #tpu.memory_space<semaphore_mem>>) src(%dma_wait3A_3968 : memref<197632x128xf32, #tpu.memory_space<hbm>>) dst(%dma_wait3A_3963 : memref<256x128xf32, #tpu.memory_space<vmem>>)
    %dma_start3A_3969 = arith.constant 0 : i32
    %dma_start3A_3970 = arith.constant 0 : i32
    %dma_start3A_3971 = tpu.memref_slice %arg10[%dma_start3A_3969, %dma_start3A_3970] : memref<256x128xf32, #tpu.memory_space<vmem>> -> memref<256x128xf32, #tpu.memory_space<vmem>>
    %dma_start3A_3972 = arith.constant 0 : i32
    %dma_start3A_3973 = tpu.memref_slice %arg6[%add3A_3244, %dma_start3A_3972] : memref<315392x128xf32, #tpu.memory_space<hbm>> -> memref<256x128xf32, #tpu.memory_space<hbm>>
    %dma_start3A_3974 = arith.constant 0 : i32
    %dma_start3A_3975 = tpu.memref_slice %arg6[%add3A_3244, %dma_start3A_3974] : memref<315392x128xf32, #tpu.memory_space<hbm>> -> memref<256x128xf32, #tpu.memory_space<hbm>>
    %dma_start3A_3976 = arith.constant 0 : i32
    %dma_start3A_3977 = arith.constant 0 : i32
    %dma_start3A_3978 = tpu.memref_slice %arg10[%dma_start3A_3976, %dma_start3A_3977] : memref<256x128xf32, #tpu.memory_space<vmem>> -> memref<256x128xf32, #tpu.memory_space<vmem>>
    tpu.enqueue_dma source(%dma_start3A_3978 : memref<256x128xf32, #tpu.memory_space<vmem>>) target(%dma_start3A_3975 : memref<256x128xf32, #tpu.memory_space<hbm>>) target_semaphore(%arg18 : memref<!tpu.dma_semaphore, #tpu.memory_space<semaphore_mem>>)
    %dma_wait3A_3979 = arith.constant 0 : i32
    %dma_wait3A_3980 = arith.constant 0 : i32
    %dma_wait3A_3981 = tpu.memref_slice %arg10[%dma_wait3A_3979, %dma_wait3A_3980] : memref<256x128xf32, #tpu.memory_space<vmem>> -> memref<256x128xf32, #tpu.memory_space<vmem>>
    %dma_wait3A_3982 = arith.constant 0 : i32
    %dma_wait3A_3983 = tpu.memref_slice %arg6[%add3A_3244, %dma_wait3A_3982] : memref<315392x128xf32, #tpu.memory_space<hbm>> -> memref<256x128xf32, #tpu.memory_space<hbm>>
    %dma_wait3A_3984 = arith.constant 0 : i32
    %dma_wait3A_3985 = tpu.memref_slice %arg6[%add3A_3244, %dma_wait3A_3984] : memref<315392x128xf32, #tpu.memory_space<hbm>> -> memref<256x128xf32, #tpu.memory_space<hbm>>
    %dma_wait3A_3986 = arith.constant 0 : i32
    %dma_wait3A_3987 = arith.constant 0 : i32
    %dma_wait3A_3988 = tpu.memref_slice %arg10[%dma_wait3A_3986, %dma_wait3A_3987] : memref<256x128xf32, #tpu.memory_space<vmem>> -> memref<256x128xf32, #tpu.memory_space<vmem>>
    tpu.wait_dma2 semaphore(%arg18 : memref<!tpu.dma_semaphore, #tpu.memory_space<semaphore_mem>>) src(%dma_wait3A_3988 : memref<256x128xf32, #tpu.memory_space<vmem>>) dst(%dma_wait3A_3985 : memref<256x128xf32, #tpu.memory_space<hbm>>)
    %dma_start3A_3989 = arith.constant 0 : i32
    %dma_start3A_3990 = arith.constant 0 : i32
    %dma_start3A_3991 = tpu.memref_slice %arg10[%dma_start3A_3989, %dma_start3A_3990] : memref<256x128xf32, #tpu.memory_space<vmem>> -> memref<256x128xf32, #tpu.memory_space<vmem>>
    %dma_start3A_3992 = arith.constant 5376 : i32
    %dma_start3A_3993 = tpu.memref_slice %arg8[%dma_start3A_3992] : memref<7680xi32, #tpu.memory_space<vmem>> -> memref<256xi32, #tpu.memory_space<vmem>>
    %dma_start3A_3994 = arith.constant 0 : i32
    %dma_start3A_3995 = arith.constant 0 : i32
    %dma_start3A_3996 = tpu.memref_slice %arg3[%dma_start3A_3994, %dma_start3A_3995] : memref<197632x128xf32, #tpu.memory_space<hbm>> -> memref<197632x128xf32, #tpu.memory_space<hbm>>
    tpu.enqueue_indirect_dma source(%dma_start3A_3996 : memref<197632x128xf32, #tpu.memory_space<hbm>>) target(%dma_start3A_3991 : memref<256x128xf32, #tpu.memory_space<vmem>>) offsets(%dma_start3A_3993 : memref<256xi32, #tpu.memory_space<vmem>>) semaphore(%arg15 : memref<!tpu.dma_semaphore, #tpu.memory_space<semaphore_mem>>)
    %dma_wait3A_3997 = arith.constant 0 : i32
    %dma_wait3A_3998 = arith.constant 0 : i32
    %dma_wait3A_3999 = tpu.memref_slice %arg11[%dma_wait3A_3997, %dma_wait3A_3998] : memref<256x128xf32, #tpu.memory_space<vmem>> -> memref<256x128xf32, #tpu.memory_space<vmem>>
    %dma_wait3A_4000 = arith.constant 4864 : i32
    %dma_wait3A_4001 = tpu.memref_slice %arg8[%dma_wait3A_4000] : memref<7680xi32, #tpu.memory_space<vmem>> -> memref<256xi32, #tpu.memory_space<vmem>>
    %dma_wait3A_4002 = arith.constant 0 : i32
    %dma_wait3A_4003 = arith.constant 0 : i32
    %dma_wait3A_4004 = tpu.memref_slice %arg3[%dma_wait3A_4002, %dma_wait3A_4003] : memref<197632x128xf32, #tpu.memory_space<hbm>> -> memref<197632x128xf32, #tpu.memory_space<hbm>>
    tpu.wait_indirect_dma semaphore(%arg16 : memref<!tpu.dma_semaphore, #tpu.memory_space<semaphore_mem>>) src(%dma_wait3A_4004 : memref<197632x128xf32, #tpu.memory_space<hbm>>) dst(%dma_wait3A_3999 : memref<256x128xf32, #tpu.memory_space<vmem>>)
    %dma_start3A_4005 = arith.constant 0 : i32
    %dma_start3A_4006 = arith.constant 0 : i32
    %dma_start3A_4007 = tpu.memref_slice %arg11[%dma_start3A_4005, %dma_start3A_4006] : memref<256x128xf32, #tpu.memory_space<vmem>> -> memref<256x128xf32, #tpu.memory_space<vmem>>
    %dma_start3A_4008 = arith.constant 0 : i32
    %dma_start3A_4009 = tpu.memref_slice %arg6[%add3A_3248, %dma_start3A_4008] : memref<315392x128xf32, #tpu.memory_space<hbm>> -> memref<256x128xf32, #tpu.memory_space<hbm>>
    %dma_start3A_4010 = arith.constant 0 : i32
    %dma_start3A_4011 = tpu.memref_slice %arg6[%add3A_3248, %dma_start3A_4010] : memref<315392x128xf32, #tpu.memory_space<hbm>> -> memref<256x128xf32, #tpu.memory_space<hbm>>
    %dma_start3A_4012 = arith.constant 0 : i32
    %dma_start3A_4013 = arith.constant 0 : i32
    %dma_start3A_4014 = tpu.memref_slice %arg11[%dma_start3A_4012, %dma_start3A_4013] : memref<256x128xf32, #tpu.memory_space<vmem>> -> memref<256x128xf32, #tpu.memory_space<vmem>>
    tpu.enqueue_dma source(%dma_start3A_4014 : memref<256x128xf32, #tpu.memory_space<vmem>>) target(%dma_start3A_4011 : memref<256x128xf32, #tpu.memory_space<hbm>>) target_semaphore(%arg19 : memref<!tpu.dma_semaphore, #tpu.memory_space<semaphore_mem>>)
    %dma_wait3A_4015 = arith.constant 0 : i32
    %dma_wait3A_4016 = arith.constant 0 : i32
    %dma_wait3A_4017 = tpu.memref_slice %arg11[%dma_wait3A_4015, %dma_wait3A_4016] : memref<256x128xf32, #tpu.memory_space<vmem>> -> memref<256x128xf32, #tpu.memory_space<vmem>>
    %dma_wait3A_4018 = arith.constant 0 : i32
    %dma_wait3A_4019 = tpu.memref_slice %arg6[%add3A_3248, %dma_wait3A_4018] : memref<315392x128xf32, #tpu.memory_space<hbm>> -> memref<256x128xf32, #tpu.memory_space<hbm>>
    %dma_wait3A_4020 = arith.constant 0 : i32
    %dma_wait3A_4021 = tpu.memref_slice %arg6[%add3A_3248, %dma_wait3A_4020] : memref<315392x128xf32, #tpu.memory_space<hbm>> -> memref<256x128xf32, #tpu.memory_space<hbm>>
    %dma_wait3A_4022 = arith.constant 0 : i32
    %dma_wait3A_4023 = arith.constant 0 : i32
    %dma_wait3A_4024 = tpu.memref_slice %arg11[%dma_wait3A_4022, %dma_wait3A_4023] : memref<256x128xf32, #tpu.memory_space<vmem>> -> memref<256x128xf32, #tpu.memory_space<vmem>>
    tpu.wait_dma2 semaphore(%arg19 : memref<!tpu.dma_semaphore, #tpu.memory_space<semaphore_mem>>) src(%dma_wait3A_4024 : memref<256x128xf32, #tpu.memory_space<vmem>>) dst(%dma_wait3A_4021 : memref<256x128xf32, #tpu.memory_space<hbm>>)
    %dma_start3A_4025 = arith.constant 0 : i32
    %dma_start3A_4026 = arith.constant 0 : i32
    %dma_start3A_4027 = tpu.memref_slice %arg11[%dma_start3A_4025, %dma_start3A_4026] : memref<256x128xf32, #tpu.memory_space<vmem>> -> memref<256x128xf32, #tpu.memory_space<vmem>>
    %dma_start3A_4028 = arith.constant 5632 : i32
    %dma_start3A_4029 = tpu.memref_slice %arg8[%dma_start3A_4028] : memref<7680xi32, #tpu.memory_space<vmem>> -> memref<256xi32, #tpu.memory_space<vmem>>
    %dma_start3A_4030 = arith.constant 0 : i32
    %dma_start3A_4031 = arith.constant 0 : i32
    %dma_start3A_4032 = tpu.memref_slice %arg3[%dma_start3A_4030, %dma_start3A_4031] : memref<197632x128xf32, #tpu.memory_space<hbm>> -> memref<197632x128xf32, #tpu.memory_space<hbm>>
    tpu.enqueue_indirect_dma source(%dma_start3A_4032 : memref<197632x128xf32, #tpu.memory_space<hbm>>) target(%dma_start3A_4027 : memref<256x128xf32, #tpu.memory_space<vmem>>) offsets(%dma_start3A_4029 : memref<256xi32, #tpu.memory_space<vmem>>) semaphore(%arg16 : memref<!tpu.dma_semaphore, #tpu.memory_space<semaphore_mem>>)
    %dma_wait3A_4033 = arith.constant 0 : i32
    %dma_wait3A_4034 = arith.constant 0 : i32
    %dma_wait3A_4035 = tpu.memref_slice %arg12[%dma_wait3A_4033, %dma_wait3A_4034] : memref<256x128xf32, #tpu.memory_space<vmem>> -> memref<256x128xf32, #tpu.memory_space<vmem>>
    %dma_wait3A_4036 = arith.constant 5120 : i32
    %dma_wait3A_4037 = tpu.memref_slice %arg8[%dma_wait3A_4036] : memref<7680xi32, #tpu.memory_space<vmem>> -> memref<256xi32, #tpu.memory_space<vmem>>
    %dma_wait3A_4038 = arith.constant 0 : i32
    %dma_wait3A_4039 = arith.constant 0 : i32
    %dma_wait3A_4040 = tpu.memref_slice %arg3[%dma_wait3A_4038, %dma_wait3A_4039] : memref<197632x128xf32, #tpu.memory_space<hbm>> -> memref<197632x128xf32, #tpu.memory_space<hbm>>
    tpu.wait_indirect_dma semaphore(%arg17 : memref<!tpu.dma_semaphore, #tpu.memory_space<semaphore_mem>>) src(%dma_wait3A_4040 : memref<197632x128xf32, #tpu.memory_space<hbm>>) dst(%dma_wait3A_4035 : memref<256x128xf32, #tpu.memory_space<vmem>>)
    %dma_start3A_4041 = arith.constant 0 : i32
    %dma_start3A_4042 = arith.constant 0 : i32
    %dma_start3A_4043 = tpu.memref_slice %arg12[%dma_start3A_4041, %dma_start3A_4042] : memref<256x128xf32, #tpu.memory_space<vmem>> -> memref<256x128xf32, #tpu.memory_space<vmem>>
    %dma_start3A_4044 = arith.constant 0 : i32
    %dma_start3A_4045 = tpu.memref_slice %arg6[%add3A_3252, %dma_start3A_4044] : memref<315392x128xf32, #tpu.memory_space<hbm>> -> memref<256x128xf32, #tpu.memory_space<hbm>>
    %dma_start3A_4046 = arith.constant 0 : i32
    %dma_start3A_4047 = tpu.memref_slice %arg6[%add3A_3252, %dma_start3A_4046] : memref<315392x128xf32, #tpu.memory_space<hbm>> -> memref<256x128xf32, #tpu.memory_space<hbm>>
    %dma_start3A_4048 = arith.constant 0 : i32
    %dma_start3A_4049 = arith.constant 0 : i32
    %dma_start3A_4050 = tpu.memref_slice %arg12[%dma_start3A_4048, %dma_start3A_4049] : memref<256x128xf32, #tpu.memory_space<vmem>> -> memref<256x128xf32, #tpu.memory_space<vmem>>
    tpu.enqueue_dma source(%dma_start3A_4050 : memref<256x128xf32, #tpu.memory_space<vmem>>) target(%dma_start3A_4047 : memref<256x128xf32, #tpu.memory_space<hbm>>) target_semaphore(%arg20 : memref<!tpu.dma_semaphore, #tpu.memory_space<semaphore_mem>>)
    %dma_wait3A_4051 = arith.constant 0 : i32
    %dma_wait3A_4052 = arith.constant 0 : i32
    %dma_wait3A_4053 = tpu.memref_slice %arg12[%dma_wait3A_4051, %dma_wait3A_4052] : memref<256x128xf32, #tpu.memory_space<vmem>> -> memref<256x128xf32, #tpu.memory_space<vmem>>
    %dma_wait3A_4054 = arith.constant 0 : i32
    %dma_wait3A_4055 = tpu.memref_slice %arg6[%add3A_3252, %dma_wait3A_4054] : memref<315392x128xf32, #tpu.memory_space<hbm>> -> memref<256x128xf32, #tpu.memory_space<hbm>>
    %dma_wait3A_4056 = arith.constant 0 : i32
    %dma_wait3A_4057 = tpu.memref_slice %arg6[%add3A_3252, %dma_wait3A_4056] : memref<315392x128xf32, #tpu.memory_space<hbm>> -> memref<256x128xf32, #tpu.memory_space<hbm>>
    %dma_wait3A_4058 = arith.constant 0 : i32
    %dma_wait3A_4059 = arith.constant 0 : i32
    %dma_wait3A_4060 = tpu.memref_slice %arg12[%dma_wait3A_4058, %dma_wait3A_4059] : memref<256x128xf32, #tpu.memory_space<vmem>> -> memref<256x128xf32, #tpu.memory_space<vmem>>
    tpu.wait_dma2 semaphore(%arg20 : memref<!tpu.dma_semaphore, #tpu.memory_space<semaphore_mem>>) src(%dma_wait3A_4060 : memref<256x128xf32, #tpu.memory_space<vmem>>) dst(%dma_wait3A_4057 : memref<256x128xf32, #tpu.memory_space<hbm>>)
    %dma_start3A_4061 = arith.constant 0 : i32
    %dma_start3A_4062 = arith.constant 0 : i32
    %dma_start3A_4063 = tpu.memref_slice %arg12[%dma_start3A_4061, %dma_start3A_4062] : memref<256x128xf32, #tpu.memory_space<vmem>> -> memref<256x128xf32, #tpu.memory_space<vmem>>
    %dma_start3A_4064 = arith.constant 5888 : i32
    %dma_start3A_4065 = tpu.memref_slice %arg8[%dma_start3A_4064] : memref<7680xi32, #tpu.memory_space<vmem>> -> memref<256xi32, #tpu.memory_space<vmem>>
    %dma_start3A_4066 = arith.constant 0 : i32
    %dma_start3A_4067 = arith.constant 0 : i32
    %dma_start3A_4068 = tpu.memref_slice %arg3[%dma_start3A_4066, %dma_start3A_4067] : memref<197632x128xf32, #tpu.memory_space<hbm>> -> memref<197632x128xf32, #tpu.memory_space<hbm>>
    tpu.enqueue_indirect_dma source(%dma_start3A_4068 : memref<197632x128xf32, #tpu.memory_space<hbm>>) target(%dma_start3A_4063 : memref<256x128xf32, #tpu.memory_space<vmem>>) offsets(%dma_start3A_4065 : memref<256xi32, #tpu.memory_space<vmem>>) semaphore(%arg17 : memref<!tpu.dma_semaphore, #tpu.memory_space<semaphore_mem>>)
    %dma_wait3A_4069 = arith.constant 0 : i32
    %dma_wait3A_4070 = arith.constant 0 : i32
    %dma_wait3A_4071 = tpu.memref_slice %arg10[%dma_wait3A_4069, %dma_wait3A_4070] : memref<256x128xf32, #tpu.memory_space<vmem>> -> memref<256x128xf32, #tpu.memory_space<vmem>>
    %dma_wait3A_4072 = arith.constant 5376 : i32
    %dma_wait3A_4073 = tpu.memref_slice %arg8[%dma_wait3A_4072] : memref<7680xi32, #tpu.memory_space<vmem>> -> memref<256xi32, #tpu.memory_space<vmem>>
    %dma_wait3A_4074 = arith.constant 0 : i32
    %dma_wait3A_4075 = arith.constant 0 : i32
    %dma_wait3A_4076 = tpu.memref_slice %arg3[%dma_wait3A_4074, %dma_wait3A_4075] : memref<197632x128xf32, #tpu.memory_space<hbm>> -> memref<197632x128xf32, #tpu.memory_space<hbm>>
    tpu.wait_indirect_dma semaphore(%arg15 : memref<!tpu.dma_semaphore, #tpu.memory_space<semaphore_mem>>) src(%dma_wait3A_4076 : memref<197632x128xf32, #tpu.memory_space<hbm>>) dst(%dma_wait3A_4071 : memref<256x128xf32, #tpu.memory_space<vmem>>)
    %dma_start3A_4077 = arith.constant 0 : i32
    %dma_start3A_4078 = arith.constant 0 : i32
    %dma_start3A_4079 = tpu.memref_slice %arg10[%dma_start3A_4077, %dma_start3A_4078] : memref<256x128xf32, #tpu.memory_space<vmem>> -> memref<256x128xf32, #tpu.memory_space<vmem>>
    %dma_start3A_4080 = arith.constant 0 : i32
    %dma_start3A_4081 = tpu.memref_slice %arg6[%add3A_3256, %dma_start3A_4080] : memref<315392x128xf32, #tpu.memory_space<hbm>> -> memref<256x128xf32, #tpu.memory_space<hbm>>
    %dma_start3A_4082 = arith.constant 0 : i32
    %dma_start3A_4083 = tpu.memref_slice %arg6[%add3A_3256, %dma_start3A_4082] : memref<315392x128xf32, #tpu.memory_space<hbm>> -> memref<256x128xf32, #tpu.memory_space<hbm>>
    %dma_start3A_4084 = arith.constant 0 : i32
    %dma_start3A_4085 = arith.constant 0 : i32
    %dma_start3A_4086 = tpu.memref_slice %arg10[%dma_start3A_4084, %dma_start3A_4085] : memref<256x128xf32, #tpu.memory_space<vmem>> -> memref<256x128xf32, #tpu.memory_space<vmem>>
    tpu.enqueue_dma source(%dma_start3A_4086 : memref<256x128xf32, #tpu.memory_space<vmem>>) target(%dma_start3A_4083 : memref<256x128xf32, #tpu.memory_space<hbm>>) target_semaphore(%arg18 : memref<!tpu.dma_semaphore, #tpu.memory_space<semaphore_mem>>)
    %dma_wait3A_4087 = arith.constant 0 : i32
    %dma_wait3A_4088 = arith.constant 0 : i32
    %dma_wait3A_4089 = tpu.memref_slice %arg10[%dma_wait3A_4087, %dma_wait3A_4088] : memref<256x128xf32, #tpu.memory_space<vmem>> -> memref<256x128xf32, #tpu.memory_space<vmem>>
    %dma_wait3A_4090 = arith.constant 0 : i32
    %dma_wait3A_4091 = tpu.memref_slice %arg6[%add3A_3256, %dma_wait3A_4090] : memref<315392x128xf32, #tpu.memory_space<hbm>> -> memref<256x128xf32, #tpu.memory_space<hbm>>
    %dma_wait3A_4092 = arith.constant 0 : i32
    %dma_wait3A_4093 = tpu.memref_slice %arg6[%add3A_3256, %dma_wait3A_4092] : memref<315392x128xf32, #tpu.memory_space<hbm>> -> memref<256x128xf32, #tpu.memory_space<hbm>>
    %dma_wait3A_4094 = arith.constant 0 : i32
    %dma_wait3A_4095 = arith.constant 0 : i32
    %dma_wait3A_4096 = tpu.memref_slice %arg10[%dma_wait3A_4094, %dma_wait3A_4095] : memref<256x128xf32, #tpu.memory_space<vmem>> -> memref<256x128xf32, #tpu.memory_space<vmem>>
    tpu.wait_dma2 semaphore(%arg18 : memref<!tpu.dma_semaphore, #tpu.memory_space<semaphore_mem>>) src(%dma_wait3A_4096 : memref<256x128xf32, #tpu.memory_space<vmem>>) dst(%dma_wait3A_4093 : memref<256x128xf32, #tpu.memory_space<hbm>>)
    %dma_start3A_4097 = arith.constant 0 : i32
    %dma_start3A_4098 = arith.constant 0 : i32
    %dma_start3A_4099 = tpu.memref_slice %arg10[%dma_start3A_4097, %dma_start3A_4098] : memref<256x128xf32, #tpu.memory_space<vmem>> -> memref<256x128xf32, #tpu.memory_space<vmem>>
    %dma_start3A_4100 = arith.constant 6144 : i32
    %dma_start3A_4101 = tpu.memref_slice %arg8[%dma_start3A_4100] : memref<7680xi32, #tpu.memory_space<vmem>> -> memref<256xi32, #tpu.memory_space<vmem>>
    %dma_start3A_4102 = arith.constant 0 : i32
    %dma_start3A_4103 = arith.constant 0 : i32
    %dma_start3A_4104 = tpu.memref_slice %arg3[%dma_start3A_4102, %dma_start3A_4103] : memref<197632x128xf32, #tpu.memory_space<hbm>> -> memref<197632x128xf32, #tpu.memory_space<hbm>>
    tpu.enqueue_indirect_dma source(%dma_start3A_4104 : memref<197632x128xf32, #tpu.memory_space<hbm>>) target(%dma_start3A_4099 : memref<256x128xf32, #tpu.memory_space<vmem>>) offsets(%dma_start3A_4101 : memref<256xi32, #tpu.memory_space<vmem>>) semaphore(%arg15 : memref<!tpu.dma_semaphore, #tpu.memory_space<semaphore_mem>>)
    %dma_wait3A_4105 = arith.constant 0 : i32
    %dma_wait3A_4106 = arith.constant 0 : i32
    %dma_wait3A_4107 = tpu.memref_slice %arg11[%dma_wait3A_4105, %dma_wait3A_4106] : memref<256x128xf32, #tpu.memory_space<vmem>> -> memref<256x128xf32, #tpu.memory_space<vmem>>
    %dma_wait3A_4108 = arith.constant 5632 : i32
    %dma_wait3A_4109 = tpu.memref_slice %arg8[%dma_wait3A_4108] : memref<7680xi32, #tpu.memory_space<vmem>> -> memref<256xi32, #tpu.memory_space<vmem>>
    %dma_wait3A_4110 = arith.constant 0 : i32
    %dma_wait3A_4111 = arith.constant 0 : i32
    %dma_wait3A_4112 = tpu.memref_slice %arg3[%dma_wait3A_4110, %dma_wait3A_4111] : memref<197632x128xf32, #tpu.memory_space<hbm>> -> memref<197632x128xf32, #tpu.memory_space<hbm>>
    tpu.wait_indirect_dma semaphore(%arg16 : memref<!tpu.dma_semaphore, #tpu.memory_space<semaphore_mem>>) src(%dma_wait3A_4112 : memref<197632x128xf32, #tpu.memory_space<hbm>>) dst(%dma_wait3A_4107 : memref<256x128xf32, #tpu.memory_space<vmem>>)
    %dma_start3A_4113 = arith.constant 0 : i32
    %dma_start3A_4114 = arith.constant 0 : i32
    %dma_start3A_4115 = tpu.memref_slice %arg11[%dma_start3A_4113, %dma_start3A_4114] : memref<256x128xf32, #tpu.memory_space<vmem>> -> memref<256x128xf32, #tpu.memory_space<vmem>>
    %dma_start3A_4116 = arith.constant 0 : i32
    %dma_start3A_4117 = tpu.memref_slice %arg6[%add3A_3260, %dma_start3A_4116] : memref<315392x128xf32, #tpu.memory_space<hbm>> -> memref<256x128xf32, #tpu.memory_space<hbm>>
    %dma_start3A_4118 = arith.constant 0 : i32
    %dma_start3A_4119 = tpu.memref_slice %arg6[%add3A_3260, %dma_start3A_4118] : memref<315392x128xf32, #tpu.memory_space<hbm>> -> memref<256x128xf32, #tpu.memory_space<hbm>>
    %dma_start3A_4120 = arith.constant 0 : i32
    %dma_start3A_4121 = arith.constant 0 : i32
    %dma_start3A_4122 = tpu.memref_slice %arg11[%dma_start3A_4120, %dma_start3A_4121] : memref<256x128xf32, #tpu.memory_space<vmem>> -> memref<256x128xf32, #tpu.memory_space<vmem>>
    tpu.enqueue_dma source(%dma_start3A_4122 : memref<256x128xf32, #tpu.memory_space<vmem>>) target(%dma_start3A_4119 : memref<256x128xf32, #tpu.memory_space<hbm>>) target_semaphore(%arg19 : memref<!tpu.dma_semaphore, #tpu.memory_space<semaphore_mem>>)
    %dma_wait3A_4123 = arith.constant 0 : i32
    %dma_wait3A_4124 = arith.constant 0 : i32
    %dma_wait3A_4125 = tpu.memref_slice %arg11[%dma_wait3A_4123, %dma_wait3A_4124] : memref<256x128xf32, #tpu.memory_space<vmem>> -> memref<256x128xf32, #tpu.memory_space<vmem>>
    %dma_wait3A_4126 = arith.constant 0 : i32
    %dma_wait3A_4127 = tpu.memref_slice %arg6[%add3A_3260, %dma_wait3A_4126] : memref<315392x128xf32, #tpu.memory_space<hbm>> -> memref<256x128xf32, #tpu.memory_space<hbm>>
    %dma_wait3A_4128 = arith.constant 0 : i32
    %dma_wait3A_4129 = tpu.memref_slice %arg6[%add3A_3260, %dma_wait3A_4128] : memref<315392x128xf32, #tpu.memory_space<hbm>> -> memref<256x128xf32, #tpu.memory_space<hbm>>
    %dma_wait3A_4130 = arith.constant 0 : i32
    %dma_wait3A_4131 = arith.constant 0 : i32
    %dma_wait3A_4132 = tpu.memref_slice %arg11[%dma_wait3A_4130, %dma_wait3A_4131] : memref<256x128xf32, #tpu.memory_space<vmem>> -> memref<256x128xf32, #tpu.memory_space<vmem>>
    tpu.wait_dma2 semaphore(%arg19 : memref<!tpu.dma_semaphore, #tpu.memory_space<semaphore_mem>>) src(%dma_wait3A_4132 : memref<256x128xf32, #tpu.memory_space<vmem>>) dst(%dma_wait3A_4129 : memref<256x128xf32, #tpu.memory_space<hbm>>)
    %dma_start3A_4133 = arith.constant 0 : i32
    %dma_start3A_4134 = arith.constant 0 : i32
    %dma_start3A_4135 = tpu.memref_slice %arg11[%dma_start3A_4133, %dma_start3A_4134] : memref<256x128xf32, #tpu.memory_space<vmem>> -> memref<256x128xf32, #tpu.memory_space<vmem>>
    %dma_start3A_4136 = arith.constant 6400 : i32
    %dma_start3A_4137 = tpu.memref_slice %arg8[%dma_start3A_4136] : memref<7680xi32, #tpu.memory_space<vmem>> -> memref<256xi32, #tpu.memory_space<vmem>>
    %dma_start3A_4138 = arith.constant 0 : i32
    %dma_start3A_4139 = arith.constant 0 : i32
    %dma_start3A_4140 = tpu.memref_slice %arg3[%dma_start3A_4138, %dma_start3A_4139] : memref<197632x128xf32, #tpu.memory_space<hbm>> -> memref<197632x128xf32, #tpu.memory_space<hbm>>
    tpu.enqueue_indirect_dma source(%dma_start3A_4140 : memref<197632x128xf32, #tpu.memory_space<hbm>>) target(%dma_start3A_4135 : memref<256x128xf32, #tpu.memory_space<vmem>>) offsets(%dma_start3A_4137 : memref<256xi32, #tpu.memory_space<vmem>>) semaphore(%arg16 : memref<!tpu.dma_semaphore, #tpu.memory_space<semaphore_mem>>)
    %dma_wait3A_4141 = arith.constant 0 : i32
    %dma_wait3A_4142 = arith.constant 0 : i32
    %dma_wait3A_4143 = tpu.memref_slice %arg12[%dma_wait3A_4141, %dma_wait3A_4142] : memref<256x128xf32, #tpu.memory_space<vmem>> -> memref<256x128xf32, #tpu.memory_space<vmem>>
    %dma_wait3A_4144 = arith.constant 5888 : i32
    %dma_wait3A_4145 = tpu.memref_slice %arg8[%dma_wait3A_4144] : memref<7680xi32, #tpu.memory_space<vmem>> -> memref<256xi32, #tpu.memory_space<vmem>>
    %dma_wait3A_4146 = arith.constant 0 : i32
    %dma_wait3A_4147 = arith.constant 0 : i32
    %dma_wait3A_4148 = tpu.memref_slice %arg3[%dma_wait3A_4146, %dma_wait3A_4147] : memref<197632x128xf32, #tpu.memory_space<hbm>> -> memref<197632x128xf32, #tpu.memory_space<hbm>>
    tpu.wait_indirect_dma semaphore(%arg17 : memref<!tpu.dma_semaphore, #tpu.memory_space<semaphore_mem>>) src(%dma_wait3A_4148 : memref<197632x128xf32, #tpu.memory_space<hbm>>) dst(%dma_wait3A_4143 : memref<256x128xf32, #tpu.memory_space<vmem>>)
    %dma_start3A_4149 = arith.constant 0 : i32
    %dma_start3A_4150 = arith.constant 0 : i32
    %dma_start3A_4151 = tpu.memref_slice %arg12[%dma_start3A_4149, %dma_start3A_4150] : memref<256x128xf32, #tpu.memory_space<vmem>> -> memref<256x128xf32, #tpu.memory_space<vmem>>
    %dma_start3A_4152 = arith.constant 0 : i32
    %dma_start3A_4153 = tpu.memref_slice %arg6[%add3A_3264, %dma_start3A_4152] : memref<315392x128xf32, #tpu.memory_space<hbm>> -> memref<256x128xf32, #tpu.memory_space<hbm>>
    %dma_start3A_4154 = arith.constant 0 : i32
    %dma_start3A_4155 = tpu.memref_slice %arg6[%add3A_3264, %dma_start3A_4154] : memref<315392x128xf32, #tpu.memory_space<hbm>> -> memref<256x128xf32, #tpu.memory_space<hbm>>
    %dma_start3A_4156 = arith.constant 0 : i32
    %dma_start3A_4157 = arith.constant 0 : i32
    %dma_start3A_4158 = tpu.memref_slice %arg12[%dma_start3A_4156, %dma_start3A_4157] : memref<256x128xf32, #tpu.memory_space<vmem>> -> memref<256x128xf32, #tpu.memory_space<vmem>>
    tpu.enqueue_dma source(%dma_start3A_4158 : memref<256x128xf32, #tpu.memory_space<vmem>>) target(%dma_start3A_4155 : memref<256x128xf32, #tpu.memory_space<hbm>>) target_semaphore(%arg20 : memref<!tpu.dma_semaphore, #tpu.memory_space<semaphore_mem>>)
    %dma_wait3A_4159 = arith.constant 0 : i32
    %dma_wait3A_4160 = arith.constant 0 : i32
    %dma_wait3A_4161 = tpu.memref_slice %arg12[%dma_wait3A_4159, %dma_wait3A_4160] : memref<256x128xf32, #tpu.memory_space<vmem>> -> memref<256x128xf32, #tpu.memory_space<vmem>>
    %dma_wait3A_4162 = arith.constant 0 : i32
    %dma_wait3A_4163 = tpu.memref_slice %arg6[%add3A_3264, %dma_wait3A_4162] : memref<315392x128xf32, #tpu.memory_space<hbm>> -> memref<256x128xf32, #tpu.memory_space<hbm>>
    %dma_wait3A_4164 = arith.constant 0 : i32
    %dma_wait3A_4165 = tpu.memref_slice %arg6[%add3A_3264, %dma_wait3A_4164] : memref<315392x128xf32, #tpu.memory_space<hbm>> -> memref<256x128xf32, #tpu.memory_space<hbm>>
    %dma_wait3A_4166 = arith.constant 0 : i32
    %dma_wait3A_4167 = arith.constant 0 : i32
    %dma_wait3A_4168 = tpu.memref_slice %arg12[%dma_wait3A_4166, %dma_wait3A_4167] : memref<256x128xf32, #tpu.memory_space<vmem>> -> memref<256x128xf32, #tpu.memory_space<vmem>>
    tpu.wait_dma2 semaphore(%arg20 : memref<!tpu.dma_semaphore, #tpu.memory_space<semaphore_mem>>) src(%dma_wait3A_4168 : memref<256x128xf32, #tpu.memory_space<vmem>>) dst(%dma_wait3A_4165 : memref<256x128xf32, #tpu.memory_space<hbm>>)
    %dma_start3A_4169 = arith.constant 0 : i32
    %dma_start3A_4170 = arith.constant 0 : i32
    %dma_start3A_4171 = tpu.memref_slice %arg12[%dma_start3A_4169, %dma_start3A_4170] : memref<256x128xf32, #tpu.memory_space<vmem>> -> memref<256x128xf32, #tpu.memory_space<vmem>>
    %dma_start3A_4172 = arith.constant 6656 : i32
    %dma_start3A_4173 = tpu.memref_slice %arg8[%dma_start3A_4172] : memref<7680xi32, #tpu.memory_space<vmem>> -> memref<256xi32, #tpu.memory_space<vmem>>
    %dma_start3A_4174 = arith.constant 0 : i32
    %dma_start3A_4175 = arith.constant 0 : i32
    %dma_start3A_4176 = tpu.memref_slice %arg3[%dma_start3A_4174, %dma_start3A_4175] : memref<197632x128xf32, #tpu.memory_space<hbm>> -> memref<197632x128xf32, #tpu.memory_space<hbm>>
    tpu.enqueue_indirect_dma source(%dma_start3A_4176 : memref<197632x128xf32, #tpu.memory_space<hbm>>) target(%dma_start3A_4171 : memref<256x128xf32, #tpu.memory_space<vmem>>) offsets(%dma_start3A_4173 : memref<256xi32, #tpu.memory_space<vmem>>) semaphore(%arg17 : memref<!tpu.dma_semaphore, #tpu.memory_space<semaphore_mem>>)
    %dma_wait3A_4177 = arith.constant 0 : i32
    %dma_wait3A_4178 = arith.constant 0 : i32
    %dma_wait3A_4179 = tpu.memref_slice %arg10[%dma_wait3A_4177, %dma_wait3A_4178] : memref<256x128xf32, #tpu.memory_space<vmem>> -> memref<256x128xf32, #tpu.memory_space<vmem>>
    %dma_wait3A_4180 = arith.constant 6144 : i32
    %dma_wait3A_4181 = tpu.memref_slice %arg8[%dma_wait3A_4180] : memref<7680xi32, #tpu.memory_space<vmem>> -> memref<256xi32, #tpu.memory_space<vmem>>
    %dma_wait3A_4182 = arith.constant 0 : i32
    %dma_wait3A_4183 = arith.constant 0 : i32
    %dma_wait3A_4184 = tpu.memref_slice %arg3[%dma_wait3A_4182, %dma_wait3A_4183] : memref<197632x128xf32, #tpu.memory_space<hbm>> -> memref<197632x128xf32, #tpu.memory_space<hbm>>
    tpu.wait_indirect_dma semaphore(%arg15 : memref<!tpu.dma_semaphore, #tpu.memory_space<semaphore_mem>>) src(%dma_wait3A_4184 : memref<197632x128xf32, #tpu.memory_space<hbm>>) dst(%dma_wait3A_4179 : memref<256x128xf32, #tpu.memory_space<vmem>>)
    %dma_start3A_4185 = arith.constant 0 : i32
    %dma_start3A_4186 = arith.constant 0 : i32
    %dma_start3A_4187 = tpu.memref_slice %arg10[%dma_start3A_4185, %dma_start3A_4186] : memref<256x128xf32, #tpu.memory_space<vmem>> -> memref<256x128xf32, #tpu.memory_space<vmem>>
    %dma_start3A_4188 = arith.constant 0 : i32
    %dma_start3A_4189 = tpu.memref_slice %arg6[%add3A_3268, %dma_start3A_4188] : memref<315392x128xf32, #tpu.memory_space<hbm>> -> memref<256x128xf32, #tpu.memory_space<hbm>>
    %dma_start3A_4190 = arith.constant 0 : i32
    %dma_start3A_4191 = tpu.memref_slice %arg6[%add3A_3268, %dma_start3A_4190] : memref<315392x128xf32, #tpu.memory_space<hbm>> -> memref<256x128xf32, #tpu.memory_space<hbm>>
    %dma_start3A_4192 = arith.constant 0 : i32
    %dma_start3A_4193 = arith.constant 0 : i32
    %dma_start3A_4194 = tpu.memref_slice %arg10[%dma_start3A_4192, %dma_start3A_4193] : memref<256x128xf32, #tpu.memory_space<vmem>> -> memref<256x128xf32, #tpu.memory_space<vmem>>
    tpu.enqueue_dma source(%dma_start3A_4194 : memref<256x128xf32, #tpu.memory_space<vmem>>) target(%dma_start3A_4191 : memref<256x128xf32, #tpu.memory_space<hbm>>) target_semaphore(%arg18 : memref<!tpu.dma_semaphore, #tpu.memory_space<semaphore_mem>>)
    %dma_wait3A_4195 = arith.constant 0 : i32
    %dma_wait3A_4196 = arith.constant 0 : i32
    %dma_wait3A_4197 = tpu.memref_slice %arg10[%dma_wait3A_4195, %dma_wait3A_4196] : memref<256x128xf32, #tpu.memory_space<vmem>> -> memref<256x128xf32, #tpu.memory_space<vmem>>
    %dma_wait3A_4198 = arith.constant 0 : i32
    %dma_wait3A_4199 = tpu.memref_slice %arg6[%add3A_3268, %dma_wait3A_4198] : memref<315392x128xf32, #tpu.memory_space<hbm>> -> memref<256x128xf32, #tpu.memory_space<hbm>>
    %dma_wait3A_4200 = arith.constant 0 : i32
    %dma_wait3A_4201 = tpu.memref_slice %arg6[%add3A_3268, %dma_wait3A_4200] : memref<315392x128xf32, #tpu.memory_space<hbm>> -> memref<256x128xf32, #tpu.memory_space<hbm>>
    %dma_wait3A_4202 = arith.constant 0 : i32
    %dma_wait3A_4203 = arith.constant 0 : i32
    %dma_wait3A_4204 = tpu.memref_slice %arg10[%dma_wait3A_4202, %dma_wait3A_4203] : memref<256x128xf32, #tpu.memory_space<vmem>> -> memref<256x128xf32, #tpu.memory_space<vmem>>
    tpu.wait_dma2 semaphore(%arg18 : memref<!tpu.dma_semaphore, #tpu.memory_space<semaphore_mem>>) src(%dma_wait3A_4204 : memref<256x128xf32, #tpu.memory_space<vmem>>) dst(%dma_wait3A_4201 : memref<256x128xf32, #tpu.memory_space<hbm>>)
    %dma_start3A_4205 = arith.constant 0 : i32
    %dma_start3A_4206 = arith.constant 0 : i32
    %dma_start3A_4207 = tpu.memref_slice %arg10[%dma_start3A_4205, %dma_start3A_4206] : memref<256x128xf32, #tpu.memory_space<vmem>> -> memref<256x128xf32, #tpu.memory_space<vmem>>
    %dma_start3A_4208 = arith.constant 6912 : i32
    %dma_start3A_4209 = tpu.memref_slice %arg8[%dma_start3A_4208] : memref<7680xi32, #tpu.memory_space<vmem>> -> memref<256xi32, #tpu.memory_space<vmem>>
    %dma_start3A_4210 = arith.constant 0 : i32
    %dma_start3A_4211 = arith.constant 0 : i32
    %dma_start3A_4212 = tpu.memref_slice %arg3[%dma_start3A_4210, %dma_start3A_4211] : memref<197632x128xf32, #tpu.memory_space<hbm>> -> memref<197632x128xf32, #tpu.memory_space<hbm>>
    tpu.enqueue_indirect_dma source(%dma_start3A_4212 : memref<197632x128xf32, #tpu.memory_space<hbm>>) target(%dma_start3A_4207 : memref<256x128xf32, #tpu.memory_space<vmem>>) offsets(%dma_start3A_4209 : memref<256xi32, #tpu.memory_space<vmem>>) semaphore(%arg15 : memref<!tpu.dma_semaphore, #tpu.memory_space<semaphore_mem>>)
    %dma_wait3A_4213 = arith.constant 0 : i32
    %dma_wait3A_4214 = arith.constant 0 : i32
    %dma_wait3A_4215 = tpu.memref_slice %arg11[%dma_wait3A_4213, %dma_wait3A_4214] : memref<256x128xf32, #tpu.memory_space<vmem>> -> memref<256x128xf32, #tpu.memory_space<vmem>>
    %dma_wait3A_4216 = arith.constant 6400 : i32
    %dma_wait3A_4217 = tpu.memref_slice %arg8[%dma_wait3A_4216] : memref<7680xi32, #tpu.memory_space<vmem>> -> memref<256xi32, #tpu.memory_space<vmem>>
    %dma_wait3A_4218 = arith.constant 0 : i32
    %dma_wait3A_4219 = arith.constant 0 : i32
    %dma_wait3A_4220 = tpu.memref_slice %arg3[%dma_wait3A_4218, %dma_wait3A_4219] : memref<197632x128xf32, #tpu.memory_space<hbm>> -> memref<197632x128xf32, #tpu.memory_space<hbm>>
    tpu.wait_indirect_dma semaphore(%arg16 : memref<!tpu.dma_semaphore, #tpu.memory_space<semaphore_mem>>) src(%dma_wait3A_4220 : memref<197632x128xf32, #tpu.memory_space<hbm>>) dst(%dma_wait3A_4215 : memref<256x128xf32, #tpu.memory_space<vmem>>)
    %dma_start3A_4221 = arith.constant 0 : i32
    %dma_start3A_4222 = arith.constant 0 : i32
    %dma_start3A_4223 = tpu.memref_slice %arg11[%dma_start3A_4221, %dma_start3A_4222] : memref<256x128xf32, #tpu.memory_space<vmem>> -> memref<256x128xf32, #tpu.memory_space<vmem>>
    %dma_start3A_4224 = arith.constant 0 : i32
    %dma_start3A_4225 = tpu.memref_slice %arg6[%add3A_3272, %dma_start3A_4224] : memref<315392x128xf32, #tpu.memory_space<hbm>> -> memref<256x128xf32, #tpu.memory_space<hbm>>
    %dma_start3A_4226 = arith.constant 0 : i32
    %dma_start3A_4227 = tpu.memref_slice %arg6[%add3A_3272, %dma_start3A_4226] : memref<315392x128xf32, #tpu.memory_space<hbm>> -> memref<256x128xf32, #tpu.memory_space<hbm>>
    %dma_start3A_4228 = arith.constant 0 : i32
    %dma_start3A_4229 = arith.constant 0 : i32
    %dma_start3A_4230 = tpu.memref_slice %arg11[%dma_start3A_4228, %dma_start3A_4229] : memref<256x128xf32, #tpu.memory_space<vmem>> -> memref<256x128xf32, #tpu.memory_space<vmem>>
    tpu.enqueue_dma source(%dma_start3A_4230 : memref<256x128xf32, #tpu.memory_space<vmem>>) target(%dma_start3A_4227 : memref<256x128xf32, #tpu.memory_space<hbm>>) target_semaphore(%arg19 : memref<!tpu.dma_semaphore, #tpu.memory_space<semaphore_mem>>)
    %dma_wait3A_4231 = arith.constant 0 : i32
    %dma_wait3A_4232 = arith.constant 0 : i32
    %dma_wait3A_4233 = tpu.memref_slice %arg11[%dma_wait3A_4231, %dma_wait3A_4232] : memref<256x128xf32, #tpu.memory_space<vmem>> -> memref<256x128xf32, #tpu.memory_space<vmem>>
    %dma_wait3A_4234 = arith.constant 0 : i32
    %dma_wait3A_4235 = tpu.memref_slice %arg6[%add3A_3272, %dma_wait3A_4234] : memref<315392x128xf32, #tpu.memory_space<hbm>> -> memref<256x128xf32, #tpu.memory_space<hbm>>
    %dma_wait3A_4236 = arith.constant 0 : i32
    %dma_wait3A_4237 = tpu.memref_slice %arg6[%add3A_3272, %dma_wait3A_4236] : memref<315392x128xf32, #tpu.memory_space<hbm>> -> memref<256x128xf32, #tpu.memory_space<hbm>>
    %dma_wait3A_4238 = arith.constant 0 : i32
    %dma_wait3A_4239 = arith.constant 0 : i32
    %dma_wait3A_4240 = tpu.memref_slice %arg11[%dma_wait3A_4238, %dma_wait3A_4239] : memref<256x128xf32, #tpu.memory_space<vmem>> -> memref<256x128xf32, #tpu.memory_space<vmem>>
    tpu.wait_dma2 semaphore(%arg19 : memref<!tpu.dma_semaphore, #tpu.memory_space<semaphore_mem>>) src(%dma_wait3A_4240 : memref<256x128xf32, #tpu.memory_space<vmem>>) dst(%dma_wait3A_4237 : memref<256x128xf32, #tpu.memory_space<hbm>>)
    %dma_start3A_4241 = arith.constant 0 : i32
    %dma_start3A_4242 = arith.constant 0 : i32
    %dma_start3A_4243 = tpu.memref_slice %arg11[%dma_start3A_4241, %dma_start3A_4242] : memref<256x128xf32, #tpu.memory_space<vmem>> -> memref<256x128xf32, #tpu.memory_space<vmem>>
    %dma_start3A_4244 = arith.constant 7168 : i32
    %dma_start3A_4245 = tpu.memref_slice %arg8[%dma_start3A_4244] : memref<7680xi32, #tpu.memory_space<vmem>> -> memref<256xi32, #tpu.memory_space<vmem>>
    %dma_start3A_4246 = arith.constant 0 : i32
    %dma_start3A_4247 = arith.constant 0 : i32
    %dma_start3A_4248 = tpu.memref_slice %arg3[%dma_start3A_4246, %dma_start3A_4247] : memref<197632x128xf32, #tpu.memory_space<hbm>> -> memref<197632x128xf32, #tpu.memory_space<hbm>>
    tpu.enqueue_indirect_dma source(%dma_start3A_4248 : memref<197632x128xf32, #tpu.memory_space<hbm>>) target(%dma_start3A_4243 : memref<256x128xf32, #tpu.memory_space<vmem>>) offsets(%dma_start3A_4245 : memref<256xi32, #tpu.memory_space<vmem>>) semaphore(%arg16 : memref<!tpu.dma_semaphore, #tpu.memory_space<semaphore_mem>>)
    %dma_wait3A_4249 = arith.constant 0 : i32
    %dma_wait3A_4250 = arith.constant 0 : i32
    %dma_wait3A_4251 = tpu.memref_slice %arg12[%dma_wait3A_4249, %dma_wait3A_4250] : memref<256x128xf32, #tpu.memory_space<vmem>> -> memref<256x128xf32, #tpu.memory_space<vmem>>
    %dma_wait3A_4252 = arith.constant 6656 : i32
    %dma_wait3A_4253 = tpu.memref_slice %arg8[%dma_wait3A_4252] : memref<7680xi32, #tpu.memory_space<vmem>> -> memref<256xi32, #tpu.memory_space<vmem>>
    %dma_wait3A_4254 = arith.constant 0 : i32
    %dma_wait3A_4255 = arith.constant 0 : i32
    %dma_wait3A_4256 = tpu.memref_slice %arg3[%dma_wait3A_4254, %dma_wait3A_4255] : memref<197632x128xf32, #tpu.memory_space<hbm>> -> memref<197632x128xf32, #tpu.memory_space<hbm>>
    tpu.wait_indirect_dma semaphore(%arg17 : memref<!tpu.dma_semaphore, #tpu.memory_space<semaphore_mem>>) src(%dma_wait3A_4256 : memref<197632x128xf32, #tpu.memory_space<hbm>>) dst(%dma_wait3A_4251 : memref<256x128xf32, #tpu.memory_space<vmem>>)
    %dma_start3A_4257 = arith.constant 0 : i32
    %dma_start3A_4258 = arith.constant 0 : i32
    %dma_start3A_4259 = tpu.memref_slice %arg12[%dma_start3A_4257, %dma_start3A_4258] : memref<256x128xf32, #tpu.memory_space<vmem>> -> memref<256x128xf32, #tpu.memory_space<vmem>>
    %dma_start3A_4260 = arith.constant 0 : i32
    %dma_start3A_4261 = tpu.memref_slice %arg6[%add3A_3276, %dma_start3A_4260] : memref<315392x128xf32, #tpu.memory_space<hbm>> -> memref<256x128xf32, #tpu.memory_space<hbm>>
    %dma_start3A_4262 = arith.constant 0 : i32
    %dma_start3A_4263 = tpu.memref_slice %arg6[%add3A_3276, %dma_start3A_4262] : memref<315392x128xf32, #tpu.memory_space<hbm>> -> memref<256x128xf32, #tpu.memory_space<hbm>>
    %dma_start3A_4264 = arith.constant 0 : i32
    %dma_start3A_4265 = arith.constant 0 : i32
    %dma_start3A_4266 = tpu.memref_slice %arg12[%dma_start3A_4264, %dma_start3A_4265] : memref<256x128xf32, #tpu.memory_space<vmem>> -> memref<256x128xf32, #tpu.memory_space<vmem>>
    tpu.enqueue_dma source(%dma_start3A_4266 : memref<256x128xf32, #tpu.memory_space<vmem>>) target(%dma_start3A_4263 : memref<256x128xf32, #tpu.memory_space<hbm>>) target_semaphore(%arg20 : memref<!tpu.dma_semaphore, #tpu.memory_space<semaphore_mem>>)
    %dma_wait3A_4267 = arith.constant 0 : i32
    %dma_wait3A_4268 = arith.constant 0 : i32
    %dma_wait3A_4269 = tpu.memref_slice %arg12[%dma_wait3A_4267, %dma_wait3A_4268] : memref<256x128xf32, #tpu.memory_space<vmem>> -> memref<256x128xf32, #tpu.memory_space<vmem>>
    %dma_wait3A_4270 = arith.constant 0 : i32
    %dma_wait3A_4271 = tpu.memref_slice %arg6[%add3A_3276, %dma_wait3A_4270] : memref<315392x128xf32, #tpu.memory_space<hbm>> -> memref<256x128xf32, #tpu.memory_space<hbm>>
    %dma_wait3A_4272 = arith.constant 0 : i32
    %dma_wait3A_4273 = tpu.memref_slice %arg6[%add3A_3276, %dma_wait3A_4272] : memref<315392x128xf32, #tpu.memory_space<hbm>> -> memref<256x128xf32, #tpu.memory_space<hbm>>
    %dma_wait3A_4274 = arith.constant 0 : i32
    %dma_wait3A_4275 = arith.constant 0 : i32
    %dma_wait3A_4276 = tpu.memref_slice %arg12[%dma_wait3A_4274, %dma_wait3A_4275] : memref<256x128xf32, #tpu.memory_space<vmem>> -> memref<256x128xf32, #tpu.memory_space<vmem>>
    tpu.wait_dma2 semaphore(%arg20 : memref<!tpu.dma_semaphore, #tpu.memory_space<semaphore_mem>>) src(%dma_wait3A_4276 : memref<256x128xf32, #tpu.memory_space<vmem>>) dst(%dma_wait3A_4273 : memref<256x128xf32, #tpu.memory_space<hbm>>)
    %dma_start3A_4277 = arith.constant 0 : i32
    %dma_start3A_4278 = arith.constant 0 : i32
    %dma_start3A_4279 = tpu.memref_slice %arg12[%dma_start3A_4277, %dma_start3A_4278] : memref<256x128xf32, #tpu.memory_space<vmem>> -> memref<256x128xf32, #tpu.memory_space<vmem>>
    %dma_start3A_4280 = arith.constant 7424 : i32
    %dma_start3A_4281 = tpu.memref_slice %arg8[%dma_start3A_4280] : memref<7680xi32, #tpu.memory_space<vmem>> -> memref<256xi32, #tpu.memory_space<vmem>>
    %dma_start3A_4282 = arith.constant 0 : i32
    %dma_start3A_4283 = arith.constant 0 : i32
    %dma_start3A_4284 = tpu.memref_slice %arg3[%dma_start3A_4282, %dma_start3A_4283] : memref<197632x128xf32, #tpu.memory_space<hbm>> -> memref<197632x128xf32, #tpu.memory_space<hbm>>
    tpu.enqueue_indirect_dma source(%dma_start3A_4284 : memref<197632x128xf32, #tpu.memory_space<hbm>>) target(%dma_start3A_4279 : memref<256x128xf32, #tpu.memory_space<vmem>>) offsets(%dma_start3A_4281 : memref<256xi32, #tpu.memory_space<vmem>>) semaphore(%arg17 : memref<!tpu.dma_semaphore, #tpu.memory_space<semaphore_mem>>)
    %dma_wait3A_4285 = arith.constant 0 : i32
    %dma_wait3A_4286 = arith.constant 0 : i32
    %dma_wait3A_4287 = tpu.memref_slice %arg10[%dma_wait3A_4285, %dma_wait3A_4286] : memref<256x128xf32, #tpu.memory_space<vmem>> -> memref<256x128xf32, #tpu.memory_space<vmem>>
    %dma_wait3A_4288 = arith.constant 6912 : i32
    %dma_wait3A_4289 = tpu.memref_slice %arg8[%dma_wait3A_4288] : memref<7680xi32, #tpu.memory_space<vmem>> -> memref<256xi32, #tpu.memory_space<vmem>>
    %dma_wait3A_4290 = arith.constant 0 : i32
    %dma_wait3A_4291 = arith.constant 0 : i32
    %dma_wait3A_4292 = tpu.memref_slice %arg3[%dma_wait3A_4290, %dma_wait3A_4291] : memref<197632x128xf32, #tpu.memory_space<hbm>> -> memref<197632x128xf32, #tpu.memory_space<hbm>>
    tpu.wait_indirect_dma semaphore(%arg15 : memref<!tpu.dma_semaphore, #tpu.memory_space<semaphore_mem>>) src(%dma_wait3A_4292 : memref<197632x128xf32, #tpu.memory_space<hbm>>) dst(%dma_wait3A_4287 : memref<256x128xf32, #tpu.memory_space<vmem>>)
    %dma_start3A_4293 = arith.constant 0 : i32
    %dma_start3A_4294 = arith.constant 0 : i32
    %dma_start3A_4295 = tpu.memref_slice %arg10[%dma_start3A_4293, %dma_start3A_4294] : memref<256x128xf32, #tpu.memory_space<vmem>> -> memref<256x128xf32, #tpu.memory_space<vmem>>
    %dma_start3A_4296 = arith.constant 0 : i32
    %dma_start3A_4297 = tpu.memref_slice %arg6[%add3A_3280, %dma_start3A_4296] : memref<315392x128xf32, #tpu.memory_space<hbm>> -> memref<256x128xf32, #tpu.memory_space<hbm>>
    %dma_start3A_4298 = arith.constant 0 : i32
    %dma_start3A_4299 = tpu.memref_slice %arg6[%add3A_3280, %dma_start3A_4298] : memref<315392x128xf32, #tpu.memory_space<hbm>> -> memref<256x128xf32, #tpu.memory_space<hbm>>
    %dma_start3A_4300 = arith.constant 0 : i32
    %dma_start3A_4301 = arith.constant 0 : i32
    %dma_start3A_4302 = tpu.memref_slice %arg10[%dma_start3A_4300, %dma_start3A_4301] : memref<256x128xf32, #tpu.memory_space<vmem>> -> memref<256x128xf32, #tpu.memory_space<vmem>>
    tpu.enqueue_dma source(%dma_start3A_4302 : memref<256x128xf32, #tpu.memory_space<vmem>>) target(%dma_start3A_4299 : memref<256x128xf32, #tpu.memory_space<hbm>>) target_semaphore(%arg18 : memref<!tpu.dma_semaphore, #tpu.memory_space<semaphore_mem>>)
    %dma_wait3A_4303 = arith.constant 0 : i32
    %dma_wait3A_4304 = arith.constant 0 : i32
    %dma_wait3A_4305 = tpu.memref_slice %arg11[%dma_wait3A_4303, %dma_wait3A_4304] : memref<256x128xf32, #tpu.memory_space<vmem>> -> memref<256x128xf32, #tpu.memory_space<vmem>>
    %dma_wait3A_4306 = arith.constant 7168 : i32
    %dma_wait3A_4307 = tpu.memref_slice %arg8[%dma_wait3A_4306] : memref<7680xi32, #tpu.memory_space<vmem>> -> memref<256xi32, #tpu.memory_space<vmem>>
    %dma_wait3A_4308 = arith.constant 0 : i32
    %dma_wait3A_4309 = arith.constant 0 : i32
    %dma_wait3A_4310 = tpu.memref_slice %arg3[%dma_wait3A_4308, %dma_wait3A_4309] : memref<197632x128xf32, #tpu.memory_space<hbm>> -> memref<197632x128xf32, #tpu.memory_space<hbm>>
    tpu.wait_indirect_dma semaphore(%arg16 : memref<!tpu.dma_semaphore, #tpu.memory_space<semaphore_mem>>) src(%dma_wait3A_4310 : memref<197632x128xf32, #tpu.memory_space<hbm>>) dst(%dma_wait3A_4305 : memref<256x128xf32, #tpu.memory_space<vmem>>)
    %dma_start3A_4311 = arith.constant 0 : i32
    %dma_start3A_4312 = arith.constant 0 : i32
    %dma_start3A_4313 = tpu.memref_slice %arg11[%dma_start3A_4311, %dma_start3A_4312] : memref<256x128xf32, #tpu.memory_space<vmem>> -> memref<256x128xf32, #tpu.memory_space<vmem>>
    %dma_start3A_4314 = arith.constant 0 : i32
    %dma_start3A_4315 = tpu.memref_slice %arg6[%add3A_3284, %dma_start3A_4314] : memref<315392x128xf32, #tpu.memory_space<hbm>> -> memref<256x128xf32, #tpu.memory_space<hbm>>
    %dma_start3A_4316 = arith.constant 0 : i32
    %dma_start3A_4317 = tpu.memref_slice %arg6[%add3A_3284, %dma_start3A_4316] : memref<315392x128xf32, #tpu.memory_space<hbm>> -> memref<256x128xf32, #tpu.memory_space<hbm>>
    %dma_start3A_4318 = arith.constant 0 : i32
    %dma_start3A_4319 = arith.constant 0 : i32
    %dma_start3A_4320 = tpu.memref_slice %arg11[%dma_start3A_4318, %dma_start3A_4319] : memref<256x128xf32, #tpu.memory_space<vmem>> -> memref<256x128xf32, #tpu.memory_space<vmem>>
    tpu.enqueue_dma source(%dma_start3A_4320 : memref<256x128xf32, #tpu.memory_space<vmem>>) target(%dma_start3A_4317 : memref<256x128xf32, #tpu.memory_space<hbm>>) target_semaphore(%arg19 : memref<!tpu.dma_semaphore, #tpu.memory_space<semaphore_mem>>)
    %dma_wait3A_4321 = arith.constant 0 : i32
    %dma_wait3A_4322 = arith.constant 0 : i32
    %dma_wait3A_4323 = tpu.memref_slice %arg12[%dma_wait3A_4321, %dma_wait3A_4322] : memref<256x128xf32, #tpu.memory_space<vmem>> -> memref<256x128xf32, #tpu.memory_space<vmem>>
    %dma_wait3A_4324 = arith.constant 7424 : i32
    %dma_wait3A_4325 = tpu.memref_slice %arg8[%dma_wait3A_4324] : memref<7680xi32, #tpu.memory_space<vmem>> -> memref<256xi32, #tpu.memory_space<vmem>>
    %dma_wait3A_4326 = arith.constant 0 : i32
    %dma_wait3A_4327 = arith.constant 0 : i32
    %dma_wait3A_4328 = tpu.memref_slice %arg3[%dma_wait3A_4326, %dma_wait3A_4327] : memref<197632x128xf32, #tpu.memory_space<hbm>> -> memref<197632x128xf32, #tpu.memory_space<hbm>>
    tpu.wait_indirect_dma semaphore(%arg17 : memref<!tpu.dma_semaphore, #tpu.memory_space<semaphore_mem>>) src(%dma_wait3A_4328 : memref<197632x128xf32, #tpu.memory_space<hbm>>) dst(%dma_wait3A_4323 : memref<256x128xf32, #tpu.memory_space<vmem>>)
    %dma_start3A_4329 = arith.constant 0 : i32
    %dma_start3A_4330 = arith.constant 0 : i32
    %dma_start3A_4331 = tpu.memref_slice %arg12[%dma_start3A_4329, %dma_start3A_4330] : memref<256x128xf32, #tpu.memory_space<vmem>> -> memref<256x128xf32, #tpu.memory_space<vmem>>
    %dma_start3A_4332 = arith.constant 0 : i32
    %dma_start3A_4333 = tpu.memref_slice %arg6[%add3A_3288, %dma_start3A_4332] : memref<315392x128xf32, #tpu.memory_space<hbm>> -> memref<256x128xf32, #tpu.memory_space<hbm>>
    %dma_start3A_4334 = arith.constant 0 : i32
    %dma_start3A_4335 = tpu.memref_slice %arg6[%add3A_3288, %dma_start3A_4334] : memref<315392x128xf32, #tpu.memory_space<hbm>> -> memref<256x128xf32, #tpu.memory_space<hbm>>
    %dma_start3A_4336 = arith.constant 0 : i32
    %dma_start3A_4337 = arith.constant 0 : i32
    %dma_start3A_4338 = tpu.memref_slice %arg12[%dma_start3A_4336, %dma_start3A_4337] : memref<256x128xf32, #tpu.memory_space<vmem>> -> memref<256x128xf32, #tpu.memory_space<vmem>>
    tpu.enqueue_dma source(%dma_start3A_4338 : memref<256x128xf32, #tpu.memory_space<vmem>>) target(%dma_start3A_4335 : memref<256x128xf32, #tpu.memory_space<hbm>>) target_semaphore(%arg20 : memref<!tpu.dma_semaphore, #tpu.memory_space<semaphore_mem>>)
    %dma_wait3A_4339 = arith.constant 0 : i32
    %dma_wait3A_4340 = arith.constant 0 : i32
    %dma_wait3A_4341 = tpu.memref_slice %arg10[%dma_wait3A_4339, %dma_wait3A_4340] : memref<256x128xf32, #tpu.memory_space<vmem>> -> memref<256x128xf32, #tpu.memory_space<vmem>>
    %dma_wait3A_4342 = arith.constant 0 : i32
    %dma_wait3A_4343 = tpu.memref_slice %arg6[%add3A_3280, %dma_wait3A_4342] : memref<315392x128xf32, #tpu.memory_space<hbm>> -> memref<256x128xf32, #tpu.memory_space<hbm>>
    %dma_wait3A_4344 = arith.constant 0 : i32
    %dma_wait3A_4345 = tpu.memref_slice %arg6[%add3A_3280, %dma_wait3A_4344] : memref<315392x128xf32, #tpu.memory_space<hbm>> -> memref<256x128xf32, #tpu.memory_space<hbm>>
    %dma_wait3A_4346 = arith.constant 0 : i32
    %dma_wait3A_4347 = arith.constant 0 : i32
    %dma_wait3A_4348 = tpu.memref_slice %arg10[%dma_wait3A_4346, %dma_wait3A_4347] : memref<256x128xf32, #tpu.memory_space<vmem>> -> memref<256x128xf32, #tpu.memory_space<vmem>>
    tpu.wait_dma2 semaphore(%arg18 : memref<!tpu.dma_semaphore, #tpu.memory_space<semaphore_mem>>) src(%dma_wait3A_4348 : memref<256x128xf32, #tpu.memory_space<vmem>>) dst(%dma_wait3A_4345 : memref<256x128xf32, #tpu.memory_space<hbm>>)
    %dma_wait3A_4349 = arith.constant 0 : i32
    %dma_wait3A_4350 = arith.constant 0 : i32
    %dma_wait3A_4351 = tpu.memref_slice %arg11[%dma_wait3A_4349, %dma_wait3A_4350] : memref<256x128xf32, #tpu.memory_space<vmem>> -> memref<256x128xf32, #tpu.memory_space<vmem>>
    %dma_wait3A_4352 = arith.constant 0 : i32
    %dma_wait3A_4353 = tpu.memref_slice %arg6[%add3A_3284, %dma_wait3A_4352] : memref<315392x128xf32, #tpu.memory_space<hbm>> -> memref<256x128xf32, #tpu.memory_space<hbm>>
    %dma_wait3A_4354 = arith.constant 0 : i32
    %dma_wait3A_4355 = tpu.memref_slice %arg6[%add3A_3284, %dma_wait3A_4354] : memref<315392x128xf32, #tpu.memory_space<hbm>> -> memref<256x128xf32, #tpu.memory_space<hbm>>
    %dma_wait3A_4356 = arith.constant 0 : i32
    %dma_wait3A_4357 = arith.constant 0 : i32
    %dma_wait3A_4358 = tpu.memref_slice %arg11[%dma_wait3A_4356, %dma_wait3A_4357] : memref<256x128xf32, #tpu.memory_space<vmem>> -> memref<256x128xf32, #tpu.memory_space<vmem>>
    tpu.wait_dma2 semaphore(%arg19 : memref<!tpu.dma_semaphore, #tpu.memory_space<semaphore_mem>>) src(%dma_wait3A_4358 : memref<256x128xf32, #tpu.memory_space<vmem>>) dst(%dma_wait3A_4355 : memref<256x128xf32, #tpu.memory_space<hbm>>)
    %dma_wait3A_4359 = arith.constant 0 : i32
    %dma_wait3A_4360 = arith.constant 0 : i32
    %dma_wait3A_4361 = tpu.memref_slice %arg12[%dma_wait3A_4359, %dma_wait3A_4360] : memref<256x128xf32, #tpu.memory_space<vmem>> -> memref<256x128xf32, #tpu.memory_space<vmem>>
    %dma_wait3A_4362 = arith.constant 0 : i32
    %dma_wait3A_4363 = tpu.memref_slice %arg6[%add3A_3288, %dma_wait3A_4362] : memref<315392x128xf32, #tpu.memory_space<hbm>> -> memref<256x128xf32, #tpu.memory_space<hbm>>
    %dma_wait3A_4364 = arith.constant 0 : i32
    %dma_wait3A_4365 = tpu.memref_slice %arg6[%add3A_3288, %dma_wait3A_4364] : memref<315392x128xf32, #tpu.memory_space<hbm>> -> memref<256x128xf32, #tpu.memory_space<hbm>>
    %dma_wait3A_4366 = arith.constant 0 : i32
    %dma_wait3A_4367 = arith.constant 0 : i32
    %dma_wait3A_4368 = tpu.memref_slice %arg12[%dma_wait3A_4366, %dma_wait3A_4367] : memref<256x128xf32, #tpu.memory_space<vmem>> -> memref<256x128xf32, #tpu.memory_space<vmem>>
    tpu.wait_dma2 semaphore(%arg20 : memref<!tpu.dma_semaphore, #tpu.memory_space<semaphore_mem>>) src(%dma_wait3A_4368 : memref<256x128xf32, #tpu.memory_space<vmem>>) dst(%dma_wait3A_4365 : memref<256x128xf32, #tpu.memory_space<hbm>>)
    %dma_wait3A_4369 = arith.constant 0 : i32
    %dma_wait3A_4370 = tpu.memref_slice %arg9[%mul3A_2819, %dma_wait3A_4369] : memref<64x128xf32, #tpu.memory_space<vmem>> -> memref<32x128xf32, #tpu.memory_space<vmem>>
    %dma_wait3A_4371 = arith.constant 0 : i32
    %dma_wait3A_4372 = tpu.memref_slice %arg6[%add3A_2821, %dma_wait3A_4371] : memref<315392x128xf32, #tpu.memory_space<hbm>> -> memref<32x128xf32, #tpu.memory_space<hbm>>
    %dma_wait3A_4373 = arith.constant 0 : i32
    %dma_wait3A_4374 = tpu.memref_slice %arg6[%add3A_2821, %dma_wait3A_4373] : memref<315392x128xf32, #tpu.memory_space<hbm>> -> memref<32x128xf32, #tpu.memory_space<hbm>>
    %dma_wait3A_4375 = arith.constant 0 : i32
    %dma_wait3A_4376 = tpu.memref_slice %arg9[%mul3A_2819, %dma_wait3A_4375] : memref<64x128xf32, #tpu.memory_space<vmem>> -> memref<32x128xf32, #tpu.memory_space<vmem>>
    tpu.wait_dma2 semaphore(%arg14 : memref<!tpu.dma_semaphore, #tpu.memory_space<semaphore_mem>>) src(%dma_wait3A_4376 : memref<32x128xf32, #tpu.memory_space<vmem>>) dst(%dma_wait3A_4374 : memref<32x128xf32, #tpu.memory_space<hbm>>)
    %dma_wait3A_4377 = arith.constant 0 : i32
    %dma_wait3A_4378 = tpu.memref_slice %arg9[%mul3A_2866, %dma_wait3A_4377] : memref<64x128xf32, #tpu.memory_space<vmem>> -> memref<32x128xf32, #tpu.memory_space<vmem>>
    %dma_wait3A_4379 = arith.constant 0 : i32
    %dma_wait3A_4380 = tpu.memref_slice %arg6[%add3A_2868, %dma_wait3A_4379] : memref<315392x128xf32, #tpu.memory_space<hbm>> -> memref<32x128xf32, #tpu.memory_space<hbm>>
    %dma_wait3A_4381 = arith.constant 0 : i32
    %dma_wait3A_4382 = tpu.memref_slice %arg6[%add3A_2868, %dma_wait3A_4381] : memref<315392x128xf32, #tpu.memory_space<hbm>> -> memref<32x128xf32, #tpu.memory_space<hbm>>
    %dma_wait3A_4383 = arith.constant 0 : i32
    %dma_wait3A_4384 = tpu.memref_slice %arg9[%mul3A_2866, %dma_wait3A_4383] : memref<64x128xf32, #tpu.memory_space<vmem>> -> memref<32x128xf32, #tpu.memory_space<vmem>>
    tpu.wait_dma2 semaphore(%arg14 : memref<!tpu.dma_semaphore, #tpu.memory_space<semaphore_mem>>) src(%dma_wait3A_4384 : memref<32x128xf32, #tpu.memory_space<vmem>>) dst(%dma_wait3A_4382 : memref<32x128xf32, #tpu.memory_space<hbm>>)
    %dma_wait3A_4385 = arith.constant 0 : i32
    %dma_wait3A_4386 = tpu.memref_slice %arg9[%mul3A_2913, %dma_wait3A_4385] : memref<64x128xf32, #tpu.memory_space<vmem>> -> memref<32x128xf32, #tpu.memory_space<vmem>>
    %dma_wait3A_4387 = arith.constant 0 : i32
    %dma_wait3A_4388 = tpu.memref_slice %arg6[%add3A_2915, %dma_wait3A_4387] : memref<315392x128xf32, #tpu.memory_space<hbm>> -> memref<32x128xf32, #tpu.memory_space<hbm>>
    %dma_wait3A_4389 = arith.constant 0 : i32
    %dma_wait3A_4390 = tpu.memref_slice %arg6[%add3A_2915, %dma_wait3A_4389] : memref<315392x128xf32, #tpu.memory_space<hbm>> -> memref<32x128xf32, #tpu.memory_space<hbm>>
    %dma_wait3A_4391 = arith.constant 0 : i32
    %dma_wait3A_4392 = tpu.memref_slice %arg9[%mul3A_2913, %dma_wait3A_4391] : memref<64x128xf32, #tpu.memory_space<vmem>> -> memref<32x128xf32, #tpu.memory_space<vmem>>
    tpu.wait_dma2 semaphore(%arg14 : memref<!tpu.dma_semaphore, #tpu.memory_space<semaphore_mem>>) src(%dma_wait3A_4392 : memref<32x128xf32, #tpu.memory_space<vmem>>) dst(%dma_wait3A_4390 : memref<32x128xf32, #tpu.memory_space<hbm>>)
    %dma_wait3A_4393 = arith.constant 0 : i32
    %dma_wait3A_4394 = tpu.memref_slice %arg9[%mul3A_2960, %dma_wait3A_4393] : memref<64x128xf32, #tpu.memory_space<vmem>> -> memref<32x128xf32, #tpu.memory_space<vmem>>
    %dma_wait3A_4395 = arith.constant 0 : i32
    %dma_wait3A_4396 = tpu.memref_slice %arg6[%add3A_2962, %dma_wait3A_4395] : memref<315392x128xf32, #tpu.memory_space<hbm>> -> memref<32x128xf32, #tpu.memory_space<hbm>>
    %dma_wait3A_4397 = arith.constant 0 : i32
    %dma_wait3A_4398 = tpu.memref_slice %arg6[%add3A_2962, %dma_wait3A_4397] : memref<315392x128xf32, #tpu.memory_space<hbm>> -> memref<32x128xf32, #tpu.memory_space<hbm>>
    %dma_wait3A_4399 = arith.constant 0 : i32
    %dma_wait3A_4400 = tpu.memref_slice %arg9[%mul3A_2960, %dma_wait3A_4399] : memref<64x128xf32, #tpu.memory_space<vmem>> -> memref<32x128xf32, #tpu.memory_space<vmem>>
    tpu.wait_dma2 semaphore(%arg14 : memref<!tpu.dma_semaphore, #tpu.memory_space<semaphore_mem>>) src(%dma_wait3A_4400 : memref<32x128xf32, #tpu.memory_space<vmem>>) dst(%dma_wait3A_4398 : memref<32x128xf32, #tpu.memory_space<hbm>>)
    %dma_wait3A_4401 = arith.constant 0 : i32
    %dma_wait3A_4402 = tpu.memref_slice %arg9[%mul3A_3007, %dma_wait3A_4401] : memref<64x128xf32, #tpu.memory_space<vmem>> -> memref<32x128xf32, #tpu.memory_space<vmem>>
    %dma_wait3A_4403 = arith.constant 0 : i32
    %dma_wait3A_4404 = tpu.memref_slice %arg6[%add3A_3009, %dma_wait3A_4403] : memref<315392x128xf32, #tpu.memory_space<hbm>> -> memref<32x128xf32, #tpu.memory_space<hbm>>
    %dma_wait3A_4405 = arith.constant 0 : i32
    %dma_wait3A_4406 = tpu.memref_slice %arg6[%add3A_3009, %dma_wait3A_4405] : memref<315392x128xf32, #tpu.memory_space<hbm>> -> memref<32x128xf32, #tpu.memory_space<hbm>>
    %dma_wait3A_4407 = arith.constant 0 : i32
    %dma_wait3A_4408 = tpu.memref_slice %arg9[%mul3A_3007, %dma_wait3A_4407] : memref<64x128xf32, #tpu.memory_space<vmem>> -> memref<32x128xf32, #tpu.memory_space<vmem>>
    tpu.wait_dma2 semaphore(%arg14 : memref<!tpu.dma_semaphore, #tpu.memory_space<semaphore_mem>>) src(%dma_wait3A_4408 : memref<32x128xf32, #tpu.memory_space<vmem>>) dst(%dma_wait3A_4406 : memref<32x128xf32, #tpu.memory_space<hbm>>)
    %dma_wait3A_4409 = arith.constant 0 : i32
    %dma_wait3A_4410 = tpu.memref_slice %arg9[%mul3A_3054, %dma_wait3A_4409] : memref<64x128xf32, #tpu.memory_space<vmem>> -> memref<32x128xf32, #tpu.memory_space<vmem>>
    %dma_wait3A_4411 = arith.constant 0 : i32
    %dma_wait3A_4412 = tpu.memref_slice %arg6[%add3A_3056, %dma_wait3A_4411] : memref<315392x128xf32, #tpu.memory_space<hbm>> -> memref<32x128xf32, #tpu.memory_space<hbm>>
    %dma_wait3A_4413 = arith.constant 0 : i32
    %dma_wait3A_4414 = tpu.memref_slice %arg6[%add3A_3056, %dma_wait3A_4413] : memref<315392x128xf32, #tpu.memory_space<hbm>> -> memref<32x128xf32, #tpu.memory_space<hbm>>
    %dma_wait3A_4415 = arith.constant 0 : i32
    %dma_wait3A_4416 = tpu.memref_slice %arg9[%mul3A_3054, %dma_wait3A_4415] : memref<64x128xf32, #tpu.memory_space<vmem>> -> memref<32x128xf32, #tpu.memory_space<vmem>>
    tpu.wait_dma2 semaphore(%arg14 : memref<!tpu.dma_semaphore, #tpu.memory_space<semaphore_mem>>) src(%dma_wait3A_4416 : memref<32x128xf32, #tpu.memory_space<vmem>>) dst(%dma_wait3A_4414 : memref<32x128xf32, #tpu.memory_space<hbm>>)
    %dma_wait3A_4417 = arith.constant 0 : i32
    %dma_wait3A_4418 = tpu.memref_slice %arg9[%mul3A_3101, %dma_wait3A_4417] : memref<64x128xf32, #tpu.memory_space<vmem>> -> memref<32x128xf32, #tpu.memory_space<vmem>>
    %dma_wait3A_4419 = arith.constant 0 : i32
    %dma_wait3A_4420 = tpu.memref_slice %arg6[%add3A_3103, %dma_wait3A_4419] : memref<315392x128xf32, #tpu.memory_space<hbm>> -> memref<32x128xf32, #tpu.memory_space<hbm>>
    %dma_wait3A_4421 = arith.constant 0 : i32
    %dma_wait3A_4422 = tpu.memref_slice %arg6[%add3A_3103, %dma_wait3A_4421] : memref<315392x128xf32, #tpu.memory_space<hbm>> -> memref<32x128xf32, #tpu.memory_space<hbm>>
    %dma_wait3A_4423 = arith.constant 0 : i32
    %dma_wait3A_4424 = tpu.memref_slice %arg9[%mul3A_3101, %dma_wait3A_4423] : memref<64x128xf32, #tpu.memory_space<vmem>> -> memref<32x128xf32, #tpu.memory_space<vmem>>
    tpu.wait_dma2 semaphore(%arg14 : memref<!tpu.dma_semaphore, #tpu.memory_space<semaphore_mem>>) src(%dma_wait3A_4424 : memref<32x128xf32, #tpu.memory_space<vmem>>) dst(%dma_wait3A_4422 : memref<32x128xf32, #tpu.memory_space<hbm>>)
    %dma_wait3A_4425 = arith.constant 0 : i32
    %dma_wait3A_4426 = tpu.memref_slice %arg9[%mul3A_3148, %dma_wait3A_4425] : memref<64x128xf32, #tpu.memory_space<vmem>> -> memref<32x128xf32, #tpu.memory_space<vmem>>
    %dma_wait3A_4427 = arith.constant 0 : i32
    %dma_wait3A_4428 = tpu.memref_slice %arg6[%add3A_3150, %dma_wait3A_4427] : memref<315392x128xf32, #tpu.memory_space<hbm>> -> memref<32x128xf32, #tpu.memory_space<hbm>>
    %dma_wait3A_4429 = arith.constant 0 : i32
    %dma_wait3A_4430 = tpu.memref_slice %arg6[%add3A_3150, %dma_wait3A_4429] : memref<315392x128xf32, #tpu.memory_space<hbm>> -> memref<32x128xf32, #tpu.memory_space<hbm>>
    %dma_wait3A_4431 = arith.constant 0 : i32
    %dma_wait3A_4432 = tpu.memref_slice %arg9[%mul3A_3148, %dma_wait3A_4431] : memref<64x128xf32, #tpu.memory_space<vmem>> -> memref<32x128xf32, #tpu.memory_space<vmem>>
    tpu.wait_dma2 semaphore(%arg14 : memref<!tpu.dma_semaphore, #tpu.memory_space<semaphore_mem>>) src(%dma_wait3A_4432 : memref<32x128xf32, #tpu.memory_space<vmem>>) dst(%dma_wait3A_4430 : memref<32x128xf32, #tpu.memory_space<hbm>>)
    return
  }
}

module attributes {stable_mosaic.version = 14 : i64} {
  func.func @_eos_body(%arg0: memref<1024x60xi32, #tpu.memory_space<vmem>>, %arg1: memref<1024x1xi32, #tpu.memory_space<vmem>>) attributes {dimension_semantics = [], scalar_prefetch = 0 : i64, scratch_operands = 0 : i64, tpu.core_type = #tpu.core_type<tc>} {
    %get3A = arith.constant 0 : index
    %get3A_0 = arith.constant 0 : index
    %get3A_1 = vector.load %arg0[%get3A, %get3A_0] : memref<1024x60xi32, #tpu.memory_space<vmem>>, vector<1024x60xi32>
    %reduce_max3A = arith.constant dense<-2147483648> : vector<1024xi32>
    %reduce_max3A_2 = vector.multi_reduction <maxsi>, %get3A_1, %reduce_max3A [1] : vector<1024x60xi32> to vector<1024xi32>
    %broadcast_in_dim3A = vector.shape_cast %reduce_max3A_2 : vector<1024xi32> to vector<1024x1xi32>
    %iota3A = tpu.iota {dimensions = array<i32: 1>} : vector<1024x60xi32>
    %eq3A = vector.broadcast %broadcast_in_dim3A : vector<1024x1xi32> to vector<1024x60xi32>
    %eq3A_3 = arith.cmpi eq, %get3A_1, %eq3A : vector<1024x60xi32>
    %jit3A = arith.constant 60 : i32
    %broadcast_in_dim3A_4 = vector.broadcast %jit3A : i32 to vector<1024x60xi32>
    %select_n3A = arith.select %eq3A_3, %iota3A, %broadcast_in_dim3A_4 : vector<1024x60xi1>, vector<1024x60xi32>
    %reduce_min3A = arith.constant dense<2147483647> : vector<1024xi32>
    %reduce_min3A_5 = vector.multi_reduction <minsi>, %select_n3A, %reduce_min3A [1] : vector<1024x60xi32> to vector<1024xi32>
    %broadcast_in_dim3A_6 = vector.shape_cast %reduce_min3A_5 : vector<1024xi32> to vector<1024x1xi32>
    %add3A = arith.constant 17 : i32
    %add3A_7 = vector.broadcast %add3A : i32 to vector<1024x1xi32>
    %add3A_8 = arith.addi %broadcast_in_dim3A_6, %add3A_7 : vector<1024x1xi32>
    %swap3A = arith.constant 0 : index
    %swap3A_9 = arith.constant 0 : index
    %swap3A_10 = vector.load %arg1[%swap3A, %swap3A_9] : memref<1024x1xi32, #tpu.memory_space<vmem>>, vector<1024x1xi32>
    tpu.vector_store %arg1[%swap3A, %swap3A_9], %add3A_8 {strides = array<i32>} : memref<1024x1xi32, #tpu.memory_space<vmem>>, vector<1024x1xi32>,
    return
  }
}

</mosaic_0001>

<sc_bundles>
// kernel: kernel.4.cloned.1.call-start
scs
__scs_entry_jumppad:
0x0: {  	(pc) =	sbr.rel $0x88, $3  }
0x1: {  	(tag) =	ssettag $0x0;
	lr =	simm.s32 $0x1  }
0x2: {  	[smem:$0x3F9D] =	sst lr;
	_ =	strace $0xD0000000  }
0x3: {  	_ = 	snop  }
0x4: {  	_ = 	snop  }
0x5: {  	_ = 	snop  }
0x6: {  	_ = 	snop  }
0x7: {  	_ = 	snop  }
__scs_overlays_trampoline_lowered:
0x8: {  	[smem:$0x3FAC] =	sst s0  }
0x9: {  	[smem:$0x3FAD] =	sst s1  }
0xa: {  	[smem:$0x3FAE] =	sst s2  }
0xb: {  	[smem:$0x3FAF] =	sst s3  }
0xc: {  	[smem:$0x3FB0] =	sst s4  }
0xd: {  	[smem:$0x3FB1] =	sst s5  }
0xe: {  	[smem:$0x3FB2] =	sst s6  }
0xf: {  	[smem:$0x3FB3] =	sst s7  }
0x10: {  	[smem:$0x3FB4] =	sst s8  }
0x11: {  	[smem:$0x3FB5] =	sst s9;
	s0 =	simm.s32 @!p0 $0x0  }
0x12: {  	s1 =	sld [smem:$0x3F9B];
	s0 =	simm.s32 @p0 $0x1  }
0x13: {  	[smem:$0x3FB6] =	sst s0;
	s0 =	simm.s32 @!p1 $0x0  }
0x14: {  	s2 =	sld [smem:$0x3F9A];
	s0 =	simm.s32 @p1 $0x1  }
0x15: {  	[smem:$0x3FB7] =	sst s0;
	s0 =	simm.s32 @!p2 $0x0  }
0x16: {  	s3 =	sld [smem:$0x3FDB];
	s0 =	simm.s32 @p2 $0x1  }
0x17: {  	s4 =	simm.s32 $0x1BF5;
	[smem:$0x3FB9] =	sst s0  }
0x18: {  	s0 =	sld [smem:$0x3F9C];
	_ =	swait.ge [sflag:s4], $0x0  }
0x19: {  	s7 =	sld [smem:$0x3F9D]  }
0x1a: {  	s8 =	sadd.s32 $0xFFFFE003, lr  }
0x1b: {  	s9 =	sadd.s32 $0xFFFFFEF7, lr;
	s5 =	simm.s32 $0xFFFFFFFF;
	p2 =	slt.u32 s8, $0xFFFFF086  }
0x1c: {  	p1 =	slt.u32 s9, $0xF7A;
	s5 =	simm.s32 @!p2 $0x0  }
0x1d: {  	s5 =	simm.s32 @p1 $0x1;
	p0 =	seq.s32 s7, s2  }
0x1e: {  	s7 =	smul.u32 @!p0 $0xF7A, s2;
	p2 =	seq.s32 @!p0 s5, $0x0  }
0x1f: {  	s9 =	smul.u32 $0xF7A, s1;
	s8 =	simm.s32 @!p0 $0x1BF5;
	p2 =	por !p2, p0  }
0x20: {  	[sflag:s8] =	ssyncset.s32 @!p0 $0xFFFFF086;
	s6 =	sadd.s32 @!p0 s3, s7;
	s7 =	simm.s32 @!p0 $0x108  }
0x21: {  	s3 =	sadd.s32 s3, s9;
	s6 =	sadd.s32 @!p0 $0x88, s6;
	s7 =	simm.s32 @p2 $0x1082  }
0x22: {  	[simem:s7], [sflag:s8] =	dma.local @!p0 [hbm:s6], $0xF7A  }
0x23: {  	s9 =	sor.u32 $0xD0000000, s2;
	s6 =	simm.s32 $0x108;
	_ =	swait.ge @!p0 [sflag:s8], $0x0  }
0x24: {  	s3 =	sadd.s32 $0x88, s3;
	s6 =	simm.s32 @!p1 $0x1082;
	[sflag:s4] =	ssyncset.s32 $0xFFFFF086  }
0x25: {  	[simem:s6], [sflag:s4] =	dma.local [hbm:s3], $0xF7A  }
0x26: {  	[smem:$0x3F9D] =	sst s1;
	(tag) =	ssettag s2;
	_ =	strace s9  }
0x27: {  	s1 =	sld [smem:$0x3FAD]  }
0x28: {  	s2 =	sld [smem:$0x3FAE]  }
0x29: {  	s4 =	sld [smem:$0x3FB0]  }
0x2a: {  	p0 =	seq.s32 s5, $0x0;
	s5 =	sld [smem:$0x3FB1]  }
0x2b: {  	s6 =	sld [smem:$0x3FB2]  }
0x2c: {  	s7 =	sld [smem:$0x3FB3]  }
0x2d: {  	s3 =	simm.s32 $0x108;
	s8 =	sld [smem:$0x3FB4]  }
0x2e: {  	s3 =	simm.s32 @!p0 $0x1082;
	s9 =	sld [smem:$0x3FB5]  }
0x2f: {  	lr =	sadd.s32 s0, s3;
	s0 =	sld [smem:$0x3FAC]  }
0x30: {  	s3 =	sld [smem:$0x3FAF]  }
0x31: {  	[smem:$0x3FB8] =	sst s10  }
0x32: {  	s10 =	sld [smem:$0x3FB6];
	_ =	sdelay $0x3  }
0x33: {  	p0 =	seq.s32 s10, $0x1;
	s10 =	sld [smem:$0x3FB8];
	_ =	sdelay $0x3  }
0x34: {  	[smem:$0x3FB8] =	sst s10  }
0x35: {  	s10 =	sld [smem:$0x3FB7];
	_ =	sdelay $0x3  }
0x36: {  	p1 =	seq.s32 s10, $0x1;
	s10 =	sld [smem:$0x3FB8];
	_ =	sdelay $0x3  }
0x37: {  	[smem:$0x3FB8] =	sst s10  }
0x38: {  	s10 =	sld [smem:$0x3FB9]  }
0x39: {  	_ = 	snop;
	(pc) =	sbr.ind lr, $3  }
0x3a: {  	_ = 	snop  }
0x3b: {  	_ = 	snop  }
0x3c: {  	p2 =	seq.s32 s10, $0x1;
	s10 =	sld [smem:$0x3FB8]  }
0x3d: {  	_ =	shalt  }
0x3e: {  	_ =	shalt  }
0x3f: {  	_ =	shalt  }
0x40: {  	_ =	shalt  }
0x41: {  	_ =	shalt  }
0x42: {  	_ =	shalt  }
0x43: {  	_ =	shalt  }
0x44: {  	_ =	shalt  }
0x45: {  	_ =	shalt  }
0x46: {  	_ =	shalt  }
0x47: {  	_ =	shalt  }
0x48: {  	_ =	shalt  }
0x49: {  	_ =	shalt  }
0x4a: {  	_ =	shalt  }
0x4b: {  	_ =	shalt  }
0x4c: {  	_ =	shalt  }
0x4d: {  	_ =	shalt  }
0x4e: {  	_ =	shalt  }
0x4f: {  	_ =	shalt  }
0x50: {  	_ =	shalt  }
0x51: {  	_ =	shalt  }
0x52: {  	_ =	shalt  }
0x53: {  	_ =	shalt  }
0x54: {  	_ =	shalt  }
0x55: {  	_ =	shalt  }
0x56: {  	_ =	shalt  }
0x57: {  	_ =	shalt  }
0x58: {  	_ =	shalt  }
0x59: {  	_ =	shalt  }
0x5a: {  	_ =	shalt  }
0x5b: {  	_ =	shalt  }
0x5c: {  	_ =	shalt  }
0x5d: {  	_ =	shalt  }
0x5e: {  	_ =	shalt  }
0x5f: {  	_ =	shalt  }
0x60: {  	_ =	shalt  }
0x61: {  	_ =	shalt  }
0x62: {  	_ =	shalt  }
0x63: {  	_ =	shalt  }
0x64: {  	_ =	shalt  }
0x65: {  	_ =	shalt  }
0x66: {  	_ =	shalt  }
0x67: {  	_ =	shalt  }
0x68: {  	_ =	shalt  }
0x69: {  	_ =	shalt  }
0x6a: {  	_ =	shalt  }
0x6b: {  	_ =	shalt  }
0x6c: {  	_ =	shalt  }
0x6d: {  	_ =	shalt  }
0x6e: {  	_ =	shalt  }
0x6f: {  	_ =	shalt  }
0x70: {  	_ =	shalt  }
0x71: {  	_ =	shalt  }
0x72: {  	_ =	shalt  }
0x73: {  	_ =	shalt  }
0x74: {  	_ =	shalt  }
0x75: {  	_ =	shalt  }
0x76: {  	_ =	shalt  }
0x77: {  	_ =	shalt  }
0x78: {  	_ =	shalt  }
0x79: {  	_ =	shalt  }
0x7a: {  	_ =	shalt  }
0x7b: {  	_ =	shalt  }
0x7c: {  	_ =	shalt  }
0x7d: {  	_ =	shalt  }
0x7e: {  	_ =	shalt  }
0x7f: {  	_ =	shalt  }
0x80: {  	_ =	shalt  }
0x81: {  	_ =	shalt  }
0x82: {  	_ =	shalt  }
0x83: {  	_ =	shalt  }
0x84: {  	_ =	shalt  }
0x85: {  	_ =	shalt  }
0x86: {  	_ =	shalt  }
0x87: {  	_ =	shalt  }
.Lfunc_end0:
.L_simem_size_0:
called_computation_lowered:
.L_overlay_start_0:
0x88: {  	s2 =	sld [smem:$0x3FD9]  }
0x89: {  	s3 =	sld [smem:$0x3FFE];
	_ =	sdelay $0x1  }
0x8a: {  	s1 =	srdreg.scid  }
0x8b: {  	s0 =	sand.u32 $0x1, s1  }
0x8c: {  	s14 =	sshll.u32 s0, $0xA;
	s2 =	sadd.s32 s3, s2  }
0x8d: {  	s2 =	sadd.s32 s2, s14  }
0x8e: {  	[smem:$0x3FC4] =	sst s2  }
0x8f: {  	_ = 	snop  }
0x90: {  	s2 =	sld [smem:$0x3FD0];
	_ =	sdelay $0x2  }
0x91: {  	s4 =	simm.s32 $0xA;
	s5 =	simm.s32 $0x10;
	s15 =	sld [smem:$0x3FC8]  }
0x92: {  	[smem:s5], [sflag:s4] =	dma.local [hbm:s2], $0x1  }
0x93: {  	_ =	swait.eq [sflag:s4], $0x1  }
0x94: {  	[sflag:s4] =	ssyncset.done $0x0  }
0x95: {  	[sflag:s4] =	ssyncadd.s32 $0xFFFFFFFF  }
0x96: {  	s16 =	sld [smem:$0x10];
	(tm) =	ssettm $0x1  }
0x97: {  	s17 =	sld [smem:$0x3FFB];
	_ =	sdelay $0x3  }
0x98: {  	_ =	strace s17  }
0x99: {  	s4 =	sld [smem:$0x3FFC];
	_ =	sdelay $0x3  }
0x9a: {  	_ =	strace s4  }
0x9b: {  	s4 =	sld [smem:$0x3FFD];
	_ =	sdelay $0x3  }
0x9c: {  	_ =	strace s4  }
0x9d: {  	_ =	strace $0x8FFFFFFF  }
0x9e: {  	s18 =	sld [smem:$0x3FDB];
	_ =	sdelay $0x1  }
0x9f: {  	s19 =	simm.s32 $_scs_section_size  }
0xa0: {  	s6 =	simm.s32 $_size__tile_overlayer_lowered;
	s7 =	simm.s32 $_tile_overlayer_lowered  }
0xa1: {  	s22 =	simm.s32 $0x1BFF;
	s21 =	sshll.u32 s7, $0x1;
	s4 =	sadd.s32 s19, s18  }
0xa2: {  	s8 =	simm.s32 $0x0;
	s20 =	sshll.u32 s6, $0x1;
	s6 =	sadd.s32 s21, s4  }
0xa3: {  	[timem:s8], [sflag:s22] =	dma.local [hbm:s6], s20  }
0xa4: {  	_ =	swait.ge [sflag:s22], s20  }
0xa5: {  	s5 =	ssub.s32 $0x0, s20;
	[sflag:s22] =	ssyncset.done $0x0  }
0xa6: {  	[sflag:s22] =	ssyncadd.s32 s5;
	_ =	sdelay $0x1  }
0xa7: {  	s23 =	simm.s32 $0x1B8B  }
0xa8: {  	_ =	swait.ge [sflag:s23], $0x1  }
0xa9: {  	[sflag:s23] =	ssyncset.done $0x0  }
0xaa: {  	s25 =	simm.s32 $0x1B8E;
	s24 =	sld [smem:$0x3FFE];
	[sflag:s23] =	ssyncadd.s32 $0xFFFFFFFF  }
0xab: {  	s26 =	simm.s32 $execute0_lowered;
	[smem:$0x3FD2] =	sst s25  }
0xac: {  	s6 =	sshll.u32 s26, $0x1;
	_ =	strace $0x80000046;
	[dreg:$0x1] =	wrdreg $0xFFFFFFFF  }
0xad: {  	s28 =	simm.s32 $_size_execute0_lowered;
	s4 =	sadd.s32 s4, s6;
	[dreg:$0x0] =	wrdreg $0x0  }
0xae: {  	s6 =	sshll.u32 s28, $0x1;
	[dreg:$0x2] =	wrdreg s4  }
0xaf: {  	[dreg:$0x3] =	wrdreg s6  }
0xb0: {  	[dreg:$0x4] =	wrdreg $0xC0  }
0xb1: {  	_ =	task [dreg:s8], $0x5FFFF  }
0xb2: {  	[dreg:$0x1] =	wrdreg $0xFFFFFFFF  }
0xb3: {  	[dreg:$0x0] =	wrdreg $0x60  }
0xb4: {  	[dreg:$0x2] =	wrdreg s24  }
0xb5: {  	[dreg:$0x3] =	wrdreg s15  }
0xb6: {  	[dreg:$0x4] =	wrdreg s16  }
0xb7: {  	[dreg:$0x5] =	wrdreg $0x9  }
0xb8: {  	_ =	task.clear_ibuf [dreg:s8], $0x6FFFF;
	_ =	strace $0x90000046  }
0xb9: {  	s29 =	simm.s32 $0x9;
	_ =	strace $0x80000048  }
0xba: {  	_ =	swait.ge [sflag:s29], $0x1  }
0xbb: {  	[sflag:s29] =	ssyncadd.s32 $0xFFFFFFFF  }
0xbc: {  	_ =	strace $0x90000048  }
0xbd: {  	_ =	sfence  }
0xbe: {  	s30 =	sld [smem:$0x0];
	_ =	sdelay $0x2  }
0xbf: {  	s31 =	sshll.u32 s1, $0xD;
	s1 =	sshrl.u32 s1, $0x2  }
0xc0: {  	s3 =	sand.u32 $0x4000, s31;
	s1 =	sadd.s32 s1, s30  }
0xc1: {  	s0 =	sor.u32 s3, s0;
	s1 =	sshll.u32 s1, $0x11  }
0xc2: {  	s0 =	sor.u32 s1, s0  }
0xc3: {  	s0 =	sadd.s32 $0x8F2B, s0  }
0xc4: {  	[sflag:s0] =	ssyncadd.remote.s32 $0x1  }
0xc5: {  	_ =	sfence.sel $0xFFFF  }
0xc6: {  	[dreg:$0x0] =	wrdreg $0xFFFFFFFF;
	(pc) =	sbr.abs _section_cstart, $3  }
0xc7: {  	[dreg:$0x1] =	wrdreg $0xFFFFFFFF  }
0xc8: {  	_ =	task.clear_ibuf [dreg:s8], $0x2FFFF;
	_ =	strace $0x9FFFFFFF  }
0xc9: {  	(tm) =	ssettm $0x7FFFFFFF  }
tec
execute0_lowered:
.L_overlay_start_1:
0x0: {  	(tag) =	ssettag $0x1  }
0x1: {  	s2 =	srdreg.scid  }
0x2: {  	s4 =	rddreg [dreg:$0x0];
	s5 =	sand.u32 $0x1, s2  }
0x3: {  	s1 =	rddreg [dreg:$0x1];
	s19 =	stileid.u32;
	s6 =	sshll.u32 s5, $0x4  }
0x4: {  	s0 =	rddreg [dreg:$0x2];
	s3 =	simm.s32 $0x0;
	s6 =	sor.u32 s19, s6  }
0x5: {  	[smem:$0x7FF] =	sst s3;
	s7 =	sadd.s32 $0x4A00, s4;
	s9 =	smul.u32 $0x3C0, s6  }
0x6: {  	_ =	strace $0x80000047;
	s8 =	sshll.u32 s6, $0x3;
	s10 =	smul.u32 $0x8800, s6  }
0x7: {  	[dreg:$0x4] =	wrdreg s7;
	s7 =	smul.u32 $0x880, s6;
	s8 =	sadd.s32 s8, s4  }
0x8: {  	s6 =	smul.u32 $0xF0000, s6;
	s4 =	sadd.s32 s9, s4;
	s8 =	sadd.s32 $0x800, s8  }
0x9: {  	s23 =	sadd.s32 $0x80, s7;
	s26 =	sadd.s32 $0xA0, s7;
	s13 =	sadd.s32 $0xC0, s7  }
0xa: {  	s18 =	sadd.s32 $0xE0, s7;
	s6 =	sshrl.u32 s6, $0x3;
	[dreg:$0x5] =	wrdreg s8  }
0xb: {  	s20 =	sadd.s32 $0xD200, s4;
	s4 =	sadd.s32 s0, s10;
	s8 =	sshrl.u32 s7, $0xC  }
0xc: {  	s11 =	sshrl.u32 s23, $0xC;
	s10 =	sshll.u32 s23, $0x4;
	s12 =	sshrl.u32 s26, $0xC  }
0xd: {  	s15 =	sshrl.u32 s13, $0xC;
	s17 =	sshll.u32 s13, $0x4;
	s19 =	sshrl.u32 s18, $0xC  }
0xe: {  	[dreg:$0x6] =	wrdreg s20;
	s21 =	sadd.s32 $0x200, s4;
	s22 =	sadd.s32 $0x400, s4  }
0xf: {  	s24 =	sadd.s32 $0x600, s4;
	s25 =	ssub.s32 s11, s8;
	[dreg:$0x7] =	wrdreg s21  }
0x10: {  	s10 =	sadd.s32 s0, s10;
	s2 =	ssub.s32 s12, s8;
	[dreg:$0x8] =	wrdreg s22  }
0x11: {  	s12 =	sshll.u32 s26, $0x4;
	s16 =	ssub.s32 s15, s8;
	[dreg:$0x9] =	wrdreg s24  }
0x12: {  	s20 =	ssub.s32 s19, s8;
	s9 =	sshll.u32 s25, $0xE;
	[dreg:$0xa] =	wrdreg s10  }
0x13: {  	s10 =	sshll.u32 s2, $0xE;
	s21 =	sshll.u32 s18, $0x4;
	s22 =	sadd.s32 $0x100, s7  }
0x14: {  	s2 =	sadd.s32 $0x120, s7;
	s9 =	sshra.s32 s9, $0x2;
	s10 =	sshra.s32 s10, $0x2  }
0x15: {  	s24 =	sshrl.u32 s22, $0xC;
	s26 =	sshll.u32 s22, $0x4;
	s9 =	sadd.s32 $0x1E40, s9  }
0x16: {  	s13 =	sshrl.u32 s2, $0xC;
	s14 =	sadd.s32 $0x1E40, s10;
	[dreg:$0xb] =	wrdreg s9  }
0x17: {  	s15 =	sshll.u32 s2, $0x4;
	s10 =	sadd.s32 s0, s17;
	[dreg:$0xd] =	wrdreg s14  }
0x18: {  	s25 =	ssub.s32 s24, s8;
	s9 =	sadd.s32 s0, s12;
	[dreg:$0xe] =	wrdreg s10  }
0x19: {  	s10 =	sshll.u32 s20, $0xE;
	s14 =	ssub.s32 s13, s8;
	[dreg:$0xc] =	wrdreg s9  }
0x1a: {  	s9 =	sshll.u32 s16, $0xE;
	s10 =	sshra.s32 s10, $0x2;
	s16 =	sadd.s32 $0x140, s7  }
0x1b: {  	s9 =	sshra.s32 s9, $0x2;
	s23 =	sadd.s32 $0x1E40, s10;
	s10 =	sadd.s32 s0, s26  }
0x1c: {  	s18 =	sshrl.u32 s16, $0xC;
	s20 =	sshll.u32 s16, $0x4;
	[dreg:$0x11] =	wrdreg s23  }
0x1d: {  	s9 =	sadd.s32 $0x1E40, s9;
	[dreg:$0x12] =	wrdreg s10;
	s10 =	sshll.u32 s14, $0xE  }
0x1e: {  	s19 =	ssub.s32 s18, s8;
	s14 =	sadd.s32 $0x1A0, s7;
	s18 =	sadd.s32 $0x1C0, s7  }
0x1f: {  	[dreg:$0xf] =	wrdreg s9;
	s9 =	sadd.s32 s0, s21;
	s10 =	sshra.s32 s10, $0x2  }
0x20: {  	s21 =	sadd.s32 $0x160, s7;
	[dreg:$0x10] =	wrdreg s9;
	s9 =	sshll.u32 s25, $0xE  }
0x21: {  	s17 =	sadd.s32 $0x1E40, s10;
	s10 =	sadd.s32 s0, s20;
	s22 =	sshrl.u32 s21, $0xC  }
0x22: {  	s24 =	sshll.u32 s21, $0x4;
	s25 =	sadd.s32 $0x180, s7;
	[dreg:$0x15] =	wrdreg s17  }
0x23: {  	s20 =	sshrl.u32 s18, $0xC;
	s9 =	sshra.s32 s9, $0x2;
	[dreg:$0x16] =	wrdreg s10  }
0x24: {  	s23 =	ssub.s32 s22, s8;
	s2 =	sshrl.u32 s25, $0xC;
	s13 =	sshll.u32 s25, $0x4  }
0x25: {  	s17 =	sshll.u32 s14, $0x4;
	s21 =	ssub.s32 s20, s8;
	s22 =	sshll.u32 s18, $0x4  }
0x26: {  	s20 =	sadd.s32 $0x240, s7;
	s9 =	sadd.s32 $0x1E40, s9;
	s10 =	sshll.u32 s23, $0xE  }
0x27: {  	s12 =	ssub.s32 s2, s8;
	s23 =	sadd.s32 $0x1E0, s7;
	s2 =	sadd.s32 $0x200, s7  }
0x28: {  	[dreg:$0x13] =	wrdreg s9;
	s9 =	sadd.s32 s0, s15;
	s10 =	sshra.s32 s10, $0x2  }
0x29: {  	s15 =	sshrl.u32 s14, $0xC;
	[dreg:$0x14] =	wrdreg s9;
	s9 =	sshll.u32 s19, $0xE  }
0x2a: {  	s26 =	sadd.s32 $0x1E40, s10;
	s10 =	sadd.s32 s0, s13;
	s16 =	ssub.s32 s15, s8  }
0x2b: {  	s13 =	sshrl.u32 s2, $0xC;
	s15 =	sshll.u32 s2, $0x4;
	[dreg:$0x19] =	wrdreg s26  }
0x2c: {  	s9 =	sshra.s32 s9, $0x2;
	[dreg:$0x1a] =	wrdreg s10;
	s10 =	sshll.u32 s16, $0xE  }
0x2d: {  	s26 =	sshll.u32 s23, $0x4;
	s14 =	ssub.s32 s13, s8;
	s16 =	sadd.s32 $0x220, s7  }
0x2e: {  	s13 =	sadd.s32 $0x280, s7;
	s9 =	sadd.s32 $0x1E40, s9;
	s10 =	sshra.s32 s10, $0x2  }
0x2f: {  	[dreg:$0x17] =	wrdreg s9;
	s9 =	sadd.s32 s0, s24;
	s19 =	sadd.s32 $0x1E40, s10  }
0x30: {  	s10 =	sadd.s32 s0, s22;
	s24 =	sshrl.u32 s23, $0xC;
	[dreg:$0x18] =	wrdreg s9  }
0x31: {  	s22 =	sshrl.u32 s20, $0xC;
	s9 =	sshll.u32 s12, $0xE;
	[dreg:$0x1d] =	wrdreg s19  }
0x32: {  	[dreg:$0x1e] =	wrdreg s10;
	s25 =	ssub.s32 s24, s8;
	s19 =	sshll.u32 s16, $0x4  }
0x33: {  	s23 =	ssub.s32 s22, s8;
	s24 =	sshll.u32 s20, $0x4;
	s9 =	sshra.s32 s9, $0x2  }
0x34: {  	s22 =	sadd.s32 $0x2C0, s7;
	s10 =	sshll.u32 s25, $0xE;
	s9 =	sadd.s32 $0x1E40, s9  }
0x35: {  	s10 =	sshra.s32 s10, $0x2;
	[dreg:$0x1b] =	wrdreg s9;
	s9 =	sadd.s32 s0, s17  }
0x36: {  	s25 =	sadd.s32 $0x260, s7;
	s12 =	sadd.s32 $0x1E40, s10;
	[dreg:$0x1c] =	wrdreg s9  }
0x37: {  	s10 =	sadd.s32 s0, s15;
	s17 =	sshrl.u32 s16, $0xC;
	[smem:$0x765] =	sst s12  }
0x38: {  	s15 =	sshrl.u32 s13, $0xC;
	s9 =	sshll.u32 s21, $0xE;
	[smem:$0x766] =	sst s10  }
0x39: {  	s18 =	ssub.s32 s17, s8;
	s12 =	sshll.u32 s25, $0x4;
	s16 =	ssub.s32 s15, s8  }
0x3a: {  	s17 =	sshll.u32 s13, $0x4;
	s9 =	sshra.s32 s9, $0x2;
	s10 =	sshll.u32 s18, $0xE  }
0x3b: {  	s18 =	sadd.s32 $0x2A0, s7;
	s9 =	sadd.s32 $0x1E40, s9;
	s10 =	sshra.s32 s10, $0x2  }
0x3c: {  	[dreg:$0x1f] =	wrdreg s9;
	s9 =	sadd.s32 s0, s26;
	s21 =	sadd.s32 $0x1E40, s10  }
0x3d: {  	s10 =	sadd.s32 s0, s24;
	s26 =	sshrl.u32 s25, $0xC;
	[smem:$0x764] =	sst s9  }
0x3e: {  	s24 =	sshrl.u32 s22, $0xC;
	s9 =	sshll.u32 s14, $0xE;
	[smem:$0x769] =	sst s21  }
0x3f: {  	[smem:$0x76A] =	sst s10;
	s2 =	ssub.s32 s26, s8;
	s21 =	sshll.u32 s18, $0x4  }
0x40: {  	s25 =	ssub.s32 s24, s8;
	s26 =	sshll.u32 s22, $0x4;
	s9 =	sshra.s32 s9, $0x2  }
0x41: {  	s10 =	sshll.u32 s2, $0xE;
	s2 =	sadd.s32 $0x2E0, s7;
	s9 =	sadd.s32 $0x1E40, s9  }
0x42: {  	s10 =	sshra.s32 s10, $0x2;
	s13 =	sshrl.u32 s2, $0xC;
	[smem:$0x767] =	sst s9  }
0x43: {  	s9 =	sadd.s32 s0, s19;
	s14 =	sadd.s32 $0x1E40, s10;
	s10 =	sadd.s32 s0, s17  }
0x44: {  	s19 =	sshrl.u32 s18, $0xC;
	[smem:$0x768] =	sst s9;
	s9 =	sshll.u32 s23, $0xE  }
0x45: {  	[smem:$0x76D] =	sst s14;
	s20 =	ssub.s32 s19, s8;
	s9 =	sshra.s32 s9, $0x2  }
0x46: {  	[smem:$0x76E] =	sst s10;
	s10 =	sshll.u32 s20, $0xE;
	s9 =	sadd.s32 $0x1E40, s9  }
0x47: {  	s10 =	sshra.s32 s10, $0x2;
	[smem:$0x76B] =	sst s9;
	s9 =	sadd.s32 s0, s12  }
0x48: {  	s15 =	sshll.u32 s2, $0x4;
	s23 =	sadd.s32 $0x1E40, s10;
	[smem:$0x76C] =	sst s9  }
0x49: {  	s14 =	ssub.s32 s13, s8;
	s10 =	sadd.s32 s0, s26;
	[smem:$0x771] =	sst s23  }
0x4a: {  	s9 =	sshll.u32 s16, $0xE;
	[smem:$0x772] =	sst s10;
	s10 =	sshll.u32 s14, $0xE  }
0x4b: {  	s16 =	sadd.s32 $0x300, s7;
	s14 =	sadd.s32 $0x360, s7;
	s9 =	sshra.s32 s9, $0x2  }
0x4c: {  	s10 =	sshra.s32 s10, $0x2;
	s18 =	sshrl.u32 s16, $0xC;
	s20 =	sshll.u32 s16, $0x4  }
0x4d: {  	s9 =	sadd.s32 $0x1E40, s9;
	s17 =	sadd.s32 $0x1E40, s10;
	s19 =	ssub.s32 s18, s8  }
0x4e: {  	s10 =	sadd.s32 s0, s20;
	s18 =	sadd.s32 $0x380, s7;
	[smem:$0x76F] =	sst s9  }
0x4f: {  	s9 =	sadd.s32 s0, s21;
	[smem:$0x775] =	sst s17;
	s21 =	sadd.s32 $0x320, s7  }
0x50: {  	[smem:$0x776] =	sst s10;
	s17 =	sshll.u32 s14, $0x4;
	s20 =	sshrl.u32 s18, $0xC  }
0x51: {  	[smem:$0x770] =	sst s9;
	s9 =	sshll.u32 s25, $0xE;
	s22 =	sshrl.u32 s21, $0xC  }
0x52: {  	s24 =	sshll.u32 s21, $0x4;
	s25 =	sadd.s32 $0x340, s7;
	s21 =	ssub.s32 s20, s8  }
0x53: {  	s20 =	sadd.s32 $0x400, s7;
	s9 =	sshra.s32 s9, $0x2;
	s23 =	ssub.s32 s22, s8  }
0x54: {  	s2 =	sshrl.u32 s25, $0xC;
	s13 =	sshll.u32 s25, $0x4;
	s22 =	sshll.u32 s18, $0x4  }
0x55: {  	s9 =	sadd.s32 $0x1E40, s9;
	s10 =	sshll.u32 s23, $0xE;
	s12 =	ssub.s32 s2, s8  }
0x56: {  	s23 =	sadd.s32 $0x3A0, s7;
	s2 =	sadd.s32 $0x3C0, s7;
	[smem:$0x773] =	sst s9  }
0x57: {  	s9 =	sadd.s32 s0, s15;
	s10 =	sshra.s32 s10, $0x2;
	s15 =	sshrl.u32 s14, $0xC  }
0x58: {  	[smem:$0x774] =	sst s9;
	s9 =	sshll.u32 s19, $0xE;
	s26 =	sadd.s32 $0x1E40, s10  }
0x59: {  	s10 =	sadd.s32 s0, s13;
	s16 =	ssub.s32 s15, s8;
	s13 =	sshrl.u32 s2, $0xC  }
0x5a: {  	s15 =	sshll.u32 s2, $0x4;
	s9 =	sshra.s32 s9, $0x2;
	[smem:$0x779] =	sst s26  }
0x5b: {  	[smem:$0x77A] =	sst s10;
	s10 =	sshll.u32 s16, $0xE;
	s26 =	sshll.u32 s23, $0x4  }
0x5c: {  	s14 =	ssub.s32 s13, s8;
	s16 =	sadd.s32 $0x3E0, s7;
	s9 =	sadd.s32 $0x1E40, s9  }
0x5d: {  	s10 =	sshra.s32 s10, $0x2;
	[smem:$0x777] =	sst s9;
	s9 =	sadd.s32 s0, s24  }
0x5e: {  	s13 =	sadd.s32 $0x440, s7;
	s19 =	sadd.s32 $0x1E40, s10;
	[smem:$0x778] =	sst s9  }
0x5f: {  	s10 =	sadd.s32 s0, s22;
	s24 =	sshrl.u32 s23, $0xC;
	[smem:$0x77D] =	sst s19  }
0x60: {  	s22 =	sshrl.u32 s20, $0xC;
	s9 =	sshll.u32 s12, $0xE;
	[smem:$0x77E] =	sst s10  }
0x61: {  	s25 =	ssub.s32 s24, s8;
	s19 =	sshll.u32 s16, $0x4;
	s23 =	ssub.s32 s22, s8  }
0x62: {  	s24 =	sshll.u32 s20, $0x4;
	s22 =	sadd.s32 $0x480, s7;
	s9 =	sshra.s32 s9, $0x2  }
0x63: {  	s10 =	sshll.u32 s25, $0xE;
	s25 =	sadd.s32 $0x420, s7;
	s9 =	sadd.s32 $0x1E40, s9  }
0x64: {  	s10 =	sshra.s32 s10, $0x2;
	[smem:$0x77B] =	sst s9;
	s9 =	sadd.s32 s0, s17  }
0x65: {  	s12 =	sadd.s32 $0x1E40, s10;
	s10 =	sadd.s32 s0, s15;
	[smem:$0x77C] =	sst s9  }
0x66: {  	s17 =	sshrl.u32 s16, $0xC;
	s15 =	sshrl.u32 s13, $0xC;
	[smem:$0x781] =	sst s12  }
0x67: {  	s9 =	sshll.u32 s21, $0xE;
	[smem:$0x782] =	sst s10;
	s18 =	ssub.s32 s17, s8  }
0x68: {  	s12 =	sshll.u32 s25, $0x4;
	s16 =	ssub.s32 s15, s8;
	s9 =	sshra.s32 s9, $0x2  }
0x69: {  	s17 =	sshll.u32 s13, $0x4;
	s10 =	sshll.u32 s18, $0xE;
	s9 =	sadd.s32 $0x1E40, s9  }
0x6a: {  	s10 =	sshra.s32 s10, $0x2;
	[smem:$0x77F] =	sst s9;
	s9 =	sadd.s32 s0, s26  }
0x6b: {  	s18 =	sadd.s32 $0x460, s7;
	s21 =	sadd.s32 $0x1E40, s10;
	[smem:$0x780] =	sst s9  }
0x6c: {  	s10 =	sadd.s32 s0, s24;
	s26 =	sshrl.u32 s25, $0xC;
	[smem:$0x785] =	sst s21  }
0x6d: {  	s24 =	sshrl.u32 s22, $0xC;
	s9 =	sshll.u32 s14, $0xE;
	[smem:$0x786] =	sst s10  }
0x6e: {  	s2 =	ssub.s32 s26, s8;
	s21 =	sshll.u32 s18, $0x4;
	s25 =	ssub.s32 s24, s8  }
0x6f: {  	s26 =	sshll.u32 s22, $0x4;
	s9 =	sshra.s32 s9, $0x2;
	s10 =	sshll.u32 s2, $0xE  }
0x70: {  	s2 =	sadd.s32 $0x4A0, s7;
	s9 =	sadd.s32 $0x1E40, s9;
	s10 =	sshra.s32 s10, $0x2  }
0x71: {  	s13 =	sshrl.u32 s2, $0xC;
	s15 =	sshll.u32 s2, $0x4;
	[smem:$0x783] =	sst s9  }
0x72: {  	s9 =	sadd.s32 s0, s19;
	s14 =	sadd.s32 $0x1E40, s10;
	s10 =	sadd.s32 s0, s17  }
0x73: {  	s19 =	sshrl.u32 s18, $0xC;
	[smem:$0x784] =	sst s9;
	s9 =	sshll.u32 s23, $0xE  }
0x74: {  	[smem:$0x789] =	sst s14;
	s20 =	ssub.s32 s19, s8;
	s9 =	sshra.s32 s9, $0x2  }
0x75: {  	[smem:$0x78A] =	sst s10;
	s10 =	sshll.u32 s20, $0xE;
	s9 =	sadd.s32 $0x1E40, s9  }
0x76: {  	s10 =	sshra.s32 s10, $0x2;
	[smem:$0x787] =	sst s9;
	s9 =	sadd.s32 s0, s12  }
0x77: {  	s14 =	ssub.s32 s13, s8;
	s23 =	sadd.s32 $0x1E40, s10;
	[smem:$0x788] =	sst s9  }
0x78: {  	s10 =	sadd.s32 s0, s26;
	s9 =	sshll.u32 s16, $0xE;
	[smem:$0x78D] =	sst s23  }
0x79: {  	[smem:$0x78E] =	sst s10;
	s10 =	sshll.u32 s14, $0xE;
	s16 =	sadd.s32 $0x4C0, s7  }
0x7a: {  	s14 =	sadd.s32 $0x520, s7;
	s9 =	sshra.s32 s9, $0x2;
	s10 =	sshra.s32 s10, $0x2  }
0x7b: {  	s18 =	sshrl.u32 s16, $0xC;
	s20 =	sshll.u32 s16, $0x4;
	s9 =	sadd.s32 $0x1E40, s9  }
0x7c: {  	s17 =	sadd.s32 $0x1E40, s10;
	s19 =	ssub.s32 s18, s8;
	[smem:$0x78B] =	sst s9  }
0x7d: {  	s10 =	sadd.s32 s0, s20;
	s18 =	sadd.s32 $0x540, s7;
	[smem:$0x791] =	sst s17  }
0x7e: {  	s9 =	sadd.s32 s0, s21;
	s21 =	sadd.s32 $0x4E0, s7;
	[smem:$0x792] =	sst s10  }
0x7f: {  	s17 =	sshll.u32 s14, $0x4;
	s20 =	sshrl.u32 s18, $0xC;
	[smem:$0x78C] =	sst s9  }
0x80: {  	s9 =	sshll.u32 s25, $0xE;
	s22 =	sshrl.u32 s21, $0xC;
	s24 =	sshll.u32 s21, $0x4  }
0x81: {  	s25 =	sadd.s32 $0x500, s7;
	s21 =	ssub.s32 s20, s8;
	s20 =	sadd.s32 $0x5C0, s7  }
0x82: {  	s9 =	sshra.s32 s9, $0x2;
	s23 =	ssub.s32 s22, s8;
	s2 =	sshrl.u32 s25, $0xC  }
0x83: {  	s13 =	sshll.u32 s25, $0x4;
	s22 =	sshll.u32 s18, $0x4;
	s9 =	sadd.s32 $0x1E40, s9  }
0x84: {  	s10 =	sshll.u32 s23, $0xE;
	s12 =	ssub.s32 s2, s8;
	s23 =	sadd.s32 $0x560, s7  }
0x85: {  	s2 =	sadd.s32 $0x580, s7;
	[smem:$0x78F] =	sst s9;
	s9 =	sadd.s32 s0, s15  }
0x86: {  	s10 =	sshra.s32 s10, $0x2;
	s15 =	sshrl.u32 s14, $0xC;
	[smem:$0x790] =	sst s9  }
0x87: {  	s9 =	sshll.u32 s19, $0xE;
	s26 =	sadd.s32 $0x1E40, s10;
	s10 =	sadd.s32 s0, s13  }
0x88: {  	s16 =	ssub.s32 s15, s8;
	s13 =	sshrl.u32 s2, $0xC;
	[smem:$0x795] =	sst s26  }
0x89: {  	s15 =	sshll.u32 s2, $0x4;
	s9 =	sshra.s32 s9, $0x2;
	[smem:$0x796] =	sst s10  }
0x8a: {  	s10 =	sshll.u32 s16, $0xE;
	s26 =	sshll.u32 s23, $0x4;
	s14 =	ssub.s32 s13, s8  }
0x8b: {  	s16 =	sadd.s32 $0x5A0, s7;
	s13 =	sadd.s32 $0x600, s7;
	s9 =	sadd.s32 $0x1E40, s9  }
0x8c: {  	s10 =	sshra.s32 s10, $0x2;
	[smem:$0x793] =	sst s9;
	s9 =	sadd.s32 s0, s24  }
0x8d: {  	s19 =	sadd.s32 $0x1E40, s10;
	s10 =	sadd.s32 s0, s22;
	[smem:$0x794] =	sst s9  }
0x8e: {  	s24 =	sshrl.u32 s23, $0xC;
	s22 =	sshrl.u32 s20, $0xC;
	[smem:$0x799] =	sst s19  }
0x8f: {  	s9 =	sshll.u32 s12, $0xE;
	[smem:$0x79A] =	sst s10;
	s25 =	ssub.s32 s24, s8  }
0x90: {  	s19 =	sshll.u32 s16, $0x4;
	s23 =	ssub.s32 s22, s8;
	s24 =	sshll.u32 s20, $0x4  }
0x91: {  	s22 =	sadd.s32 $0x640, s7;
	s9 =	sshra.s32 s9, $0x2;
	s10 =	sshll.u32 s25, $0xE  }
0x92: {  	s25 =	sadd.s32 $0x5E0, s7;
	s9 =	sadd.s32 $0x1E40, s9;
	s10 =	sshra.s32 s10, $0x2  }
0x93: {  	[smem:$0x797] =	sst s9;
	s9 =	sadd.s32 s0, s17;
	s12 =	sadd.s32 $0x1E40, s10  }
0x94: {  	s10 =	sadd.s32 s0, s15;
	s17 =	sshrl.u32 s16, $0xC;
	[smem:$0x798] =	sst s9  }
0x95: {  	s15 =	sshrl.u32 s13, $0xC;
	s9 =	sshll.u32 s21, $0xE;
	[smem:$0x79D] =	sst s12  }
0x96: {  	[smem:$0x79E] =	sst s10;
	s18 =	ssub.s32 s17, s8;
	s12 =	sshll.u32 s25, $0x4  }
0x97: {  	s16 =	ssub.s32 s15, s8;
	s17 =	sshll.u32 s13, $0x4;
	s9 =	sshra.s32 s9, $0x2  }
0x98: {  	s10 =	sshll.u32 s18, $0xE;
	s18 =	sadd.s32 $0x620, s7;
	s9 =	sadd.s32 $0x1E40, s9  }
0x99: {  	s10 =	sshra.s32 s10, $0x2;
	[smem:$0x79B] =	sst s9;
	s9 =	sadd.s32 s0, s26  }
0x9a: {  	s21 =	sadd.s32 $0x1E40, s10;
	s10 =	sadd.s32 s0, s24;
	[smem:$0x79C] =	sst s9  }
0x9b: {  	s26 =	sshrl.u32 s25, $0xC;
	s24 =	sshrl.u32 s22, $0xC;
	[smem:$0x7A1] =	sst s21  }
0x9c: {  	s9 =	sshll.u32 s14, $0xE;
	[smem:$0x7A2] =	sst s10;
	s2 =	ssub.s32 s26, s8  }
0x9d: {  	s21 =	sshll.u32 s18, $0x4;
	s25 =	ssub.s32 s24, s8;
	s9 =	sshra.s32 s9, $0x2  }
0x9e: {  	s26 =	sshll.u32 s22, $0x4;
	s10 =	sshll.u32 s2, $0xE;
	s9 =	sadd.s32 $0x1E40, s9  }
0x9f: {  	s2 =	sadd.s32 $0x660, s7;
	s10 =	sshra.s32 s10, $0x2;
	[smem:$0x79F] =	sst s9  }
0xa0: {  	s9 =	sadd.s32 s0, s19;
	s14 =	sadd.s32 $0x1E40, s10;
	s10 =	sadd.s32 s0, s17  }
0xa1: {  	s19 =	sshrl.u32 s18, $0xC;
	[smem:$0x7A0] =	sst s9;
	s9 =	sshll.u32 s23, $0xE  }
0xa2: {  	[smem:$0x7A5] =	sst s14;
	s20 =	ssub.s32 s19, s8;
	s9 =	sshra.s32 s9, $0x2  }
0xa3: {  	[smem:$0x7A6] =	sst s10;
	s10 =	sshll.u32 s20, $0xE;
	s9 =	sadd.s32 $0x1E40, s9  }
0xa4: {  	s10 =	sshra.s32 s10, $0x2;
	[smem:$0x7A3] =	sst s9;
	s9 =	sadd.s32 s0, s12  }
0xa5: {  	s13 =	sshrl.u32 s2, $0xC;
	s23 =	sadd.s32 $0x1E40, s10;
	[smem:$0x7A4] =	sst s9  }
0xa6: {  	s15 =	sshll.u32 s2, $0x4;
	s10 =	sadd.s32 s0, s26;
	[smem:$0x7A9] =	sst s23  }
0xa7: {  	s14 =	ssub.s32 s13, s8;
	s9 =	sshll.u32 s16, $0xE;
	[smem:$0x7AA] =	sst s10  }
0xa8: {  	s10 =	sshll.u32 s14, $0xE;
	s16 =	sadd.s32 $0x680, s7;
	s14 =	sadd.s32 $0x6E0, s7  }
0xa9: {  	s9 =	sshra.s32 s9, $0x2;
	s10 =	sshra.s32 s10, $0x2;
	s18 =	sshrl.u32 s16, $0xC  }
0xaa: {  	s20 =	sshll.u32 s16, $0x4;
	s9 =	sadd.s32 $0x1E40, s9;
	s17 =	sadd.s32 $0x1E40, s10  }
0xab: {  	s19 =	ssub.s32 s18, s8;
	s10 =	sadd.s32 s0, s20;
	[smem:$0x7A7] =	sst s9  }
0xac: {  	s18 =	sadd.s32 $0x700, s7;
	s9 =	sadd.s32 s0, s21;
	[smem:$0x7AD] =	sst s17  }
0xad: {  	s21 =	sadd.s32 $0x6A0, s7;
	[smem:$0x7AE] =	sst s10;
	s17 =	sshll.u32 s14, $0x4  }
0xae: {  	s20 =	sshrl.u32 s18, $0xC;
	[smem:$0x7A8] =	sst s9;
	s9 =	sshll.u32 s25, $0xE  }
0xaf: {  	s22 =	sshrl.u32 s21, $0xC;
	s24 =	sshll.u32 s21, $0x4;
	s25 =	sadd.s32 $0x6C0, s7  }
0xb0: {  	s21 =	ssub.s32 s20, s8;
	s20 =	sadd.s32 $0x780, s7;
	s9 =	sshra.s32 s9, $0x2  }
0xb1: {  	s23 =	ssub.s32 s22, s8;
	s2 =	sshrl.u32 s25, $0xC;
	s13 =	sshll.u32 s25, $0x4  }
0xb2: {  	s22 =	sshll.u32 s18, $0x4;
	s9 =	sadd.s32 $0x1E40, s9;
	s10 =	sshll.u32 s23, $0xE  }
0xb3: {  	s12 =	ssub.s32 s2, s8;
	s23 =	sadd.s32 $0x720, s7;
	s2 =	sadd.s32 $0x740, s7  }
0xb4: {  	[smem:$0x7AB] =	sst s9;
	s9 =	sadd.s32 s0, s15;
	s10 =	sshra.s32 s10, $0x2  }
0xb5: {  	s15 =	sshrl.u32 s14, $0xC;
	[smem:$0x7AC] =	sst s9;
	s9 =	sshll.u32 s19, $0xE  }
0xb6: {  	s26 =	sadd.s32 $0x1E40, s10;
	s10 =	sadd.s32 s0, s13;
	s16 =	ssub.s32 s15, s8  }
0xb7: {  	s13 =	sshrl.u32 s2, $0xC;
	s15 =	sshll.u32 s2, $0x4;
	[smem:$0x7B1] =	sst s26  }
0xb8: {  	s9 =	sshra.s32 s9, $0x2;
	[smem:$0x7B2] =	sst s10;
	s10 =	sshll.u32 s16, $0xE  }
0xb9: {  	s26 =	sshll.u32 s23, $0x4;
	s14 =	ssub.s32 s13, s8;
	s9 =	sadd.s32 $0x1E40, s9  }
0xba: {  	s10 =	sshra.s32 s10, $0x2;
	[smem:$0x7AF] =	sst s9;
	s9 =	sadd.s32 s0, s24  }
0xbb: {  	s16 =	sadd.s32 $0x760, s7;
	s19 =	sadd.s32 $0x1E40, s10;
	[smem:$0x7B0] =	sst s9  }
0xbc: {  	s10 =	sadd.s32 s0, s22;
	s24 =	sshrl.u32 s23, $0xC;
	[smem:$0x7B5] =	sst s19  }
0xbd: {  	s22 =	sshrl.u32 s20, $0xC;
	s9 =	sshll.u32 s12, $0xE;
	[smem:$0x7B6] =	sst s10  }
0xbe: {  	s25 =	ssub.s32 s24, s8;
	s19 =	sshll.u32 s16, $0x4;
	s23 =	ssub.s32 s22, s8  }
0xbf: {  	s24 =	sshll.u32 s20, $0x4;
	s9 =	sshra.s32 s9, $0x2;
	s10 =	sshll.u32 s25, $0xE  }
0xc0: {  	s25 =	sadd.s32 $0x7A0, s7;
	s9 =	sadd.s32 $0x1E40, s9;
	s10 =	sshra.s32 s10, $0x2  }
0xc1: {  	s11 =	sshll.u32 s25, $0x4;
	[smem:$0x7B3] =	sst s9;
	s9 =	sadd.s32 s0, s17  }
0xc2: {  	s12 =	sadd.s32 $0x1E40, s10;
	s10 =	sadd.s32 s0, s15;
	[smem:$0x7B4] =	sst s9  }
0xc3: {  	s17 =	sshrl.u32 s16, $0xC;
	s9 =	sshll.u32 s21, $0xE;
	[smem:$0x7B9] =	sst s12  }
0xc4: {  	[smem:$0x7BA] =	sst s10;
	s18 =	ssub.s32 s17, s8;
	s12 =	sadd.s32 $0x7C0, s7  }
0xc5: {  	s17 =	sadd.s32 $0x7E0, s7;
	s9 =	sshra.s32 s9, $0x2;
	s10 =	sshll.u32 s18, $0xE  }
0xc6: {  	s16 =	sshll.u32 s12, $0x4;
	s18 =	sshrl.u32 s17, $0xC;
	s9 =	sadd.s32 $0x1E40, s9  }
0xc7: {  	s10 =	sshra.s32 s10, $0x2;
	[smem:$0x7B7] =	sst s9;
	s9 =	sadd.s32 s0, s26  }
0xc8: {  	s20 =	sshll.u32 s17, $0x4;
	s21 =	sadd.s32 $0x1E40, s10;
	[smem:$0x7B8] =	sst s9  }
0xc9: {  	s10 =	sadd.s32 s0, s24;
	s26 =	sshrl.u32 s25, $0xC;
	[smem:$0x7BD] =	sst s21  }
0xca: {  	s9 =	sshll.u32 s14, $0xE;
	[smem:$0x7BE] =	sst s10;
	s2 =	ssub.s32 s26, s8  }
0xcb: {  	s14 =	sshrl.u32 s12, $0xC;
	s21 =	sadd.s32 $0x800, s7;
	s26 =	sadd.s32 $0x820, s7  }
0xcc: {  	s9 =	sshra.s32 s9, $0x2;
	s10 =	sshll.u32 s2, $0xE;
	s15 =	ssub.s32 s14, s8  }
0xcd: {  	s25 =	sshll.u32 s21, $0x4;
	s2 =	sshrl.u32 s26, $0xC;
	s9 =	sadd.s32 $0x1E40, s9  }
0xce: {  	s14 =	sshll.u32 s26, $0x4;
	s10 =	sshra.s32 s10, $0x2;
	[smem:$0x7BB] =	sst s9  }
0xcf: {  	s9 =	sadd.s32 s0, s19;
	s13 =	sadd.s32 $0x1E40, s10;
	s10 =	sadd.s32 s0, s16  }
0xd0: {  	s19 =	ssub.s32 s18, s8;
	[smem:$0x7BC] =	sst s9;
	s9 =	sshll.u32 s23, $0xE  }
0xd1: {  	[smem:$0x7C2] =	sst s10;
	s10 =	sshll.u32 s19, $0xE;
	s9 =	sshra.s32 s9, $0x2  }
0xd2: {  	[smem:$0x7C1] =	sst s13;
	s10 =	sshra.s32 s10, $0x2;
	s9 =	sadd.s32 $0x1E40, s9  }
0xd3: {  	s23 =	sshrl.u32 s21, $0xC;
	s22 =	sadd.s32 $0x1E40, s10;
	[smem:$0x7BF] =	sst s9  }
0xd4: {  	s13 =	ssub.s32 s2, s8;
	s10 =	sadd.s32 s0, s25;
	[smem:$0x7C5] =	sst s22  }
0xd5: {  	s24 =	ssub.s32 s23, s8;
	s9 =	sadd.s32 s0, s11;
	[smem:$0x7C6] =	sst s10  }
0xd6: {  	s10 =	sshll.u32 s13, $0xE;
	[smem:$0x7C0] =	sst s9;
	s9 =	sshll.u32 s15, $0xE  }
0xd7: {  	s10 =	sshra.s32 s10, $0x2;
	s15 =	sadd.s32 $0x840, s7;
	s7 =	sadd.s32 $0x860, s7  }
0xd8: {  	s9 =	sshra.s32 s9, $0x2;
	s16 =	sadd.s32 $0x1E40, s10;
	s17 =	sshrl.u32 s15, $0xC  }
0xd9: {  	s19 =	sshll.u32 s15, $0x4;
	s9 =	sadd.s32 $0x1E40, s9;
	[smem:$0x7C9] =	sst s16  }
0xda: {  	s18 =	ssub.s32 s17, s8;
	s10 =	sadd.s32 s0, s19;
	[smem:$0x7C3] =	sst s9  }
0xdb: {  	s9 =	sadd.s32 s0, s20;
	[smem:$0x7CA] =	sst s10;
	s20 =	sshrl.u32 s7, $0xC  }
0xdc: {  	s7 =	sshll.u32 s7, $0x4;
	[smem:$0x7C4] =	sst s9;
	s9 =	sshll.u32 s24, $0xE  }
0xdd: {  	s8 =	ssub.s32 s20, s8;
	s7 =	sadd.s32 s0, s7;
	s9 =	sshra.s32 s9, $0x2  }
0xde: {  	s8 =	sshll.u32 s8, $0xE;
	[smem:$0x7CC] =	sst s7;
	s9 =	sadd.s32 $0x1E40, s9  }
0xdf: {  	s8 =	sshra.s32 s8, $0x2;
	[smem:$0x7C7] =	sst s9;
	s9 =	sadd.s32 s0, s14  }
0xe0: {  	s21 =	sadd.s32 $0x1E40, s8;
	s0 =	sadd.s32 s0, s6;
	[smem:$0x7C8] =	sst s9  }
0xe1: {  	[smem:$0x7CD] =	sst s21;
	s6 =	sadd.s32 $0x110000, s0  }
0xe2: {  	s22 =	sadd.s32 $0x111000, s0;
	[smem:$0x7CE] =	sst s6  }
0xe3: {  	s23 =	sadd.s32 $0x112000, s0;
	[smem:$0x7CF] =	sst s22  }
0xe4: {  	s24 =	sadd.s32 $0x113000, s0;
	[smem:$0x7D0] =	sst s23  }
0xe5: {  	s25 =	sadd.s32 $0x114000, s0;
	[smem:$0x7D1] =	sst s24  }
0xe6: {  	s26 =	sadd.s32 $0x115000, s0;
	[smem:$0x7D2] =	sst s25  }
0xe7: {  	s2 =	sadd.s32 $0x116000, s0;
	[smem:$0x7D3] =	sst s26  }
0xe8: {  	s7 =	sadd.s32 $0x117000, s0;
	[smem:$0x7D4] =	sst s2  }
0xe9: {  	s8 =	sadd.s32 $0x118000, s0;
	[smem:$0x7D5] =	sst s7  }
0xea: {  	s10 =	sadd.s32 $0x11A000, s0;
	[smem:$0x7D6] =	sst s8  }
0xeb: {  	s11 =	sadd.s32 $0x11B000, s0;
	[smem:$0x7D8] =	sst s10  }
0xec: {  	s12 =	sadd.s32 $0x11C000, s0;
	[smem:$0x7D9] =	sst s11  }
0xed: {  	s13 =	sadd.s32 $0x11D000, s0;
	[smem:$0x7DA] =	sst s12  }
0xee: {  	s14 =	sadd.s32 $0x11E000, s0;
	[smem:$0x7DB] =	sst s13  }
0xef: {  	s15 =	sadd.s32 $0x11F000, s0;
	[smem:$0x7DC] =	sst s14  }
0xf0: {  	s16 =	sadd.s32 $0x120000, s0;
	[smem:$0x7DD] =	sst s15  }
0xf1: {  	s17 =	sadd.s32 $0x121000, s0;
	[smem:$0x7DE] =	sst s16  }
0xf2: {  	s9 =	sshll.u32 s18, $0xE;
	s18 =	sadd.s32 $0x122000, s0;
	[smem:$0x7DF] =	sst s17  }
0xf3: {  	s19 =	sadd.s32 $0x123000, s0;
	[smem:$0x7E0] =	sst s18  }
0xf4: {  	s20 =	sadd.s32 $0x124000, s0;
	[smem:$0x7E1] =	sst s19  }
0xf5: {  	s21 =	sadd.s32 $0x125000, s0;
	[smem:$0x7E2] =	sst s20  }
0xf6: {  	[smem:$0x7E3] =	sst s21;
	s22 =	sadd.s32 $0x126000, s0  }
0xf7: {  	s23 =	sadd.s32 $0x127000, s0;
	[smem:$0x7E4] =	sst s22  }
0xf8: {  	s28 =	simm.s32 $0x1940;
	s24 =	sadd.s32 $0x128000, s0;
	[smem:$0x7E5] =	sst s23  }
0xf9: {  	s29 =	simm.s32 $0x1A40;
	s25 =	sadd.s32 $0x129000, s0;
	[smem:$0x7E6] =	sst s24  }
0xfa: {  	s30 =	simm.s32 $0x1B40;
	s26 =	sadd.s32 $0x12A000, s0;
	[smem:$0x7E7] =	sst s25  }
0xfb: {  	s31 =	simm.s32 $0x1C40;
	s2 =	sadd.s32 $0x12B000, s0;
	[smem:$0x7E8] =	sst s26  }
0xfc: {  	s5 =	ssub.s32 $0x2, s5;
	s7 =	sadd.s32 $0x12C000, s0;
	[smem:$0x7E9] =	sst s2  }
0xfd: {  	s9 =	sshra.s32 s9, $0x2;
	s10 =	simm.s32 $0x240;
	[smem:$0x7EA] =	sst s7  }
0xfe: {  	s8 =	sshrl.u32 s5, $0x1;
	s11 =	simm.s32 $0x340;
	[smem:$0x7ED] =	sst s10  }
0xff: {  	s6 =	simm.s32 $0x9;
	s12 =	simm.s32 $0x440;
	[smem:$0x7EE] =	sst s11  }
0x100: {  	s13 =	simm.s32 $0x540;
	s14 =	simm.s32 $0x640;
	[smem:$0x7EF] =	sst s12  }
0x101: {  	s15 =	simm.s32 $0x740;
	s16 =	simm.s32 $0x840;
	[smem:$0x7F0] =	sst s13  }
0x102: {  	s17 =	simm.s32 $0x940;
	s18 =	simm.s32 $0xA40;
	[smem:$0x7F1] =	sst s14  }
0x103: {  	s19 =	simm.s32 $0xB40;
	s20 =	simm.s32 $0xC40;
	[smem:$0x7F2] =	sst s15  }
0x104: {  	s21 =	simm.s32 $0xD40;
	s9 =	sadd.s32 $0x1E40, s9;
	[smem:$0x7F3] =	sst s16  }
0x105: {  	s5 =	ssub.s32 s5, s8;
	s7 =	simm.s32 $0x40;
	[smem:$0x7F4] =	sst s17  }
0x106: {  	s8 =	simm.s32 $0x1E40;
	s10 =	simm.s32 $0x1;
	[smem:$0x7F5] =	sst s18  }
0x107: {  	s11 =	simm.s32 $0x100;
	s12 =	simm.s32 $0x3E40;
	[smem:$0x7F6] =	sst s19  }
0x108: {  	s13 =	simm.s32 $0xBE40;
	s14 =	simm.s32 $0x13E40;
	[smem:$0x7F7] =	sst s20  }
0x109: {  	s15 =	simm.s32 $0x3;
	s16 =	simm.s32 $0x6;
	[smem:$0x7F8] =	sst s21  }
0x10a: {  	s22 =	simm.s32 $0xE40;
	s17 =	simm.s32 $0x4;
	[smem:$0x7CB] =	sst s9  }
0x10b: {  	s23 =	simm.s32 $0xF40;
	s18 =	simm.s32 $0x7;
	[smem:$0x7F9] =	sst s22  }
0x10c: {  	s24 =	simm.s32 $0x1040;
	s19 =	simm.s32 $0x5;
	[smem:$0x7FA] =	sst s23  }
0x10d: {  	s25 =	simm.s32 $0x1140;
	s20 =	simm.s32 $0x8;
	[smem:$0x7FB] =	sst s24  }
0x10e: {  	s26 =	simm.s32 $0x1240;
	s9 =	sadd.s32 $0x119000, s0;
	[smem:$0x7FC] =	sst s25  }
0x10f: {  	s0 =	sadd.s32 $0x12D000, s0;
	s5 =	smax.u32 s5, $0x1;
	[smem:$0x7FD] =	sst s26  }
0x110: {  	s24 =	simm.s32 $0x1640;
	s25 =	simm.s32 $0x1740;
	[smem:$0x7D7] =	sst s9  }
0x111: {  	s26 =	simm.s32 $0x1840;
	[smem:$0x7EB] =	sst s0;
	s9 =	simm.s32 $0x140  }
0x112: {  	s0 =	simm.s32 $0x1D40;
	[smem:$0x7EC] =	sst s9;
	s9 =	simm.s32 $0x2  }
.LBB2_1:
0x113: {  	s2 =	rddreg [dreg:$0x5]  }
0x114: {  	[tilespmem:s3], [sflag:$0x9] =	stream.linear.gather [hbm4b:s2+s3], $0x40, $0x38;
	[tilespmem:$0x1BE40] =	vst v63  }
0x115: {  	_ =	swait.ge [sflag:s6], $0x40  }
0x116: {  	[sflag:s6] =	ssyncset.done $0x0  }
0x117: {  	s23 =	rddreg [dreg:$0x6];
	[sflag:s6] =	ssyncadd.s32 $0xFFFFFFC0  }
0x118: {  	[tilespmem:s7], [sflag:$0x1] =	stream.linear.gather [hbm4b:s23+s3], $0x1E00, $0x38;
	[tilespmem:$0x1BE40] =	vst v63  }
0x119: {  	s21 =	rddreg [dreg:$0x4]  }
0x11a: {  	[tilespmem:s8], [sflag:$0x2] =	stream.indirect.gather [hbm4b:s21+s7], $0x80, s3, s7, $0xb8;
	[tilespmem:$0x1BE40] =	vst v63  }
0x11b: {  	_ =	swait.ge [sflag:s9], $0x2000  }
0x11c: {  	s22 =	rddreg [dreg:$0x7]  }
0x11d: {  	[sflag:s9] =	ssyncset.done $0x0;
	s23 =	rddreg [dreg:$0x8]  }
0x11e: {  	s21 =	rddreg [dreg:$0x9];
	[sflag:s9] =	ssyncadd.s32 $0xFFFFE000  }
0x11f: {  	[hbm4b:s4+s3] =	stream.linear.scatter [tilespmem:s8], [sflag:$0x2], $0x1000, $0x38;
	[tilespmem:$0x1BE40] =	vst v63  }
0x120: {  	s2 =	rddreg [dreg:$0xc]  }
0x121: {  	[hbm4b:s22+s3] =	stream.linear.scatter [tilespmem:s8], [sflag:$0x2], $0x1000, $0x38;
	[tilespmem:$0x1BE40] =	vst v63  }
0x122: {  	s22 =	rddreg [dreg:$0xb]  }
0x123: {  	[hbm4b:s23+s3] =	stream.linear.scatter [tilespmem:s8], [sflag:$0x2], $0x1000, $0x38;
	[tilespmem:$0x1BE40] =	vst v63  }
0x124: {  	s23 =	rddreg [dreg:$0xa]  }
0x125: {  	[hbm4b:s21+s3] =	stream.linear.scatter [tilespmem:s8], [sflag:$0x2], $0x1000, $0x38;
	[tilespmem:$0x1BE40] =	vst v63  }
0x126: {  	s21 =	rddreg [dreg:$0xd]  }
0x127: {  	[hbm4b:s23+s3] =	stream.linear.scatter [tilespmem:s22], [sflag:$0x2], $0x1000, $0x38;
	[tilespmem:$0x1BE40] =	vst v63  }
0x128: {  	s22 =	rddreg [dreg:$0xe]  }
0x129: {  	s23 =	rddreg [dreg:$0xf]  }
0x12a: {  	[hbm4b:s2+s3] =	stream.linear.scatter [tilespmem:s21], [sflag:$0x2], $0x1000, $0x38;
	[tilespmem:$0x1BE40] =	vst v63  }
0x12b: {  	s2 =	rddreg [dreg:$0x10]  }
0x12c: {  	s21 =	rddreg [dreg:$0x11]  }
0x12d: {  	[hbm4b:s22+s3] =	stream.linear.scatter [tilespmem:s23], [sflag:$0x2], $0x1000, $0x38;
	[tilespmem:$0x1BE40] =	vst v63  }
0x12e: {  	s22 =	rddreg [dreg:$0x12]  }
0x12f: {  	[hbm4b:s2+s3] =	stream.linear.scatter [tilespmem:s21], [sflag:$0x2], $0x1000, $0x38;
	[tilespmem:$0x1BE40] =	vst v63  }
0x130: {  	s23 =	rddreg [dreg:$0x13]  }
0x131: {  	[hbm4b:s22+s3] =	stream.linear.scatter [tilespmem:s23], [sflag:$0x2], $0x1000, $0x38;
	[tilespmem:$0x1BE40] =	vst v63  }
0x132: {  	_ =	swait.ge [sflag:s9], $0x1000  }
0x133: {  	s22 =	rddreg [dreg:$0x14];
	[sflag:s9] =	ssyncset.done $0x0  }
0x134: {  	s23 =	rddreg [dreg:$0x15];
	[sflag:s9] =	ssyncadd.s32 $0xFFFFF000  }
0x135: {  	[hbm4b:s22+s3] =	stream.linear.scatter [tilespmem:s23], [sflag:$0x2], $0x1000, $0x38;
	[tilespmem:$0x1BE40] =	vst v63  }
0x136: {  	_ =	swait.ge [sflag:s9], $0x1000  }
0x137: {  	s22 =	rddreg [dreg:$0x16];
	[sflag:s9] =	ssyncset.done $0x0  }
0x138: {  	s23 =	rddreg [dreg:$0x17];
	[sflag:s9] =	ssyncadd.s32 $0xFFFFF000  }
0x139: {  	[hbm4b:s22+s3] =	stream.linear.scatter [tilespmem:s23], [sflag:$0x2], $0x1000, $0x38;
	[tilespmem:$0x1BE40] =	vst v63  }
0x13a: {  	_ =	swait.ge [sflag:s9], $0x1000  }
0x13b: {  	s22 =	rddreg [dreg:$0x18];
	[sflag:s9] =	ssyncset.done $0x0  }
0x13c: {  	s23 =	rddreg [dreg:$0x19];
	[sflag:s9] =	ssyncadd.s32 $0xFFFFF000  }
0x13d: {  	[hbm4b:s22+s3] =	stream.linear.scatter [tilespmem:s23], [sflag:$0x2], $0x1000, $0x38;
	[tilespmem:$0x1BE40] =	vst v63  }
0x13e: {  	_ =	swait.ge [sflag:s9], $0x1000  }
0x13f: {  	s22 =	rddreg [dreg:$0x1a];
	[sflag:s9] =	ssyncset.done $0x0  }
0x140: {  	s23 =	rddreg [dreg:$0x1b];
	[sflag:s9] =	ssyncadd.s32 $0xFFFFF000  }
0x141: {  	[hbm4b:s22+s3] =	stream.linear.scatter [tilespmem:s23], [sflag:$0x2], $0x1000, $0x38;
	[tilespmem:$0x1BE40] =	vst v63  }
0x142: {  	_ =	swait.ge [sflag:s9], $0x1000  }
0x143: {  	s22 =	rddreg [dreg:$0x1c];
	[sflag:s9] =	ssyncset.done $0x0  }
0x144: {  	s23 =	rddreg [dreg:$0x1d];
	[sflag:s9] =	ssyncadd.s32 $0xFFFFF000  }
0x145: {  	[hbm4b:s22+s3] =	stream.linear.scatter [tilespmem:s23], [sflag:$0x2], $0x1000, $0x38;
	[tilespmem:$0x1BE40] =	vst v63  }
0x146: {  	_ =	swait.ge [sflag:s9], $0x1000  }
0x147: {  	s22 =	rddreg [dreg:$0x1e];
	[sflag:s9] =	ssyncset.done $0x0  }
0x148: {  	s23 =	rddreg [dreg:$0x1f];
	[sflag:s9] =	ssyncadd.s32 $0xFFFFF000  }
0x149: {  	[hbm4b:s22+s3] =	stream.linear.scatter [tilespmem:s23], [sflag:$0x2], $0x1000, $0x38;
	[tilespmem:$0x1BE40] =	vst v63  }
0x14a: {  	_ =	swait.ge [sflag:s9], $0x1000  }
0x14b: {  	s22 =	sld [smem:$0x764]  }
0x14c: {  	s23 =	sld [smem:$0x765]  }
0x14d: {  	[sflag:s9] =	ssyncset.done $0x0  }
0x14e: {  	[sflag:s9] =	ssyncadd.s32 $0xFFFFF000  }
0x14f: {  	[hbm4b:s22+s3] =	stream.linear.scatter [tilespmem:s23], [sflag:$0x2], $0x1000, $0x38;
	[tilespmem:$0x1BE40] =	vst v63  }
0x150: {  	_ =	swait.ge [sflag:s9], $0x1000  }
0x151: {  	s22 =	sld [smem:$0x766]  }
0x152: {  	s23 =	sld [smem:$0x767]  }
0x153: {  	[sflag:s9] =	ssyncset.done $0x0  }
0x154: {  	[sflag:s9] =	ssyncadd.s32 $0xFFFFF000  }
0x155: {  	[hbm4b:s22+s3] =	stream.linear.scatter [tilespmem:s23], [sflag:$0x2], $0x1000, $0x38;
	[tilespmem:$0x1BE40] =	vst v63  }
0x156: {  	_ =	swait.ge [sflag:s9], $0x1000  }
0x157: {  	[sflag:s9] =	ssyncset.done $0x0  }
0x158: {  	s22 =	sld [smem:$0x768];
	[sflag:s9] =	ssyncadd.s32 $0xFFFFF000  }
0x159: {  	s23 =	sld [smem:$0x769];
	_ =	sdelay $0x2  }
0x15a: {  	[hbm4b:s22+s3] =	stream.linear.scatter [tilespmem:s23], [sflag:$0x2], $0x1000, $0x38;
	[tilespmem:$0x1BE40] =	vst v63  }
0x15b: {  	_ =	swait.ge [sflag:s9], $0x1000  }
0x15c: {  	s22 =	sld [smem:$0x76A]  }
0x15d: {  	s23 =	sld [smem:$0x76B]  }
0x15e: {  	[sflag:s9] =	ssyncset.done $0x0  }
0x15f: {  	[sflag:s9] =	ssyncadd.s32 $0xFFFFF000  }
0x160: {  	[hbm4b:s22+s3] =	stream.linear.scatter [tilespmem:s23], [sflag:$0x2], $0x1000, $0x38;
	[tilespmem:$0x1BE40] =	vst v63  }
0x161: {  	_ =	swait.ge [sflag:s9], $0x1000  }
0x162: {  	s22 =	sld [smem:$0x76C]  }
0x163: {  	s23 =	sld [smem:$0x76D]  }
0x164: {  	[sflag:s9] =	ssyncset.done $0x0  }
0x165: {  	[sflag:s9] =	ssyncadd.s32 $0xFFFFF000  }
0x166: {  	[hbm4b:s22+s3] =	stream.linear.scatter [tilespmem:s23], [sflag:$0x2], $0x1000, $0x38;
	[tilespmem:$0x1BE40] =	vst v63  }
0x167: {  	_ =	swait.ge [sflag:s9], $0x1000  }
0x168: {  	s22 =	sld [smem:$0x76E]  }
0x169: {  	s23 =	sld [smem:$0x76F]  }
0x16a: {  	[sflag:s9] =	ssyncset.done $0x0  }
0x16b: {  	[sflag:s9] =	ssyncadd.s32 $0xFFFFF000  }
0x16c: {  	[hbm4b:s22+s3] =	stream.linear.scatter [tilespmem:s23], [sflag:$0x2], $0x1000, $0x38;
	[tilespmem:$0x1BE40] =	vst v63  }
0x16d: {  	_ =	swait.ge [sflag:s9], $0x1000  }
0x16e: {  	s22 =	sld [smem:$0x770]  }
0x16f: {  	s23 =	sld [smem:$0x771]  }
0x170: {  	[sflag:s9] =	ssyncset.done $0x0  }
0x171: {  	[sflag:s9] =	ssyncadd.s32 $0xFFFFF000  }
0x172: {  	[hbm4b:s22+s3] =	stream.linear.scatter [tilespmem:s23], [sflag:$0x2], $0x1000, $0x38;
	[tilespmem:$0x1BE40] =	vst v63  }
0x173: {  	_ =	swait.ge [sflag:s9], $0x1000  }
0x174: {  	s22 =	sld [smem:$0x772]  }
0x175: {  	s23 =	sld [smem:$0x773]  }
0x176: {  	[sflag:s9] =	ssyncset.done $0x0  }
0x177: {  	[sflag:s9] =	ssyncadd.s32 $0xFFFFF000  }
0x178: {  	[hbm4b:s22+s3] =	stream.linear.scatter [tilespmem:s23], [sflag:$0x2], $0x1000, $0x38;
	[tilespmem:$0x1BE40] =	vst v63  }
0x179: {  	_ =	swait.ge [sflag:s9], $0x1000  }
0x17a: {  	s22 =	sld [smem:$0x774]  }
0x17b: {  	s23 =	sld [smem:$0x775]  }
0x17c: {  	[sflag:s9] =	ssyncset.done $0x0  }
0x17d: {  	[sflag:s9] =	ssyncadd.s32 $0xFFFFF000  }
0x17e: {  	[hbm4b:s22+s3] =	stream.linear.scatter [tilespmem:s23], [sflag:$0x2], $0x1000, $0x38;
	[tilespmem:$0x1BE40] =	vst v63  }
0x17f: {  	_ =	swait.ge [sflag:s9], $0x1000  }
0x180: {  	s22 =	sld [smem:$0x776]  }
0x181: {  	s23 =	sld [smem:$0x777]  }
0x182: {  	[sflag:s9] =	ssyncset.done $0x0  }
0x183: {  	[sflag:s9] =	ssyncadd.s32 $0xFFFFF000  }
0x184: {  	[hbm4b:s22+s3] =	stream.linear.scatter [tilespmem:s23], [sflag:$0x2], $0x1000, $0x38;
	[tilespmem:$0x1BE40] =	vst v63  }
0x185: {  	_ =	swait.ge [sflag:s9], $0x1000  }
0x186: {  	s22 =	sld [smem:$0x778]  }
0x187: {  	s23 =	sld [smem:$0x779]  }
0x188: {  	[sflag:s9] =	ssyncset.done $0x0  }
0x189: {  	[sflag:s9] =	ssyncadd.s32 $0xFFFFF000  }
0x18a: {  	[hbm4b:s22+s3] =	stream.linear.scatter [tilespmem:s23], [sflag:$0x2], $0x1000, $0x38;
	[tilespmem:$0x1BE40] =	vst v63  }
0x18b: {  	_ =	swait.ge [sflag:s9], $0x1000  }
0x18c: {  	s22 =	sld [smem:$0x77A]  }
0x18d: {  	s23 =	sld [smem:$0x77B]  }
0x18e: {  	[sflag:s9] =	ssyncset.done $0x0  }
0x18f: {  	[sflag:s9] =	ssyncadd.s32 $0xFFFFF000  }
0x190: {  	[hbm4b:s22+s3] =	stream.linear.scatter [tilespmem:s23], [sflag:$0x2], $0x1000, $0x38;
	[tilespmem:$0x1BE40] =	vst v63  }
0x191: {  	_ =	swait.ge [sflag:s9], $0x1000  }
0x192: {  	s22 =	sld [smem:$0x77C]  }
0x193: {  	s23 =	sld [smem:$0x77D]  }
0x194: {  	[sflag:s9] =	ssyncset.done $0x0  }
0x195: {  	[sflag:s9] =	ssyncadd.s32 $0xFFFFF000  }
0x196: {  	[hbm4b:s22+s3] =	stream.linear.scatter [tilespmem:s23], [sflag:$0x2], $0x1000, $0x38;
	[tilespmem:$0x1BE40] =	vst v63  }
0x197: {  	_ =	swait.ge [sflag:s9], $0x1000  }
0x198: {  	s22 =	sld [smem:$0x77E]  }
0x199: {  	s23 =	sld [smem:$0x77F]  }
0x19a: {  	[sflag:s9] =	ssyncset.done $0x0  }
0x19b: {  	[sflag:s9] =	ssyncadd.s32 $0xFFFFF000  }
0x19c: {  	[hbm4b:s22+s3] =	stream.linear.scatter [tilespmem:s23], [sflag:$0x2], $0x1000, $0x38;
	[tilespmem:$0x1BE40] =	vst v63  }
0x19d: {  	_ =	swait.ge [sflag:s9], $0x1000  }
0x19e: {  	s22 =	sld [smem:$0x780]  }
0x19f: {  	s23 =	sld [smem:$0x781]  }
0x1a0: {  	[sflag:s9] =	ssyncset.done $0x0  }
0x1a1: {  	[sflag:s9] =	ssyncadd.s32 $0xFFFFF000  }
0x1a2: {  	[hbm4b:s22+s3] =	stream.linear.scatter [tilespmem:s23], [sflag:$0x2], $0x1000, $0x38;
	[tilespmem:$0x1BE40] =	vst v63  }
0x1a3: {  	_ =	swait.ge [sflag:s9], $0x1000  }
0x1a4: {  	s22 =	sld [smem:$0x782]  }
0x1a5: {  	s23 =	sld [smem:$0x783]  }
0x1a6: {  	[sflag:s9] =	ssyncset.done $0x0  }
0x1a7: {  	[sflag:s9] =	ssyncadd.s32 $0xFFFFF000  }
0x1a8: {  	[hbm4b:s22+s3] =	stream.linear.scatter [tilespmem:s23], [sflag:$0x2], $0x1000, $0x38;
	[tilespmem:$0x1BE40] =	vst v63  }
0x1a9: {  	_ =	swait.ge [sflag:s9], $0x1000  }
0x1aa: {  	s22 =	sld [smem:$0x784]  }
0x1ab: {  	s23 =	sld [smem:$0x785]  }
0x1ac: {  	[sflag:s9] =	ssyncset.done $0x0  }
0x1ad: {  	[sflag:s9] =	ssyncadd.s32 $0xFFFFF000  }
0x1ae: {  	[hbm4b:s22+s3] =	stream.linear.scatter [tilespmem:s23], [sflag:$0x2], $0x1000, $0x38;
	[tilespmem:$0x1BE40] =	vst v63  }
0x1af: {  	_ =	swait.ge [sflag:s9], $0x1000  }
0x1b0: {  	s22 =	sld [smem:$0x786]  }
0x1b1: {  	s23 =	sld [smem:$0x787]  }
0x1b2: {  	[sflag:s9] =	ssyncset.done $0x0  }
0x1b3: {  	[sflag:s9] =	ssyncadd.s32 $0xFFFFF000  }
0x1b4: {  	[hbm4b:s22+s3] =	stream.linear.scatter [tilespmem:s23], [sflag:$0x2], $0x1000, $0x38;
	[tilespmem:$0x1BE40] =	vst v63  }
0x1b5: {  	_ =	swait.ge [sflag:s9], $0x1000  }
0x1b6: {  	s22 =	sld [smem:$0x788]  }
0x1b7: {  	s23 =	sld [smem:$0x789]  }
0x1b8: {  	[sflag:s9] =	ssyncset.done $0x0  }
0x1b9: {  	[sflag:s9] =	ssyncadd.s32 $0xFFFFF000  }
0x1ba: {  	[hbm4b:s22+s3] =	stream.linear.scatter [tilespmem:s23], [sflag:$0x2], $0x1000, $0x38;
	[tilespmem:$0x1BE40] =	vst v63  }
0x1bb: {  	_ =	swait.ge [sflag:s9], $0x1000  }
0x1bc: {  	s22 =	sld [smem:$0x78A]  }
0x1bd: {  	s23 =	sld [smem:$0x78B]  }
0x1be: {  	[sflag:s9] =	ssyncset.done $0x0  }
0x1bf: {  	[sflag:s9] =	ssyncadd.s32 $0xFFFFF000  }
0x1c0: {  	[hbm4b:s22+s3] =	stream.linear.scatter [tilespmem:s23], [sflag:$0x2], $0x1000, $0x38;
	[tilespmem:$0x1BE40] =	vst v63  }
0x1c1: {  	_ =	swait.ge [sflag:s9], $0x1000  }
0x1c2: {  	s22 =	sld [smem:$0x78C]  }
0x1c3: {  	s23 =	sld [smem:$0x78D]  }
0x1c4: {  	[sflag:s9] =	ssyncset.done $0x0  }
0x1c5: {  	[sflag:s9] =	ssyncadd.s32 $0xFFFFF000  }
0x1c6: {  	[hbm4b:s22+s3] =	stream.linear.scatter [tilespmem:s23], [sflag:$0x2], $0x1000, $0x38;
	[tilespmem:$0x1BE40] =	vst v63  }
0x1c7: {  	_ =	swait.ge [sflag:s9], $0x1000  }
0x1c8: {  	s22 =	sld [smem:$0x78E]  }
0x1c9: {  	s23 =	sld [smem:$0x78F]  }
0x1ca: {  	[sflag:s9] =	ssyncset.done $0x0  }
0x1cb: {  	[sflag:s9] =	ssyncadd.s32 $0xFFFFF000  }
0x1cc: {  	[hbm4b:s22+s3] =	stream.linear.scatter [tilespmem:s23], [sflag:$0x2], $0x1000, $0x38;
	[tilespmem:$0x1BE40] =	vst v63  }
0x1cd: {  	_ =	swait.ge [sflag:s9], $0x1000  }
0x1ce: {  	s22 =	sld [smem:$0x790]  }
0x1cf: {  	s23 =	sld [smem:$0x791]  }
0x1d0: {  	[sflag:s9] =	ssyncset.done $0x0  }
0x1d1: {  	[sflag:s9] =	ssyncadd.s32 $0xFFFFF000  }
0x1d2: {  	[hbm4b:s22+s3] =	stream.linear.scatter [tilespmem:s23], [sflag:$0x2], $0x1000, $0x38;
	[tilespmem:$0x1BE40] =	vst v63  }
0x1d3: {  	_ =	swait.ge [sflag:s9], $0x1000  }
0x1d4: {  	s22 =	sld [smem:$0x792]  }
0x1d5: {  	s23 =	sld [smem:$0x793]  }
0x1d6: {  	[sflag:s9] =	ssyncset.done $0x0  }
0x1d7: {  	[sflag:s9] =	ssyncadd.s32 $0xFFFFF000  }
0x1d8: {  	[hbm4b:s22+s3] =	stream.linear.scatter [tilespmem:s23], [sflag:$0x2], $0x1000, $0x38;
	[tilespmem:$0x1BE40] =	vst v63  }
0x1d9: {  	_ =	swait.ge [sflag:s9], $0x1000  }
0x1da: {  	s22 =	sld [smem:$0x794]  }
0x1db: {  	s23 =	sld [smem:$0x795]  }
0x1dc: {  	[sflag:s9] =	ssyncset.done $0x0  }
0x1dd: {  	[sflag:s9] =	ssyncadd.s32 $0xFFFFF000  }
0x1de: {  	[hbm4b:s22+s3] =	stream.linear.scatter [tilespmem:s23], [sflag:$0x2], $0x1000, $0x38;
	[tilespmem:$0x1BE40] =	vst v63  }
0x1df: {  	_ =	swait.ge [sflag:s9], $0x1000  }
0x1e0: {  	s22 =	sld [smem:$0x796]  }
0x1e1: {  	s23 =	sld [smem:$0x797]  }
0x1e2: {  	[sflag:s9] =	ssyncset.done $0x0  }
0x1e3: {  	[sflag:s9] =	ssyncadd.s32 $0xFFFFF000  }
0x1e4: {  	[hbm4b:s22+s3] =	stream.linear.scatter [tilespmem:s23], [sflag:$0x2], $0x1000, $0x38;
	[tilespmem:$0x1BE40] =	vst v63  }
0x1e5: {  	_ =	swait.ge [sflag:s9], $0x1000  }
0x1e6: {  	s22 =	sld [smem:$0x798]  }
0x1e7: {  	s23 =	sld [smem:$0x799]  }
0x1e8: {  	[sflag:s9] =	ssyncset.done $0x0  }
0x1e9: {  	[sflag:s9] =	ssyncadd.s32 $0xFFFFF000  }
0x1ea: {  	[hbm4b:s22+s3] =	stream.linear.scatter [tilespmem:s23], [sflag:$0x2], $0x1000, $0x38;
	[tilespmem:$0x1BE40] =	vst v63  }
0x1eb: {  	_ =	swait.ge [sflag:s9], $0x1000  }
0x1ec: {  	s22 =	sld [smem:$0x79A]  }
0x1ed: {  	s23 =	sld [smem:$0x79B]  }
0x1ee: {  	[sflag:s9] =	ssyncset.done $0x0  }
0x1ef: {  	[sflag:s9] =	ssyncadd.s32 $0xFFFFF000  }
0x1f0: {  	[hbm4b:s22+s3] =	stream.linear.scatter [tilespmem:s23], [sflag:$0x2], $0x1000, $0x38;
	[tilespmem:$0x1BE40] =	vst v63  }
0x1f1: {  	_ =	swait.ge [sflag:s9], $0x1000  }
0x1f2: {  	s22 =	sld [smem:$0x79C]  }
0x1f3: {  	s23 =	sld [smem:$0x79D]  }
0x1f4: {  	[sflag:s9] =	ssyncset.done $0x0  }
0x1f5: {  	[sflag:s9] =	ssyncadd.s32 $0xFFFFF000  }
0x1f6: {  	[hbm4b:s22+s3] =	stream.linear.scatter [tilespmem:s23], [sflag:$0x2], $0x1000, $0x38;
	[tilespmem:$0x1BE40] =	vst v63  }
0x1f7: {  	_ =	swait.ge [sflag:s9], $0x1000  }
0x1f8: {  	s22 =	sld [smem:$0x79E]  }
0x1f9: {  	s23 =	sld [smem:$0x79F]  }
0x1fa: {  	[sflag:s9] =	ssyncset.done $0x0  }
0x1fb: {  	[sflag:s9] =	ssyncadd.s32 $0xFFFFF000  }
0x1fc: {  	[hbm4b:s22+s3] =	stream.linear.scatter [tilespmem:s23], [sflag:$0x2], $0x1000, $0x38;
	[tilespmem:$0x1BE40] =	vst v63  }
0x1fd: {  	_ =	swait.ge [sflag:s9], $0x1000  }
0x1fe: {  	s22 =	sld [smem:$0x7A0]  }
0x1ff: {  	s23 =	sld [smem:$0x7A1]  }
0x200: {  	[sflag:s9] =	ssyncset.done $0x0  }
0x201: {  	[sflag:s9] =	ssyncadd.s32 $0xFFFFF000  }
0x202: {  	[hbm4b:s22+s3] =	stream.linear.scatter [tilespmem:s23], [sflag:$0x2], $0x1000, $0x38;
	[tilespmem:$0x1BE40] =	vst v63  }
0x203: {  	_ =	swait.ge [sflag:s9], $0x1000  }
0x204: {  	s22 =	sld [smem:$0x7A2]  }
0x205: {  	s23 =	sld [smem:$0x7A3]  }
0x206: {  	[sflag:s9] =	ssyncset.done $0x0  }
0x207: {  	[sflag:s9] =	ssyncadd.s32 $0xFFFFF000  }
0x208: {  	[hbm4b:s22+s3] =	stream.linear.scatter [tilespmem:s23], [sflag:$0x2], $0x1000, $0x38;
	[tilespmem:$0x1BE40] =	vst v63  }
0x209: {  	_ =	swait.ge [sflag:s9], $0x1000  }
0x20a: {  	s22 =	sld [smem:$0x7A4]  }
0x20b: {  	s23 =	sld [smem:$0x7A5]  }
0x20c: {  	[sflag:s9] =	ssyncset.done $0x0  }
0x20d: {  	[sflag:s9] =	ssyncadd.s32 $0xFFFFF000  }
0x20e: {  	[hbm4b:s22+s3] =	stream.linear.scatter [tilespmem:s23], [sflag:$0x2], $0x1000, $0x38;
	[tilespmem:$0x1BE40] =	vst v63  }
0x20f: {  	_ =	swait.ge [sflag:s9], $0x1000  }
0x210: {  	s22 =	sld [smem:$0x7A6]  }
0x211: {  	s23 =	sld [smem:$0x7A7]  }
0x212: {  	[sflag:s9] =	ssyncset.done $0x0  }
0x213: {  	[sflag:s9] =	ssyncadd.s32 $0xFFFFF000  }
0x214: {  	[hbm4b:s22+s3] =	stream.linear.scatter [tilespmem:s23], [sflag:$0x2], $0x1000, $0x38;
	[tilespmem:$0x1BE40] =	vst v63  }
0x215: {  	_ =	swait.ge [sflag:s9], $0x1000  }
0x216: {  	s22 =	sld [smem:$0x7A8]  }
0x217: {  	s23 =	sld [smem:$0x7A9]  }
0x218: {  	[sflag:s9] =	ssyncset.done $0x0  }
0x219: {  	[sflag:s9] =	ssyncadd.s32 $0xFFFFF000  }
0x21a: {  	[hbm4b:s22+s3] =	stream.linear.scatter [tilespmem:s23], [sflag:$0x2], $0x1000, $0x38;
	[tilespmem:$0x1BE40] =	vst v63  }
0x21b: {  	_ =	swait.ge [sflag:s9], $0x1000  }
0x21c: {  	s22 =	sld [smem:$0x7AA]  }
0x21d: {  	s23 =	sld [smem:$0x7AB]  }
0x21e: {  	[sflag:s9] =	ssyncset.done $0x0  }
0x21f: {  	[sflag:s9] =	ssyncadd.s32 $0xFFFFF000  }
0x220: {  	[hbm4b:s22+s3] =	stream.linear.scatter [tilespmem:s23], [sflag:$0x2], $0x1000, $0x38;
	[tilespmem:$0x1BE40] =	vst v63  }
0x221: {  	_ =	swait.ge [sflag:s9], $0x1000  }
0x222: {  	s22 =	sld [smem:$0x7AC]  }
0x223: {  	s23 =	sld [smem:$0x7AD]  }
0x224: {  	[sflag:s9] =	ssyncset.done $0x0  }
0x225: {  	[sflag:s9] =	ssyncadd.s32 $0xFFFFF000  }
0x226: {  	[hbm4b:s22+s3] =	stream.linear.scatter [tilespmem:s23], [sflag:$0x2], $0x1000, $0x38;
	[tilespmem:$0x1BE40] =	vst v63  }
0x227: {  	_ =	swait.ge [sflag:s9], $0x1000  }
0x228: {  	s22 =	sld [smem:$0x7AE]  }
0x229: {  	s23 =	sld [smem:$0x7AF]  }
0x22a: {  	[sflag:s9] =	ssyncset.done $0x0  }
0x22b: {  	[sflag:s9] =	ssyncadd.s32 $0xFFFFF000  }
0x22c: {  	[hbm4b:s22+s3] =	stream.linear.scatter [tilespmem:s23], [sflag:$0x2], $0x1000, $0x38;
	[tilespmem:$0x1BE40] =	vst v63  }
0x22d: {  	_ =	swait.ge [sflag:s9], $0x1000  }
0x22e: {  	s22 =	sld [smem:$0x7B0]  }
0x22f: {  	s23 =	sld [smem:$0x7B1]  }
0x230: {  	[sflag:s9] =	ssyncset.done $0x0  }
0x231: {  	[sflag:s9] =	ssyncadd.s32 $0xFFFFF000  }
0x232: {  	[hbm4b:s22+s3] =	stream.linear.scatter [tilespmem:s23], [sflag:$0x2], $0x1000, $0x38;
	[tilespmem:$0x1BE40] =	vst v63  }
0x233: {  	_ =	swait.ge [sflag:s9], $0x1000  }
0x234: {  	s22 =	sld [smem:$0x7B2]  }
0x235: {  	s23 =	sld [smem:$0x7B3]  }
0x236: {  	[sflag:s9] =	ssyncset.done $0x0  }
0x237: {  	[sflag:s9] =	ssyncadd.s32 $0xFFFFF000  }
0x238: {  	[hbm4b:s22+s3] =	stream.linear.scatter [tilespmem:s23], [sflag:$0x2], $0x1000, $0x38;
	[tilespmem:$0x1BE40] =	vst v63  }
0x239: {  	_ =	swait.ge [sflag:s9], $0x1000  }
0x23a: {  	s22 =	sld [smem:$0x7B4]  }
0x23b: {  	s23 =	sld [smem:$0x7B5]  }
0x23c: {  	[sflag:s9] =	ssyncset.done $0x0  }
0x23d: {  	[sflag:s9] =	ssyncadd.s32 $0xFFFFF000  }
0x23e: {  	[hbm4b:s22+s3] =	stream.linear.scatter [tilespmem:s23], [sflag:$0x2], $0x1000, $0x38;
	[tilespmem:$0x1BE40] =	vst v63  }
0x23f: {  	_ =	swait.ge [sflag:s9], $0x1000  }
0x240: {  	s22 =	sld [smem:$0x7B6]  }
0x241: {  	s23 =	sld [smem:$0x7B7]  }
0x242: {  	[sflag:s9] =	ssyncset.done $0x0  }
0x243: {  	[sflag:s9] =	ssyncadd.s32 $0xFFFFF000  }
0x244: {  	[hbm4b:s22+s3] =	stream.linear.scatter [tilespmem:s23], [sflag:$0x2], $0x1000, $0x38;
	[tilespmem:$0x1BE40] =	vst v63  }
0x245: {  	_ =	swait.ge [sflag:s9], $0x1000  }
0x246: {  	s22 =	sld [smem:$0x7B8]  }
0x247: {  	s23 =	sld [smem:$0x7B9]  }
0x248: {  	[sflag:s9] =	ssyncset.done $0x0  }
0x249: {  	[sflag:s9] =	ssyncadd.s32 $0xFFFFF000  }
0x24a: {  	[hbm4b:s22+s3] =	stream.linear.scatter [tilespmem:s23], [sflag:$0x2], $0x1000, $0x38;
	[tilespmem:$0x1BE40] =	vst v63  }
0x24b: {  	_ =	swait.ge [sflag:s9], $0x1000  }
0x24c: {  	s22 =	sld [smem:$0x7BA]  }
0x24d: {  	s23 =	sld [smem:$0x7BB]  }
0x24e: {  	[sflag:s9] =	ssyncset.done $0x0  }
0x24f: {  	[sflag:s9] =	ssyncadd.s32 $0xFFFFF000  }
0x250: {  	[hbm4b:s22+s3] =	stream.linear.scatter [tilespmem:s23], [sflag:$0x2], $0x1000, $0x38;
	[tilespmem:$0x1BE40] =	vst v63  }
0x251: {  	_ =	swait.ge [sflag:s9], $0x1000  }
0x252: {  	s22 =	sld [smem:$0x7BC]  }
0x253: {  	s23 =	sld [smem:$0x7BD]  }
0x254: {  	[sflag:s9] =	ssyncset.done $0x0  }
0x255: {  	[sflag:s9] =	ssyncadd.s32 $0xFFFFF000  }
0x256: {  	[hbm4b:s22+s3] =	stream.linear.scatter [tilespmem:s23], [sflag:$0x2], $0x1000, $0x38;
	[tilespmem:$0x1BE40] =	vst v63  }
0x257: {  	_ =	swait.ge [sflag:s9], $0x1000  }
0x258: {  	s22 =	sld [smem:$0x7BE]  }
0x259: {  	s23 =	sld [smem:$0x7BF]  }
0x25a: {  	[sflag:s9] =	ssyncset.done $0x0  }
0x25b: {  	[sflag:s9] =	ssyncadd.s32 $0xFFFFF000  }
0x25c: {  	[hbm4b:s22+s3] =	stream.linear.scatter [tilespmem:s23], [sflag:$0x2], $0x1000, $0x38;
	[tilespmem:$0x1BE40] =	vst v63  }
0x25d: {  	_ =	swait.ge [sflag:s9], $0x1000  }
0x25e: {  	s22 =	sld [smem:$0x7C0]  }
0x25f: {  	s23 =	sld [smem:$0x7C1]  }
0x260: {  	[sflag:s9] =	ssyncset.done $0x0  }
0x261: {  	[sflag:s9] =	ssyncadd.s32 $0xFFFFF000  }
0x262: {  	[hbm4b:s22+s3] =	stream.linear.scatter [tilespmem:s23], [sflag:$0x2], $0x1000, $0x38;
	[tilespmem:$0x1BE40] =	vst v63  }
0x263: {  	_ =	swait.ge [sflag:s9], $0x1000  }
0x264: {  	s22 =	sld [smem:$0x7C2]  }
0x265: {  	s23 =	sld [smem:$0x7C3]  }
0x266: {  	[sflag:s9] =	ssyncset.done $0x0  }
0x267: {  	[sflag:s9] =	ssyncadd.s32 $0xFFFFF000  }
0x268: {  	[hbm4b:s22+s3] =	stream.linear.scatter [tilespmem:s23], [sflag:$0x2], $0x1000, $0x38;
	[tilespmem:$0x1BE40] =	vst v63  }
0x269: {  	_ =	swait.ge [sflag:s9], $0x1000  }
0x26a: {  	s22 =	sld [smem:$0x7C4]  }
0x26b: {  	s23 =	sld [smem:$0x7C5]  }
0x26c: {  	[sflag:s9] =	ssyncset.done $0x0  }
0x26d: {  	[sflag:s9] =	ssyncadd.s32 $0xFFFFF000  }
0x26e: {  	[hbm4b:s22+s3] =	stream.linear.scatter [tilespmem:s23], [sflag:$0x2], $0x1000, $0x38;
	[tilespmem:$0x1BE40] =	vst v63  }
0x26f: {  	_ =	swait.ge [sflag:s9], $0x1000  }
0x270: {  	s22 =	sld [smem:$0x7C6]  }
0x271: {  	s23 =	sld [smem:$0x7C7]  }
0x272: {  	[sflag:s9] =	ssyncset.done $0x0  }
0x273: {  	[sflag:s9] =	ssyncadd.s32 $0xFFFFF000  }
0x274: {  	[hbm4b:s22+s3] =	stream.linear.scatter [tilespmem:s23], [sflag:$0x2], $0x1000, $0x38;
	[tilespmem:$0x1BE40] =	vst v63  }
0x275: {  	_ =	swait.ge [sflag:s9], $0x1000  }
0x276: {  	s22 =	sld [smem:$0x7C8]  }
0x277: {  	s23 =	sld [smem:$0x7C9]  }
0x278: {  	[sflag:s9] =	ssyncset.done $0x0  }
0x279: {  	[sflag:s9] =	ssyncadd.s32 $0xFFFFF000  }
0x27a: {  	[hbm4b:s22+s3] =	stream.linear.scatter [tilespmem:s23], [sflag:$0x2], $0x1000, $0x38;
	[tilespmem:$0x1BE40] =	vst v63  }
0x27b: {  	_ =	swait.ge [sflag:s9], $0x1000  }
0x27c: {  	s22 =	sld [smem:$0x7CA]  }
0x27d: {  	s23 =	sld [smem:$0x7CB]  }
0x27e: {  	[sflag:s9] =	ssyncset.done $0x0  }
0x27f: {  	[sflag:s9] =	ssyncadd.s32 $0xFFFFF000  }
0x280: {  	[hbm4b:s22+s3] =	stream.linear.scatter [tilespmem:s23], [sflag:$0x2], $0x1000, $0x38;
	[tilespmem:$0x1BE40] =	vst v63  }
0x281: {  	_ =	swait.ge [sflag:s9], $0x1000  }
0x282: {  	s22 =	sld [smem:$0x7CC]  }
0x283: {  	s23 =	sld [smem:$0x7CD]  }
0x284: {  	[sflag:s9] =	ssyncset.done $0x0  }
0x285: {  	[sflag:s9] =	ssyncadd.s32 $0xFFFFF000  }
0x286: {  	[hbm4b:s22+s3] =	stream.linear.scatter [tilespmem:s23], [sflag:$0x2], $0x1000, $0x38;
	[tilespmem:$0x1BE40] =	vst v63  }
0x287: {  	_ =	swait.ge [sflag:s9], $0x1000  }
0x288: {  	[sflag:s9] =	ssyncset.done $0x0  }
0x289: {  	[sflag:s9] =	ssyncadd.s32 $0xFFFFF000  }
0x28a: {  	_ =	swait.ge [sflag:s10], $0x1E00  }
0x28b: {  	[sflag:s10] =	ssyncset.done $0x0  }
0x28c: {  	s21 =	sld [smem:$0x7EC];
	[sflag:s10] =	ssyncadd.s32 $0xFFFFE200  }
0x28d: {  	[tilespmem:s12], [sflag:$0x3] =	stream.indirect.gather [hbm4b:s1+s11], $0x80, s7, s11, $0xb8;
	[tilespmem:$0x1BE40] =	vst v63  }
0x28e: {  	s22 =	sld [smem:$0x7ED]  }
0x28f: {  	[tilespmem:s13], [sflag:$0x4] =	stream.indirect.gather [hbm4b:s1+s11], $0x80, s21, s11, $0xb8;
	[tilespmem:$0x1BE40] =	vst v63  }
0x290: {  	_ = 	snop  }
0x291: {  	[tilespmem:s14], [sflag:$0x5] =	stream.indirect.gather [hbm4b:s1+s11], $0x80, s22, s11, $0xb8;
	[tilespmem:$0x1BE40] =	vst v63  }
0x292: {  	_ =	swait.ge [sflag:s15], $0x8000  }
0x293: {  	s23 =	sld [smem:$0x7CE]  }
0x294: {  	[sflag:s15] =	ssyncset.done $0x0  }
0x295: {  	[sflag:s15] =	ssyncadd.s32 $0xFFFF8000  }
0x296: {  	[hbm4b:s23+s3] =	stream.linear.scatter [tilespmem:s12], [sflag:$0x6], $0x8000, $0x38;
	[tilespmem:$0x1BE40] =	vst v63  }
0x297: {  	_ =	swait.ge [sflag:s16], $0x8000  }
0x298: {  	s21 =	sld [smem:$0x7EE]  }
0x299: {  	[sflag:s16] =	ssyncset.done $0x0  }
0x29a: {  	[sflag:s16] =	ssyncadd.s32 $0xFFFF8000  }
0x29b: {  	[tilespmem:s12], [sflag:$0x3] =	stream.indirect.gather [hbm4b:s1+s11], $0x80, s21, s11, $0xb8;
	[tilespmem:$0x1BE40] =	vst v63  }
0x29c: {  	_ =	swait.ge [sflag:s17], $0x8000  }
0x29d: {  	s22 =	sld [smem:$0x7CF]  }
0x29e: {  	[sflag:s17] =	ssyncset.done $0x0  }
0x29f: {  	[sflag:s17] =	ssyncadd.s32 $0xFFFF8000  }
0x2a0: {  	[hbm4b:s22+s3] =	stream.linear.scatter [tilespmem:s13], [sflag:$0x7], $0x8000, $0x38;
	[tilespmem:$0x1BE40] =	vst v63  }
0x2a1: {  	_ =	swait.ge [sflag:s18], $0x8000  }
0x2a2: {  	s23 =	sld [smem:$0x7EF]  }
0x2a3: {  	[sflag:s18] =	ssyncset.done $0x0  }
0x2a4: {  	[sflag:s18] =	ssyncadd.s32 $0xFFFF8000  }
0x2a5: {  	[tilespmem:s13], [sflag:$0x4] =	stream.indirect.gather [hbm4b:s1+s11], $0x80, s23, s11, $0xb8;
	[tilespmem:$0x1BE40] =	vst v63  }
0x2a6: {  	_ =	swait.ge [sflag:s19], $0x8000  }
0x2a7: {  	s21 =	sld [smem:$0x7D0]  }
0x2a8: {  	[sflag:s19] =	ssyncset.done $0x0  }
0x2a9: {  	[sflag:s19] =	ssyncadd.s32 $0xFFFF8000  }
0x2aa: {  	[hbm4b:s21+s3] =	stream.linear.scatter [tilespmem:s14], [sflag:$0x8], $0x8000, $0x38;
	[tilespmem:$0x1BE40] =	vst v63  }
0x2ab: {  	_ =	swait.ge [sflag:s20], $0x8000  }
0x2ac: {  	s22 =	sld [smem:$0x7F0]  }
0x2ad: {  	[sflag:s20] =	ssyncset.done $0x0  }
0x2ae: {  	[sflag:s20] =	ssyncadd.s32 $0xFFFF8000  }
0x2af: {  	[tilespmem:s14], [sflag:$0x5] =	stream.indirect.gather [hbm4b:s1+s11], $0x80, s22, s11, $0xb8;
	[tilespmem:$0x1BE40] =	vst v63  }
0x2b0: {  	_ =	swait.ge [sflag:s15], $0x8000  }
0x2b1: {  	s23 =	sld [smem:$0x7D1]  }
0x2b2: {  	[sflag:s15] =	ssyncset.done $0x0  }
0x2b3: {  	[sflag:s15] =	ssyncadd.s32 $0xFFFF8000  }
0x2b4: {  	[hbm4b:s23+s3] =	stream.linear.scatter [tilespmem:s12], [sflag:$0x6], $0x8000, $0x38;
	[tilespmem:$0x1BE40] =	vst v63  }
0x2b5: {  	_ =	swait.ge [sflag:s16], $0x8000  }
0x2b6: {  	s21 =	sld [smem:$0x7F1]  }
0x2b7: {  	[sflag:s16] =	ssyncset.done $0x0  }
0x2b8: {  	[sflag:s16] =	ssyncadd.s32 $0xFFFF8000  }
0x2b9: {  	[tilespmem:s12], [sflag:$0x3] =	stream.indirect.gather [hbm4b:s1+s11], $0x80, s21, s11, $0xb8;
	[tilespmem:$0x1BE40] =	vst v63  }
0x2ba: {  	_ =	swait.ge [sflag:s17], $0x8000  }
0x2bb: {  	s22 =	sld [smem:$0x7D2]  }
0x2bc: {  	[sflag:s17] =	ssyncset.done $0x0  }
0x2bd: {  	[sflag:s17] =	ssyncadd.s32 $0xFFFF8000  }
0x2be: {  	[hbm4b:s22+s3] =	stream.linear.scatter [tilespmem:s13], [sflag:$0x7], $0x8000, $0x38;
	[tilespmem:$0x1BE40] =	vst v63  }
0x2bf: {  	_ =	swait.ge [sflag:s18], $0x8000  }
0x2c0: {  	s23 =	sld [smem:$0x7F2]  }
0x2c1: {  	[sflag:s18] =	ssyncset.done $0x0  }
0x2c2: {  	[sflag:s18] =	ssyncadd.s32 $0xFFFF8000  }
0x2c3: {  	[tilespmem:s13], [sflag:$0x4] =	stream.indirect.gather [hbm4b:s1+s11], $0x80, s23, s11, $0xb8;
	[tilespmem:$0x1BE40] =	vst v63  }
0x2c4: {  	_ =	swait.ge [sflag:s19], $0x8000  }
0x2c5: {  	s21 =	sld [smem:$0x7D3]  }
0x2c6: {  	[sflag:s19] =	ssyncset.done $0x0  }
0x2c7: {  	[sflag:s19] =	ssyncadd.s32 $0xFFFF8000  }
0x2c8: {  	[hbm4b:s21+s3] =	stream.linear.scatter [tilespmem:s14], [sflag:$0x8], $0x8000, $0x38;
	[tilespmem:$0x1BE40] =	vst v63  }
0x2c9: {  	_ =	swait.ge [sflag:s20], $0x8000  }
0x2ca: {  	s22 =	sld [smem:$0x7F3]  }
0x2cb: {  	[sflag:s20] =	ssyncset.done $0x0  }
0x2cc: {  	[sflag:s20] =	ssyncadd.s32 $0xFFFF8000  }
0x2cd: {  	[tilespmem:s14], [sflag:$0x5] =	stream.indirect.gather [hbm4b:s1+s11], $0x80, s22, s11, $0xb8;
	[tilespmem:$0x1BE40] =	vst v63  }
0x2ce: {  	_ =	swait.ge [sflag:s15], $0x8000  }
0x2cf: {  	s23 =	sld [smem:$0x7D4]  }
0x2d0: {  	[sflag:s15] =	ssyncset.done $0x0  }
0x2d1: {  	[sflag:s15] =	ssyncadd.s32 $0xFFFF8000  }
0x2d2: {  	[hbm4b:s23+s3] =	stream.linear.scatter [tilespmem:s12], [sflag:$0x6], $0x8000, $0x38;
	[tilespmem:$0x1BE40] =	vst v63  }
0x2d3: {  	_ =	swait.ge [sflag:s16], $0x8000  }
0x2d4: {  	s21 =	sld [smem:$0x7F4]  }
0x2d5: {  	[sflag:s16] =	ssyncset.done $0x0  }
0x2d6: {  	[sflag:s16] =	ssyncadd.s32 $0xFFFF8000  }
0x2d7: {  	[tilespmem:s12], [sflag:$0x3] =	stream.indirect.gather [hbm4b:s1+s11], $0x80, s21, s11, $0xb8;
	[tilespmem:$0x1BE40] =	vst v63  }
0x2d8: {  	_ =	swait.ge [sflag:s17], $0x8000  }
0x2d9: {  	s22 =	sld [smem:$0x7D5]  }
0x2da: {  	[sflag:s17] =	ssyncset.done $0x0  }
0x2db: {  	[sflag:s17] =	ssyncadd.s32 $0xFFFF8000  }
0x2dc: {  	[hbm4b:s22+s3] =	stream.linear.scatter [tilespmem:s13], [sflag:$0x7], $0x8000, $0x38;
	[tilespmem:$0x1BE40] =	vst v63  }
0x2dd: {  	_ =	swait.ge [sflag:s18], $0x8000  }
0x2de: {  	s23 =	sld [smem:$0x7F5]  }
0x2df: {  	[sflag:s18] =	ssyncset.done $0x0  }
0x2e0: {  	[sflag:s18] =	ssyncadd.s32 $0xFFFF8000  }
0x2e1: {  	[tilespmem:s13], [sflag:$0x4] =	stream.indirect.gather [hbm4b:s1+s11], $0x80, s23, s11, $0xb8;
	[tilespmem:$0x1BE40] =	vst v63  }
0x2e2: {  	_ =	swait.ge [sflag:s19], $0x8000  }
0x2e3: {  	s21 =	sld [smem:$0x7D6]  }
0x2e4: {  	[sflag:s19] =	ssyncset.done $0x0  }
0x2e5: {  	[sflag:s19] =	ssyncadd.s32 $0xFFFF8000  }
0x2e6: {  	[hbm4b:s21+s3] =	stream.linear.scatter [tilespmem:s14], [sflag:$0x8], $0x8000, $0x38;
	[tilespmem:$0x1BE40] =	vst v63  }
0x2e7: {  	_ =	swait.ge [sflag:s20], $0x8000  }
0x2e8: {  	s22 =	sld [smem:$0x7F6]  }
0x2e9: {  	[sflag:s20] =	ssyncset.done $0x0  }
0x2ea: {  	[sflag:s20] =	ssyncadd.s32 $0xFFFF8000  }
0x2eb: {  	[tilespmem:s14], [sflag:$0x5] =	stream.indirect.gather [hbm4b:s1+s11], $0x80, s22, s11, $0xb8;
	[tilespmem:$0x1BE40] =	vst v63  }
0x2ec: {  	_ =	swait.ge [sflag:s15], $0x8000  }
0x2ed: {  	s23 =	sld [smem:$0x7D7]  }
0x2ee: {  	[sflag:s15] =	ssyncset.done $0x0  }
0x2ef: {  	[sflag:s15] =	ssyncadd.s32 $0xFFFF8000  }
0x2f0: {  	[hbm4b:s23+s3] =	stream.linear.scatter [tilespmem:s12], [sflag:$0x6], $0x8000, $0x38;
	[tilespmem:$0x1BE40] =	vst v63  }
0x2f1: {  	_ =	swait.ge [sflag:s16], $0x8000  }
0x2f2: {  	s21 =	sld [smem:$0x7F7]  }
0x2f3: {  	[sflag:s16] =	ssyncset.done $0x0  }
0x2f4: {  	[sflag:s16] =	ssyncadd.s32 $0xFFFF8000  }
0x2f5: {  	[tilespmem:s12], [sflag:$0x3] =	stream.indirect.gather [hbm4b:s1+s11], $0x80, s21, s11, $0xb8;
	[tilespmem:$0x1BE40] =	vst v63  }
0x2f6: {  	_ =	swait.ge [sflag:s17], $0x8000  }
0x2f7: {  	s22 =	sld [smem:$0x7D8]  }
0x2f8: {  	[sflag:s17] =	ssyncset.done $0x0  }
0x2f9: {  	[sflag:s17] =	ssyncadd.s32 $0xFFFF8000  }
0x2fa: {  	[hbm4b:s22+s3] =	stream.linear.scatter [tilespmem:s13], [sflag:$0x7], $0x8000, $0x38;
	[tilespmem:$0x1BE40] =	vst v63  }
0x2fb: {  	_ =	swait.ge [sflag:s18], $0x8000  }
0x2fc: {  	s23 =	sld [smem:$0x7F8]  }
0x2fd: {  	[sflag:s18] =	ssyncset.done $0x0  }
0x2fe: {  	[sflag:s18] =	ssyncadd.s32 $0xFFFF8000  }
0x2ff: {  	[tilespmem:s13], [sflag:$0x4] =	stream.indirect.gather [hbm4b:s1+s11], $0x80, s23, s11, $0xb8;
	[tilespmem:$0x1BE40] =	vst v63  }
0x300: {  	_ =	swait.ge [sflag:s19], $0x8000  }
0x301: {  	s21 =	sld [smem:$0x7D9]  }
0x302: {  	[sflag:s19] =	ssyncset.done $0x0  }
0x303: {  	[sflag:s19] =	ssyncadd.s32 $0xFFFF8000  }
0x304: {  	[hbm4b:s21+s3] =	stream.linear.scatter [tilespmem:s14], [sflag:$0x8], $0x8000, $0x38;
	[tilespmem:$0x1BE40] =	vst v63  }
0x305: {  	_ =	swait.ge [sflag:s20], $0x8000  }
0x306: {  	s22 =	sld [smem:$0x7F9]  }
0x307: {  	[sflag:s20] =	ssyncset.done $0x0  }
0x308: {  	[sflag:s20] =	ssyncadd.s32 $0xFFFF8000  }
0x309: {  	[tilespmem:s14], [sflag:$0x5] =	stream.indirect.gather [hbm4b:s1+s11], $0x80, s22, s11, $0xb8;
	[tilespmem:$0x1BE40] =	vst v63  }
0x30a: {  	_ =	swait.ge [sflag:s15], $0x8000  }
0x30b: {  	s23 =	sld [smem:$0x7DA]  }
0x30c: {  	[sflag:s15] =	ssyncset.done $0x0  }
0x30d: {  	[sflag:s15] =	ssyncadd.s32 $0xFFFF8000  }
0x30e: {  	[hbm4b:s23+s3] =	stream.linear.scatter [tilespmem:s12], [sflag:$0x6], $0x8000, $0x38;
	[tilespmem:$0x1BE40] =	vst v63  }
0x30f: {  	_ =	swait.ge [sflag:s16], $0x8000  }
0x310: {  	s21 =	sld [smem:$0x7FA]  }
0x311: {  	[sflag:s16] =	ssyncset.done $0x0  }
0x312: {  	[sflag:s16] =	ssyncadd.s32 $0xFFFF8000  }
0x313: {  	[tilespmem:s12], [sflag:$0x3] =	stream.indirect.gather [hbm4b:s1+s11], $0x80, s21, s11, $0xb8;
	[tilespmem:$0x1BE40] =	vst v63  }
0x314: {  	_ =	swait.ge [sflag:s17], $0x8000  }
0x315: {  	s22 =	sld [smem:$0x7DB]  }
0x316: {  	[sflag:s17] =	ssyncset.done $0x0  }
0x317: {  	[sflag:s17] =	ssyncadd.s32 $0xFFFF8000  }
0x318: {  	[hbm4b:s22+s3] =	stream.linear.scatter [tilespmem:s13], [sflag:$0x7], $0x8000, $0x38;
	[tilespmem:$0x1BE40] =	vst v63  }
0x319: {  	_ =	swait.ge [sflag:s18], $0x8000  }
0x31a: {  	s23 =	sld [smem:$0x7FB]  }
0x31b: {  	[sflag:s18] =	ssyncset.done $0x0  }
0x31c: {  	[sflag:s18] =	ssyncadd.s32 $0xFFFF8000  }
0x31d: {  	[tilespmem:s13], [sflag:$0x4] =	stream.indirect.gather [hbm4b:s1+s11], $0x80, s23, s11, $0xb8;
	[tilespmem:$0x1BE40] =	vst v63  }
0x31e: {  	_ =	swait.ge [sflag:s19], $0x8000  }
0x31f: {  	s21 =	sld [smem:$0x7DC]  }
0x320: {  	[sflag:s19] =	ssyncset.done $0x0  }
0x321: {  	[sflag:s19] =	ssyncadd.s32 $0xFFFF8000  }
0x322: {  	[hbm4b:s21+s3] =	stream.linear.scatter [tilespmem:s14], [sflag:$0x8], $0x8000, $0x38;
	[tilespmem:$0x1BE40] =	vst v63  }
0x323: {  	_ =	swait.ge [sflag:s20], $0x8000  }
0x324: {  	s22 =	sld [smem:$0x7FC]  }
0x325: {  	[sflag:s20] =	ssyncset.done $0x0  }
0x326: {  	[sflag:s20] =	ssyncadd.s32 $0xFFFF8000  }
0x327: {  	[tilespmem:s14], [sflag:$0x5] =	stream.indirect.gather [hbm4b:s1+s11], $0x80, s22, s11, $0xb8;
	[tilespmem:$0x1BE40] =	vst v63  }
0x328: {  	_ =	swait.ge [sflag:s15], $0x8000  }
0x329: {  	s23 =	sld [smem:$0x7DD]  }
0x32a: {  	[sflag:s15] =	ssyncset.done $0x0  }
0x32b: {  	[sflag:s15] =	ssyncadd.s32 $0xFFFF8000  }
0x32c: {  	[hbm4b:s23+s3] =	stream.linear.scatter [tilespmem:s12], [sflag:$0x6], $0x8000, $0x38;
	[tilespmem:$0x1BE40] =	vst v63  }
0x32d: {  	_ =	swait.ge [sflag:s16], $0x8000  }
0x32e: {  	s21 =	sld [smem:$0x7FD]  }
0x32f: {  	[sflag:s16] =	ssyncset.done $0x0  }
0x330: {  	[sflag:s16] =	ssyncadd.s32 $0xFFFF8000  }
0x331: {  	[tilespmem:s12], [sflag:$0x3] =	stream.indirect.gather [hbm4b:s1+s11], $0x80, s21, s11, $0xb8;
	[tilespmem:$0x1BE40] =	vst v63  }
0x332: {  	_ =	swait.ge [sflag:s17], $0x8000  }
0x333: {  	s22 =	sld [smem:$0x7DE]  }
0x334: {  	[sflag:s17] =	ssyncset.done $0x0  }
0x335: {  	[sflag:s17] =	ssyncadd.s32 $0xFFFF8000  }
0x336: {  	[hbm4b:s22+s3] =	stream.linear.scatter [tilespmem:s13], [sflag:$0x7], $0x8000, $0x38;
	[tilespmem:$0x1BE40] =	vst v63  }
0x337: {  	_ =	swait.ge [sflag:s18], $0x8000  }
0x338: {  	[sflag:s18] =	ssyncset.done $0x0  }
0x339: {  	s23 =	simm.s32 $0x1340;
	[sflag:s18] =	ssyncadd.s32 $0xFFFF8000  }
0x33a: {  	[tilespmem:s13], [sflag:$0x4] =	stream.indirect.gather [hbm4b:s1+s11], $0x80, s23, s11, $0xb8;
	[tilespmem:$0x1BE40] =	vst v63  }
0x33b: {  	_ =	swait.ge [sflag:s19], $0x8000  }
0x33c: {  	s21 =	sld [smem:$0x7DF]  }
0x33d: {  	[sflag:s19] =	ssyncset.done $0x0  }
0x33e: {  	[sflag:s19] =	ssyncadd.s32 $0xFFFF8000  }
0x33f: {  	[hbm4b:s21+s3] =	stream.linear.scatter [tilespmem:s14], [sflag:$0x8], $0x8000, $0x38;
	[tilespmem:$0x1BE40] =	vst v63  }
0x340: {  	_ =	swait.ge [sflag:s20], $0x8000  }
0x341: {  	[sflag:s20] =	ssyncset.done $0x0  }
0x342: {  	s22 =	simm.s32 $0x1440;
	[sflag:s20] =	ssyncadd.s32 $0xFFFF8000  }
0x343: {  	[tilespmem:s14], [sflag:$0x5] =	stream.indirect.gather [hbm4b:s1+s11], $0x80, s22, s11, $0xb8;
	[tilespmem:$0x1BE40] =	vst v63  }
0x344: {  	_ =	swait.ge [sflag:s15], $0x8000  }
0x345: {  	s23 =	sld [smem:$0x7E0]  }
0x346: {  	[sflag:s15] =	ssyncset.done $0x0  }
0x347: {  	[sflag:s15] =	ssyncadd.s32 $0xFFFF8000  }
0x348: {  	[hbm4b:s23+s3] =	stream.linear.scatter [tilespmem:s12], [sflag:$0x6], $0x8000, $0x38;
	[tilespmem:$0x1BE40] =	vst v63  }
0x349: {  	_ =	swait.ge [sflag:s16], $0x8000  }
0x34a: {  	[sflag:s16] =	ssyncset.done $0x0  }
0x34b: {  	s21 =	simm.s32 $0x1540;
	[sflag:s16] =	ssyncadd.s32 $0xFFFF8000  }
0x34c: {  	[tilespmem:s12], [sflag:$0x3] =	stream.indirect.gather [hbm4b:s1+s11], $0x80, s21, s11, $0xb8;
	[tilespmem:$0x1BE40] =	vst v63  }
0x34d: {  	_ =	swait.ge [sflag:s17], $0x8000  }
0x34e: {  	s22 =	sld [smem:$0x7E1]  }
0x34f: {  	[sflag:s17] =	ssyncset.done $0x0  }
0x350: {  	[sflag:s17] =	ssyncadd.s32 $0xFFFF8000  }
0x351: {  	[hbm4b:s22+s3] =	stream.linear.scatter [tilespmem:s13], [sflag:$0x7], $0x8000, $0x38;
	[tilespmem:$0x1BE40] =	vst v63  }
0x352: {  	_ =	swait.ge [sflag:s18], $0x8000  }
0x353: {  	[sflag:s18] =	ssyncset.done $0x0  }
0x354: {  	[sflag:s18] =	ssyncadd.s32 $0xFFFF8000  }
0x355: {  	[tilespmem:s13], [sflag:$0x4] =	stream.indirect.gather [hbm4b:s1+s11], $0x80, s24, s11, $0xb8;
	[tilespmem:$0x1BE40] =	vst v63  }
0x356: {  	_ =	swait.ge [sflag:s19], $0x8000  }
0x357: {  	s23 =	sld [smem:$0x7E2]  }
0x358: {  	[sflag:s19] =	ssyncset.done $0x0  }
0x359: {  	[sflag:s19] =	ssyncadd.s32 $0xFFFF8000  }
0x35a: {  	[hbm4b:s23+s3] =	stream.linear.scatter [tilespmem:s14], [sflag:$0x8], $0x8000, $0x38;
	[tilespmem:$0x1BE40] =	vst v63  }
0x35b: {  	_ =	swait.ge [sflag:s20], $0x8000  }
0x35c: {  	[sflag:s20] =	ssyncset.done $0x0  }
0x35d: {  	[sflag:s20] =	ssyncadd.s32 $0xFFFF8000  }
0x35e: {  	[tilespmem:s14], [sflag:$0x5] =	stream.indirect.gather [hbm4b:s1+s11], $0x80, s25, s11, $0xb8;
	[tilespmem:$0x1BE40] =	vst v63  }
0x35f: {  	_ =	swait.ge [sflag:s15], $0x8000  }
0x360: {  	s21 =	sld [smem:$0x7E3]  }
0x361: {  	[sflag:s15] =	ssyncset.done $0x0  }
0x362: {  	[sflag:s15] =	ssyncadd.s32 $0xFFFF8000  }
0x363: {  	[hbm4b:s21+s3] =	stream.linear.scatter [tilespmem:s12], [sflag:$0x6], $0x8000, $0x38;
	[tilespmem:$0x1BE40] =	vst v63  }
0x364: {  	_ =	swait.ge [sflag:s16], $0x8000  }
0x365: {  	[sflag:s16] =	ssyncset.done $0x0  }
0x366: {  	[sflag:s16] =	ssyncadd.s32 $0xFFFF8000  }
0x367: {  	[tilespmem:s12], [sflag:$0x3] =	stream.indirect.gather [hbm4b:s1+s11], $0x80, s26, s11, $0xb8;
	[tilespmem:$0x1BE40] =	vst v63  }
0x368: {  	_ =	swait.ge [sflag:s17], $0x8000  }
0x369: {  	s22 =	sld [smem:$0x7E4]  }
0x36a: {  	[sflag:s17] =	ssyncset.done $0x0  }
0x36b: {  	[sflag:s17] =	ssyncadd.s32 $0xFFFF8000  }
0x36c: {  	[hbm4b:s22+s3] =	stream.linear.scatter [tilespmem:s13], [sflag:$0x7], $0x8000, $0x38;
	[tilespmem:$0x1BE40] =	vst v63  }
0x36d: {  	_ =	swait.ge [sflag:s18], $0x8000  }
0x36e: {  	[sflag:s18] =	ssyncset.done $0x0  }
0x36f: {  	[sflag:s18] =	ssyncadd.s32 $0xFFFF8000  }
0x370: {  	[tilespmem:s13], [sflag:$0x4] =	stream.indirect.gather [hbm4b:s1+s11], $0x80, s28, s11, $0xb8;
	[tilespmem:$0x1BE40] =	vst v63  }
0x371: {  	_ =	swait.ge [sflag:s19], $0x8000  }
0x372: {  	s23 =	sld [smem:$0x7E5]  }
0x373: {  	[sflag:s19] =	ssyncset.done $0x0  }
0x374: {  	[sflag:s19] =	ssyncadd.s32 $0xFFFF8000  }
0x375: {  	[hbm4b:s23+s3] =	stream.linear.scatter [tilespmem:s14], [sflag:$0x8], $0x8000, $0x38;
	[tilespmem:$0x1BE40] =	vst v63  }
0x376: {  	_ =	swait.ge [sflag:s20], $0x8000  }
0x377: {  	[sflag:s20] =	ssyncset.done $0x0  }
0x378: {  	[sflag:s20] =	ssyncadd.s32 $0xFFFF8000  }
0x379: {  	[tilespmem:s14], [sflag:$0x5] =	stream.indirect.gather [hbm4b:s1+s11], $0x80, s29, s11, $0xb8;
	[tilespmem:$0x1BE40] =	vst v63  }
0x37a: {  	_ =	swait.ge [sflag:s15], $0x8000  }
0x37b: {  	s21 =	sld [smem:$0x7E6]  }
0x37c: {  	[sflag:s15] =	ssyncset.done $0x0  }
0x37d: {  	[sflag:s15] =	ssyncadd.s32 $0xFFFF8000  }
0x37e: {  	[hbm4b:s21+s3] =	stream.linear.scatter [tilespmem:s12], [sflag:$0x6], $0x8000, $0x38;
	[tilespmem:$0x1BE40] =	vst v63  }
0x37f: {  	_ =	swait.ge [sflag:s16], $0x8000  }
0x380: {  	[sflag:s16] =	ssyncset.done $0x0  }
0x381: {  	[sflag:s16] =	ssyncadd.s32 $0xFFFF8000  }
0x382: {  	[tilespmem:s12], [sflag:$0x3] =	stream.indirect.gather [hbm4b:s1+s11], $0x80, s30, s11, $0xb8;
	[tilespmem:$0x1BE40] =	vst v63  }
0x383: {  	_ =	swait.ge [sflag:s17], $0x8000  }
0x384: {  	s22 =	sld [smem:$0x7E7]  }
0x385: {  	[sflag:s17] =	ssyncset.done $0x0  }
0x386: {  	[sflag:s17] =	ssyncadd.s32 $0xFFFF8000  }
0x387: {  	[hbm4b:s22+s3] =	stream.linear.scatter [tilespmem:s13], [sflag:$0x7], $0x8000, $0x38;
	[tilespmem:$0x1BE40] =	vst v63  }
0x388: {  	_ =	swait.ge [sflag:s18], $0x8000  }
0x389: {  	[sflag:s18] =	ssyncset.done $0x0  }
0x38a: {  	[sflag:s18] =	ssyncadd.s32 $0xFFFF8000  }
0x38b: {  	[tilespmem:s13], [sflag:$0x4] =	stream.indirect.gather [hbm4b:s1+s11], $0x80, s31, s11, $0xb8;
	[tilespmem:$0x1BE40] =	vst v63  }
0x38c: {  	_ =	swait.ge [sflag:s19], $0x8000  }
0x38d: {  	s23 =	sld [smem:$0x7E8]  }
0x38e: {  	[sflag:s19] =	ssyncset.done $0x0  }
0x38f: {  	[sflag:s19] =	ssyncadd.s32 $0xFFFF8000  }
0x390: {  	[hbm4b:s23+s3] =	stream.linear.scatter [tilespmem:s14], [sflag:$0x8], $0x8000, $0x38;
	[tilespmem:$0x1BE40] =	vst v63  }
0x391: {  	_ =	swait.ge [sflag:s20], $0x8000  }
0x392: {  	[sflag:s20] =	ssyncset.done $0x0  }
0x393: {  	[sflag:s20] =	ssyncadd.s32 $0xFFFF8000  }
0x394: {  	[tilespmem:s14], [sflag:$0x5] =	stream.indirect.gather [hbm4b:s1+s11], $0x80, s0, s11, $0xb8;
	[tilespmem:$0x1BE40] =	vst v63  }
0x395: {  	_ =	swait.ge [sflag:s15], $0x8000  }
0x396: {  	s21 =	sld [smem:$0x7E9]  }
0x397: {  	[sflag:s15] =	ssyncset.done $0x0  }
0x398: {  	[sflag:s15] =	ssyncadd.s32 $0xFFFF8000  }
0x399: {  	[hbm4b:s21+s3] =	stream.linear.scatter [tilespmem:s12], [sflag:$0x6], $0x8000, $0x38;
	[tilespmem:$0x1BE40] =	vst v63  }
0x39a: {  	_ =	swait.ge [sflag:s17], $0x8000  }
0x39b: {  	s22 =	sld [smem:$0x7EA]  }
0x39c: {  	[sflag:s17] =	ssyncset.done $0x0  }
0x39d: {  	[sflag:s17] =	ssyncadd.s32 $0xFFFF8000  }
0x39e: {  	[hbm4b:s22+s3] =	stream.linear.scatter [tilespmem:s13], [sflag:$0x7], $0x8000, $0x38;
	[tilespmem:$0x1BE40] =	vst v63  }
0x39f: {  	_ =	swait.ge [sflag:s19], $0x8000  }
0x3a0: {  	s23 =	sld [smem:$0x7EB]  }
0x3a1: {  	[sflag:s19] =	ssyncset.done $0x0  }
0x3a2: {  	[sflag:s19] =	ssyncadd.s32 $0xFFFF8000  }
0x3a3: {  	[hbm4b:s23+s3] =	stream.linear.scatter [tilespmem:s14], [sflag:$0x8], $0x8000, $0x38;
	[tilespmem:$0x1BE40] =	vst v63  }
0x3a4: {  	_ =	swait.ge [sflag:s16], $0x8000  }
0x3a5: {  	[sflag:s16] =	ssyncset.done $0x0  }
0x3a6: {  	[sflag:s16] =	ssyncadd.s32 $0xFFFF8000  }
0x3a7: {  	_ =	swait.ge [sflag:s18], $0x8000  }
0x3a8: {  	[sflag:s18] =	ssyncset.done $0x0  }
0x3a9: {  	[sflag:s18] =	ssyncadd.s32 $0xFFFF8000  }
0x3aa: {  	_ =	swait.ge [sflag:s20], $0x8000  }
0x3ab: {  	[sflag:s20] =	ssyncset.done $0x0  }
0x3ac: {  	[sflag:s20] =	ssyncadd.s32 $0xFFFF8000  }
0x3ad: {  	_ =	swait.ge [sflag:s9], $0x1000  }
0x3ae: {  	[sflag:s9] =	ssyncset.done $0x0  }
0x3af: {  	[sflag:s9] =	ssyncadd.s32 $0xFFFFF000  }
0x3b0: {  	_ =	swait.ge [sflag:s9], $0x1000  }
0x3b1: {  	[sflag:s9] =	ssyncset.done $0x0  }
0x3b2: {  	[sflag:s9] =	ssyncadd.s32 $0xFFFFF000  }
0x3b3: {  	_ =	swait.ge [sflag:s9], $0x1000  }
0x3b4: {  	[sflag:s9] =	ssyncset.done $0x0  }
0x3b5: {  	[sflag:s9] =	ssyncadd.s32 $0xFFFFF000  }
0x3b6: {  	_ =	swait.ge [sflag:s9], $0x1000  }
0x3b7: {  	[sflag:s9] =	ssyncset.done $0x0  }
0x3b8: {  	[sflag:s9] =	ssyncadd.s32 $0xFFFFF000  }
0x3b9: {  	_ =	swait.ge [sflag:s9], $0x1000  }
0x3ba: {  	[sflag:s9] =	ssyncset.done $0x0  }
0x3bb: {  	[sflag:s9] =	ssyncadd.s32 $0xFFFFF000  }
0x3bc: {  	_ =	swait.ge [sflag:s9], $0x1000  }
0x3bd: {  	[sflag:s9] =	ssyncset.done $0x0  }
0x3be: {  	[sflag:s9] =	ssyncadd.s32 $0xFFFFF000  }
0x3bf: {  	p0 =	sne.s32 s5, $0x1;
	_ =	swait.ge [sflag:s9], $0x1000  }
.Ltmp0:
0x3c0: {  	[sflag:s9] =	ssyncset.done $0x0;
	(pc) =	sbr.rel @p0 .LBB2_1-.Ltmp0, $4  }
0x3c1: {  	[sflag:s9] =	ssyncadd.s32 $0xFFFFF000  }
0x3c2: {  	_ =	swait.ge [sflag:s9], $0x1000  }
0x3c3: {  	[sflag:s9] =	ssyncset.done $0x0  }
0x3c4: {  	s5 =	sadd.s32 $0xFFFFFFFF, s5;
	[sflag:s9] =	ssyncadd.s32 $0xFFFFF000  }
0x3c5: {  	_ =	sfence.sel $0x180000  }
0x3c6: {  	[bflag:$0x0] =	sbarrier.arrive $0xFFFF  }
0x3c7: {  	_ =	strace $0x90000047  }
0x3c8: {  	s0 =	stileid.u32;
	[bflag:$0x2] =	sbarrier.arrive $0xFFFF  }
0x3c9: {  	p0 =	sne.s32 s0, $0x0;
	s0 =	rddreg [dreg:$0x3]  }
0x3ca: {  	s0 =	sadd.s32 @!p0 $0x100000, s0  }
0x3cb: {  	[sflag:s0] =	ssyncadd.tile.s32 @!p0 $0x1;
	_ =	shalt  }
.Lfunc_end2:
_tile_overlayer_lowered:
.L_overlay_start_2:
0x3cc: {  	(tag) =	ssettag $0x2  }
0x3cd: {  	s0 =	rddreg [dreg:$0x0];
	s2 =	stileid.u32  }
0x3ce: {  	s1 =	rddreg [dreg:$0x1];
	p0 =	sne.s32 s2, $0x0  }
0x3cf: {  	s3 =	rddreg [dreg:$0x2];
	[bflag:$0x3] =	sbarrier.arrive $0xFFFF;
	s2 =	simm.s32 @!p0 $0x1C09  }
0x3d0: {  	[timem:s3], [sflag:s2] =	dma.local @!p0 [hbm:s0], s1  }
0x3d1: {  	s0 =	simm.s32 @!p0 $0x9  }
0x3d2: {  	_ =	swait.ge @!p0 [sflag:s0], s1  }
0x3d3: {  	s1 =	ssub.s32 @!p0 $0x0, s1;
	[sflag:s0] =	ssyncset.done @!p0 $0x0  }
0x3d4: {  	[sflag:s0] =	ssyncadd.s32 @!p0 s1  }
0x3d5: {  	[bflag:$0x3] =	sbarrier.arrive $0xFFFF  }
0x3d6: {  	_ =	shalt  }

</sc_bundles>
